<compile_context>
chip_gen: v7x
topology: tpu7x:2x2x1
jax: 0.10.2.dev20260603
libtpu: 0.0.44.dev20260713+nightly
codegen_flags: <defaults>
</compile_context>

<pallas_src>
import dataclasses
import functools

import jax
import jax.numpy as jnp
from jax import lax
from jax.experimental import pallas as pl
from jax.experimental.pallas import tpu as pltpu
from jax.experimental.pallas import tpu_sc as plsc

GAMMA = 12.0
NC = 2
NS = 16
NW = NC * NS
LANES = 16
IDX_CHUNK = 128


@functools.lru_cache(maxsize=None)
def _build(B, D):
    assert B % (NW * LANES) == 0 and D % LANES == 0
    bpw = B // NW
    nchunk = bpw // IDX_CHUNK
    assert nchunk == 4

    mesh = plsc.VectorSubcoreMesh(core_axis_name="c", subcore_axis_name="s")

    cp = pltpu.CompilerParams()
    if "needs_layout_passes" in pltpu.CompilerParams.__dataclass_fields__:
        cp = dataclasses.replace(cp, needs_layout_passes=False)
    if "use_tc_tiling_on_sc" in pltpu.CompilerParams.__dataclass_fields__:
        cp = dataclasses.replace(cp, use_tc_tiling_on_sc=True)

    @functools.partial(
        pl.kernel,
        mesh=mesh,
        compiler_params=cp,
        out_type=jax.ShapeDtypeStruct((B,), jnp.float32),
        scratch_types=[
            pltpu.VMEM((16, IDX_CHUNK), jnp.int32),
            pltpu.VMEM((bpw // 2, D), jnp.float32),
            pltpu.VMEM((bpw // 2, D), jnp.float32),
            pltpu.VMEM((bpw // 2, D), jnp.float32),
            pltpu.VMEM((LANES, LANES), jnp.float32),
            pltpu.VMEM((bpw,), jnp.float32),
            pltpu.SemaphoreType.DMA,
        ],
    )
    def kge(ent_hbm, rel_hbm, ids_hbm, out_hbm,
            ix_v, h_v, r_v, t_v, p_v, s_v, sem):
        wid = lax.axis_index("s") * NC + lax.axis_index("c")
        pltpu.sync_copy(ids_hbm.at[wid], ix_v)

        iota16 = lax.iota(jnp.int32, 16)
        half = bpw // 2
        hchunk = nchunk // 2

        for p in range(2):
            @pl.loop(0, IDX_CHUNK, step=LANES)
            def _fire(l0):
                for k in range(hchunk):
                    kk = p * hchunk + k
                    hv = ix_v[kk, pl.ds(l0, LANES)]
                    rv = ix_v[nchunk + kk, pl.ds(l0, LANES)]
                    tv = ix_v[2 * nchunk + kk, pl.ds(l0, LANES)]
                    for j in range(LANES):
                        row = k * IDX_CHUNK + l0 + j
                        pltpu.async_copy(ent_hbm.at[hv[j]], h_v.at[row], sem)
                        pltpu.async_copy(rel_hbm.at[rv[j]], r_v.at[row], sem)
                        pltpu.async_copy(ent_hbm.at[tv[j]], t_v.at[row], sem)

            pltpu.make_async_copy(ent_hbm.at[pl.ds(0, half)], h_v, sem).wait()
            pltpu.make_async_copy(rel_hbm.at[pl.ds(0, half)], r_v, sem).wait()
            pltpu.make_async_copy(ent_hbm.at[pl.ds(0, half)], t_v, sem).wait()

            @pl.loop(0, half, step=LANES)
            def _group(g):
                @pl.loop(0, LANES)
                def _row(i):
                    b = g + i
                    acc = jnp.abs(h_v[b, pl.ds(0, LANES)]
                                  + r_v[b, pl.ds(0, LANES)]
                                  - t_v[b, pl.ds(0, LANES)])
                    for c in range(1, D // LANES):
                        sl = pl.ds(c * LANES, LANES)
                        acc = acc + jnp.abs(h_v[b, sl] + r_v[b, sl] - t_v[b, sl])
                    p_v[i, :] = acc

                tot = plsc.load_gather(p_v, [iota16, jnp.full((16,), 0, jnp.int32)])
                for j in range(1, LANES):
                    tot = tot + plsc.load_gather(p_v, [iota16, jnp.full((16,), j, jnp.int32)])
                s_v[pl.ds(p * half + g, LANES)] = GAMMA - tot

        pltpu.sync_copy(s_v, out_hbm.at[pl.ds(wid * bpw, bpw)])

    return kge


def kernel(sample, entity_embedding, relation_embedding):
    B = sample.shape[0]
    D = entity_embedding.shape[1]
    ids = sample.astype(jnp.int32)
    bpw = B // NW
    nchunk = bpw // IDX_CHUNK
    blk = jnp.concatenate(
        [ids[:, 0].reshape(NW, nchunk, IDX_CHUNK),
         ids[:, 1].reshape(NW, nchunk, IDX_CHUNK),
         ids[:, 2].reshape(NW, nchunk, IDX_CHUNK),
         jnp.zeros((NW, 16 - 3 * nchunk, IDX_CHUNK), jnp.int32)], axis=1)
    score = _build(B, D)(entity_embedding, relation_embedding, blk)
    return score.reshape(B, 1)

# --- scband reference (transcript-rebuilt; emitter-appended) ---
"""Pipeline reference for scband-kgemodel-torch-42125039239700 (READ-ONLY COPY).

The authoritative reference and input builder live on the scoring server;
editing this copy changes nothing except your own understanding.
"""

import jax, jax.numpy as jnp
import numpy as np

NENTITY = 1000000
NRELATION = 1000000
HIDDEN_DIM = 64
GAMMA = 12.0
EPSILON = 2.0
EMBEDDING_RANGE = (GAMMA + EPSILON) / HIDDEN_DIM
BATCH = 16384


def setup_inputs(seed: int = 0) -> dict:
    key = jax.random.key(seed)
    k1, k2, k3 = jax.random.split(key, 3)
    sample = jax.random.randint(k1, (BATCH, 3), 0, NENTITY, dtype=jnp.int64 if jax.config.jax_enable_x64 else jnp.int32)
    entity_embedding = jax.random.uniform(k2, (NENTITY, HIDDEN_DIM), dtype=jnp.float32,
                                          minval=-EMBEDDING_RANGE, maxval=EMBEDDING_RANGE)
    relation_embedding = jax.random.uniform(k3, (NRELATION, HIDDEN_DIM), dtype=jnp.float32,
                                            minval=-EMBEDDING_RANGE, maxval=EMBEDDING_RANGE)
    return {"sample": sample, "entity_embedding": entity_embedding, "relation_embedding": relation_embedding}


def reference(sample, entity_embedding, relation_embedding):
    # mode == 3 ('single'): sample is a batch of (head, relation, tail) triples.
    head = jnp.take(entity_embedding, sample[:, 0], axis=0)[:, None, :]      # [B, 1, D]
    relation = jnp.take(relation_embedding, sample[:, 1], axis=0)[:, None, :]  # [B, 1, D]
    tail = jnp.take(entity_embedding, sample[:, 2], axis=0)[:, None, :]      # [B, 1, D]
    # TransE score: gamma - ||h + r - t||_1
    score = head + relation - tail
    score = GAMMA - jnp.sum(jnp.abs(score), axis=2)  # [B, 1]
    return score

if __name__ == "__main__":
    import jax
    _d = setup_inputs()
    print(jax.jit(kernel)(*tuple(_d.values())))

</pallas_src>

<mosaic_0001>
#map = affine_map<(d0, d1) -> (0, 0)>
#map1 = affine_map<(d0, d1) -> (0, 0, 0)>
#map2 = affine_map<(d0, d1) -> (0)>
module attributes {stable_mosaic.version = 14 : i64} {
  func.func @kge(%arg0: i32, %arg1: i32, %arg2: memref<1000000x64xf32, #tpu.memory_space<hbm>>, %arg3: memref<1000000x64xf32, #tpu.memory_space<hbm>>, %arg4: memref<32x16x128xi32, #tpu.memory_space<hbm>>, %arg5: memref<16384xf32, #tpu.memory_space<hbm>>, %arg6: memref<16x128xi32, #tpu.memory_space<vmem>>, %arg7: memref<256x64xf32, #tpu.memory_space<vmem>>, %arg8: memref<256x64xf32, #tpu.memory_space<vmem>>, %arg9: memref<256x64xf32, #tpu.memory_space<vmem>>, %arg10: memref<16x16xf32, #tpu.memory_space<vmem>>, %arg11: memref<512xf32, #tpu.memory_space<vmem>>, %arg12: memref<!tpu.dma_semaphore, #tpu.memory_space<semaphore_mem>>) attributes {dimension_semantics = [#tpu.dimension_semantics<core_parallel>, #tpu.dimension_semantics<subcore_parallel>], iteration_bounds = array<i64: 2, 16>, scalar_prefetch = 0 : i64, scratch_operands = 7 : i64, tpu.core_type = #tpu.core_type<sc_vector_subcore>, window_params = [{transform_indices = #map}, {transform_indices = #map}, {transform_indices = #map1}, {transform_indices = #map2}]} {
    %mul3A = arith.constant 2 : i32
    %mul3A_0 = arith.muli %arg1, %mul3A : i32
    %add3A = arith.addi %mul3A_0, %arg0 : i32
    "tpu.region"() ({
      %run_scoped3A = tpu.sem_alloc : memref<!tpu.dma_semaphore, #tpu.memory_space<semaphore_mem>>
      %dma_start3A = arith.constant 0 : i32
      %dma_start3A_57 = arith.constant 0 : i32
      %dma_start3A_58 = tpu.memref_slice %arg4[%add3A, %dma_start3A, %dma_start3A_57] : memref<32x16x128xi32, #tpu.memory_space<hbm>> -> memref<1x16x128xi32, #tpu.memory_space<hbm>>
      %dma_start3A_59 = tpu.memref_squeeze %dma_start3A_58 : memref<1x16x128xi32, #tpu.memory_space<hbm>> -> memref<16x128xi32, #tpu.memory_space<hbm>>
      %dma_start3A_60 = arith.constant 0 : i32
      %dma_start3A_61 = arith.constant 0 : i32
      %dma_start3A_62 = tpu.memref_slice %arg4[%add3A, %dma_start3A_60, %dma_start3A_61] : memref<32x16x128xi32, #tpu.memory_space<hbm>> -> memref<1x16x128xi32, #tpu.memory_space<hbm>>
      %dma_start3A_63 = tpu.memref_squeeze %dma_start3A_62 : memref<1x16x128xi32, #tpu.memory_space<hbm>> -> memref<16x128xi32, #tpu.memory_space<hbm>>
      tpu.enqueue_dma source(%dma_start3A_63 : memref<16x128xi32, #tpu.memory_space<hbm>>) target(%arg6 : memref<16x128xi32, #tpu.memory_space<vmem>>) target_semaphore(%run_scoped3A : memref<!tpu.dma_semaphore, #tpu.memory_space<semaphore_mem>>)
      %dma_wait3A_64 = arith.constant 0 : i32
      %dma_wait3A_65 = arith.constant 0 : i32
      %dma_wait3A_66 = tpu.memref_slice %arg4[%add3A, %dma_wait3A_64, %dma_wait3A_65] : memref<32x16x128xi32, #tpu.memory_space<hbm>> -> memref<1x16x128xi32, #tpu.memory_space<hbm>>
      %dma_wait3A_67 = tpu.memref_squeeze %dma_wait3A_66 : memref<1x16x128xi32, #tpu.memory_space<hbm>> -> memref<16x128xi32, #tpu.memory_space<hbm>>
      %dma_wait3A_68 = arith.constant 0 : i32
      %dma_wait3A_69 = arith.constant 0 : i32
      %dma_wait3A_70 = tpu.memref_slice %arg4[%add3A, %dma_wait3A_68, %dma_wait3A_69] : memref<32x16x128xi32, #tpu.memory_space<hbm>> -> memref<1x16x128xi32, #tpu.memory_space<hbm>>
      %dma_wait3A_71 = tpu.memref_squeeze %dma_wait3A_70 : memref<1x16x128xi32, #tpu.memory_space<hbm>> -> memref<16x128xi32, #tpu.memory_space<hbm>>
      tpu.wait_dma2 semaphore(%run_scoped3A : memref<!tpu.dma_semaphore, #tpu.memory_space<semaphore_mem>>) src(%dma_wait3A_71 : memref<16x128xi32, #tpu.memory_space<hbm>>) dst(%arg6 : memref<16x128xi32, #tpu.memory_space<vmem>>)
      tpu.yield
    }) : () -> ()
    %iota3A = tpu.iota {dimensions = array<i32: 0>} : vector<16xi32>
    %scan3A = arith.constant 0 : i32
    %scan3A_1 = arith.constant 8 : i32
    %scan3A_2 = arith.addi %scan3A, %scan3A_1 : i32
    %scan3A_3 = arith.constant 1 : i32
    scf.for %scan3A_57 = %scan3A to %scan3A_2 step %scan3A_3  : i32 {
      %mul3A_58 = arith.constant 16 : i32
      %mul3A_59 = arith.muli %scan3A_57, %mul3A_58 : i32
      %add3A_60 = arith.constant 0 : i32
      %add3A_61 = arith.addi %add3A_60, %mul3A_59 : i32
      %get3A = arith.constant 0 : i32
      %get3A_62 = arith.index_cast %get3A : i32 to index
      %get3A_63 = arith.index_cast %add3A_61 : i32 to index
      %get3A_64 = tpu.vector_load %arg6[%get3A_62, %get3A_63] {strides = array<i32>} : memref<16x128xi32, #tpu.memory_space<vmem>>, vector<16xi32>,
      %get3A_65 = arith.constant 4 : i32
      %get3A_66 = arith.index_cast %get3A_65 : i32 to index
      %get3A_67 = arith.index_cast %add3A_61 : i32 to index
      %get3A_68 = tpu.vector_load %arg6[%get3A_66, %get3A_67] {strides = array<i32>} : memref<16x128xi32, #tpu.memory_space<vmem>>, vector<16xi32>,
      %get3A_69 = arith.constant 8 : i32
      %get3A_70 = arith.index_cast %get3A_69 : i32 to index
      %get3A_71 = arith.index_cast %add3A_61 : i32 to index
      %get3A_72 = tpu.vector_load %arg6[%get3A_70, %get3A_71] {strides = array<i32>} : memref<16x128xi32, #tpu.memory_space<vmem>>, vector<16xi32>,
      %add3A_73 = arith.constant 0 : i32
      %add3A_74 = arith.addi %add3A_73, %add3A_61 : i32
      %add3A_75 = arith.constant 0 : i32
      %add3A_76 = arith.addi %add3A_74, %add3A_75 : i32
      %slice3A = vector.extract_strided_slice %get3A_64 {offsets = [0], sizes = [1], strides = [1]} : vector<16xi32> to vector<1xi32>
      %squeeze3A = vector.extract %slice3A[0] : i32 from vector<1xi32>
      %dma_start3A = arith.constant 0 : i32
      %dma_start3A_77 = tpu.memref_slice %arg7[%add3A_76, %dma_start3A] : memref<256x64xf32, #tpu.memory_space<vmem>> -> memref<1x64xf32, #tpu.memory_space<vmem>>
      %dma_start3A_78 = tpu.memref_squeeze %dma_start3A_77 : memref<1x64xf32, #tpu.memory_space<vmem>> -> memref<64xf32, #tpu.memory_space<vmem>>
      %dma_start3A_79 = arith.constant 0 : i32
      %dma_start3A_80 = tpu.memref_slice %arg2[%squeeze3A, %dma_start3A_79] : memref<1000000x64xf32, #tpu.memory_space<hbm>> -> memref<1x64xf32, #tpu.memory_space<hbm>>
      %dma_start3A_81 = tpu.memref_squeeze %dma_start3A_80 : memref<1x64xf32, #tpu.memory_space<hbm>> -> memref<64xf32, #tpu.memory_space<hbm>>
      %dma_start3A_82 = arith.constant 0 : i32
      %dma_start3A_83 = tpu.memref_slice %arg7[%add3A_76, %dma_start3A_82] : memref<256x64xf32, #tpu.memory_space<vmem>> -> memref<1x64xf32, #tpu.memory_space<vmem>>
      %dma_start3A_84 = tpu.memref_squeeze %dma_start3A_83 : memref<1x64xf32, #tpu.memory_space<vmem>> -> memref<64xf32, #tpu.memory_space<vmem>>
      %dma_start3A_85 = arith.constant 0 : i32
      %dma_start3A_86 = tpu.memref_slice %arg2[%squeeze3A, %dma_start3A_85] : memref<1000000x64xf32, #tpu.memory_space<hbm>> -> memref<1x64xf32, #tpu.memory_space<hbm>>
      %dma_start3A_87 = tpu.memref_squeeze %dma_start3A_86 : memref<1x64xf32, #tpu.memory_space<hbm>> -> memref<64xf32, #tpu.memory_space<hbm>>
      tpu.enqueue_dma source(%dma_start3A_87 : memref<64xf32, #tpu.memory_space<hbm>>) target(%dma_start3A_84 : memref<64xf32, #tpu.memory_space<vmem>>) target_semaphore(%arg12 : memref<!tpu.dma_semaphore, #tpu.memory_space<semaphore_mem>>)
      %slice3A_88 = vector.extract_strided_slice %get3A_68 {offsets = [0], sizes = [1], strides = [1]} : vector<16xi32> to vector<1xi32>
      %squeeze3A_89 = vector.extract %slice3A_88[0] : i32 from vector<1xi32>
      %dma_start3A_90 = arith.constant 0 : i32
      %dma_start3A_91 = tpu.memref_slice %arg8[%add3A_76, %dma_start3A_90] : memref<256x64xf32, #tpu.memory_space<vmem>> -> memref<1x64xf32, #tpu.memory_space<vmem>>
      %dma_start3A_92 = tpu.memref_squeeze %dma_start3A_91 : memref<1x64xf32, #tpu.memory_space<vmem>> -> memref<64xf32, #tpu.memory_space<vmem>>
      %dma_start3A_93 = arith.constant 0 : i32
      %dma_start3A_94 = tpu.memref_slice %arg3[%squeeze3A_89, %dma_start3A_93] : memref<1000000x64xf32, #tpu.memory_space<hbm>> -> memref<1x64xf32, #tpu.memory_space<hbm>>
      %dma_start3A_95 = tpu.memref_squeeze %dma_start3A_94 : memref<1x64xf32, #tpu.memory_space<hbm>> -> memref<64xf32, #tpu.memory_space<hbm>>
      %dma_start3A_96 = arith.constant 0 : i32
      %dma_start3A_97 = tpu.memref_slice %arg8[%add3A_76, %dma_start3A_96] : memref<256x64xf32, #tpu.memory_space<vmem>> -> memref<1x64xf32, #tpu.memory_space<vmem>>
      %dma_start3A_98 = tpu.memref_squeeze %dma_start3A_97 : memref<1x64xf32, #tpu.memory_space<vmem>> -> memref<64xf32, #tpu.memory_space<vmem>>
      %dma_start3A_99 = arith.constant 0 : i32
      %dma_start3A_100 = tpu.memref_slice %arg3[%squeeze3A_89, %dma_start3A_99] : memref<1000000x64xf32, #tpu.memory_space<hbm>> -> memref<1x64xf32, #tpu.memory_space<hbm>>
      %dma_start3A_101 = tpu.memref_squeeze %dma_start3A_100 : memref<1x64xf32, #tpu.memory_space<hbm>> -> memref<64xf32, #tpu.memory_space<hbm>>
      tpu.enqueue_dma source(%dma_start3A_101 : memref<64xf32, #tpu.memory_space<hbm>>) target(%dma_start3A_98 : memref<64xf32, #tpu.memory_space<vmem>>) target_semaphore(%arg12 : memref<!tpu.dma_semaphore, #tpu.memory_space<semaphore_mem>>)
      %slice3A_102 = vector.extract_strided_slice %get3A_72 {offsets = [0], sizes = [1], strides = [1]} : vector<16xi32> to vector<1xi32>
      %squeeze3A_103 = vector.extract %slice3A_102[0] : i32 from vector<1xi32>
      %dma_start3A_104 = arith.constant 0 : i32
      %dma_start3A_105 = tpu.memref_slice %arg9[%add3A_76, %dma_start3A_104] : memref<256x64xf32, #tpu.memory_space<vmem>> -> memref<1x64xf32, #tpu.memory_space<vmem>>
      %dma_start3A_106 = tpu.memref_squeeze %dma_start3A_105 : memref<1x64xf32, #tpu.memory_space<vmem>> -> memref<64xf32, #tpu.memory_space<vmem>>
      %dma_start3A_107 = arith.constant 0 : i32
      %dma_start3A_108 = tpu.memref_slice %arg2[%squeeze3A_103, %dma_start3A_107] : memref<1000000x64xf32, #tpu.memory_space<hbm>> -> memref<1x64xf32, #tpu.memory_space<hbm>>
      %dma_start3A_109 = tpu.memref_squeeze %dma_start3A_108 : memref<1x64xf32, #tpu.memory_space<hbm>> -> memref<64xf32, #tpu.memory_space<hbm>>
      %dma_start3A_110 = arith.constant 0 : i32
      %dma_start3A_111 = tpu.memref_slice %arg9[%add3A_76, %dma_start3A_110] : memref<256x64xf32, #tpu.memory_space<vmem>> -> memref<1x64xf32, #tpu.memory_space<vmem>>
      %dma_start3A_112 = tpu.memref_squeeze %dma_start3A_111 : memref<1x64xf32, #tpu.memory_space<vmem>> -> memref<64xf32, #tpu.memory_space<vmem>>
      %dma_start3A_113 = arith.constant 0 : i32
      %dma_start3A_114 = tpu.memref_slice %arg2[%squeeze3A_103, %dma_start3A_113] : memref<1000000x64xf32, #tpu.memory_space<hbm>> -> memref<1x64xf32, #tpu.memory_space<hbm>>
      %dma_start3A_115 = tpu.memref_squeeze %dma_start3A_114 : memref<1x64xf32, #tpu.memory_space<hbm>> -> memref<64xf32, #tpu.memory_space<hbm>>
      tpu.enqueue_dma source(%dma_start3A_115 : memref<64xf32, #tpu.memory_space<hbm>>) target(%dma_start3A_112 : memref<64xf32, #tpu.memory_space<vmem>>) target_semaphore(%arg12 : memref<!tpu.dma_semaphore, #tpu.memory_space<semaphore_mem>>)
      %add3A_116 = arith.constant 0 : i32
      %add3A_117 = arith.addi %add3A_116, %add3A_61 : i32
      %add3A_118 = arith.constant 1 : i32
      %add3A_119 = arith.addi %add3A_117, %add3A_118 : i32
      %slice3A_120 = vector.extract_strided_slice %get3A_64 {offsets = [1], sizes = [1], strides = [1]} : vector<16xi32> to vector<1xi32>
      %squeeze3A_121 = vector.extract %slice3A_120[0] : i32 from vector<1xi32>
      %dma_start3A_122 = arith.constant 0 : i32
      %dma_start3A_123 = tpu.memref_slice %arg7[%add3A_119, %dma_start3A_122] : memref<256x64xf32, #tpu.memory_space<vmem>> -> memref<1x64xf32, #tpu.memory_space<vmem>>
      %dma_start3A_124 = tpu.memref_squeeze %dma_start3A_123 : memref<1x64xf32, #tpu.memory_space<vmem>> -> memref<64xf32, #tpu.memory_space<vmem>>
      %dma_start3A_125 = arith.constant 0 : i32
      %dma_start3A_126 = tpu.memref_slice %arg2[%squeeze3A_121, %dma_start3A_125] : memref<1000000x64xf32, #tpu.memory_space<hbm>> -> memref<1x64xf32, #tpu.memory_space<hbm>>
      %dma_start3A_127 = tpu.memref_squeeze %dma_start3A_126 : memref<1x64xf32, #tpu.memory_space<hbm>> -> memref<64xf32, #tpu.memory_space<hbm>>
      %dma_start3A_128 = arith.constant 0 : i32
      %dma_start3A_129 = tpu.memref_slice %arg7[%add3A_119, %dma_start3A_128] : memref<256x64xf32, #tpu.memory_space<vmem>> -> memref<1x64xf32, #tpu.memory_space<vmem>>
      %dma_start3A_130 = tpu.memref_squeeze %dma_start3A_129 : memref<1x64xf32, #tpu.memory_space<vmem>> -> memref<64xf32, #tpu.memory_space<vmem>>
      %dma_start3A_131 = arith.constant 0 : i32
      %dma_start3A_132 = tpu.memref_slice %arg2[%squeeze3A_121, %dma_start3A_131] : memref<1000000x64xf32, #tpu.memory_space<hbm>> -> memref<1x64xf32, #tpu.memory_space<hbm>>
      %dma_start3A_133 = tpu.memref_squeeze %dma_start3A_132 : memref<1x64xf32, #tpu.memory_space<hbm>> -> memref<64xf32, #tpu.memory_space<hbm>>
      tpu.enqueue_dma source(%dma_start3A_133 : memref<64xf32, #tpu.memory_space<hbm>>) target(%dma_start3A_130 : memref<64xf32, #tpu.memory_space<vmem>>) target_semaphore(%arg12 : memref<!tpu.dma_semaphore, #tpu.memory_space<semaphore_mem>>)
      %slice3A_134 = vector.extract_strided_slice %get3A_68 {offsets = [1], sizes = [1], strides = [1]} : vector<16xi32> to vector<1xi32>
      %squeeze3A_135 = vector.extract %slice3A_134[0] : i32 from vector<1xi32>
      %dma_start3A_136 = arith.constant 0 : i32
      %dma_start3A_137 = tpu.memref_slice %arg8[%add3A_119, %dma_start3A_136] : memref<256x64xf32, #tpu.memory_space<vmem>> -> memref<1x64xf32, #tpu.memory_space<vmem>>
      %dma_start3A_138 = tpu.memref_squeeze %dma_start3A_137 : memref<1x64xf32, #tpu.memory_space<vmem>> -> memref<64xf32, #tpu.memory_space<vmem>>
      %dma_start3A_139 = arith.constant 0 : i32
      %dma_start3A_140 = tpu.memref_slice %arg3[%squeeze3A_135, %dma_start3A_139] : memref<1000000x64xf32, #tpu.memory_space<hbm>> -> memref<1x64xf32, #tpu.memory_space<hbm>>
      %dma_start3A_141 = tpu.memref_squeeze %dma_start3A_140 : memref<1x64xf32, #tpu.memory_space<hbm>> -> memref<64xf32, #tpu.memory_space<hbm>>
      %dma_start3A_142 = arith.constant 0 : i32
      %dma_start3A_143 = tpu.memref_slice %arg8[%add3A_119, %dma_start3A_142] : memref<256x64xf32, #tpu.memory_space<vmem>> -> memref<1x64xf32, #tpu.memory_space<vmem>>
      %dma_start3A_144 = tpu.memref_squeeze %dma_start3A_143 : memref<1x64xf32, #tpu.memory_space<vmem>> -> memref<64xf32, #tpu.memory_space<vmem>>
      %dma_start3A_145 = arith.constant 0 : i32
      %dma_start3A_146 = tpu.memref_slice %arg3[%squeeze3A_135, %dma_start3A_145] : memref<1000000x64xf32, #tpu.memory_space<hbm>> -> memref<1x64xf32, #tpu.memory_space<hbm>>
      %dma_start3A_147 = tpu.memref_squeeze %dma_start3A_146 : memref<1x64xf32, #tpu.memory_space<hbm>> -> memref<64xf32, #tpu.memory_space<hbm>>
      tpu.enqueue_dma source(%dma_start3A_147 : memref<64xf32, #tpu.memory_space<hbm>>) target(%dma_start3A_144 : memref<64xf32, #tpu.memory_space<vmem>>) target_semaphore(%arg12 : memref<!tpu.dma_semaphore, #tpu.memory_space<semaphore_mem>>)
      %slice3A_148 = vector.extract_strided_slice %get3A_72 {offsets = [1], sizes = [1], strides = [1]} : vector<16xi32> to vector<1xi32>
      %squeeze3A_149 = vector.extract %slice3A_148[0] : i32 from vector<1xi32>
      %dma_start3A_150 = arith.constant 0 : i32
      %dma_start3A_151 = tpu.memref_slice %arg9[%add3A_119, %dma_start3A_150] : memref<256x64xf32, #tpu.memory_space<vmem>> -> memref<1x64xf32, #tpu.memory_space<vmem>>
      %dma_start3A_152 = tpu.memref_squeeze %dma_start3A_151 : memref<1x64xf32, #tpu.memory_space<vmem>> -> memref<64xf32, #tpu.memory_space<vmem>>
      %dma_start3A_153 = arith.constant 0 : i32
      %dma_start3A_154 = tpu.memref_slice %arg2[%squeeze3A_149, %dma_start3A_153] : memref<1000000x64xf32, #tpu.memory_space<hbm>> -> memref<1x64xf32, #tpu.memory_space<hbm>>
      %dma_start3A_155 = tpu.memref_squeeze %dma_start3A_154 : memref<1x64xf32, #tpu.memory_space<hbm>> -> memref<64xf32, #tpu.memory_space<hbm>>
      %dma_start3A_156 = arith.constant 0 : i32
      %dma_start3A_157 = tpu.memref_slice %arg9[%add3A_119, %dma_start3A_156] : memref<256x64xf32, #tpu.memory_space<vmem>> -> memref<1x64xf32, #tpu.memory_space<vmem>>
      %dma_start3A_158 = tpu.memref_squeeze %dma_start3A_157 : memref<1x64xf32, #tpu.memory_space<vmem>> -> memref<64xf32, #tpu.memory_space<vmem>>
      %dma_start3A_159 = arith.constant 0 : i32
      %dma_start3A_160 = tpu.memref_slice %arg2[%squeeze3A_149, %dma_start3A_159] : memref<1000000x64xf32, #tpu.memory_space<hbm>> -> memref<1x64xf32, #tpu.memory_space<hbm>>
      %dma_start3A_161 = tpu.memref_squeeze %dma_start3A_160 : memref<1x64xf32, #tpu.memory_space<hbm>> -> memref<64xf32, #tpu.memory_space<hbm>>
      tpu.enqueue_dma source(%dma_start3A_161 : memref<64xf32, #tpu.memory_space<hbm>>) target(%dma_start3A_158 : memref<64xf32, #tpu.memory_space<vmem>>) target_semaphore(%arg12 : memref<!tpu.dma_semaphore, #tpu.memory_space<semaphore_mem>>)
      %add3A_162 = arith.constant 0 : i32
      %add3A_163 = arith.addi %add3A_162, %add3A_61 : i32
      %add3A_164 = arith.constant 2 : i32
      %add3A_165 = arith.addi %add3A_163, %add3A_164 : i32
      %slice3A_166 = vector.extract_strided_slice %get3A_64 {offsets = [2], sizes = [1], strides = [1]} : vector<16xi32> to vector<1xi32>
      %squeeze3A_167 = vector.extract %slice3A_166[0] : i32 from vector<1xi32>
      %dma_start3A_168 = arith.constant 0 : i32
      %dma_start3A_169 = tpu.memref_slice %arg7[%add3A_165, %dma_start3A_168] : memref<256x64xf32, #tpu.memory_space<vmem>> -> memref<1x64xf32, #tpu.memory_space<vmem>>
      %dma_start3A_170 = tpu.memref_squeeze %dma_start3A_169 : memref<1x64xf32, #tpu.memory_space<vmem>> -> memref<64xf32, #tpu.memory_space<vmem>>
      %dma_start3A_171 = arith.constant 0 : i32
      %dma_start3A_172 = tpu.memref_slice %arg2[%squeeze3A_167, %dma_start3A_171] : memref<1000000x64xf32, #tpu.memory_space<hbm>> -> memref<1x64xf32, #tpu.memory_space<hbm>>
      %dma_start3A_173 = tpu.memref_squeeze %dma_start3A_172 : memref<1x64xf32, #tpu.memory_space<hbm>> -> memref<64xf32, #tpu.memory_space<hbm>>
      %dma_start3A_174 = arith.constant 0 : i32
      %dma_start3A_175 = tpu.memref_slice %arg7[%add3A_165, %dma_start3A_174] : memref<256x64xf32, #tpu.memory_space<vmem>> -> memref<1x64xf32, #tpu.memory_space<vmem>>
      %dma_start3A_176 = tpu.memref_squeeze %dma_start3A_175 : memref<1x64xf32, #tpu.memory_space<vmem>> -> memref<64xf32, #tpu.memory_space<vmem>>
      %dma_start3A_177 = arith.constant 0 : i32
      %dma_start3A_178 = tpu.memref_slice %arg2[%squeeze3A_167, %dma_start3A_177] : memref<1000000x64xf32, #tpu.memory_space<hbm>> -> memref<1x64xf32, #tpu.memory_space<hbm>>
      %dma_start3A_179 = tpu.memref_squeeze %dma_start3A_178 : memref<1x64xf32, #tpu.memory_space<hbm>> -> memref<64xf32, #tpu.memory_space<hbm>>
      tpu.enqueue_dma source(%dma_start3A_179 : memref<64xf32, #tpu.memory_space<hbm>>) target(%dma_start3A_176 : memref<64xf32, #tpu.memory_space<vmem>>) target_semaphore(%arg12 : memref<!tpu.dma_semaphore, #tpu.memory_space<semaphore_mem>>)
      %slice3A_180 = vector.extract_strided_slice %get3A_68 {offsets = [2], sizes = [1], strides = [1]} : vector<16xi32> to vector<1xi32>
      %squeeze3A_181 = vector.extract %slice3A_180[0] : i32 from vector<1xi32>
      %dma_start3A_182 = arith.constant 0 : i32
      %dma_start3A_183 = tpu.memref_slice %arg8[%add3A_165, %dma_start3A_182] : memref<256x64xf32, #tpu.memory_space<vmem>> -> memref<1x64xf32, #tpu.memory_space<vmem>>
      %dma_start3A_184 = tpu.memref_squeeze %dma_start3A_183 : memref<1x64xf32, #tpu.memory_space<vmem>> -> memref<64xf32, #tpu.memory_space<vmem>>
      %dma_start3A_185 = arith.constant 0 : i32
      %dma_start3A_186 = tpu.memref_slice %arg3[%squeeze3A_181, %dma_start3A_185] : memref<1000000x64xf32, #tpu.memory_space<hbm>> -> memref<1x64xf32, #tpu.memory_space<hbm>>
      %dma_start3A_187 = tpu.memref_squeeze %dma_start3A_186 : memref<1x64xf32, #tpu.memory_space<hbm>> -> memref<64xf32, #tpu.memory_space<hbm>>
      %dma_start3A_188 = arith.constant 0 : i32
      %dma_start3A_189 = tpu.memref_slice %arg8[%add3A_165, %dma_start3A_188] : memref<256x64xf32, #tpu.memory_space<vmem>> -> memref<1x64xf32, #tpu.memory_space<vmem>>
      %dma_start3A_190 = tpu.memref_squeeze %dma_start3A_189 : memref<1x64xf32, #tpu.memory_space<vmem>> -> memref<64xf32, #tpu.memory_space<vmem>>
      %dma_start3A_191 = arith.constant 0 : i32
      %dma_start3A_192 = tpu.memref_slice %arg3[%squeeze3A_181, %dma_start3A_191] : memref<1000000x64xf32, #tpu.memory_space<hbm>> -> memref<1x64xf32, #tpu.memory_space<hbm>>
      %dma_start3A_193 = tpu.memref_squeeze %dma_start3A_192 : memref<1x64xf32, #tpu.memory_space<hbm>> -> memref<64xf32, #tpu.memory_space<hbm>>
      tpu.enqueue_dma source(%dma_start3A_193 : memref<64xf32, #tpu.memory_space<hbm>>) target(%dma_start3A_190 : memref<64xf32, #tpu.memory_space<vmem>>) target_semaphore(%arg12 : memref<!tpu.dma_semaphore, #tpu.memory_space<semaphore_mem>>)
      %slice3A_194 = vector.extract_strided_slice %get3A_72 {offsets = [2], sizes = [1], strides = [1]} : vector<16xi32> to vector<1xi32>
      %squeeze3A_195 = vector.extract %slice3A_194[0] : i32 from vector<1xi32>
      %dma_start3A_196 = arith.constant 0 : i32
      %dma_start3A_197 = tpu.memref_slice %arg9[%add3A_165, %dma_start3A_196] : memref<256x64xf32, #tpu.memory_space<vmem>> -> memref<1x64xf32, #tpu.memory_space<vmem>>
      %dma_start3A_198 = tpu.memref_squeeze %dma_start3A_197 : memref<1x64xf32, #tpu.memory_space<vmem>> -> memref<64xf32, #tpu.memory_space<vmem>>
      %dma_start3A_199 = arith.constant 0 : i32
      %dma_start3A_200 = tpu.memref_slice %arg2[%squeeze3A_195, %dma_start3A_199] : memref<1000000x64xf32, #tpu.memory_space<hbm>> -> memref<1x64xf32, #tpu.memory_space<hbm>>
      %dma_start3A_201 = tpu.memref_squeeze %dma_start3A_200 : memref<1x64xf32, #tpu.memory_space<hbm>> -> memref<64xf32, #tpu.memory_space<hbm>>
      %dma_start3A_202 = arith.constant 0 : i32
      %dma_start3A_203 = tpu.memref_slice %arg9[%add3A_165, %dma_start3A_202] : memref<256x64xf32, #tpu.memory_space<vmem>> -> memref<1x64xf32, #tpu.memory_space<vmem>>
      %dma_start3A_204 = tpu.memref_squeeze %dma_start3A_203 : memref<1x64xf32, #tpu.memory_space<vmem>> -> memref<64xf32, #tpu.memory_space<vmem>>
      %dma_start3A_205 = arith.constant 0 : i32
      %dma_start3A_206 = tpu.memref_slice %arg2[%squeeze3A_195, %dma_start3A_205] : memref<1000000x64xf32, #tpu.memory_space<hbm>> -> memref<1x64xf32, #tpu.memory_space<hbm>>
      %dma_start3A_207 = tpu.memref_squeeze %dma_start3A_206 : memref<1x64xf32, #tpu.memory_space<hbm>> -> memref<64xf32, #tpu.memory_space<hbm>>
      tpu.enqueue_dma source(%dma_start3A_207 : memref<64xf32, #tpu.memory_space<hbm>>) target(%dma_start3A_204 : memref<64xf32, #tpu.memory_space<vmem>>) target_semaphore(%arg12 : memref<!tpu.dma_semaphore, #tpu.memory_space<semaphore_mem>>)
      %add3A_208 = arith.constant 0 : i32
      %add3A_209 = arith.addi %add3A_208, %add3A_61 : i32
      %add3A_210 = arith.constant 3 : i32
      %add3A_211 = arith.addi %add3A_209, %add3A_210 : i32
      %slice3A_212 = vector.extract_strided_slice %get3A_64 {offsets = [3], sizes = [1], strides = [1]} : vector<16xi32> to vector<1xi32>
      %squeeze3A_213 = vector.extract %slice3A_212[0] : i32 from vector<1xi32>
      %dma_start3A_214 = arith.constant 0 : i32
      %dma_start3A_215 = tpu.memref_slice %arg7[%add3A_211, %dma_start3A_214] : memref<256x64xf32, #tpu.memory_space<vmem>> -> memref<1x64xf32, #tpu.memory_space<vmem>>
      %dma_start3A_216 = tpu.memref_squeeze %dma_start3A_215 : memref<1x64xf32, #tpu.memory_space<vmem>> -> memref<64xf32, #tpu.memory_space<vmem>>
      %dma_start3A_217 = arith.constant 0 : i32
      %dma_start3A_218 = tpu.memref_slice %arg2[%squeeze3A_213, %dma_start3A_217] : memref<1000000x64xf32, #tpu.memory_space<hbm>> -> memref<1x64xf32, #tpu.memory_space<hbm>>
      %dma_start3A_219 = tpu.memref_squeeze %dma_start3A_218 : memref<1x64xf32, #tpu.memory_space<hbm>> -> memref<64xf32, #tpu.memory_space<hbm>>
      %dma_start3A_220 = arith.constant 0 : i32
      %dma_start3A_221 = tpu.memref_slice %arg7[%add3A_211, %dma_start3A_220] : memref<256x64xf32, #tpu.memory_space<vmem>> -> memref<1x64xf32, #tpu.memory_space<vmem>>
      %dma_start3A_222 = tpu.memref_squeeze %dma_start3A_221 : memref<1x64xf32, #tpu.memory_space<vmem>> -> memref<64xf32, #tpu.memory_space<vmem>>
      %dma_start3A_223 = arith.constant 0 : i32
      %dma_start3A_224 = tpu.memref_slice %arg2[%squeeze3A_213, %dma_start3A_223] : memref<1000000x64xf32, #tpu.memory_space<hbm>> -> memref<1x64xf32, #tpu.memory_space<hbm>>
      %dma_start3A_225 = tpu.memref_squeeze %dma_start3A_224 : memref<1x64xf32, #tpu.memory_space<hbm>> -> memref<64xf32, #tpu.memory_space<hbm>>
      tpu.enqueue_dma source(%dma_start3A_225 : memref<64xf32, #tpu.memory_space<hbm>>) target(%dma_start3A_222 : memref<64xf32, #tpu.memory_space<vmem>>) target_semaphore(%arg12 : memref<!tpu.dma_semaphore, #tpu.memory_space<semaphore_mem>>)
      %slice3A_226 = vector.extract_strided_slice %get3A_68 {offsets = [3], sizes = [1], strides = [1]} : vector<16xi32> to vector<1xi32>
      %squeeze3A_227 = vector.extract %slice3A_226[0] : i32 from vector<1xi32>
      %dma_start3A_228 = arith.constant 0 : i32
      %dma_start3A_229 = tpu.memref_slice %arg8[%add3A_211, %dma_start3A_228] : memref<256x64xf32, #tpu.memory_space<vmem>> -> memref<1x64xf32, #tpu.memory_space<vmem>>
      %dma_start3A_230 = tpu.memref_squeeze %dma_start3A_229 : memref<1x64xf32, #tpu.memory_space<vmem>> -> memref<64xf32, #tpu.memory_space<vmem>>
      %dma_start3A_231 = arith.constant 0 : i32
      %dma_start3A_232 = tpu.memref_slice %arg3[%squeeze3A_227, %dma_start3A_231] : memref<1000000x64xf32, #tpu.memory_space<hbm>> -> memref<1x64xf32, #tpu.memory_space<hbm>>
      %dma_start3A_233 = tpu.memref_squeeze %dma_start3A_232 : memref<1x64xf32, #tpu.memory_space<hbm>> -> memref<64xf32, #tpu.memory_space<hbm>>
      %dma_start3A_234 = arith.constant 0 : i32
      %dma_start3A_235 = tpu.memref_slice %arg8[%add3A_211, %dma_start3A_234] : memref<256x64xf32, #tpu.memory_space<vmem>> -> memref<1x64xf32, #tpu.memory_space<vmem>>
      %dma_start3A_236 = tpu.memref_squeeze %dma_start3A_235 : memref<1x64xf32, #tpu.memory_space<vmem>> -> memref<64xf32, #tpu.memory_space<vmem>>
      %dma_start3A_237 = arith.constant 0 : i32
      %dma_start3A_238 = tpu.memref_slice %arg3[%squeeze3A_227, %dma_start3A_237] : memref<1000000x64xf32, #tpu.memory_space<hbm>> -> memref<1x64xf32, #tpu.memory_space<hbm>>
      %dma_start3A_239 = tpu.memref_squeeze %dma_start3A_238 : memref<1x64xf32, #tpu.memory_space<hbm>> -> memref<64xf32, #tpu.memory_space<hbm>>
      tpu.enqueue_dma source(%dma_start3A_239 : memref<64xf32, #tpu.memory_space<hbm>>) target(%dma_start3A_236 : memref<64xf32, #tpu.memory_space<vmem>>) target_semaphore(%arg12 : memref<!tpu.dma_semaphore, #tpu.memory_space<semaphore_mem>>)
      %slice3A_240 = vector.extract_strided_slice %get3A_72 {offsets = [3], sizes = [1], strides = [1]} : vector<16xi32> to vector<1xi32>
      %squeeze3A_241 = vector.extract %slice3A_240[0] : i32 from vector<1xi32>
      %dma_start3A_242 = arith.constant 0 : i32
      %dma_start3A_243 = tpu.memref_slice %arg9[%add3A_211, %dma_start3A_242] : memref<256x64xf32, #tpu.memory_space<vmem>> -> memref<1x64xf32, #tpu.memory_space<vmem>>
      %dma_start3A_244 = tpu.memref_squeeze %dma_start3A_243 : memref<1x64xf32, #tpu.memory_space<vmem>> -> memref<64xf32, #tpu.memory_space<vmem>>
      %dma_start3A_245 = arith.constant 0 : i32
      %dma_start3A_246 = tpu.memref_slice %arg2[%squeeze3A_241, %dma_start3A_245] : memref<1000000x64xf32, #tpu.memory_space<hbm>> -> memref<1x64xf32, #tpu.memory_space<hbm>>
      %dma_start3A_247 = tpu.memref_squeeze %dma_start3A_246 : memref<1x64xf32, #tpu.memory_space<hbm>> -> memref<64xf32, #tpu.memory_space<hbm>>
      %dma_start3A_248 = arith.constant 0 : i32
      %dma_start3A_249 = tpu.memref_slice %arg9[%add3A_211, %dma_start3A_248] : memref<256x64xf32, #tpu.memory_space<vmem>> -> memref<1x64xf32, #tpu.memory_space<vmem>>
      %dma_start3A_250 = tpu.memref_squeeze %dma_start3A_249 : memref<1x64xf32, #tpu.memory_space<vmem>> -> memref<64xf32, #tpu.memory_space<vmem>>
      %dma_start3A_251 = arith.constant 0 : i32
      %dma_start3A_252 = tpu.memref_slice %arg2[%squeeze3A_241, %dma_start3A_251] : memref<1000000x64xf32, #tpu.memory_space<hbm>> -> memref<1x64xf32, #tpu.memory_space<hbm>>
      %dma_start3A_253 = tpu.memref_squeeze %dma_start3A_252 : memref<1x64xf32, #tpu.memory_space<hbm>> -> memref<64xf32, #tpu.memory_space<hbm>>
      tpu.enqueue_dma source(%dma_start3A_253 : memref<64xf32, #tpu.memory_space<hbm>>) target(%dma_start3A_250 : memref<64xf32, #tpu.memory_space<vmem>>) target_semaphore(%arg12 : memref<!tpu.dma_semaphore, #tpu.memory_space<semaphore_mem>>)
      %add3A_254 = arith.constant 0 : i32
      %add3A_255 = arith.addi %add3A_254, %add3A_61 : i32
      %add3A_256 = arith.constant 4 : i32
      %add3A_257 = arith.addi %add3A_255, %add3A_256 : i32
      %slice3A_258 = vector.extract_strided_slice %get3A_64 {offsets = [4], sizes = [1], strides = [1]} : vector<16xi32> to vector<1xi32>
      %squeeze3A_259 = vector.extract %slice3A_258[0] : i32 from vector<1xi32>
      %dma_start3A_260 = arith.constant 0 : i32
      %dma_start3A_261 = tpu.memref_slice %arg7[%add3A_257, %dma_start3A_260] : memref<256x64xf32, #tpu.memory_space<vmem>> -> memref<1x64xf32, #tpu.memory_space<vmem>>
      %dma_start3A_262 = tpu.memref_squeeze %dma_start3A_261 : memref<1x64xf32, #tpu.memory_space<vmem>> -> memref<64xf32, #tpu.memory_space<vmem>>
      %dma_start3A_263 = arith.constant 0 : i32
      %dma_start3A_264 = tpu.memref_slice %arg2[%squeeze3A_259, %dma_start3A_263] : memref<1000000x64xf32, #tpu.memory_space<hbm>> -> memref<1x64xf32, #tpu.memory_space<hbm>>
      %dma_start3A_265 = tpu.memref_squeeze %dma_start3A_264 : memref<1x64xf32, #tpu.memory_space<hbm>> -> memref<64xf32, #tpu.memory_space<hbm>>
      %dma_start3A_266 = arith.constant 0 : i32
      %dma_start3A_267 = tpu.memref_slice %arg7[%add3A_257, %dma_start3A_266] : memref<256x64xf32, #tpu.memory_space<vmem>> -> memref<1x64xf32, #tpu.memory_space<vmem>>
      %dma_start3A_268 = tpu.memref_squeeze %dma_start3A_267 : memref<1x64xf32, #tpu.memory_space<vmem>> -> memref<64xf32, #tpu.memory_space<vmem>>
      %dma_start3A_269 = arith.constant 0 : i32
      %dma_start3A_270 = tpu.memref_slice %arg2[%squeeze3A_259, %dma_start3A_269] : memref<1000000x64xf32, #tpu.memory_space<hbm>> -> memref<1x64xf32, #tpu.memory_space<hbm>>
      %dma_start3A_271 = tpu.memref_squeeze %dma_start3A_270 : memref<1x64xf32, #tpu.memory_space<hbm>> -> memref<64xf32, #tpu.memory_space<hbm>>
      tpu.enqueue_dma source(%dma_start3A_271 : memref<64xf32, #tpu.memory_space<hbm>>) target(%dma_start3A_268 : memref<64xf32, #tpu.memory_space<vmem>>) target_semaphore(%arg12 : memref<!tpu.dma_semaphore, #tpu.memory_space<semaphore_mem>>)
      %slice3A_272 = vector.extract_strided_slice %get3A_68 {offsets = [4], sizes = [1], strides = [1]} : vector<16xi32> to vector<1xi32>
      %squeeze3A_273 = vector.extract %slice3A_272[0] : i32 from vector<1xi32>
      %dma_start3A_274 = arith.constant 0 : i32
      %dma_start3A_275 = tpu.memref_slice %arg8[%add3A_257, %dma_start3A_274] : memref<256x64xf32, #tpu.memory_space<vmem>> -> memref<1x64xf32, #tpu.memory_space<vmem>>
      %dma_start3A_276 = tpu.memref_squeeze %dma_start3A_275 : memref<1x64xf32, #tpu.memory_space<vmem>> -> memref<64xf32, #tpu.memory_space<vmem>>
      %dma_start3A_277 = arith.constant 0 : i32
      %dma_start3A_278 = tpu.memref_slice %arg3[%squeeze3A_273, %dma_start3A_277] : memref<1000000x64xf32, #tpu.memory_space<hbm>> -> memref<1x64xf32, #tpu.memory_space<hbm>>
      %dma_start3A_279 = tpu.memref_squeeze %dma_start3A_278 : memref<1x64xf32, #tpu.memory_space<hbm>> -> memref<64xf32, #tpu.memory_space<hbm>>
      %dma_start3A_280 = arith.constant 0 : i32
      %dma_start3A_281 = tpu.memref_slice %arg8[%add3A_257, %dma_start3A_280] : memref<256x64xf32, #tpu.memory_space<vmem>> -> memref<1x64xf32, #tpu.memory_space<vmem>>
      %dma_start3A_282 = tpu.memref_squeeze %dma_start3A_281 : memref<1x64xf32, #tpu.memory_space<vmem>> -> memref<64xf32, #tpu.memory_space<vmem>>
      %dma_start3A_283 = arith.constant 0 : i32
      %dma_start3A_284 = tpu.memref_slice %arg3[%squeeze3A_273, %dma_start3A_283] : memref<1000000x64xf32, #tpu.memory_space<hbm>> -> memref<1x64xf32, #tpu.memory_space<hbm>>
      %dma_start3A_285 = tpu.memref_squeeze %dma_start3A_284 : memref<1x64xf32, #tpu.memory_space<hbm>> -> memref<64xf32, #tpu.memory_space<hbm>>
      tpu.enqueue_dma source(%dma_start3A_285 : memref<64xf32, #tpu.memory_space<hbm>>) target(%dma_start3A_282 : memref<64xf32, #tpu.memory_space<vmem>>) target_semaphore(%arg12 : memref<!tpu.dma_semaphore, #tpu.memory_space<semaphore_mem>>)
      %slice3A_286 = vector.extract_strided_slice %get3A_72 {offsets = [4], sizes = [1], strides = [1]} : vector<16xi32> to vector<1xi32>
      %squeeze3A_287 = vector.extract %slice3A_286[0] : i32 from vector<1xi32>
      %dma_start3A_288 = arith.constant 0 : i32
      %dma_start3A_289 = tpu.memref_slice %arg9[%add3A_257, %dma_start3A_288] : memref<256x64xf32, #tpu.memory_space<vmem>> -> memref<1x64xf32, #tpu.memory_space<vmem>>
      %dma_start3A_290 = tpu.memref_squeeze %dma_start3A_289 : memref<1x64xf32, #tpu.memory_space<vmem>> -> memref<64xf32, #tpu.memory_space<vmem>>
      %dma_start3A_291 = arith.constant 0 : i32
      %dma_start3A_292 = tpu.memref_slice %arg2[%squeeze3A_287, %dma_start3A_291] : memref<1000000x64xf32, #tpu.memory_space<hbm>> -> memref<1x64xf32, #tpu.memory_space<hbm>>
      %dma_start3A_293 = tpu.memref_squeeze %dma_start3A_292 : memref<1x64xf32, #tpu.memory_space<hbm>> -> memref<64xf32, #tpu.memory_space<hbm>>
      %dma_start3A_294 = arith.constant 0 : i32
      %dma_start3A_295 = tpu.memref_slice %arg9[%add3A_257, %dma_start3A_294] : memref<256x64xf32, #tpu.memory_space<vmem>> -> memref<1x64xf32, #tpu.memory_space<vmem>>
      %dma_start3A_296 = tpu.memref_squeeze %dma_start3A_295 : memref<1x64xf32, #tpu.memory_space<vmem>> -> memref<64xf32, #tpu.memory_space<vmem>>
      %dma_start3A_297 = arith.constant 0 : i32
      %dma_start3A_298 = tpu.memref_slice %arg2[%squeeze3A_287, %dma_start3A_297] : memref<1000000x64xf32, #tpu.memory_space<hbm>> -> memref<1x64xf32, #tpu.memory_space<hbm>>
      %dma_start3A_299 = tpu.memref_squeeze %dma_start3A_298 : memref<1x64xf32, #tpu.memory_space<hbm>> -> memref<64xf32, #tpu.memory_space<hbm>>
      tpu.enqueue_dma source(%dma_start3A_299 : memref<64xf32, #tpu.memory_space<hbm>>) target(%dma_start3A_296 : memref<64xf32, #tpu.memory_space<vmem>>) target_semaphore(%arg12 : memref<!tpu.dma_semaphore, #tpu.memory_space<semaphore_mem>>)
      %add3A_300 = arith.constant 0 : i32
      %add3A_301 = arith.addi %add3A_300, %add3A_61 : i32
      %add3A_302 = arith.constant 5 : i32
      %add3A_303 = arith.addi %add3A_301, %add3A_302 : i32
      %slice3A_304 = vector.extract_strided_slice %get3A_64 {offsets = [5], sizes = [1], strides = [1]} : vector<16xi32> to vector<1xi32>
      %squeeze3A_305 = vector.extract %slice3A_304[0] : i32 from vector<1xi32>
      %dma_start3A_306 = arith.constant 0 : i32
      %dma_start3A_307 = tpu.memref_slice %arg7[%add3A_303, %dma_start3A_306] : memref<256x64xf32, #tpu.memory_space<vmem>> -> memref<1x64xf32, #tpu.memory_space<vmem>>
      %dma_start3A_308 = tpu.memref_squeeze %dma_start3A_307 : memref<1x64xf32, #tpu.memory_space<vmem>> -> memref<64xf32, #tpu.memory_space<vmem>>
      %dma_start3A_309 = arith.constant 0 : i32
      %dma_start3A_310 = tpu.memref_slice %arg2[%squeeze3A_305, %dma_start3A_309] : memref<1000000x64xf32, #tpu.memory_space<hbm>> -> memref<1x64xf32, #tpu.memory_space<hbm>>
      %dma_start3A_311 = tpu.memref_squeeze %dma_start3A_310 : memref<1x64xf32, #tpu.memory_space<hbm>> -> memref<64xf32, #tpu.memory_space<hbm>>
      %dma_start3A_312 = arith.constant 0 : i32
      %dma_start3A_313 = tpu.memref_slice %arg7[%add3A_303, %dma_start3A_312] : memref<256x64xf32, #tpu.memory_space<vmem>> -> memref<1x64xf32, #tpu.memory_space<vmem>>
      %dma_start3A_314 = tpu.memref_squeeze %dma_start3A_313 : memref<1x64xf32, #tpu.memory_space<vmem>> -> memref<64xf32, #tpu.memory_space<vmem>>
      %dma_start3A_315 = arith.constant 0 : i32
      %dma_start3A_316 = tpu.memref_slice %arg2[%squeeze3A_305, %dma_start3A_315] : memref<1000000x64xf32, #tpu.memory_space<hbm>> -> memref<1x64xf32, #tpu.memory_space<hbm>>
      %dma_start3A_317 = tpu.memref_squeeze %dma_start3A_316 : memref<1x64xf32, #tpu.memory_space<hbm>> -> memref<64xf32, #tpu.memory_space<hbm>>
      tpu.enqueue_dma source(%dma_start3A_317 : memref<64xf32, #tpu.memory_space<hbm>>) target(%dma_start3A_314 : memref<64xf32, #tpu.memory_space<vmem>>) target_semaphore(%arg12 : memref<!tpu.dma_semaphore, #tpu.memory_space<semaphore_mem>>)
      %slice3A_318 = vector.extract_strided_slice %get3A_68 {offsets = [5], sizes = [1], strides = [1]} : vector<16xi32> to vector<1xi32>
      %squeeze3A_319 = vector.extract %slice3A_318[0] : i32 from vector<1xi32>
      %dma_start3A_320 = arith.constant 0 : i32
      %dma_start3A_321 = tpu.memref_slice %arg8[%add3A_303, %dma_start3A_320] : memref<256x64xf32, #tpu.memory_space<vmem>> -> memref<1x64xf32, #tpu.memory_space<vmem>>
      %dma_start3A_322 = tpu.memref_squeeze %dma_start3A_321 : memref<1x64xf32, #tpu.memory_space<vmem>> -> memref<64xf32, #tpu.memory_space<vmem>>
      %dma_start3A_323 = arith.constant 0 : i32
      %dma_start3A_324 = tpu.memref_slice %arg3[%squeeze3A_319, %dma_start3A_323] : memref<1000000x64xf32, #tpu.memory_space<hbm>> -> memref<1x64xf32, #tpu.memory_space<hbm>>
      %dma_start3A_325 = tpu.memref_squeeze %dma_start3A_324 : memref<1x64xf32, #tpu.memory_space<hbm>> -> memref<64xf32, #tpu.memory_space<hbm>>
      %dma_start3A_326 = arith.constant 0 : i32
      %dma_start3A_327 = tpu.memref_slice %arg8[%add3A_303, %dma_start3A_326] : memref<256x64xf32, #tpu.memory_space<vmem>> -> memref<1x64xf32, #tpu.memory_space<vmem>>
      %dma_start3A_328 = tpu.memref_squeeze %dma_start3A_327 : memref<1x64xf32, #tpu.memory_space<vmem>> -> memref<64xf32, #tpu.memory_space<vmem>>
      %dma_start3A_329 = arith.constant 0 : i32
      %dma_start3A_330 = tpu.memref_slice %arg3[%squeeze3A_319, %dma_start3A_329] : memref<1000000x64xf32, #tpu.memory_space<hbm>> -> memref<1x64xf32, #tpu.memory_space<hbm>>
      %dma_start3A_331 = tpu.memref_squeeze %dma_start3A_330 : memref<1x64xf32, #tpu.memory_space<hbm>> -> memref<64xf32, #tpu.memory_space<hbm>>
      tpu.enqueue_dma source(%dma_start3A_331 : memref<64xf32, #tpu.memory_space<hbm>>) target(%dma_start3A_328 : memref<64xf32, #tpu.memory_space<vmem>>) target_semaphore(%arg12 : memref<!tpu.dma_semaphore, #tpu.memory_space<semaphore_mem>>)
      %slice3A_332 = vector.extract_strided_slice %get3A_72 {offsets = [5], sizes = [1], strides = [1]} : vector<16xi32> to vector<1xi32>
      %squeeze3A_333 = vector.extract %slice3A_332[0] : i32 from vector<1xi32>
      %dma_start3A_334 = arith.constant 0 : i32
      %dma_start3A_335 = tpu.memref_slice %arg9[%add3A_303, %dma_start3A_334] : memref<256x64xf32, #tpu.memory_space<vmem>> -> memref<1x64xf32, #tpu.memory_space<vmem>>
      %dma_start3A_336 = tpu.memref_squeeze %dma_start3A_335 : memref<1x64xf32, #tpu.memory_space<vmem>> -> memref<64xf32, #tpu.memory_space<vmem>>
      %dma_start3A_337 = arith.constant 0 : i32
      %dma_start3A_338 = tpu.memref_slice %arg2[%squeeze3A_333, %dma_start3A_337] : memref<1000000x64xf32, #tpu.memory_space<hbm>> -> memref<1x64xf32, #tpu.memory_space<hbm>>
      %dma_start3A_339 = tpu.memref_squeeze %dma_start3A_338 : memref<1x64xf32, #tpu.memory_space<hbm>> -> memref<64xf32, #tpu.memory_space<hbm>>
      %dma_start3A_340 = arith.constant 0 : i32
      %dma_start3A_341 = tpu.memref_slice %arg9[%add3A_303, %dma_start3A_340] : memref<256x64xf32, #tpu.memory_space<vmem>> -> memref<1x64xf32, #tpu.memory_space<vmem>>
      %dma_start3A_342 = tpu.memref_squeeze %dma_start3A_341 : memref<1x64xf32, #tpu.memory_space<vmem>> -> memref<64xf32, #tpu.memory_space<vmem>>
      %dma_start3A_343 = arith.constant 0 : i32
      %dma_start3A_344 = tpu.memref_slice %arg2[%squeeze3A_333, %dma_start3A_343] : memref<1000000x64xf32, #tpu.memory_space<hbm>> -> memref<1x64xf32, #tpu.memory_space<hbm>>
      %dma_start3A_345 = tpu.memref_squeeze %dma_start3A_344 : memref<1x64xf32, #tpu.memory_space<hbm>> -> memref<64xf32, #tpu.memory_space<hbm>>
      tpu.enqueue_dma source(%dma_start3A_345 : memref<64xf32, #tpu.memory_space<hbm>>) target(%dma_start3A_342 : memref<64xf32, #tpu.memory_space<vmem>>) target_semaphore(%arg12 : memref<!tpu.dma_semaphore, #tpu.memory_space<semaphore_mem>>)
      %add3A_346 = arith.constant 0 : i32
      %add3A_347 = arith.addi %add3A_346, %add3A_61 : i32
      %add3A_348 = arith.constant 6 : i32
      %add3A_349 = arith.addi %add3A_347, %add3A_348 : i32
      %slice3A_350 = vector.extract_strided_slice %get3A_64 {offsets = [6], sizes = [1], strides = [1]} : vector<16xi32> to vector<1xi32>
      %squeeze3A_351 = vector.extract %slice3A_350[0] : i32 from vector<1xi32>
      %dma_start3A_352 = arith.constant 0 : i32
      %dma_start3A_353 = tpu.memref_slice %arg7[%add3A_349, %dma_start3A_352] : memref<256x64xf32, #tpu.memory_space<vmem>> -> memref<1x64xf32, #tpu.memory_space<vmem>>
      %dma_start3A_354 = tpu.memref_squeeze %dma_start3A_353 : memref<1x64xf32, #tpu.memory_space<vmem>> -> memref<64xf32, #tpu.memory_space<vmem>>
      %dma_start3A_355 = arith.constant 0 : i32
      %dma_start3A_356 = tpu.memref_slice %arg2[%squeeze3A_351, %dma_start3A_355] : memref<1000000x64xf32, #tpu.memory_space<hbm>> -> memref<1x64xf32, #tpu.memory_space<hbm>>
      %dma_start3A_357 = tpu.memref_squeeze %dma_start3A_356 : memref<1x64xf32, #tpu.memory_space<hbm>> -> memref<64xf32, #tpu.memory_space<hbm>>
      %dma_start3A_358 = arith.constant 0 : i32
      %dma_start3A_359 = tpu.memref_slice %arg7[%add3A_349, %dma_start3A_358] : memref<256x64xf32, #tpu.memory_space<vmem>> -> memref<1x64xf32, #tpu.memory_space<vmem>>
      %dma_start3A_360 = tpu.memref_squeeze %dma_start3A_359 : memref<1x64xf32, #tpu.memory_space<vmem>> -> memref<64xf32, #tpu.memory_space<vmem>>
      %dma_start3A_361 = arith.constant 0 : i32
      %dma_start3A_362 = tpu.memref_slice %arg2[%squeeze3A_351, %dma_start3A_361] : memref<1000000x64xf32, #tpu.memory_space<hbm>> -> memref<1x64xf32, #tpu.memory_space<hbm>>
      %dma_start3A_363 = tpu.memref_squeeze %dma_start3A_362 : memref<1x64xf32, #tpu.memory_space<hbm>> -> memref<64xf32, #tpu.memory_space<hbm>>
      tpu.enqueue_dma source(%dma_start3A_363 : memref<64xf32, #tpu.memory_space<hbm>>) target(%dma_start3A_360 : memref<64xf32, #tpu.memory_space<vmem>>) target_semaphore(%arg12 : memref<!tpu.dma_semaphore, #tpu.memory_space<semaphore_mem>>)
      %slice3A_364 = vector.extract_strided_slice %get3A_68 {offsets = [6], sizes = [1], strides = [1]} : vector<16xi32> to vector<1xi32>
      %squeeze3A_365 = vector.extract %slice3A_364[0] : i32 from vector<1xi32>
      %dma_start3A_366 = arith.constant 0 : i32
      %dma_start3A_367 = tpu.memref_slice %arg8[%add3A_349, %dma_start3A_366] : memref<256x64xf32, #tpu.memory_space<vmem>> -> memref<1x64xf32, #tpu.memory_space<vmem>>
      %dma_start3A_368 = tpu.memref_squeeze %dma_start3A_367 : memref<1x64xf32, #tpu.memory_space<vmem>> -> memref<64xf32, #tpu.memory_space<vmem>>
      %dma_start3A_369 = arith.constant 0 : i32
      %dma_start3A_370 = tpu.memref_slice %arg3[%squeeze3A_365, %dma_start3A_369] : memref<1000000x64xf32, #tpu.memory_space<hbm>> -> memref<1x64xf32, #tpu.memory_space<hbm>>
      %dma_start3A_371 = tpu.memref_squeeze %dma_start3A_370 : memref<1x64xf32, #tpu.memory_space<hbm>> -> memref<64xf32, #tpu.memory_space<hbm>>
      %dma_start3A_372 = arith.constant 0 : i32
      %dma_start3A_373 = tpu.memref_slice %arg8[%add3A_349, %dma_start3A_372] : memref<256x64xf32, #tpu.memory_space<vmem>> -> memref<1x64xf32, #tpu.memory_space<vmem>>
      %dma_start3A_374 = tpu.memref_squeeze %dma_start3A_373 : memref<1x64xf32, #tpu.memory_space<vmem>> -> memref<64xf32, #tpu.memory_space<vmem>>
      %dma_start3A_375 = arith.constant 0 : i32
      %dma_start3A_376 = tpu.memref_slice %arg3[%squeeze3A_365, %dma_start3A_375] : memref<1000000x64xf32, #tpu.memory_space<hbm>> -> memref<1x64xf32, #tpu.memory_space<hbm>>
      %dma_start3A_377 = tpu.memref_squeeze %dma_start3A_376 : memref<1x64xf32, #tpu.memory_space<hbm>> -> memref<64xf32, #tpu.memory_space<hbm>>
      tpu.enqueue_dma source(%dma_start3A_377 : memref<64xf32, #tpu.memory_space<hbm>>) target(%dma_start3A_374 : memref<64xf32, #tpu.memory_space<vmem>>) target_semaphore(%arg12 : memref<!tpu.dma_semaphore, #tpu.memory_space<semaphore_mem>>)
      %slice3A_378 = vector.extract_strided_slice %get3A_72 {offsets = [6], sizes = [1], strides = [1]} : vector<16xi32> to vector<1xi32>
      %squeeze3A_379 = vector.extract %slice3A_378[0] : i32 from vector<1xi32>
      %dma_start3A_380 = arith.constant 0 : i32
      %dma_start3A_381 = tpu.memref_slice %arg9[%add3A_349, %dma_start3A_380] : memref<256x64xf32, #tpu.memory_space<vmem>> -> memref<1x64xf32, #tpu.memory_space<vmem>>
      %dma_start3A_382 = tpu.memref_squeeze %dma_start3A_381 : memref<1x64xf32, #tpu.memory_space<vmem>> -> memref<64xf32, #tpu.memory_space<vmem>>
      %dma_start3A_383 = arith.constant 0 : i32
      %dma_start3A_384 = tpu.memref_slice %arg2[%squeeze3A_379, %dma_start3A_383] : memref<1000000x64xf32, #tpu.memory_space<hbm>> -> memref<1x64xf32, #tpu.memory_space<hbm>>
      %dma_start3A_385 = tpu.memref_squeeze %dma_start3A_384 : memref<1x64xf32, #tpu.memory_space<hbm>> -> memref<64xf32, #tpu.memory_space<hbm>>
      %dma_start3A_386 = arith.constant 0 : i32
      %dma_start3A_387 = tpu.memref_slice %arg9[%add3A_349, %dma_start3A_386] : memref<256x64xf32, #tpu.memory_space<vmem>> -> memref<1x64xf32, #tpu.memory_space<vmem>>
      %dma_start3A_388 = tpu.memref_squeeze %dma_start3A_387 : memref<1x64xf32, #tpu.memory_space<vmem>> -> memref<64xf32, #tpu.memory_space<vmem>>
      %dma_start3A_389 = arith.constant 0 : i32
      %dma_start3A_390 = tpu.memref_slice %arg2[%squeeze3A_379, %dma_start3A_389] : memref<1000000x64xf32, #tpu.memory_space<hbm>> -> memref<1x64xf32, #tpu.memory_space<hbm>>
      %dma_start3A_391 = tpu.memref_squeeze %dma_start3A_390 : memref<1x64xf32, #tpu.memory_space<hbm>> -> memref<64xf32, #tpu.memory_space<hbm>>
      tpu.enqueue_dma source(%dma_start3A_391 : memref<64xf32, #tpu.memory_space<hbm>>) target(%dma_start3A_388 : memref<64xf32, #tpu.memory_space<vmem>>) target_semaphore(%arg12 : memref<!tpu.dma_semaphore, #tpu.memory_space<semaphore_mem>>)
      %add3A_392 = arith.constant 0 : i32
      %add3A_393 = arith.addi %add3A_392, %add3A_61 : i32
      %add3A_394 = arith.constant 7 : i32
      %add3A_395 = arith.addi %add3A_393, %add3A_394 : i32
      %slice3A_396 = vector.extract_strided_slice %get3A_64 {offsets = [7], sizes = [1], strides = [1]} : vector<16xi32> to vector<1xi32>
      %squeeze3A_397 = vector.extract %slice3A_396[0] : i32 from vector<1xi32>
      %dma_start3A_398 = arith.constant 0 : i32
      %dma_start3A_399 = tpu.memref_slice %arg7[%add3A_395, %dma_start3A_398] : memref<256x64xf32, #tpu.memory_space<vmem>> -> memref<1x64xf32, #tpu.memory_space<vmem>>
      %dma_start3A_400 = tpu.memref_squeeze %dma_start3A_399 : memref<1x64xf32, #tpu.memory_space<vmem>> -> memref<64xf32, #tpu.memory_space<vmem>>
      %dma_start3A_401 = arith.constant 0 : i32
      %dma_start3A_402 = tpu.memref_slice %arg2[%squeeze3A_397, %dma_start3A_401] : memref<1000000x64xf32, #tpu.memory_space<hbm>> -> memref<1x64xf32, #tpu.memory_space<hbm>>
      %dma_start3A_403 = tpu.memref_squeeze %dma_start3A_402 : memref<1x64xf32, #tpu.memory_space<hbm>> -> memref<64xf32, #tpu.memory_space<hbm>>
      %dma_start3A_404 = arith.constant 0 : i32
      %dma_start3A_405 = tpu.memref_slice %arg7[%add3A_395, %dma_start3A_404] : memref<256x64xf32, #tpu.memory_space<vmem>> -> memref<1x64xf32, #tpu.memory_space<vmem>>
      %dma_start3A_406 = tpu.memref_squeeze %dma_start3A_405 : memref<1x64xf32, #tpu.memory_space<vmem>> -> memref<64xf32, #tpu.memory_space<vmem>>
      %dma_start3A_407 = arith.constant 0 : i32
      %dma_start3A_408 = tpu.memref_slice %arg2[%squeeze3A_397, %dma_start3A_407] : memref<1000000x64xf32, #tpu.memory_space<hbm>> -> memref<1x64xf32, #tpu.memory_space<hbm>>
      %dma_start3A_409 = tpu.memref_squeeze %dma_start3A_408 : memref<1x64xf32, #tpu.memory_space<hbm>> -> memref<64xf32, #tpu.memory_space<hbm>>
      tpu.enqueue_dma source(%dma_start3A_409 : memref<64xf32, #tpu.memory_space<hbm>>) target(%dma_start3A_406 : memref<64xf32, #tpu.memory_space<vmem>>) target_semaphore(%arg12 : memref<!tpu.dma_semaphore, #tpu.memory_space<semaphore_mem>>)
      %slice3A_410 = vector.extract_strided_slice %get3A_68 {offsets = [7], sizes = [1], strides = [1]} : vector<16xi32> to vector<1xi32>
      %squeeze3A_411 = vector.extract %slice3A_410[0] : i32 from vector<1xi32>
      %dma_start3A_412 = arith.constant 0 : i32
      %dma_start3A_413 = tpu.memref_slice %arg8[%add3A_395, %dma_start3A_412] : memref<256x64xf32, #tpu.memory_space<vmem>> -> memref<1x64xf32, #tpu.memory_space<vmem>>
      %dma_start3A_414 = tpu.memref_squeeze %dma_start3A_413 : memref<1x64xf32, #tpu.memory_space<vmem>> -> memref<64xf32, #tpu.memory_space<vmem>>
      %dma_start3A_415 = arith.constant 0 : i32
      %dma_start3A_416 = tpu.memref_slice %arg3[%squeeze3A_411, %dma_start3A_415] : memref<1000000x64xf32, #tpu.memory_space<hbm>> -> memref<1x64xf32, #tpu.memory_space<hbm>>
      %dma_start3A_417 = tpu.memref_squeeze %dma_start3A_416 : memref<1x64xf32, #tpu.memory_space<hbm>> -> memref<64xf32, #tpu.memory_space<hbm>>
      %dma_start3A_418 = arith.constant 0 : i32
      %dma_start3A_419 = tpu.memref_slice %arg8[%add3A_395, %dma_start3A_418] : memref<256x64xf32, #tpu.memory_space<vmem>> -> memref<1x64xf32, #tpu.memory_space<vmem>>
      %dma_start3A_420 = tpu.memref_squeeze %dma_start3A_419 : memref<1x64xf32, #tpu.memory_space<vmem>> -> memref<64xf32, #tpu.memory_space<vmem>>
      %dma_start3A_421 = arith.constant 0 : i32
      %dma_start3A_422 = tpu.memref_slice %arg3[%squeeze3A_411, %dma_start3A_421] : memref<1000000x64xf32, #tpu.memory_space<hbm>> -> memref<1x64xf32, #tpu.memory_space<hbm>>
      %dma_start3A_423 = tpu.memref_squeeze %dma_start3A_422 : memref<1x64xf32, #tpu.memory_space<hbm>> -> memref<64xf32, #tpu.memory_space<hbm>>
      tpu.enqueue_dma source(%dma_start3A_423 : memref<64xf32, #tpu.memory_space<hbm>>) target(%dma_start3A_420 : memref<64xf32, #tpu.memory_space<vmem>>) target_semaphore(%arg12 : memref<!tpu.dma_semaphore, #tpu.memory_space<semaphore_mem>>)
      %slice3A_424 = vector.extract_strided_slice %get3A_72 {offsets = [7], sizes = [1], strides = [1]} : vector<16xi32> to vector<1xi32>
      %squeeze3A_425 = vector.extract %slice3A_424[0] : i32 from vector<1xi32>
      %dma_start3A_426 = arith.constant 0 : i32
      %dma_start3A_427 = tpu.memref_slice %arg9[%add3A_395, %dma_start3A_426] : memref<256x64xf32, #tpu.memory_space<vmem>> -> memref<1x64xf32, #tpu.memory_space<vmem>>
      %dma_start3A_428 = tpu.memref_squeeze %dma_start3A_427 : memref<1x64xf32, #tpu.memory_space<vmem>> -> memref<64xf32, #tpu.memory_space<vmem>>
      %dma_start3A_429 = arith.constant 0 : i32
      %dma_start3A_430 = tpu.memref_slice %arg2[%squeeze3A_425, %dma_start3A_429] : memref<1000000x64xf32, #tpu.memory_space<hbm>> -> memref<1x64xf32, #tpu.memory_space<hbm>>
      %dma_start3A_431 = tpu.memref_squeeze %dma_start3A_430 : memref<1x64xf32, #tpu.memory_space<hbm>> -> memref<64xf32, #tpu.memory_space<hbm>>
      %dma_start3A_432 = arith.constant 0 : i32
      %dma_start3A_433 = tpu.memref_slice %arg9[%add3A_395, %dma_start3A_432] : memref<256x64xf32, #tpu.memory_space<vmem>> -> memref<1x64xf32, #tpu.memory_space<vmem>>
      %dma_start3A_434 = tpu.memref_squeeze %dma_start3A_433 : memref<1x64xf32, #tpu.memory_space<vmem>> -> memref<64xf32, #tpu.memory_space<vmem>>
      %dma_start3A_435 = arith.constant 0 : i32
      %dma_start3A_436 = tpu.memref_slice %arg2[%squeeze3A_425, %dma_start3A_435] : memref<1000000x64xf32, #tpu.memory_space<hbm>> -> memref<1x64xf32, #tpu.memory_space<hbm>>
      %dma_start3A_437 = tpu.memref_squeeze %dma_start3A_436 : memref<1x64xf32, #tpu.memory_space<hbm>> -> memref<64xf32, #tpu.memory_space<hbm>>
      tpu.enqueue_dma source(%dma_start3A_437 : memref<64xf32, #tpu.memory_space<hbm>>) target(%dma_start3A_434 : memref<64xf32, #tpu.memory_space<vmem>>) target_semaphore(%arg12 : memref<!tpu.dma_semaphore, #tpu.memory_space<semaphore_mem>>)
      %add3A_438 = arith.constant 0 : i32
      %add3A_439 = arith.addi %add3A_438, %add3A_61 : i32
      %add3A_440 = arith.constant 8 : i32
      %add3A_441 = arith.addi %add3A_439, %add3A_440 : i32
      %slice3A_442 = vector.extract_strided_slice %get3A_64 {offsets = [8], sizes = [1], strides = [1]} : vector<16xi32> to vector<1xi32>
      %squeeze3A_443 = vector.extract %slice3A_442[0] : i32 from vector<1xi32>
      %dma_start3A_444 = arith.constant 0 : i32
      %dma_start3A_445 = tpu.memref_slice %arg7[%add3A_441, %dma_start3A_444] : memref<256x64xf32, #tpu.memory_space<vmem>> -> memref<1x64xf32, #tpu.memory_space<vmem>>
      %dma_start3A_446 = tpu.memref_squeeze %dma_start3A_445 : memref<1x64xf32, #tpu.memory_space<vmem>> -> memref<64xf32, #tpu.memory_space<vmem>>
      %dma_start3A_447 = arith.constant 0 : i32
      %dma_start3A_448 = tpu.memref_slice %arg2[%squeeze3A_443, %dma_start3A_447] : memref<1000000x64xf32, #tpu.memory_space<hbm>> -> memref<1x64xf32, #tpu.memory_space<hbm>>
      %dma_start3A_449 = tpu.memref_squeeze %dma_start3A_448 : memref<1x64xf32, #tpu.memory_space<hbm>> -> memref<64xf32, #tpu.memory_space<hbm>>
      %dma_start3A_450 = arith.constant 0 : i32
      %dma_start3A_451 = tpu.memref_slice %arg7[%add3A_441, %dma_start3A_450] : memref<256x64xf32, #tpu.memory_space<vmem>> -> memref<1x64xf32, #tpu.memory_space<vmem>>
      %dma_start3A_452 = tpu.memref_squeeze %dma_start3A_451 : memref<1x64xf32, #tpu.memory_space<vmem>> -> memref<64xf32, #tpu.memory_space<vmem>>
      %dma_start3A_453 = arith.constant 0 : i32
      %dma_start3A_454 = tpu.memref_slice %arg2[%squeeze3A_443, %dma_start3A_453] : memref<1000000x64xf32, #tpu.memory_space<hbm>> -> memref<1x64xf32, #tpu.memory_space<hbm>>
      %dma_start3A_455 = tpu.memref_squeeze %dma_start3A_454 : memref<1x64xf32, #tpu.memory_space<hbm>> -> memref<64xf32, #tpu.memory_space<hbm>>
      tpu.enqueue_dma source(%dma_start3A_455 : memref<64xf32, #tpu.memory_space<hbm>>) target(%dma_start3A_452 : memref<64xf32, #tpu.memory_space<vmem>>) target_semaphore(%arg12 : memref<!tpu.dma_semaphore, #tpu.memory_space<semaphore_mem>>)
      %slice3A_456 = vector.extract_strided_slice %get3A_68 {offsets = [8], sizes = [1], strides = [1]} : vector<16xi32> to vector<1xi32>
      %squeeze3A_457 = vector.extract %slice3A_456[0] : i32 from vector<1xi32>
      %dma_start3A_458 = arith.constant 0 : i32
      %dma_start3A_459 = tpu.memref_slice %arg8[%add3A_441, %dma_start3A_458] : memref<256x64xf32, #tpu.memory_space<vmem>> -> memref<1x64xf32, #tpu.memory_space<vmem>>
      %dma_start3A_460 = tpu.memref_squeeze %dma_start3A_459 : memref<1x64xf32, #tpu.memory_space<vmem>> -> memref<64xf32, #tpu.memory_space<vmem>>
      %dma_start3A_461 = arith.constant 0 : i32
      %dma_start3A_462 = tpu.memref_slice %arg3[%squeeze3A_457, %dma_start3A_461] : memref<1000000x64xf32, #tpu.memory_space<hbm>> -> memref<1x64xf32, #tpu.memory_space<hbm>>
      %dma_start3A_463 = tpu.memref_squeeze %dma_start3A_462 : memref<1x64xf32, #tpu.memory_space<hbm>> -> memref<64xf32, #tpu.memory_space<hbm>>
      %dma_start3A_464 = arith.constant 0 : i32
      %dma_start3A_465 = tpu.memref_slice %arg8[%add3A_441, %dma_start3A_464] : memref<256x64xf32, #tpu.memory_space<vmem>> -> memref<1x64xf32, #tpu.memory_space<vmem>>
      %dma_start3A_466 = tpu.memref_squeeze %dma_start3A_465 : memref<1x64xf32, #tpu.memory_space<vmem>> -> memref<64xf32, #tpu.memory_space<vmem>>
      %dma_start3A_467 = arith.constant 0 : i32
      %dma_start3A_468 = tpu.memref_slice %arg3[%squeeze3A_457, %dma_start3A_467] : memref<1000000x64xf32, #tpu.memory_space<hbm>> -> memref<1x64xf32, #tpu.memory_space<hbm>>
      %dma_start3A_469 = tpu.memref_squeeze %dma_start3A_468 : memref<1x64xf32, #tpu.memory_space<hbm>> -> memref<64xf32, #tpu.memory_space<hbm>>
      tpu.enqueue_dma source(%dma_start3A_469 : memref<64xf32, #tpu.memory_space<hbm>>) target(%dma_start3A_466 : memref<64xf32, #tpu.memory_space<vmem>>) target_semaphore(%arg12 : memref<!tpu.dma_semaphore, #tpu.memory_space<semaphore_mem>>)
      %slice3A_470 = vector.extract_strided_slice %get3A_72 {offsets = [8], sizes = [1], strides = [1]} : vector<16xi32> to vector<1xi32>
      %squeeze3A_471 = vector.extract %slice3A_470[0] : i32 from vector<1xi32>
      %dma_start3A_472 = arith.constant 0 : i32
      %dma_start3A_473 = tpu.memref_slice %arg9[%add3A_441, %dma_start3A_472] : memref<256x64xf32, #tpu.memory_space<vmem>> -> memref<1x64xf32, #tpu.memory_space<vmem>>
      %dma_start3A_474 = tpu.memref_squeeze %dma_start3A_473 : memref<1x64xf32, #tpu.memory_space<vmem>> -> memref<64xf32, #tpu.memory_space<vmem>>
      %dma_start3A_475 = arith.constant 0 : i32
      %dma_start3A_476 = tpu.memref_slice %arg2[%squeeze3A_471, %dma_start3A_475] : memref<1000000x64xf32, #tpu.memory_space<hbm>> -> memref<1x64xf32, #tpu.memory_space<hbm>>
      %dma_start3A_477 = tpu.memref_squeeze %dma_start3A_476 : memref<1x64xf32, #tpu.memory_space<hbm>> -> memref<64xf32, #tpu.memory_space<hbm>>
      %dma_start3A_478 = arith.constant 0 : i32
      %dma_start3A_479 = tpu.memref_slice %arg9[%add3A_441, %dma_start3A_478] : memref<256x64xf32, #tpu.memory_space<vmem>> -> memref<1x64xf32, #tpu.memory_space<vmem>>
      %dma_start3A_480 = tpu.memref_squeeze %dma_start3A_479 : memref<1x64xf32, #tpu.memory_space<vmem>> -> memref<64xf32, #tpu.memory_space<vmem>>
      %dma_start3A_481 = arith.constant 0 : i32
      %dma_start3A_482 = tpu.memref_slice %arg2[%squeeze3A_471, %dma_start3A_481] : memref<1000000x64xf32, #tpu.memory_space<hbm>> -> memref<1x64xf32, #tpu.memory_space<hbm>>
      %dma_start3A_483 = tpu.memref_squeeze %dma_start3A_482 : memref<1x64xf32, #tpu.memory_space<hbm>> -> memref<64xf32, #tpu.memory_space<hbm>>
      tpu.enqueue_dma source(%dma_start3A_483 : memref<64xf32, #tpu.memory_space<hbm>>) target(%dma_start3A_480 : memref<64xf32, #tpu.memory_space<vmem>>) target_semaphore(%arg12 : memref<!tpu.dma_semaphore, #tpu.memory_space<semaphore_mem>>)
      %add3A_484 = arith.constant 0 : i32
      %add3A_485 = arith.addi %add3A_484, %add3A_61 : i32
      %add3A_486 = arith.constant 9 : i32
      %add3A_487 = arith.addi %add3A_485, %add3A_486 : i32
      %slice3A_488 = vector.extract_strided_slice %get3A_64 {offsets = [9], sizes = [1], strides = [1]} : vector<16xi32> to vector<1xi32>
      %squeeze3A_489 = vector.extract %slice3A_488[0] : i32 from vector<1xi32>
      %dma_start3A_490 = arith.constant 0 : i32
      %dma_start3A_491 = tpu.memref_slice %arg7[%add3A_487, %dma_start3A_490] : memref<256x64xf32, #tpu.memory_space<vmem>> -> memref<1x64xf32, #tpu.memory_space<vmem>>
      %dma_start3A_492 = tpu.memref_squeeze %dma_start3A_491 : memref<1x64xf32, #tpu.memory_space<vmem>> -> memref<64xf32, #tpu.memory_space<vmem>>
      %dma_start3A_493 = arith.constant 0 : i32
      %dma_start3A_494 = tpu.memref_slice %arg2[%squeeze3A_489, %dma_start3A_493] : memref<1000000x64xf32, #tpu.memory_space<hbm>> -> memref<1x64xf32, #tpu.memory_space<hbm>>
      %dma_start3A_495 = tpu.memref_squeeze %dma_start3A_494 : memref<1x64xf32, #tpu.memory_space<hbm>> -> memref<64xf32, #tpu.memory_space<hbm>>
      %dma_start3A_496 = arith.constant 0 : i32
      %dma_start3A_497 = tpu.memref_slice %arg7[%add3A_487, %dma_start3A_496] : memref<256x64xf32, #tpu.memory_space<vmem>> -> memref<1x64xf32, #tpu.memory_space<vmem>>
      %dma_start3A_498 = tpu.memref_squeeze %dma_start3A_497 : memref<1x64xf32, #tpu.memory_space<vmem>> -> memref<64xf32, #tpu.memory_space<vmem>>
      %dma_start3A_499 = arith.constant 0 : i32
      %dma_start3A_500 = tpu.memref_slice %arg2[%squeeze3A_489, %dma_start3A_499] : memref<1000000x64xf32, #tpu.memory_space<hbm>> -> memref<1x64xf32, #tpu.memory_space<hbm>>
      %dma_start3A_501 = tpu.memref_squeeze %dma_start3A_500 : memref<1x64xf32, #tpu.memory_space<hbm>> -> memref<64xf32, #tpu.memory_space<hbm>>
      tpu.enqueue_dma source(%dma_start3A_501 : memref<64xf32, #tpu.memory_space<hbm>>) target(%dma_start3A_498 : memref<64xf32, #tpu.memory_space<vmem>>) target_semaphore(%arg12 : memref<!tpu.dma_semaphore, #tpu.memory_space<semaphore_mem>>)
      %slice3A_502 = vector.extract_strided_slice %get3A_68 {offsets = [9], sizes = [1], strides = [1]} : vector<16xi32> to vector<1xi32>
      %squeeze3A_503 = vector.extract %slice3A_502[0] : i32 from vector<1xi32>
      %dma_start3A_504 = arith.constant 0 : i32
      %dma_start3A_505 = tpu.memref_slice %arg8[%add3A_487, %dma_start3A_504] : memref<256x64xf32, #tpu.memory_space<vmem>> -> memref<1x64xf32, #tpu.memory_space<vmem>>
      %dma_start3A_506 = tpu.memref_squeeze %dma_start3A_505 : memref<1x64xf32, #tpu.memory_space<vmem>> -> memref<64xf32, #tpu.memory_space<vmem>>
      %dma_start3A_507 = arith.constant 0 : i32
      %dma_start3A_508 = tpu.memref_slice %arg3[%squeeze3A_503, %dma_start3A_507] : memref<1000000x64xf32, #tpu.memory_space<hbm>> -> memref<1x64xf32, #tpu.memory_space<hbm>>
      %dma_start3A_509 = tpu.memref_squeeze %dma_start3A_508 : memref<1x64xf32, #tpu.memory_space<hbm>> -> memref<64xf32, #tpu.memory_space<hbm>>
      %dma_start3A_510 = arith.constant 0 : i32
      %dma_start3A_511 = tpu.memref_slice %arg8[%add3A_487, %dma_start3A_510] : memref<256x64xf32, #tpu.memory_space<vmem>> -> memref<1x64xf32, #tpu.memory_space<vmem>>
      %dma_start3A_512 = tpu.memref_squeeze %dma_start3A_511 : memref<1x64xf32, #tpu.memory_space<vmem>> -> memref<64xf32, #tpu.memory_space<vmem>>
      %dma_start3A_513 = arith.constant 0 : i32
      %dma_start3A_514 = tpu.memref_slice %arg3[%squeeze3A_503, %dma_start3A_513] : memref<1000000x64xf32, #tpu.memory_space<hbm>> -> memref<1x64xf32, #tpu.memory_space<hbm>>
      %dma_start3A_515 = tpu.memref_squeeze %dma_start3A_514 : memref<1x64xf32, #tpu.memory_space<hbm>> -> memref<64xf32, #tpu.memory_space<hbm>>
      tpu.enqueue_dma source(%dma_start3A_515 : memref<64xf32, #tpu.memory_space<hbm>>) target(%dma_start3A_512 : memref<64xf32, #tpu.memory_space<vmem>>) target_semaphore(%arg12 : memref<!tpu.dma_semaphore, #tpu.memory_space<semaphore_mem>>)
      %slice3A_516 = vector.extract_strided_slice %get3A_72 {offsets = [9], sizes = [1], strides = [1]} : vector<16xi32> to vector<1xi32>
      %squeeze3A_517 = vector.extract %slice3A_516[0] : i32 from vector<1xi32>
      %dma_start3A_518 = arith.constant 0 : i32
      %dma_start3A_519 = tpu.memref_slice %arg9[%add3A_487, %dma_start3A_518] : memref<256x64xf32, #tpu.memory_space<vmem>> -> memref<1x64xf32, #tpu.memory_space<vmem>>
      %dma_start3A_520 = tpu.memref_squeeze %dma_start3A_519 : memref<1x64xf32, #tpu.memory_space<vmem>> -> memref<64xf32, #tpu.memory_space<vmem>>
      %dma_start3A_521 = arith.constant 0 : i32
      %dma_start3A_522 = tpu.memref_slice %arg2[%squeeze3A_517, %dma_start3A_521] : memref<1000000x64xf32, #tpu.memory_space<hbm>> -> memref<1x64xf32, #tpu.memory_space<hbm>>
      %dma_start3A_523 = tpu.memref_squeeze %dma_start3A_522 : memref<1x64xf32, #tpu.memory_space<hbm>> -> memref<64xf32, #tpu.memory_space<hbm>>
      %dma_start3A_524 = arith.constant 0 : i32
      %dma_start3A_525 = tpu.memref_slice %arg9[%add3A_487, %dma_start3A_524] : memref<256x64xf32, #tpu.memory_space<vmem>> -> memref<1x64xf32, #tpu.memory_space<vmem>>
      %dma_start3A_526 = tpu.memref_squeeze %dma_start3A_525 : memref<1x64xf32, #tpu.memory_space<vmem>> -> memref<64xf32, #tpu.memory_space<vmem>>
      %dma_start3A_527 = arith.constant 0 : i32
      %dma_start3A_528 = tpu.memref_slice %arg2[%squeeze3A_517, %dma_start3A_527] : memref<1000000x64xf32, #tpu.memory_space<hbm>> -> memref<1x64xf32, #tpu.memory_space<hbm>>
      %dma_start3A_529 = tpu.memref_squeeze %dma_start3A_528 : memref<1x64xf32, #tpu.memory_space<hbm>> -> memref<64xf32, #tpu.memory_space<hbm>>
      tpu.enqueue_dma source(%dma_start3A_529 : memref<64xf32, #tpu.memory_space<hbm>>) target(%dma_start3A_526 : memref<64xf32, #tpu.memory_space<vmem>>) target_semaphore(%arg12 : memref<!tpu.dma_semaphore, #tpu.memory_space<semaphore_mem>>)
      %add3A_530 = arith.constant 0 : i32
      %add3A_531 = arith.addi %add3A_530, %add3A_61 : i32
      %add3A_532 = arith.constant 10 : i32
      %add3A_533 = arith.addi %add3A_531, %add3A_532 : i32
      %slice3A_534 = vector.extract_strided_slice %get3A_64 {offsets = [10], sizes = [1], strides = [1]} : vector<16xi32> to vector<1xi32>
      %squeeze3A_535 = vector.extract %slice3A_534[0] : i32 from vector<1xi32>
      %dma_start3A_536 = arith.constant 0 : i32
      %dma_start3A_537 = tpu.memref_slice %arg7[%add3A_533, %dma_start3A_536] : memref<256x64xf32, #tpu.memory_space<vmem>> -> memref<1x64xf32, #tpu.memory_space<vmem>>
      %dma_start3A_538 = tpu.memref_squeeze %dma_start3A_537 : memref<1x64xf32, #tpu.memory_space<vmem>> -> memref<64xf32, #tpu.memory_space<vmem>>
      %dma_start3A_539 = arith.constant 0 : i32
      %dma_start3A_540 = tpu.memref_slice %arg2[%squeeze3A_535, %dma_start3A_539] : memref<1000000x64xf32, #tpu.memory_space<hbm>> -> memref<1x64xf32, #tpu.memory_space<hbm>>
      %dma_start3A_541 = tpu.memref_squeeze %dma_start3A_540 : memref<1x64xf32, #tpu.memory_space<hbm>> -> memref<64xf32, #tpu.memory_space<hbm>>
      %dma_start3A_542 = arith.constant 0 : i32
      %dma_start3A_543 = tpu.memref_slice %arg7[%add3A_533, %dma_start3A_542] : memref<256x64xf32, #tpu.memory_space<vmem>> -> memref<1x64xf32, #tpu.memory_space<vmem>>
      %dma_start3A_544 = tpu.memref_squeeze %dma_start3A_543 : memref<1x64xf32, #tpu.memory_space<vmem>> -> memref<64xf32, #tpu.memory_space<vmem>>
      %dma_start3A_545 = arith.constant 0 : i32
      %dma_start3A_546 = tpu.memref_slice %arg2[%squeeze3A_535, %dma_start3A_545] : memref<1000000x64xf32, #tpu.memory_space<hbm>> -> memref<1x64xf32, #tpu.memory_space<hbm>>
      %dma_start3A_547 = tpu.memref_squeeze %dma_start3A_546 : memref<1x64xf32, #tpu.memory_space<hbm>> -> memref<64xf32, #tpu.memory_space<hbm>>
      tpu.enqueue_dma source(%dma_start3A_547 : memref<64xf32, #tpu.memory_space<hbm>>) target(%dma_start3A_544 : memref<64xf32, #tpu.memory_space<vmem>>) target_semaphore(%arg12 : memref<!tpu.dma_semaphore, #tpu.memory_space<semaphore_mem>>)
      %slice3A_548 = vector.extract_strided_slice %get3A_68 {offsets = [10], sizes = [1], strides = [1]} : vector<16xi32> to vector<1xi32>
      %squeeze3A_549 = vector.extract %slice3A_548[0] : i32 from vector<1xi32>
      %dma_start3A_550 = arith.constant 0 : i32
      %dma_start3A_551 = tpu.memref_slice %arg8[%add3A_533, %dma_start3A_550] : memref<256x64xf32, #tpu.memory_space<vmem>> -> memref<1x64xf32, #tpu.memory_space<vmem>>
      %dma_start3A_552 = tpu.memref_squeeze %dma_start3A_551 : memref<1x64xf32, #tpu.memory_space<vmem>> -> memref<64xf32, #tpu.memory_space<vmem>>
      %dma_start3A_553 = arith.constant 0 : i32
      %dma_start3A_554 = tpu.memref_slice %arg3[%squeeze3A_549, %dma_start3A_553] : memref<1000000x64xf32, #tpu.memory_space<hbm>> -> memref<1x64xf32, #tpu.memory_space<hbm>>
      %dma_start3A_555 = tpu.memref_squeeze %dma_start3A_554 : memref<1x64xf32, #tpu.memory_space<hbm>> -> memref<64xf32, #tpu.memory_space<hbm>>
      %dma_start3A_556 = arith.constant 0 : i32
      %dma_start3A_557 = tpu.memref_slice %arg8[%add3A_533, %dma_start3A_556] : memref<256x64xf32, #tpu.memory_space<vmem>> -> memref<1x64xf32, #tpu.memory_space<vmem>>
      %dma_start3A_558 = tpu.memref_squeeze %dma_start3A_557 : memref<1x64xf32, #tpu.memory_space<vmem>> -> memref<64xf32, #tpu.memory_space<vmem>>
      %dma_start3A_559 = arith.constant 0 : i32
      %dma_start3A_560 = tpu.memref_slice %arg3[%squeeze3A_549, %dma_start3A_559] : memref<1000000x64xf32, #tpu.memory_space<hbm>> -> memref<1x64xf32, #tpu.memory_space<hbm>>
      %dma_start3A_561 = tpu.memref_squeeze %dma_start3A_560 : memref<1x64xf32, #tpu.memory_space<hbm>> -> memref<64xf32, #tpu.memory_space<hbm>>
      tpu.enqueue_dma source(%dma_start3A_561 : memref<64xf32, #tpu.memory_space<hbm>>) target(%dma_start3A_558 : memref<64xf32, #tpu.memory_space<vmem>>) target_semaphore(%arg12 : memref<!tpu.dma_semaphore, #tpu.memory_space<semaphore_mem>>)
      %slice3A_562 = vector.extract_strided_slice %get3A_72 {offsets = [10], sizes = [1], strides = [1]} : vector<16xi32> to vector<1xi32>
      %squeeze3A_563 = vector.extract %slice3A_562[0] : i32 from vector<1xi32>
      %dma_start3A_564 = arith.constant 0 : i32
      %dma_start3A_565 = tpu.memref_slice %arg9[%add3A_533, %dma_start3A_564] : memref<256x64xf32, #tpu.memory_space<vmem>> -> memref<1x64xf32, #tpu.memory_space<vmem>>
      %dma_start3A_566 = tpu.memref_squeeze %dma_start3A_565 : memref<1x64xf32, #tpu.memory_space<vmem>> -> memref<64xf32, #tpu.memory_space<vmem>>
      %dma_start3A_567 = arith.constant 0 : i32
      %dma_start3A_568 = tpu.memref_slice %arg2[%squeeze3A_563, %dma_start3A_567] : memref<1000000x64xf32, #tpu.memory_space<hbm>> -> memref<1x64xf32, #tpu.memory_space<hbm>>
      %dma_start3A_569 = tpu.memref_squeeze %dma_start3A_568 : memref<1x64xf32, #tpu.memory_space<hbm>> -> memref<64xf32, #tpu.memory_space<hbm>>
      %dma_start3A_570 = arith.constant 0 : i32
      %dma_start3A_571 = tpu.memref_slice %arg9[%add3A_533, %dma_start3A_570] : memref<256x64xf32, #tpu.memory_space<vmem>> -> memref<1x64xf32, #tpu.memory_space<vmem>>
      %dma_start3A_572 = tpu.memref_squeeze %dma_start3A_571 : memref<1x64xf32, #tpu.memory_space<vmem>> -> memref<64xf32, #tpu.memory_space<vmem>>
      %dma_start3A_573 = arith.constant 0 : i32
      %dma_start3A_574 = tpu.memref_slice %arg2[%squeeze3A_563, %dma_start3A_573] : memref<1000000x64xf32, #tpu.memory_space<hbm>> -> memref<1x64xf32, #tpu.memory_space<hbm>>
      %dma_start3A_575 = tpu.memref_squeeze %dma_start3A_574 : memref<1x64xf32, #tpu.memory_space<hbm>> -> memref<64xf32, #tpu.memory_space<hbm>>
      tpu.enqueue_dma source(%dma_start3A_575 : memref<64xf32, #tpu.memory_space<hbm>>) target(%dma_start3A_572 : memref<64xf32, #tpu.memory_space<vmem>>) target_semaphore(%arg12 : memref<!tpu.dma_semaphore, #tpu.memory_space<semaphore_mem>>)
      %add3A_576 = arith.constant 0 : i32
      %add3A_577 = arith.addi %add3A_576, %add3A_61 : i32
      %add3A_578 = arith.constant 11 : i32
      %add3A_579 = arith.addi %add3A_577, %add3A_578 : i32
      %slice3A_580 = vector.extract_strided_slice %get3A_64 {offsets = [11], sizes = [1], strides = [1]} : vector<16xi32> to vector<1xi32>
      %squeeze3A_581 = vector.extract %slice3A_580[0] : i32 from vector<1xi32>
      %dma_start3A_582 = arith.constant 0 : i32
      %dma_start3A_583 = tpu.memref_slice %arg7[%add3A_579, %dma_start3A_582] : memref<256x64xf32, #tpu.memory_space<vmem>> -> memref<1x64xf32, #tpu.memory_space<vmem>>
      %dma_start3A_584 = tpu.memref_squeeze %dma_start3A_583 : memref<1x64xf32, #tpu.memory_space<vmem>> -> memref<64xf32, #tpu.memory_space<vmem>>
      %dma_start3A_585 = arith.constant 0 : i32
      %dma_start3A_586 = tpu.memref_slice %arg2[%squeeze3A_581, %dma_start3A_585] : memref<1000000x64xf32, #tpu.memory_space<hbm>> -> memref<1x64xf32, #tpu.memory_space<hbm>>
      %dma_start3A_587 = tpu.memref_squeeze %dma_start3A_586 : memref<1x64xf32, #tpu.memory_space<hbm>> -> memref<64xf32, #tpu.memory_space<hbm>>
      %dma_start3A_588 = arith.constant 0 : i32
      %dma_start3A_589 = tpu.memref_slice %arg7[%add3A_579, %dma_start3A_588] : memref<256x64xf32, #tpu.memory_space<vmem>> -> memref<1x64xf32, #tpu.memory_space<vmem>>
      %dma_start3A_590 = tpu.memref_squeeze %dma_start3A_589 : memref<1x64xf32, #tpu.memory_space<vmem>> -> memref<64xf32, #tpu.memory_space<vmem>>
      %dma_start3A_591 = arith.constant 0 : i32
      %dma_start3A_592 = tpu.memref_slice %arg2[%squeeze3A_581, %dma_start3A_591] : memref<1000000x64xf32, #tpu.memory_space<hbm>> -> memref<1x64xf32, #tpu.memory_space<hbm>>
      %dma_start3A_593 = tpu.memref_squeeze %dma_start3A_592 : memref<1x64xf32, #tpu.memory_space<hbm>> -> memref<64xf32, #tpu.memory_space<hbm>>
      tpu.enqueue_dma source(%dma_start3A_593 : memref<64xf32, #tpu.memory_space<hbm>>) target(%dma_start3A_590 : memref<64xf32, #tpu.memory_space<vmem>>) target_semaphore(%arg12 : memref<!tpu.dma_semaphore, #tpu.memory_space<semaphore_mem>>)
      %slice3A_594 = vector.extract_strided_slice %get3A_68 {offsets = [11], sizes = [1], strides = [1]} : vector<16xi32> to vector<1xi32>
      %squeeze3A_595 = vector.extract %slice3A_594[0] : i32 from vector<1xi32>
      %dma_start3A_596 = arith.constant 0 : i32
      %dma_start3A_597 = tpu.memref_slice %arg8[%add3A_579, %dma_start3A_596] : memref<256x64xf32, #tpu.memory_space<vmem>> -> memref<1x64xf32, #tpu.memory_space<vmem>>
      %dma_start3A_598 = tpu.memref_squeeze %dma_start3A_597 : memref<1x64xf32, #tpu.memory_space<vmem>> -> memref<64xf32, #tpu.memory_space<vmem>>
      %dma_start3A_599 = arith.constant 0 : i32
      %dma_start3A_600 = tpu.memref_slice %arg3[%squeeze3A_595, %dma_start3A_599] : memref<1000000x64xf32, #tpu.memory_space<hbm>> -> memref<1x64xf32, #tpu.memory_space<hbm>>
      %dma_start3A_601 = tpu.memref_squeeze %dma_start3A_600 : memref<1x64xf32, #tpu.memory_space<hbm>> -> memref<64xf32, #tpu.memory_space<hbm>>
      %dma_start3A_602 = arith.constant 0 : i32
      %dma_start3A_603 = tpu.memref_slice %arg8[%add3A_579, %dma_start3A_602] : memref<256x64xf32, #tpu.memory_space<vmem>> -> memref<1x64xf32, #tpu.memory_space<vmem>>
      %dma_start3A_604 = tpu.memref_squeeze %dma_start3A_603 : memref<1x64xf32, #tpu.memory_space<vmem>> -> memref<64xf32, #tpu.memory_space<vmem>>
      %dma_start3A_605 = arith.constant 0 : i32
      %dma_start3A_606 = tpu.memref_slice %arg3[%squeeze3A_595, %dma_start3A_605] : memref<1000000x64xf32, #tpu.memory_space<hbm>> -> memref<1x64xf32, #tpu.memory_space<hbm>>
      %dma_start3A_607 = tpu.memref_squeeze %dma_start3A_606 : memref<1x64xf32, #tpu.memory_space<hbm>> -> memref<64xf32, #tpu.memory_space<hbm>>
      tpu.enqueue_dma source(%dma_start3A_607 : memref<64xf32, #tpu.memory_space<hbm>>) target(%dma_start3A_604 : memref<64xf32, #tpu.memory_space<vmem>>) target_semaphore(%arg12 : memref<!tpu.dma_semaphore, #tpu.memory_space<semaphore_mem>>)
      %slice3A_608 = vector.extract_strided_slice %get3A_72 {offsets = [11], sizes = [1], strides = [1]} : vector<16xi32> to vector<1xi32>
      %squeeze3A_609 = vector.extract %slice3A_608[0] : i32 from vector<1xi32>
      %dma_start3A_610 = arith.constant 0 : i32
      %dma_start3A_611 = tpu.memref_slice %arg9[%add3A_579, %dma_start3A_610] : memref<256x64xf32, #tpu.memory_space<vmem>> -> memref<1x64xf32, #tpu.memory_space<vmem>>
      %dma_start3A_612 = tpu.memref_squeeze %dma_start3A_611 : memref<1x64xf32, #tpu.memory_space<vmem>> -> memref<64xf32, #tpu.memory_space<vmem>>
      %dma_start3A_613 = arith.constant 0 : i32
      %dma_start3A_614 = tpu.memref_slice %arg2[%squeeze3A_609, %dma_start3A_613] : memref<1000000x64xf32, #tpu.memory_space<hbm>> -> memref<1x64xf32, #tpu.memory_space<hbm>>
      %dma_start3A_615 = tpu.memref_squeeze %dma_start3A_614 : memref<1x64xf32, #tpu.memory_space<hbm>> -> memref<64xf32, #tpu.memory_space<hbm>>
      %dma_start3A_616 = arith.constant 0 : i32
      %dma_start3A_617 = tpu.memref_slice %arg9[%add3A_579, %dma_start3A_616] : memref<256x64xf32, #tpu.memory_space<vmem>> -> memref<1x64xf32, #tpu.memory_space<vmem>>
      %dma_start3A_618 = tpu.memref_squeeze %dma_start3A_617 : memref<1x64xf32, #tpu.memory_space<vmem>> -> memref<64xf32, #tpu.memory_space<vmem>>
      %dma_start3A_619 = arith.constant 0 : i32
      %dma_start3A_620 = tpu.memref_slice %arg2[%squeeze3A_609, %dma_start3A_619] : memref<1000000x64xf32, #tpu.memory_space<hbm>> -> memref<1x64xf32, #tpu.memory_space<hbm>>
      %dma_start3A_621 = tpu.memref_squeeze %dma_start3A_620 : memref<1x64xf32, #tpu.memory_space<hbm>> -> memref<64xf32, #tpu.memory_space<hbm>>
      tpu.enqueue_dma source(%dma_start3A_621 : memref<64xf32, #tpu.memory_space<hbm>>) target(%dma_start3A_618 : memref<64xf32, #tpu.memory_space<vmem>>) target_semaphore(%arg12 : memref<!tpu.dma_semaphore, #tpu.memory_space<semaphore_mem>>)
      %add3A_622 = arith.constant 0 : i32
      %add3A_623 = arith.addi %add3A_622, %add3A_61 : i32
      %add3A_624 = arith.constant 12 : i32
      %add3A_625 = arith.addi %add3A_623, %add3A_624 : i32
      %slice3A_626 = vector.extract_strided_slice %get3A_64 {offsets = [12], sizes = [1], strides = [1]} : vector<16xi32> to vector<1xi32>
      %squeeze3A_627 = vector.extract %slice3A_626[0] : i32 from vector<1xi32>
      %dma_start3A_628 = arith.constant 0 : i32
      %dma_start3A_629 = tpu.memref_slice %arg7[%add3A_625, %dma_start3A_628] : memref<256x64xf32, #tpu.memory_space<vmem>> -> memref<1x64xf32, #tpu.memory_space<vmem>>
      %dma_start3A_630 = tpu.memref_squeeze %dma_start3A_629 : memref<1x64xf32, #tpu.memory_space<vmem>> -> memref<64xf32, #tpu.memory_space<vmem>>
      %dma_start3A_631 = arith.constant 0 : i32
      %dma_start3A_632 = tpu.memref_slice %arg2[%squeeze3A_627, %dma_start3A_631] : memref<1000000x64xf32, #tpu.memory_space<hbm>> -> memref<1x64xf32, #tpu.memory_space<hbm>>
      %dma_start3A_633 = tpu.memref_squeeze %dma_start3A_632 : memref<1x64xf32, #tpu.memory_space<hbm>> -> memref<64xf32, #tpu.memory_space<hbm>>
      %dma_start3A_634 = arith.constant 0 : i32
      %dma_start3A_635 = tpu.memref_slice %arg7[%add3A_625, %dma_start3A_634] : memref<256x64xf32, #tpu.memory_space<vmem>> -> memref<1x64xf32, #tpu.memory_space<vmem>>
      %dma_start3A_636 = tpu.memref_squeeze %dma_start3A_635 : memref<1x64xf32, #tpu.memory_space<vmem>> -> memref<64xf32, #tpu.memory_space<vmem>>
      %dma_start3A_637 = arith.constant 0 : i32
      %dma_start3A_638 = tpu.memref_slice %arg2[%squeeze3A_627, %dma_start3A_637] : memref<1000000x64xf32, #tpu.memory_space<hbm>> -> memref<1x64xf32, #tpu.memory_space<hbm>>
      %dma_start3A_639 = tpu.memref_squeeze %dma_start3A_638 : memref<1x64xf32, #tpu.memory_space<hbm>> -> memref<64xf32, #tpu.memory_space<hbm>>
      tpu.enqueue_dma source(%dma_start3A_639 : memref<64xf32, #tpu.memory_space<hbm>>) target(%dma_start3A_636 : memref<64xf32, #tpu.memory_space<vmem>>) target_semaphore(%arg12 : memref<!tpu.dma_semaphore, #tpu.memory_space<semaphore_mem>>)
      %slice3A_640 = vector.extract_strided_slice %get3A_68 {offsets = [12], sizes = [1], strides = [1]} : vector<16xi32> to vector<1xi32>
      %squeeze3A_641 = vector.extract %slice3A_640[0] : i32 from vector<1xi32>
      %dma_start3A_642 = arith.constant 0 : i32
      %dma_start3A_643 = tpu.memref_slice %arg8[%add3A_625, %dma_start3A_642] : memref<256x64xf32, #tpu.memory_space<vmem>> -> memref<1x64xf32, #tpu.memory_space<vmem>>
      %dma_start3A_644 = tpu.memref_squeeze %dma_start3A_643 : memref<1x64xf32, #tpu.memory_space<vmem>> -> memref<64xf32, #tpu.memory_space<vmem>>
      %dma_start3A_645 = arith.constant 0 : i32
      %dma_start3A_646 = tpu.memref_slice %arg3[%squeeze3A_641, %dma_start3A_645] : memref<1000000x64xf32, #tpu.memory_space<hbm>> -> memref<1x64xf32, #tpu.memory_space<hbm>>
      %dma_start3A_647 = tpu.memref_squeeze %dma_start3A_646 : memref<1x64xf32, #tpu.memory_space<hbm>> -> memref<64xf32, #tpu.memory_space<hbm>>
      %dma_start3A_648 = arith.constant 0 : i32
      %dma_start3A_649 = tpu.memref_slice %arg8[%add3A_625, %dma_start3A_648] : memref<256x64xf32, #tpu.memory_space<vmem>> -> memref<1x64xf32, #tpu.memory_space<vmem>>
      %dma_start3A_650 = tpu.memref_squeeze %dma_start3A_649 : memref<1x64xf32, #tpu.memory_space<vmem>> -> memref<64xf32, #tpu.memory_space<vmem>>
      %dma_start3A_651 = arith.constant 0 : i32
      %dma_start3A_652 = tpu.memref_slice %arg3[%squeeze3A_641, %dma_start3A_651] : memref<1000000x64xf32, #tpu.memory_space<hbm>> -> memref<1x64xf32, #tpu.memory_space<hbm>>
      %dma_start3A_653 = tpu.memref_squeeze %dma_start3A_652 : memref<1x64xf32, #tpu.memory_space<hbm>> -> memref<64xf32, #tpu.memory_space<hbm>>
      tpu.enqueue_dma source(%dma_start3A_653 : memref<64xf32, #tpu.memory_space<hbm>>) target(%dma_start3A_650 : memref<64xf32, #tpu.memory_space<vmem>>) target_semaphore(%arg12 : memref<!tpu.dma_semaphore, #tpu.memory_space<semaphore_mem>>)
      %slice3A_654 = vector.extract_strided_slice %get3A_72 {offsets = [12], sizes = [1], strides = [1]} : vector<16xi32> to vector<1xi32>
      %squeeze3A_655 = vector.extract %slice3A_654[0] : i32 from vector<1xi32>
      %dma_start3A_656 = arith.constant 0 : i32
      %dma_start3A_657 = tpu.memref_slice %arg9[%add3A_625, %dma_start3A_656] : memref<256x64xf32, #tpu.memory_space<vmem>> -> memref<1x64xf32, #tpu.memory_space<vmem>>
      %dma_start3A_658 = tpu.memref_squeeze %dma_start3A_657 : memref<1x64xf32, #tpu.memory_space<vmem>> -> memref<64xf32, #tpu.memory_space<vmem>>
      %dma_start3A_659 = arith.constant 0 : i32
      %dma_start3A_660 = tpu.memref_slice %arg2[%squeeze3A_655, %dma_start3A_659] : memref<1000000x64xf32, #tpu.memory_space<hbm>> -> memref<1x64xf32, #tpu.memory_space<hbm>>
      %dma_start3A_661 = tpu.memref_squeeze %dma_start3A_660 : memref<1x64xf32, #tpu.memory_space<hbm>> -> memref<64xf32, #tpu.memory_space<hbm>>
      %dma_start3A_662 = arith.constant 0 : i32
      %dma_start3A_663 = tpu.memref_slice %arg9[%add3A_625, %dma_start3A_662] : memref<256x64xf32, #tpu.memory_space<vmem>> -> memref<1x64xf32, #tpu.memory_space<vmem>>
      %dma_start3A_664 = tpu.memref_squeeze %dma_start3A_663 : memref<1x64xf32, #tpu.memory_space<vmem>> -> memref<64xf32, #tpu.memory_space<vmem>>
      %dma_start3A_665 = arith.constant 0 : i32
      %dma_start3A_666 = tpu.memref_slice %arg2[%squeeze3A_655, %dma_start3A_665] : memref<1000000x64xf32, #tpu.memory_space<hbm>> -> memref<1x64xf32, #tpu.memory_space<hbm>>
      %dma_start3A_667 = tpu.memref_squeeze %dma_start3A_666 : memref<1x64xf32, #tpu.memory_space<hbm>> -> memref<64xf32, #tpu.memory_space<hbm>>
      tpu.enqueue_dma source(%dma_start3A_667 : memref<64xf32, #tpu.memory_space<hbm>>) target(%dma_start3A_664 : memref<64xf32, #tpu.memory_space<vmem>>) target_semaphore(%arg12 : memref<!tpu.dma_semaphore, #tpu.memory_space<semaphore_mem>>)
      %add3A_668 = arith.constant 0 : i32
      %add3A_669 = arith.addi %add3A_668, %add3A_61 : i32
      %add3A_670 = arith.constant 13 : i32
      %add3A_671 = arith.addi %add3A_669, %add3A_670 : i32
      %slice3A_672 = vector.extract_strided_slice %get3A_64 {offsets = [13], sizes = [1], strides = [1]} : vector<16xi32> to vector<1xi32>
      %squeeze3A_673 = vector.extract %slice3A_672[0] : i32 from vector<1xi32>
      %dma_start3A_674 = arith.constant 0 : i32
      %dma_start3A_675 = tpu.memref_slice %arg7[%add3A_671, %dma_start3A_674] : memref<256x64xf32, #tpu.memory_space<vmem>> -> memref<1x64xf32, #tpu.memory_space<vmem>>
      %dma_start3A_676 = tpu.memref_squeeze %dma_start3A_675 : memref<1x64xf32, #tpu.memory_space<vmem>> -> memref<64xf32, #tpu.memory_space<vmem>>
      %dma_start3A_677 = arith.constant 0 : i32
      %dma_start3A_678 = tpu.memref_slice %arg2[%squeeze3A_673, %dma_start3A_677] : memref<1000000x64xf32, #tpu.memory_space<hbm>> -> memref<1x64xf32, #tpu.memory_space<hbm>>
      %dma_start3A_679 = tpu.memref_squeeze %dma_start3A_678 : memref<1x64xf32, #tpu.memory_space<hbm>> -> memref<64xf32, #tpu.memory_space<hbm>>
      %dma_start3A_680 = arith.constant 0 : i32
      %dma_start3A_681 = tpu.memref_slice %arg7[%add3A_671, %dma_start3A_680] : memref<256x64xf32, #tpu.memory_space<vmem>> -> memref<1x64xf32, #tpu.memory_space<vmem>>
      %dma_start3A_682 = tpu.memref_squeeze %dma_start3A_681 : memref<1x64xf32, #tpu.memory_space<vmem>> -> memref<64xf32, #tpu.memory_space<vmem>>
      %dma_start3A_683 = arith.constant 0 : i32
      %dma_start3A_684 = tpu.memref_slice %arg2[%squeeze3A_673, %dma_start3A_683] : memref<1000000x64xf32, #tpu.memory_space<hbm>> -> memref<1x64xf32, #tpu.memory_space<hbm>>
      %dma_start3A_685 = tpu.memref_squeeze %dma_start3A_684 : memref<1x64xf32, #tpu.memory_space<hbm>> -> memref<64xf32, #tpu.memory_space<hbm>>
      tpu.enqueue_dma source(%dma_start3A_685 : memref<64xf32, #tpu.memory_space<hbm>>) target(%dma_start3A_682 : memref<64xf32, #tpu.memory_space<vmem>>) target_semaphore(%arg12 : memref<!tpu.dma_semaphore, #tpu.memory_space<semaphore_mem>>)
      %slice3A_686 = vector.extract_strided_slice %get3A_68 {offsets = [13], sizes = [1], strides = [1]} : vector<16xi32> to vector<1xi32>
      %squeeze3A_687 = vector.extract %slice3A_686[0] : i32 from vector<1xi32>
      %dma_start3A_688 = arith.constant 0 : i32
      %dma_start3A_689 = tpu.memref_slice %arg8[%add3A_671, %dma_start3A_688] : memref<256x64xf32, #tpu.memory_space<vmem>> -> memref<1x64xf32, #tpu.memory_space<vmem>>
      %dma_start3A_690 = tpu.memref_squeeze %dma_start3A_689 : memref<1x64xf32, #tpu.memory_space<vmem>> -> memref<64xf32, #tpu.memory_space<vmem>>
      %dma_start3A_691 = arith.constant 0 : i32
      %dma_start3A_692 = tpu.memref_slice %arg3[%squeeze3A_687, %dma_start3A_691] : memref<1000000x64xf32, #tpu.memory_space<hbm>> -> memref<1x64xf32, #tpu.memory_space<hbm>>
      %dma_start3A_693 = tpu.memref_squeeze %dma_start3A_692 : memref<1x64xf32, #tpu.memory_space<hbm>> -> memref<64xf32, #tpu.memory_space<hbm>>
      %dma_start3A_694 = arith.constant 0 : i32
      %dma_start3A_695 = tpu.memref_slice %arg8[%add3A_671, %dma_start3A_694] : memref<256x64xf32, #tpu.memory_space<vmem>> -> memref<1x64xf32, #tpu.memory_space<vmem>>
      %dma_start3A_696 = tpu.memref_squeeze %dma_start3A_695 : memref<1x64xf32, #tpu.memory_space<vmem>> -> memref<64xf32, #tpu.memory_space<vmem>>
      %dma_start3A_697 = arith.constant 0 : i32
      %dma_start3A_698 = tpu.memref_slice %arg3[%squeeze3A_687, %dma_start3A_697] : memref<1000000x64xf32, #tpu.memory_space<hbm>> -> memref<1x64xf32, #tpu.memory_space<hbm>>
      %dma_start3A_699 = tpu.memref_squeeze %dma_start3A_698 : memref<1x64xf32, #tpu.memory_space<hbm>> -> memref<64xf32, #tpu.memory_space<hbm>>
      tpu.enqueue_dma source(%dma_start3A_699 : memref<64xf32, #tpu.memory_space<hbm>>) target(%dma_start3A_696 : memref<64xf32, #tpu.memory_space<vmem>>) target_semaphore(%arg12 : memref<!tpu.dma_semaphore, #tpu.memory_space<semaphore_mem>>)
      %slice3A_700 = vector.extract_strided_slice %get3A_72 {offsets = [13], sizes = [1], strides = [1]} : vector<16xi32> to vector<1xi32>
      %squeeze3A_701 = vector.extract %slice3A_700[0] : i32 from vector<1xi32>
      %dma_start3A_702 = arith.constant 0 : i32
      %dma_start3A_703 = tpu.memref_slice %arg9[%add3A_671, %dma_start3A_702] : memref<256x64xf32, #tpu.memory_space<vmem>> -> memref<1x64xf32, #tpu.memory_space<vmem>>
      %dma_start3A_704 = tpu.memref_squeeze %dma_start3A_703 : memref<1x64xf32, #tpu.memory_space<vmem>> -> memref<64xf32, #tpu.memory_space<vmem>>
      %dma_start3A_705 = arith.constant 0 : i32
      %dma_start3A_706 = tpu.memref_slice %arg2[%squeeze3A_701, %dma_start3A_705] : memref<1000000x64xf32, #tpu.memory_space<hbm>> -> memref<1x64xf32, #tpu.memory_space<hbm>>
      %dma_start3A_707 = tpu.memref_squeeze %dma_start3A_706 : memref<1x64xf32, #tpu.memory_space<hbm>> -> memref<64xf32, #tpu.memory_space<hbm>>
      %dma_start3A_708 = arith.constant 0 : i32
      %dma_start3A_709 = tpu.memref_slice %arg9[%add3A_671, %dma_start3A_708] : memref<256x64xf32, #tpu.memory_space<vmem>> -> memref<1x64xf32, #tpu.memory_space<vmem>>
      %dma_start3A_710 = tpu.memref_squeeze %dma_start3A_709 : memref<1x64xf32, #tpu.memory_space<vmem>> -> memref<64xf32, #tpu.memory_space<vmem>>
      %dma_start3A_711 = arith.constant 0 : i32
      %dma_start3A_712 = tpu.memref_slice %arg2[%squeeze3A_701, %dma_start3A_711] : memref<1000000x64xf32, #tpu.memory_space<hbm>> -> memref<1x64xf32, #tpu.memory_space<hbm>>
      %dma_start3A_713 = tpu.memref_squeeze %dma_start3A_712 : memref<1x64xf32, #tpu.memory_space<hbm>> -> memref<64xf32, #tpu.memory_space<hbm>>
      tpu.enqueue_dma source(%dma_start3A_713 : memref<64xf32, #tpu.memory_space<hbm>>) target(%dma_start3A_710 : memref<64xf32, #tpu.memory_space<vmem>>) target_semaphore(%arg12 : memref<!tpu.dma_semaphore, #tpu.memory_space<semaphore_mem>>)
      %add3A_714 = arith.constant 0 : i32
      %add3A_715 = arith.addi %add3A_714, %add3A_61 : i32
      %add3A_716 = arith.constant 14 : i32
      %add3A_717 = arith.addi %add3A_715, %add3A_716 : i32
      %slice3A_718 = vector.extract_strided_slice %get3A_64 {offsets = [14], sizes = [1], strides = [1]} : vector<16xi32> to vector<1xi32>
      %squeeze3A_719 = vector.extract %slice3A_718[0] : i32 from vector<1xi32>
      %dma_start3A_720 = arith.constant 0 : i32
      %dma_start3A_721 = tpu.memref_slice %arg7[%add3A_717, %dma_start3A_720] : memref<256x64xf32, #tpu.memory_space<vmem>> -> memref<1x64xf32, #tpu.memory_space<vmem>>
      %dma_start3A_722 = tpu.memref_squeeze %dma_start3A_721 : memref<1x64xf32, #tpu.memory_space<vmem>> -> memref<64xf32, #tpu.memory_space<vmem>>
      %dma_start3A_723 = arith.constant 0 : i32
      %dma_start3A_724 = tpu.memref_slice %arg2[%squeeze3A_719, %dma_start3A_723] : memref<1000000x64xf32, #tpu.memory_space<hbm>> -> memref<1x64xf32, #tpu.memory_space<hbm>>
      %dma_start3A_725 = tpu.memref_squeeze %dma_start3A_724 : memref<1x64xf32, #tpu.memory_space<hbm>> -> memref<64xf32, #tpu.memory_space<hbm>>
      %dma_start3A_726 = arith.constant 0 : i32
      %dma_start3A_727 = tpu.memref_slice %arg7[%add3A_717, %dma_start3A_726] : memref<256x64xf32, #tpu.memory_space<vmem>> -> memref<1x64xf32, #tpu.memory_space<vmem>>
      %dma_start3A_728 = tpu.memref_squeeze %dma_start3A_727 : memref<1x64xf32, #tpu.memory_space<vmem>> -> memref<64xf32, #tpu.memory_space<vmem>>
      %dma_start3A_729 = arith.constant 0 : i32
      %dma_start3A_730 = tpu.memref_slice %arg2[%squeeze3A_719, %dma_start3A_729] : memref<1000000x64xf32, #tpu.memory_space<hbm>> -> memref<1x64xf32, #tpu.memory_space<hbm>>
      %dma_start3A_731 = tpu.memref_squeeze %dma_start3A_730 : memref<1x64xf32, #tpu.memory_space<hbm>> -> memref<64xf32, #tpu.memory_space<hbm>>
      tpu.enqueue_dma source(%dma_start3A_731 : memref<64xf32, #tpu.memory_space<hbm>>) target(%dma_start3A_728 : memref<64xf32, #tpu.memory_space<vmem>>) target_semaphore(%arg12 : memref<!tpu.dma_semaphore, #tpu.memory_space<semaphore_mem>>)
      %slice3A_732 = vector.extract_strided_slice %get3A_68 {offsets = [14], sizes = [1], strides = [1]} : vector<16xi32> to vector<1xi32>
      %squeeze3A_733 = vector.extract %slice3A_732[0] : i32 from vector<1xi32>
      %dma_start3A_734 = arith.constant 0 : i32
      %dma_start3A_735 = tpu.memref_slice %arg8[%add3A_717, %dma_start3A_734] : memref<256x64xf32, #tpu.memory_space<vmem>> -> memref<1x64xf32, #tpu.memory_space<vmem>>
      %dma_start3A_736 = tpu.memref_squeeze %dma_start3A_735 : memref<1x64xf32, #tpu.memory_space<vmem>> -> memref<64xf32, #tpu.memory_space<vmem>>
      %dma_start3A_737 = arith.constant 0 : i32
      %dma_start3A_738 = tpu.memref_slice %arg3[%squeeze3A_733, %dma_start3A_737] : memref<1000000x64xf32, #tpu.memory_space<hbm>> -> memref<1x64xf32, #tpu.memory_space<hbm>>
      %dma_start3A_739 = tpu.memref_squeeze %dma_start3A_738 : memref<1x64xf32, #tpu.memory_space<hbm>> -> memref<64xf32, #tpu.memory_space<hbm>>
      %dma_start3A_740 = arith.constant 0 : i32
      %dma_start3A_741 = tpu.memref_slice %arg8[%add3A_717, %dma_start3A_740] : memref<256x64xf32, #tpu.memory_space<vmem>> -> memref<1x64xf32, #tpu.memory_space<vmem>>
      %dma_start3A_742 = tpu.memref_squeeze %dma_start3A_741 : memref<1x64xf32, #tpu.memory_space<vmem>> -> memref<64xf32, #tpu.memory_space<vmem>>
      %dma_start3A_743 = arith.constant 0 : i32
      %dma_start3A_744 = tpu.memref_slice %arg3[%squeeze3A_733, %dma_start3A_743] : memref<1000000x64xf32, #tpu.memory_space<hbm>> -> memref<1x64xf32, #tpu.memory_space<hbm>>
      %dma_start3A_745 = tpu.memref_squeeze %dma_start3A_744 : memref<1x64xf32, #tpu.memory_space<hbm>> -> memref<64xf32, #tpu.memory_space<hbm>>
      tpu.enqueue_dma source(%dma_start3A_745 : memref<64xf32, #tpu.memory_space<hbm>>) target(%dma_start3A_742 : memref<64xf32, #tpu.memory_space<vmem>>) target_semaphore(%arg12 : memref<!tpu.dma_semaphore, #tpu.memory_space<semaphore_mem>>)
      %slice3A_746 = vector.extract_strided_slice %get3A_72 {offsets = [14], sizes = [1], strides = [1]} : vector<16xi32> to vector<1xi32>
      %squeeze3A_747 = vector.extract %slice3A_746[0] : i32 from vector<1xi32>
      %dma_start3A_748 = arith.constant 0 : i32
      %dma_start3A_749 = tpu.memref_slice %arg9[%add3A_717, %dma_start3A_748] : memref<256x64xf32, #tpu.memory_space<vmem>> -> memref<1x64xf32, #tpu.memory_space<vmem>>
      %dma_start3A_750 = tpu.memref_squeeze %dma_start3A_749 : memref<1x64xf32, #tpu.memory_space<vmem>> -> memref<64xf32, #tpu.memory_space<vmem>>
      %dma_start3A_751 = arith.constant 0 : i32
      %dma_start3A_752 = tpu.memref_slice %arg2[%squeeze3A_747, %dma_start3A_751] : memref<1000000x64xf32, #tpu.memory_space<hbm>> -> memref<1x64xf32, #tpu.memory_space<hbm>>
      %dma_start3A_753 = tpu.memref_squeeze %dma_start3A_752 : memref<1x64xf32, #tpu.memory_space<hbm>> -> memref<64xf32, #tpu.memory_space<hbm>>
      %dma_start3A_754 = arith.constant 0 : i32
      %dma_start3A_755 = tpu.memref_slice %arg9[%add3A_717, %dma_start3A_754] : memref<256x64xf32, #tpu.memory_space<vmem>> -> memref<1x64xf32, #tpu.memory_space<vmem>>
      %dma_start3A_756 = tpu.memref_squeeze %dma_start3A_755 : memref<1x64xf32, #tpu.memory_space<vmem>> -> memref<64xf32, #tpu.memory_space<vmem>>
      %dma_start3A_757 = arith.constant 0 : i32
      %dma_start3A_758 = tpu.memref_slice %arg2[%squeeze3A_747, %dma_start3A_757] : memref<1000000x64xf32, #tpu.memory_space<hbm>> -> memref<1x64xf32, #tpu.memory_space<hbm>>
      %dma_start3A_759 = tpu.memref_squeeze %dma_start3A_758 : memref<1x64xf32, #tpu.memory_space<hbm>> -> memref<64xf32, #tpu.memory_space<hbm>>
      tpu.enqueue_dma source(%dma_start3A_759 : memref<64xf32, #tpu.memory_space<hbm>>) target(%dma_start3A_756 : memref<64xf32, #tpu.memory_space<vmem>>) target_semaphore(%arg12 : memref<!tpu.dma_semaphore, #tpu.memory_space<semaphore_mem>>)
      %add3A_760 = arith.constant 0 : i32
      %add3A_761 = arith.addi %add3A_760, %add3A_61 : i32
      %add3A_762 = arith.constant 15 : i32
      %add3A_763 = arith.addi %add3A_761, %add3A_762 : i32
      %slice3A_764 = vector.extract_strided_slice %get3A_64 {offsets = [15], sizes = [1], strides = [1]} : vector<16xi32> to vector<1xi32>
      %squeeze3A_765 = vector.extract %slice3A_764[0] : i32 from vector<1xi32>
      %dma_start3A_766 = arith.constant 0 : i32
      %dma_start3A_767 = tpu.memref_slice %arg7[%add3A_763, %dma_start3A_766] : memref<256x64xf32, #tpu.memory_space<vmem>> -> memref<1x64xf32, #tpu.memory_space<vmem>>
      %dma_start3A_768 = tpu.memref_squeeze %dma_start3A_767 : memref<1x64xf32, #tpu.memory_space<vmem>> -> memref<64xf32, #tpu.memory_space<vmem>>
      %dma_start3A_769 = arith.constant 0 : i32
      %dma_start3A_770 = tpu.memref_slice %arg2[%squeeze3A_765, %dma_start3A_769] : memref<1000000x64xf32, #tpu.memory_space<hbm>> -> memref<1x64xf32, #tpu.memory_space<hbm>>
      %dma_start3A_771 = tpu.memref_squeeze %dma_start3A_770 : memref<1x64xf32, #tpu.memory_space<hbm>> -> memref<64xf32, #tpu.memory_space<hbm>>
      %dma_start3A_772 = arith.constant 0 : i32
      %dma_start3A_773 = tpu.memref_slice %arg7[%add3A_763, %dma_start3A_772] : memref<256x64xf32, #tpu.memory_space<vmem>> -> memref<1x64xf32, #tpu.memory_space<vmem>>
      %dma_start3A_774 = tpu.memref_squeeze %dma_start3A_773 : memref<1x64xf32, #tpu.memory_space<vmem>> -> memref<64xf32, #tpu.memory_space<vmem>>
      %dma_start3A_775 = arith.constant 0 : i32
      %dma_start3A_776 = tpu.memref_slice %arg2[%squeeze3A_765, %dma_start3A_775] : memref<1000000x64xf32, #tpu.memory_space<hbm>> -> memref<1x64xf32, #tpu.memory_space<hbm>>
      %dma_start3A_777 = tpu.memref_squeeze %dma_start3A_776 : memref<1x64xf32, #tpu.memory_space<hbm>> -> memref<64xf32, #tpu.memory_space<hbm>>
      tpu.enqueue_dma source(%dma_start3A_777 : memref<64xf32, #tpu.memory_space<hbm>>) target(%dma_start3A_774 : memref<64xf32, #tpu.memory_space<vmem>>) target_semaphore(%arg12 : memref<!tpu.dma_semaphore, #tpu.memory_space<semaphore_mem>>)
      %slice3A_778 = vector.extract_strided_slice %get3A_68 {offsets = [15], sizes = [1], strides = [1]} : vector<16xi32> to vector<1xi32>
      %squeeze3A_779 = vector.extract %slice3A_778[0] : i32 from vector<1xi32>
      %dma_start3A_780 = arith.constant 0 : i32
      %dma_start3A_781 = tpu.memref_slice %arg8[%add3A_763, %dma_start3A_780] : memref<256x64xf32, #tpu.memory_space<vmem>> -> memref<1x64xf32, #tpu.memory_space<vmem>>
      %dma_start3A_782 = tpu.memref_squeeze %dma_start3A_781 : memref<1x64xf32, #tpu.memory_space<vmem>> -> memref<64xf32, #tpu.memory_space<vmem>>
      %dma_start3A_783 = arith.constant 0 : i32
      %dma_start3A_784 = tpu.memref_slice %arg3[%squeeze3A_779, %dma_start3A_783] : memref<1000000x64xf32, #tpu.memory_space<hbm>> -> memref<1x64xf32, #tpu.memory_space<hbm>>
      %dma_start3A_785 = tpu.memref_squeeze %dma_start3A_784 : memref<1x64xf32, #tpu.memory_space<hbm>> -> memref<64xf32, #tpu.memory_space<hbm>>
      %dma_start3A_786 = arith.constant 0 : i32
      %dma_start3A_787 = tpu.memref_slice %arg8[%add3A_763, %dma_start3A_786] : memref<256x64xf32, #tpu.memory_space<vmem>> -> memref<1x64xf32, #tpu.memory_space<vmem>>
      %dma_start3A_788 = tpu.memref_squeeze %dma_start3A_787 : memref<1x64xf32, #tpu.memory_space<vmem>> -> memref<64xf32, #tpu.memory_space<vmem>>
      %dma_start3A_789 = arith.constant 0 : i32
      %dma_start3A_790 = tpu.memref_slice %arg3[%squeeze3A_779, %dma_start3A_789] : memref<1000000x64xf32, #tpu.memory_space<hbm>> -> memref<1x64xf32, #tpu.memory_space<hbm>>
      %dma_start3A_791 = tpu.memref_squeeze %dma_start3A_790 : memref<1x64xf32, #tpu.memory_space<hbm>> -> memref<64xf32, #tpu.memory_space<hbm>>
      tpu.enqueue_dma source(%dma_start3A_791 : memref<64xf32, #tpu.memory_space<hbm>>) target(%dma_start3A_788 : memref<64xf32, #tpu.memory_space<vmem>>) target_semaphore(%arg12 : memref<!tpu.dma_semaphore, #tpu.memory_space<semaphore_mem>>)
      %slice3A_792 = vector.extract_strided_slice %get3A_72 {offsets = [15], sizes = [1], strides = [1]} : vector<16xi32> to vector<1xi32>
      %squeeze3A_793 = vector.extract %slice3A_792[0] : i32 from vector<1xi32>
      %dma_start3A_794 = arith.constant 0 : i32
      %dma_start3A_795 = tpu.memref_slice %arg9[%add3A_763, %dma_start3A_794] : memref<256x64xf32, #tpu.memory_space<vmem>> -> memref<1x64xf32, #tpu.memory_space<vmem>>
      %dma_start3A_796 = tpu.memref_squeeze %dma_start3A_795 : memref<1x64xf32, #tpu.memory_space<vmem>> -> memref<64xf32, #tpu.memory_space<vmem>>
      %dma_start3A_797 = arith.constant 0 : i32
      %dma_start3A_798 = tpu.memref_slice %arg2[%squeeze3A_793, %dma_start3A_797] : memref<1000000x64xf32, #tpu.memory_space<hbm>> -> memref<1x64xf32, #tpu.memory_space<hbm>>
      %dma_start3A_799 = tpu.memref_squeeze %dma_start3A_798 : memref<1x64xf32, #tpu.memory_space<hbm>> -> memref<64xf32, #tpu.memory_space<hbm>>
      %dma_start3A_800 = arith.constant 0 : i32
      %dma_start3A_801 = tpu.memref_slice %arg9[%add3A_763, %dma_start3A_800] : memref<256x64xf32, #tpu.memory_space<vmem>> -> memref<1x64xf32, #tpu.memory_space<vmem>>
      %dma_start3A_802 = tpu.memref_squeeze %dma_start3A_801 : memref<1x64xf32, #tpu.memory_space<vmem>> -> memref<64xf32, #tpu.memory_space<vmem>>
      %dma_start3A_803 = arith.constant 0 : i32
      %dma_start3A_804 = tpu.memref_slice %arg2[%squeeze3A_793, %dma_start3A_803] : memref<1000000x64xf32, #tpu.memory_space<hbm>> -> memref<1x64xf32, #tpu.memory_space<hbm>>
      %dma_start3A_805 = tpu.memref_squeeze %dma_start3A_804 : memref<1x64xf32, #tpu.memory_space<hbm>> -> memref<64xf32, #tpu.memory_space<hbm>>
      tpu.enqueue_dma source(%dma_start3A_805 : memref<64xf32, #tpu.memory_space<hbm>>) target(%dma_start3A_802 : memref<64xf32, #tpu.memory_space<vmem>>) target_semaphore(%arg12 : memref<!tpu.dma_semaphore, #tpu.memory_space<semaphore_mem>>)
      %get3A_806 = arith.constant 1 : i32
      %get3A_807 = arith.index_cast %get3A_806 : i32 to index
      %get3A_808 = arith.index_cast %add3A_61 : i32 to index
      %get3A_809 = tpu.vector_load %arg6[%get3A_807, %get3A_808] {strides = array<i32>} : memref<16x128xi32, #tpu.memory_space<vmem>>, vector<16xi32>,
      %get3A_810 = arith.constant 5 : i32
      %get3A_811 = arith.index_cast %get3A_810 : i32 to index
      %get3A_812 = arith.index_cast %add3A_61 : i32 to index
      %get3A_813 = tpu.vector_load %arg6[%get3A_811, %get3A_812] {strides = array<i32>} : memref<16x128xi32, #tpu.memory_space<vmem>>, vector<16xi32>,
      %get3A_814 = arith.constant 9 : i32
      %get3A_815 = arith.index_cast %get3A_814 : i32 to index
      %get3A_816 = arith.index_cast %add3A_61 : i32 to index
      %get3A_817 = tpu.vector_load %arg6[%get3A_815, %get3A_816] {strides = array<i32>} : memref<16x128xi32, #tpu.memory_space<vmem>>, vector<16xi32>,
      %add3A_818 = arith.constant 128 : i32
      %add3A_819 = arith.addi %add3A_818, %add3A_61 : i32
      %add3A_820 = arith.constant 0 : i32
      %add3A_821 = arith.addi %add3A_819, %add3A_820 : i32
      %slice3A_822 = vector.extract_strided_slice %get3A_809 {offsets = [0], sizes = [1], strides = [1]} : vector<16xi32> to vector<1xi32>
      %squeeze3A_823 = vector.extract %slice3A_822[0] : i32 from vector<1xi32>
      %dma_start3A_824 = arith.constant 0 : i32
      %dma_start3A_825 = tpu.memref_slice %arg7[%add3A_821, %dma_start3A_824] : memref<256x64xf32, #tpu.memory_space<vmem>> -> memref<1x64xf32, #tpu.memory_space<vmem>>
      %dma_start3A_826 = tpu.memref_squeeze %dma_start3A_825 : memref<1x64xf32, #tpu.memory_space<vmem>> -> memref<64xf32, #tpu.memory_space<vmem>>
      %dma_start3A_827 = arith.constant 0 : i32
      %dma_start3A_828 = tpu.memref_slice %arg2[%squeeze3A_823, %dma_start3A_827] : memref<1000000x64xf32, #tpu.memory_space<hbm>> -> memref<1x64xf32, #tpu.memory_space<hbm>>
      %dma_start3A_829 = tpu.memref_squeeze %dma_start3A_828 : memref<1x64xf32, #tpu.memory_space<hbm>> -> memref<64xf32, #tpu.memory_space<hbm>>
      %dma_start3A_830 = arith.constant 0 : i32
      %dma_start3A_831 = tpu.memref_slice %arg7[%add3A_821, %dma_start3A_830] : memref<256x64xf32, #tpu.memory_space<vmem>> -> memref<1x64xf32, #tpu.memory_space<vmem>>
      %dma_start3A_832 = tpu.memref_squeeze %dma_start3A_831 : memref<1x64xf32, #tpu.memory_space<vmem>> -> memref<64xf32, #tpu.memory_space<vmem>>
      %dma_start3A_833 = arith.constant 0 : i32
      %dma_start3A_834 = tpu.memref_slice %arg2[%squeeze3A_823, %dma_start3A_833] : memref<1000000x64xf32, #tpu.memory_space<hbm>> -> memref<1x64xf32, #tpu.memory_space<hbm>>
      %dma_start3A_835 = tpu.memref_squeeze %dma_start3A_834 : memref<1x64xf32, #tpu.memory_space<hbm>> -> memref<64xf32, #tpu.memory_space<hbm>>
      tpu.enqueue_dma source(%dma_start3A_835 : memref<64xf32, #tpu.memory_space<hbm>>) target(%dma_start3A_832 : memref<64xf32, #tpu.memory_space<vmem>>) target_semaphore(%arg12 : memref<!tpu.dma_semaphore, #tpu.memory_space<semaphore_mem>>)
      %slice3A_836 = vector.extract_strided_slice %get3A_813 {offsets = [0], sizes = [1], strides = [1]} : vector<16xi32> to vector<1xi32>
      %squeeze3A_837 = vector.extract %slice3A_836[0] : i32 from vector<1xi32>
      %dma_start3A_838 = arith.constant 0 : i32
      %dma_start3A_839 = tpu.memref_slice %arg8[%add3A_821, %dma_start3A_838] : memref<256x64xf32, #tpu.memory_space<vmem>> -> memref<1x64xf32, #tpu.memory_space<vmem>>
      %dma_start3A_840 = tpu.memref_squeeze %dma_start3A_839 : memref<1x64xf32, #tpu.memory_space<vmem>> -> memref<64xf32, #tpu.memory_space<vmem>>
      %dma_start3A_841 = arith.constant 0 : i32
      %dma_start3A_842 = tpu.memref_slice %arg3[%squeeze3A_837, %dma_start3A_841] : memref<1000000x64xf32, #tpu.memory_space<hbm>> -> memref<1x64xf32, #tpu.memory_space<hbm>>
      %dma_start3A_843 = tpu.memref_squeeze %dma_start3A_842 : memref<1x64xf32, #tpu.memory_space<hbm>> -> memref<64xf32, #tpu.memory_space<hbm>>
      %dma_start3A_844 = arith.constant 0 : i32
      %dma_start3A_845 = tpu.memref_slice %arg8[%add3A_821, %dma_start3A_844] : memref<256x64xf32, #tpu.memory_space<vmem>> -> memref<1x64xf32, #tpu.memory_space<vmem>>
      %dma_start3A_846 = tpu.memref_squeeze %dma_start3A_845 : memref<1x64xf32, #tpu.memory_space<vmem>> -> memref<64xf32, #tpu.memory_space<vmem>>
      %dma_start3A_847 = arith.constant 0 : i32
      %dma_start3A_848 = tpu.memref_slice %arg3[%squeeze3A_837, %dma_start3A_847] : memref<1000000x64xf32, #tpu.memory_space<hbm>> -> memref<1x64xf32, #tpu.memory_space<hbm>>
      %dma_start3A_849 = tpu.memref_squeeze %dma_start3A_848 : memref<1x64xf32, #tpu.memory_space<hbm>> -> memref<64xf32, #tpu.memory_space<hbm>>
      tpu.enqueue_dma source(%dma_start3A_849 : memref<64xf32, #tpu.memory_space<hbm>>) target(%dma_start3A_846 : memref<64xf32, #tpu.memory_space<vmem>>) target_semaphore(%arg12 : memref<!tpu.dma_semaphore, #tpu.memory_space<semaphore_mem>>)
      %slice3A_850 = vector.extract_strided_slice %get3A_817 {offsets = [0], sizes = [1], strides = [1]} : vector<16xi32> to vector<1xi32>
      %squeeze3A_851 = vector.extract %slice3A_850[0] : i32 from vector<1xi32>
      %dma_start3A_852 = arith.constant 0 : i32
      %dma_start3A_853 = tpu.memref_slice %arg9[%add3A_821, %dma_start3A_852] : memref<256x64xf32, #tpu.memory_space<vmem>> -> memref<1x64xf32, #tpu.memory_space<vmem>>
      %dma_start3A_854 = tpu.memref_squeeze %dma_start3A_853 : memref<1x64xf32, #tpu.memory_space<vmem>> -> memref<64xf32, #tpu.memory_space<vmem>>
      %dma_start3A_855 = arith.constant 0 : i32
      %dma_start3A_856 = tpu.memref_slice %arg2[%squeeze3A_851, %dma_start3A_855] : memref<1000000x64xf32, #tpu.memory_space<hbm>> -> memref<1x64xf32, #tpu.memory_space<hbm>>
      %dma_start3A_857 = tpu.memref_squeeze %dma_start3A_856 : memref<1x64xf32, #tpu.memory_space<hbm>> -> memref<64xf32, #tpu.memory_space<hbm>>
      %dma_start3A_858 = arith.constant 0 : i32
      %dma_start3A_859 = tpu.memref_slice %arg9[%add3A_821, %dma_start3A_858] : memref<256x64xf32, #tpu.memory_space<vmem>> -> memref<1x64xf32, #tpu.memory_space<vmem>>
      %dma_start3A_860 = tpu.memref_squeeze %dma_start3A_859 : memref<1x64xf32, #tpu.memory_space<vmem>> -> memref<64xf32, #tpu.memory_space<vmem>>
      %dma_start3A_861 = arith.constant 0 : i32
      %dma_start3A_862 = tpu.memref_slice %arg2[%squeeze3A_851, %dma_start3A_861] : memref<1000000x64xf32, #tpu.memory_space<hbm>> -> memref<1x64xf32, #tpu.memory_space<hbm>>
      %dma_start3A_863 = tpu.memref_squeeze %dma_start3A_862 : memref<1x64xf32, #tpu.memory_space<hbm>> -> memref<64xf32, #tpu.memory_space<hbm>>
      tpu.enqueue_dma source(%dma_start3A_863 : memref<64xf32, #tpu.memory_space<hbm>>) target(%dma_start3A_860 : memref<64xf32, #tpu.memory_space<vmem>>) target_semaphore(%arg12 : memref<!tpu.dma_semaphore, #tpu.memory_space<semaphore_mem>>)
      %add3A_864 = arith.constant 128 : i32
      %add3A_865 = arith.addi %add3A_864, %add3A_61 : i32
      %add3A_866 = arith.constant 1 : i32
      %add3A_867 = arith.addi %add3A_865, %add3A_866 : i32
      %slice3A_868 = vector.extract_strided_slice %get3A_809 {offsets = [1], sizes = [1], strides = [1]} : vector<16xi32> to vector<1xi32>
      %squeeze3A_869 = vector.extract %slice3A_868[0] : i32 from vector<1xi32>
      %dma_start3A_870 = arith.constant 0 : i32
      %dma_start3A_871 = tpu.memref_slice %arg7[%add3A_867, %dma_start3A_870] : memref<256x64xf32, #tpu.memory_space<vmem>> -> memref<1x64xf32, #tpu.memory_space<vmem>>
      %dma_start3A_872 = tpu.memref_squeeze %dma_start3A_871 : memref<1x64xf32, #tpu.memory_space<vmem>> -> memref<64xf32, #tpu.memory_space<vmem>>
      %dma_start3A_873 = arith.constant 0 : i32
      %dma_start3A_874 = tpu.memref_slice %arg2[%squeeze3A_869, %dma_start3A_873] : memref<1000000x64xf32, #tpu.memory_space<hbm>> -> memref<1x64xf32, #tpu.memory_space<hbm>>
      %dma_start3A_875 = tpu.memref_squeeze %dma_start3A_874 : memref<1x64xf32, #tpu.memory_space<hbm>> -> memref<64xf32, #tpu.memory_space<hbm>>
      %dma_start3A_876 = arith.constant 0 : i32
      %dma_start3A_877 = tpu.memref_slice %arg7[%add3A_867, %dma_start3A_876] : memref<256x64xf32, #tpu.memory_space<vmem>> -> memref<1x64xf32, #tpu.memory_space<vmem>>
      %dma_start3A_878 = tpu.memref_squeeze %dma_start3A_877 : memref<1x64xf32, #tpu.memory_space<vmem>> -> memref<64xf32, #tpu.memory_space<vmem>>
      %dma_start3A_879 = arith.constant 0 : i32
      %dma_start3A_880 = tpu.memref_slice %arg2[%squeeze3A_869, %dma_start3A_879] : memref<1000000x64xf32, #tpu.memory_space<hbm>> -> memref<1x64xf32, #tpu.memory_space<hbm>>
      %dma_start3A_881 = tpu.memref_squeeze %dma_start3A_880 : memref<1x64xf32, #tpu.memory_space<hbm>> -> memref<64xf32, #tpu.memory_space<hbm>>
      tpu.enqueue_dma source(%dma_start3A_881 : memref<64xf32, #tpu.memory_space<hbm>>) target(%dma_start3A_878 : memref<64xf32, #tpu.memory_space<vmem>>) target_semaphore(%arg12 : memref<!tpu.dma_semaphore, #tpu.memory_space<semaphore_mem>>)
      %slice3A_882 = vector.extract_strided_slice %get3A_813 {offsets = [1], sizes = [1], strides = [1]} : vector<16xi32> to vector<1xi32>
      %squeeze3A_883 = vector.extract %slice3A_882[0] : i32 from vector<1xi32>
      %dma_start3A_884 = arith.constant 0 : i32
      %dma_start3A_885 = tpu.memref_slice %arg8[%add3A_867, %dma_start3A_884] : memref<256x64xf32, #tpu.memory_space<vmem>> -> memref<1x64xf32, #tpu.memory_space<vmem>>
      %dma_start3A_886 = tpu.memref_squeeze %dma_start3A_885 : memref<1x64xf32, #tpu.memory_space<vmem>> -> memref<64xf32, #tpu.memory_space<vmem>>
      %dma_start3A_887 = arith.constant 0 : i32
      %dma_start3A_888 = tpu.memref_slice %arg3[%squeeze3A_883, %dma_start3A_887] : memref<1000000x64xf32, #tpu.memory_space<hbm>> -> memref<1x64xf32, #tpu.memory_space<hbm>>
      %dma_start3A_889 = tpu.memref_squeeze %dma_start3A_888 : memref<1x64xf32, #tpu.memory_space<hbm>> -> memref<64xf32, #tpu.memory_space<hbm>>
      %dma_start3A_890 = arith.constant 0 : i32
      %dma_start3A_891 = tpu.memref_slice %arg8[%add3A_867, %dma_start3A_890] : memref<256x64xf32, #tpu.memory_space<vmem>> -> memref<1x64xf32, #tpu.memory_space<vmem>>
      %dma_start3A_892 = tpu.memref_squeeze %dma_start3A_891 : memref<1x64xf32, #tpu.memory_space<vmem>> -> memref<64xf32, #tpu.memory_space<vmem>>
      %dma_start3A_893 = arith.constant 0 : i32
      %dma_start3A_894 = tpu.memref_slice %arg3[%squeeze3A_883, %dma_start3A_893] : memref<1000000x64xf32, #tpu.memory_space<hbm>> -> memref<1x64xf32, #tpu.memory_space<hbm>>
      %dma_start3A_895 = tpu.memref_squeeze %dma_start3A_894 : memref<1x64xf32, #tpu.memory_space<hbm>> -> memref<64xf32, #tpu.memory_space<hbm>>
      tpu.enqueue_dma source(%dma_start3A_895 : memref<64xf32, #tpu.memory_space<hbm>>) target(%dma_start3A_892 : memref<64xf32, #tpu.memory_space<vmem>>) target_semaphore(%arg12 : memref<!tpu.dma_semaphore, #tpu.memory_space<semaphore_mem>>)
      %slice3A_896 = vector.extract_strided_slice %get3A_817 {offsets = [1], sizes = [1], strides = [1]} : vector<16xi32> to vector<1xi32>
      %squeeze3A_897 = vector.extract %slice3A_896[0] : i32 from vector<1xi32>
      %dma_start3A_898 = arith.constant 0 : i32
      %dma_start3A_899 = tpu.memref_slice %arg9[%add3A_867, %dma_start3A_898] : memref<256x64xf32, #tpu.memory_space<vmem>> -> memref<1x64xf32, #tpu.memory_space<vmem>>
      %dma_start3A_900 = tpu.memref_squeeze %dma_start3A_899 : memref<1x64xf32, #tpu.memory_space<vmem>> -> memref<64xf32, #tpu.memory_space<vmem>>
      %dma_start3A_901 = arith.constant 0 : i32
      %dma_start3A_902 = tpu.memref_slice %arg2[%squeeze3A_897, %dma_start3A_901] : memref<1000000x64xf32, #tpu.memory_space<hbm>> -> memref<1x64xf32, #tpu.memory_space<hbm>>
      %dma_start3A_903 = tpu.memref_squeeze %dma_start3A_902 : memref<1x64xf32, #tpu.memory_space<hbm>> -> memref<64xf32, #tpu.memory_space<hbm>>
      %dma_start3A_904 = arith.constant 0 : i32
      %dma_start3A_905 = tpu.memref_slice %arg9[%add3A_867, %dma_start3A_904] : memref<256x64xf32, #tpu.memory_space<vmem>> -> memref<1x64xf32, #tpu.memory_space<vmem>>
      %dma_start3A_906 = tpu.memref_squeeze %dma_start3A_905 : memref<1x64xf32, #tpu.memory_space<vmem>> -> memref<64xf32, #tpu.memory_space<vmem>>
      %dma_start3A_907 = arith.constant 0 : i32
      %dma_start3A_908 = tpu.memref_slice %arg2[%squeeze3A_897, %dma_start3A_907] : memref<1000000x64xf32, #tpu.memory_space<hbm>> -> memref<1x64xf32, #tpu.memory_space<hbm>>
      %dma_start3A_909 = tpu.memref_squeeze %dma_start3A_908 : memref<1x64xf32, #tpu.memory_space<hbm>> -> memref<64xf32, #tpu.memory_space<hbm>>
      tpu.enqueue_dma source(%dma_start3A_909 : memref<64xf32, #tpu.memory_space<hbm>>) target(%dma_start3A_906 : memref<64xf32, #tpu.memory_space<vmem>>) target_semaphore(%arg12 : memref<!tpu.dma_semaphore, #tpu.memory_space<semaphore_mem>>)
      %add3A_910 = arith.constant 128 : i32
      %add3A_911 = arith.addi %add3A_910, %add3A_61 : i32
      %add3A_912 = arith.constant 2 : i32
      %add3A_913 = arith.addi %add3A_911, %add3A_912 : i32
      %slice3A_914 = vector.extract_strided_slice %get3A_809 {offsets = [2], sizes = [1], strides = [1]} : vector<16xi32> to vector<1xi32>
      %squeeze3A_915 = vector.extract %slice3A_914[0] : i32 from vector<1xi32>
      %dma_start3A_916 = arith.constant 0 : i32
      %dma_start3A_917 = tpu.memref_slice %arg7[%add3A_913, %dma_start3A_916] : memref<256x64xf32, #tpu.memory_space<vmem>> -> memref<1x64xf32, #tpu.memory_space<vmem>>
      %dma_start3A_918 = tpu.memref_squeeze %dma_start3A_917 : memref<1x64xf32, #tpu.memory_space<vmem>> -> memref<64xf32, #tpu.memory_space<vmem>>
      %dma_start3A_919 = arith.constant 0 : i32
      %dma_start3A_920 = tpu.memref_slice %arg2[%squeeze3A_915, %dma_start3A_919] : memref<1000000x64xf32, #tpu.memory_space<hbm>> -> memref<1x64xf32, #tpu.memory_space<hbm>>
      %dma_start3A_921 = tpu.memref_squeeze %dma_start3A_920 : memref<1x64xf32, #tpu.memory_space<hbm>> -> memref<64xf32, #tpu.memory_space<hbm>>
      %dma_start3A_922 = arith.constant 0 : i32
      %dma_start3A_923 = tpu.memref_slice %arg7[%add3A_913, %dma_start3A_922] : memref<256x64xf32, #tpu.memory_space<vmem>> -> memref<1x64xf32, #tpu.memory_space<vmem>>
      %dma_start3A_924 = tpu.memref_squeeze %dma_start3A_923 : memref<1x64xf32, #tpu.memory_space<vmem>> -> memref<64xf32, #tpu.memory_space<vmem>>
      %dma_start3A_925 = arith.constant 0 : i32
      %dma_start3A_926 = tpu.memref_slice %arg2[%squeeze3A_915, %dma_start3A_925] : memref<1000000x64xf32, #tpu.memory_space<hbm>> -> memref<1x64xf32, #tpu.memory_space<hbm>>
      %dma_start3A_927 = tpu.memref_squeeze %dma_start3A_926 : memref<1x64xf32, #tpu.memory_space<hbm>> -> memref<64xf32, #tpu.memory_space<hbm>>
      tpu.enqueue_dma source(%dma_start3A_927 : memref<64xf32, #tpu.memory_space<hbm>>) target(%dma_start3A_924 : memref<64xf32, #tpu.memory_space<vmem>>) target_semaphore(%arg12 : memref<!tpu.dma_semaphore, #tpu.memory_space<semaphore_mem>>)
      %slice3A_928 = vector.extract_strided_slice %get3A_813 {offsets = [2], sizes = [1], strides = [1]} : vector<16xi32> to vector<1xi32>
      %squeeze3A_929 = vector.extract %slice3A_928[0] : i32 from vector<1xi32>
      %dma_start3A_930 = arith.constant 0 : i32
      %dma_start3A_931 = tpu.memref_slice %arg8[%add3A_913, %dma_start3A_930] : memref<256x64xf32, #tpu.memory_space<vmem>> -> memref<1x64xf32, #tpu.memory_space<vmem>>
      %dma_start3A_932 = tpu.memref_squeeze %dma_start3A_931 : memref<1x64xf32, #tpu.memory_space<vmem>> -> memref<64xf32, #tpu.memory_space<vmem>>
      %dma_start3A_933 = arith.constant 0 : i32
      %dma_start3A_934 = tpu.memref_slice %arg3[%squeeze3A_929, %dma_start3A_933] : memref<1000000x64xf32, #tpu.memory_space<hbm>> -> memref<1x64xf32, #tpu.memory_space<hbm>>
      %dma_start3A_935 = tpu.memref_squeeze %dma_start3A_934 : memref<1x64xf32, #tpu.memory_space<hbm>> -> memref<64xf32, #tpu.memory_space<hbm>>
      %dma_start3A_936 = arith.constant 0 : i32
      %dma_start3A_937 = tpu.memref_slice %arg8[%add3A_913, %dma_start3A_936] : memref<256x64xf32, #tpu.memory_space<vmem>> -> memref<1x64xf32, #tpu.memory_space<vmem>>
      %dma_start3A_938 = tpu.memref_squeeze %dma_start3A_937 : memref<1x64xf32, #tpu.memory_space<vmem>> -> memref<64xf32, #tpu.memory_space<vmem>>
      %dma_start3A_939 = arith.constant 0 : i32
      %dma_start3A_940 = tpu.memref_slice %arg3[%squeeze3A_929, %dma_start3A_939] : memref<1000000x64xf32, #tpu.memory_space<hbm>> -> memref<1x64xf32, #tpu.memory_space<hbm>>
      %dma_start3A_941 = tpu.memref_squeeze %dma_start3A_940 : memref<1x64xf32, #tpu.memory_space<hbm>> -> memref<64xf32, #tpu.memory_space<hbm>>
      tpu.enqueue_dma source(%dma_start3A_941 : memref<64xf32, #tpu.memory_space<hbm>>) target(%dma_start3A_938 : memref<64xf32, #tpu.memory_space<vmem>>) target_semaphore(%arg12 : memref<!tpu.dma_semaphore, #tpu.memory_space<semaphore_mem>>)
      %slice3A_942 = vector.extract_strided_slice %get3A_817 {offsets = [2], sizes = [1], strides = [1]} : vector<16xi32> to vector<1xi32>
      %squeeze3A_943 = vector.extract %slice3A_942[0] : i32 from vector<1xi32>
      %dma_start3A_944 = arith.constant 0 : i32
      %dma_start3A_945 = tpu.memref_slice %arg9[%add3A_913, %dma_start3A_944] : memref<256x64xf32, #tpu.memory_space<vmem>> -> memref<1x64xf32, #tpu.memory_space<vmem>>
      %dma_start3A_946 = tpu.memref_squeeze %dma_start3A_945 : memref<1x64xf32, #tpu.memory_space<vmem>> -> memref<64xf32, #tpu.memory_space<vmem>>
      %dma_start3A_947 = arith.constant 0 : i32
      %dma_start3A_948 = tpu.memref_slice %arg2[%squeeze3A_943, %dma_start3A_947] : memref<1000000x64xf32, #tpu.memory_space<hbm>> -> memref<1x64xf32, #tpu.memory_space<hbm>>
      %dma_start3A_949 = tpu.memref_squeeze %dma_start3A_948 : memref<1x64xf32, #tpu.memory_space<hbm>> -> memref<64xf32, #tpu.memory_space<hbm>>
      %dma_start3A_950 = arith.constant 0 : i32
      %dma_start3A_951 = tpu.memref_slice %arg9[%add3A_913, %dma_start3A_950] : memref<256x64xf32, #tpu.memory_space<vmem>> -> memref<1x64xf32, #tpu.memory_space<vmem>>
      %dma_start3A_952 = tpu.memref_squeeze %dma_start3A_951 : memref<1x64xf32, #tpu.memory_space<vmem>> -> memref<64xf32, #tpu.memory_space<vmem>>
      %dma_start3A_953 = arith.constant 0 : i32
      %dma_start3A_954 = tpu.memref_slice %arg2[%squeeze3A_943, %dma_start3A_953] : memref<1000000x64xf32, #tpu.memory_space<hbm>> -> memref<1x64xf32, #tpu.memory_space<hbm>>
      %dma_start3A_955 = tpu.memref_squeeze %dma_start3A_954 : memref<1x64xf32, #tpu.memory_space<hbm>> -> memref<64xf32, #tpu.memory_space<hbm>>
      tpu.enqueue_dma source(%dma_start3A_955 : memref<64xf32, #tpu.memory_space<hbm>>) target(%dma_start3A_952 : memref<64xf32, #tpu.memory_space<vmem>>) target_semaphore(%arg12 : memref<!tpu.dma_semaphore, #tpu.memory_space<semaphore_mem>>)
      %add3A_956 = arith.constant 128 : i32
      %add3A_957 = arith.addi %add3A_956, %add3A_61 : i32
      %add3A_958 = arith.constant 3 : i32
      %add3A_959 = arith.addi %add3A_957, %add3A_958 : i32
      %slice3A_960 = vector.extract_strided_slice %get3A_809 {offsets = [3], sizes = [1], strides = [1]} : vector<16xi32> to vector<1xi32>
      %squeeze3A_961 = vector.extract %slice3A_960[0] : i32 from vector<1xi32>
      %dma_start3A_962 = arith.constant 0 : i32
      %dma_start3A_963 = tpu.memref_slice %arg7[%add3A_959, %dma_start3A_962] : memref<256x64xf32, #tpu.memory_space<vmem>> -> memref<1x64xf32, #tpu.memory_space<vmem>>
      %dma_start3A_964 = tpu.memref_squeeze %dma_start3A_963 : memref<1x64xf32, #tpu.memory_space<vmem>> -> memref<64xf32, #tpu.memory_space<vmem>>
      %dma_start3A_965 = arith.constant 0 : i32
      %dma_start3A_966 = tpu.memref_slice %arg2[%squeeze3A_961, %dma_start3A_965] : memref<1000000x64xf32, #tpu.memory_space<hbm>> -> memref<1x64xf32, #tpu.memory_space<hbm>>
      %dma_start3A_967 = tpu.memref_squeeze %dma_start3A_966 : memref<1x64xf32, #tpu.memory_space<hbm>> -> memref<64xf32, #tpu.memory_space<hbm>>
      %dma_start3A_968 = arith.constant 0 : i32
      %dma_start3A_969 = tpu.memref_slice %arg7[%add3A_959, %dma_start3A_968] : memref<256x64xf32, #tpu.memory_space<vmem>> -> memref<1x64xf32, #tpu.memory_space<vmem>>
      %dma_start3A_970 = tpu.memref_squeeze %dma_start3A_969 : memref<1x64xf32, #tpu.memory_space<vmem>> -> memref<64xf32, #tpu.memory_space<vmem>>
      %dma_start3A_971 = arith.constant 0 : i32
      %dma_start3A_972 = tpu.memref_slice %arg2[%squeeze3A_961, %dma_start3A_971] : memref<1000000x64xf32, #tpu.memory_space<hbm>> -> memref<1x64xf32, #tpu.memory_space<hbm>>
      %dma_start3A_973 = tpu.memref_squeeze %dma_start3A_972 : memref<1x64xf32, #tpu.memory_space<hbm>> -> memref<64xf32, #tpu.memory_space<hbm>>
      tpu.enqueue_dma source(%dma_start3A_973 : memref<64xf32, #tpu.memory_space<hbm>>) target(%dma_start3A_970 : memref<64xf32, #tpu.memory_space<vmem>>) target_semaphore(%arg12 : memref<!tpu.dma_semaphore, #tpu.memory_space<semaphore_mem>>)
      %slice3A_974 = vector.extract_strided_slice %get3A_813 {offsets = [3], sizes = [1], strides = [1]} : vector<16xi32> to vector<1xi32>
      %squeeze3A_975 = vector.extract %slice3A_974[0] : i32 from vector<1xi32>
      %dma_start3A_976 = arith.constant 0 : i32
      %dma_start3A_977 = tpu.memref_slice %arg8[%add3A_959, %dma_start3A_976] : memref<256x64xf32, #tpu.memory_space<vmem>> -> memref<1x64xf32, #tpu.memory_space<vmem>>
      %dma_start3A_978 = tpu.memref_squeeze %dma_start3A_977 : memref<1x64xf32, #tpu.memory_space<vmem>> -> memref<64xf32, #tpu.memory_space<vmem>>
      %dma_start3A_979 = arith.constant 0 : i32
      %dma_start3A_980 = tpu.memref_slice %arg3[%squeeze3A_975, %dma_start3A_979] : memref<1000000x64xf32, #tpu.memory_space<hbm>> -> memref<1x64xf32, #tpu.memory_space<hbm>>
      %dma_start3A_981 = tpu.memref_squeeze %dma_start3A_980 : memref<1x64xf32, #tpu.memory_space<hbm>> -> memref<64xf32, #tpu.memory_space<hbm>>
      %dma_start3A_982 = arith.constant 0 : i32
      %dma_start3A_983 = tpu.memref_slice %arg8[%add3A_959, %dma_start3A_982] : memref<256x64xf32, #tpu.memory_space<vmem>> -> memref<1x64xf32, #tpu.memory_space<vmem>>
      %dma_start3A_984 = tpu.memref_squeeze %dma_start3A_983 : memref<1x64xf32, #tpu.memory_space<vmem>> -> memref<64xf32, #tpu.memory_space<vmem>>
      %dma_start3A_985 = arith.constant 0 : i32
      %dma_start3A_986 = tpu.memref_slice %arg3[%squeeze3A_975, %dma_start3A_985] : memref<1000000x64xf32, #tpu.memory_space<hbm>> -> memref<1x64xf32, #tpu.memory_space<hbm>>
      %dma_start3A_987 = tpu.memref_squeeze %dma_start3A_986 : memref<1x64xf32, #tpu.memory_space<hbm>> -> memref<64xf32, #tpu.memory_space<hbm>>
      tpu.enqueue_dma source(%dma_start3A_987 : memref<64xf32, #tpu.memory_space<hbm>>) target(%dma_start3A_984 : memref<64xf32, #tpu.memory_space<vmem>>) target_semaphore(%arg12 : memref<!tpu.dma_semaphore, #tpu.memory_space<semaphore_mem>>)
      %slice3A_988 = vector.extract_strided_slice %get3A_817 {offsets = [3], sizes = [1], strides = [1]} : vector<16xi32> to vector<1xi32>
      %squeeze3A_989 = vector.extract %slice3A_988[0] : i32 from vector<1xi32>
      %dma_start3A_990 = arith.constant 0 : i32
      %dma_start3A_991 = tpu.memref_slice %arg9[%add3A_959, %dma_start3A_990] : memref<256x64xf32, #tpu.memory_space<vmem>> -> memref<1x64xf32, #tpu.memory_space<vmem>>
      %dma_start3A_992 = tpu.memref_squeeze %dma_start3A_991 : memref<1x64xf32, #tpu.memory_space<vmem>> -> memref<64xf32, #tpu.memory_space<vmem>>
      %dma_start3A_993 = arith.constant 0 : i32
      %dma_start3A_994 = tpu.memref_slice %arg2[%squeeze3A_989, %dma_start3A_993] : memref<1000000x64xf32, #tpu.memory_space<hbm>> -> memref<1x64xf32, #tpu.memory_space<hbm>>
      %dma_start3A_995 = tpu.memref_squeeze %dma_start3A_994 : memref<1x64xf32, #tpu.memory_space<hbm>> -> memref<64xf32, #tpu.memory_space<hbm>>
      %dma_start3A_996 = arith.constant 0 : i32
      %dma_start3A_997 = tpu.memref_slice %arg9[%add3A_959, %dma_start3A_996] : memref<256x64xf32, #tpu.memory_space<vmem>> -> memref<1x64xf32, #tpu.memory_space<vmem>>
      %dma_start3A_998 = tpu.memref_squeeze %dma_start3A_997 : memref<1x64xf32, #tpu.memory_space<vmem>> -> memref<64xf32, #tpu.memory_space<vmem>>
      %dma_start3A_999 = arith.constant 0 : i32
      %dma_start3A_1000 = tpu.memref_slice %arg2[%squeeze3A_989, %dma_start3A_999] : memref<1000000x64xf32, #tpu.memory_space<hbm>> -> memref<1x64xf32, #tpu.memory_space<hbm>>
      %dma_start3A_1001 = tpu.memref_squeeze %dma_start3A_1000 : memref<1x64xf32, #tpu.memory_space<hbm>> -> memref<64xf32, #tpu.memory_space<hbm>>
      tpu.enqueue_dma source(%dma_start3A_1001 : memref<64xf32, #tpu.memory_space<hbm>>) target(%dma_start3A_998 : memref<64xf32, #tpu.memory_space<vmem>>) target_semaphore(%arg12 : memref<!tpu.dma_semaphore, #tpu.memory_space<semaphore_mem>>)
      %add3A_1002 = arith.constant 128 : i32
      %add3A_1003 = arith.addi %add3A_1002, %add3A_61 : i32
      %add3A_1004 = arith.constant 4 : i32
      %add3A_1005 = arith.addi %add3A_1003, %add3A_1004 : i32
      %slice3A_1006 = vector.extract_strided_slice %get3A_809 {offsets = [4], sizes = [1], strides = [1]} : vector<16xi32> to vector<1xi32>
      %squeeze3A_1007 = vector.extract %slice3A_1006[0] : i32 from vector<1xi32>
      %dma_start3A_1008 = arith.constant 0 : i32
      %dma_start3A_1009 = tpu.memref_slice %arg7[%add3A_1005, %dma_start3A_1008] : memref<256x64xf32, #tpu.memory_space<vmem>> -> memref<1x64xf32, #tpu.memory_space<vmem>>
      %dma_start3A_1010 = tpu.memref_squeeze %dma_start3A_1009 : memref<1x64xf32, #tpu.memory_space<vmem>> -> memref<64xf32, #tpu.memory_space<vmem>>
      %dma_start3A_1011 = arith.constant 0 : i32
      %dma_start3A_1012 = tpu.memref_slice %arg2[%squeeze3A_1007, %dma_start3A_1011] : memref<1000000x64xf32, #tpu.memory_space<hbm>> -> memref<1x64xf32, #tpu.memory_space<hbm>>
      %dma_start3A_1013 = tpu.memref_squeeze %dma_start3A_1012 : memref<1x64xf32, #tpu.memory_space<hbm>> -> memref<64xf32, #tpu.memory_space<hbm>>
      %dma_start3A_1014 = arith.constant 0 : i32
      %dma_start3A_1015 = tpu.memref_slice %arg7[%add3A_1005, %dma_start3A_1014] : memref<256x64xf32, #tpu.memory_space<vmem>> -> memref<1x64xf32, #tpu.memory_space<vmem>>
      %dma_start3A_1016 = tpu.memref_squeeze %dma_start3A_1015 : memref<1x64xf32, #tpu.memory_space<vmem>> -> memref<64xf32, #tpu.memory_space<vmem>>
      %dma_start3A_1017 = arith.constant 0 : i32
      %dma_start3A_1018 = tpu.memref_slice %arg2[%squeeze3A_1007, %dma_start3A_1017] : memref<1000000x64xf32, #tpu.memory_space<hbm>> -> memref<1x64xf32, #tpu.memory_space<hbm>>
      %dma_start3A_1019 = tpu.memref_squeeze %dma_start3A_1018 : memref<1x64xf32, #tpu.memory_space<hbm>> -> memref<64xf32, #tpu.memory_space<hbm>>
      tpu.enqueue_dma source(%dma_start3A_1019 : memref<64xf32, #tpu.memory_space<hbm>>) target(%dma_start3A_1016 : memref<64xf32, #tpu.memory_space<vmem>>) target_semaphore(%arg12 : memref<!tpu.dma_semaphore, #tpu.memory_space<semaphore_mem>>)
      %slice3A_1020 = vector.extract_strided_slice %get3A_813 {offsets = [4], sizes = [1], strides = [1]} : vector<16xi32> to vector<1xi32>
      %squeeze3A_1021 = vector.extract %slice3A_1020[0] : i32 from vector<1xi32>
      %dma_start3A_1022 = arith.constant 0 : i32
      %dma_start3A_1023 = tpu.memref_slice %arg8[%add3A_1005, %dma_start3A_1022] : memref<256x64xf32, #tpu.memory_space<vmem>> -> memref<1x64xf32, #tpu.memory_space<vmem>>
      %dma_start3A_1024 = tpu.memref_squeeze %dma_start3A_1023 : memref<1x64xf32, #tpu.memory_space<vmem>> -> memref<64xf32, #tpu.memory_space<vmem>>
      %dma_start3A_1025 = arith.constant 0 : i32
      %dma_start3A_1026 = tpu.memref_slice %arg3[%squeeze3A_1021, %dma_start3A_1025] : memref<1000000x64xf32, #tpu.memory_space<hbm>> -> memref<1x64xf32, #tpu.memory_space<hbm>>
      %dma_start3A_1027 = tpu.memref_squeeze %dma_start3A_1026 : memref<1x64xf32, #tpu.memory_space<hbm>> -> memref<64xf32, #tpu.memory_space<hbm>>
      %dma_start3A_1028 = arith.constant 0 : i32
      %dma_start3A_1029 = tpu.memref_slice %arg8[%add3A_1005, %dma_start3A_1028] : memref<256x64xf32, #tpu.memory_space<vmem>> -> memref<1x64xf32, #tpu.memory_space<vmem>>
      %dma_start3A_1030 = tpu.memref_squeeze %dma_start3A_1029 : memref<1x64xf32, #tpu.memory_space<vmem>> -> memref<64xf32, #tpu.memory_space<vmem>>
      %dma_start3A_1031 = arith.constant 0 : i32
      %dma_start3A_1032 = tpu.memref_slice %arg3[%squeeze3A_1021, %dma_start3A_1031] : memref<1000000x64xf32, #tpu.memory_space<hbm>> -> memref<1x64xf32, #tpu.memory_space<hbm>>
      %dma_start3A_1033 = tpu.memref_squeeze %dma_start3A_1032 : memref<1x64xf32, #tpu.memory_space<hbm>> -> memref<64xf32, #tpu.memory_space<hbm>>
      tpu.enqueue_dma source(%dma_start3A_1033 : memref<64xf32, #tpu.memory_space<hbm>>) target(%dma_start3A_1030 : memref<64xf32, #tpu.memory_space<vmem>>) target_semaphore(%arg12 : memref<!tpu.dma_semaphore, #tpu.memory_space<semaphore_mem>>)
      %slice3A_1034 = vector.extract_strided_slice %get3A_817 {offsets = [4], sizes = [1], strides = [1]} : vector<16xi32> to vector<1xi32>
      %squeeze3A_1035 = vector.extract %slice3A_1034[0] : i32 from vector<1xi32>
      %dma_start3A_1036 = arith.constant 0 : i32
      %dma_start3A_1037 = tpu.memref_slice %arg9[%add3A_1005, %dma_start3A_1036] : memref<256x64xf32, #tpu.memory_space<vmem>> -> memref<1x64xf32, #tpu.memory_space<vmem>>
      %dma_start3A_1038 = tpu.memref_squeeze %dma_start3A_1037 : memref<1x64xf32, #tpu.memory_space<vmem>> -> memref<64xf32, #tpu.memory_space<vmem>>
      %dma_start3A_1039 = arith.constant 0 : i32
      %dma_start3A_1040 = tpu.memref_slice %arg2[%squeeze3A_1035, %dma_start3A_1039] : memref<1000000x64xf32, #tpu.memory_space<hbm>> -> memref<1x64xf32, #tpu.memory_space<hbm>>
      %dma_start3A_1041 = tpu.memref_squeeze %dma_start3A_1040 : memref<1x64xf32, #tpu.memory_space<hbm>> -> memref<64xf32, #tpu.memory_space<hbm>>
      %dma_start3A_1042 = arith.constant 0 : i32
      %dma_start3A_1043 = tpu.memref_slice %arg9[%add3A_1005, %dma_start3A_1042] : memref<256x64xf32, #tpu.memory_space<vmem>> -> memref<1x64xf32, #tpu.memory_space<vmem>>
      %dma_start3A_1044 = tpu.memref_squeeze %dma_start3A_1043 : memref<1x64xf32, #tpu.memory_space<vmem>> -> memref<64xf32, #tpu.memory_space<vmem>>
      %dma_start3A_1045 = arith.constant 0 : i32
      %dma_start3A_1046 = tpu.memref_slice %arg2[%squeeze3A_1035, %dma_start3A_1045] : memref<1000000x64xf32, #tpu.memory_space<hbm>> -> memref<1x64xf32, #tpu.memory_space<hbm>>
      %dma_start3A_1047 = tpu.memref_squeeze %dma_start3A_1046 : memref<1x64xf32, #tpu.memory_space<hbm>> -> memref<64xf32, #tpu.memory_space<hbm>>
      tpu.enqueue_dma source(%dma_start3A_1047 : memref<64xf32, #tpu.memory_space<hbm>>) target(%dma_start3A_1044 : memref<64xf32, #tpu.memory_space<vmem>>) target_semaphore(%arg12 : memref<!tpu.dma_semaphore, #tpu.memory_space<semaphore_mem>>)
      %add3A_1048 = arith.constant 128 : i32
      %add3A_1049 = arith.addi %add3A_1048, %add3A_61 : i32
      %add3A_1050 = arith.constant 5 : i32
      %add3A_1051 = arith.addi %add3A_1049, %add3A_1050 : i32
      %slice3A_1052 = vector.extract_strided_slice %get3A_809 {offsets = [5], sizes = [1], strides = [1]} : vector<16xi32> to vector<1xi32>
      %squeeze3A_1053 = vector.extract %slice3A_1052[0] : i32 from vector<1xi32>
      %dma_start3A_1054 = arith.constant 0 : i32
      %dma_start3A_1055 = tpu.memref_slice %arg7[%add3A_1051, %dma_start3A_1054] : memref<256x64xf32, #tpu.memory_space<vmem>> -> memref<1x64xf32, #tpu.memory_space<vmem>>
      %dma_start3A_1056 = tpu.memref_squeeze %dma_start3A_1055 : memref<1x64xf32, #tpu.memory_space<vmem>> -> memref<64xf32, #tpu.memory_space<vmem>>
      %dma_start3A_1057 = arith.constant 0 : i32
      %dma_start3A_1058 = tpu.memref_slice %arg2[%squeeze3A_1053, %dma_start3A_1057] : memref<1000000x64xf32, #tpu.memory_space<hbm>> -> memref<1x64xf32, #tpu.memory_space<hbm>>
      %dma_start3A_1059 = tpu.memref_squeeze %dma_start3A_1058 : memref<1x64xf32, #tpu.memory_space<hbm>> -> memref<64xf32, #tpu.memory_space<hbm>>
      %dma_start3A_1060 = arith.constant 0 : i32
      %dma_start3A_1061 = tpu.memref_slice %arg7[%add3A_1051, %dma_start3A_1060] : memref<256x64xf32, #tpu.memory_space<vmem>> -> memref<1x64xf32, #tpu.memory_space<vmem>>
      %dma_start3A_1062 = tpu.memref_squeeze %dma_start3A_1061 : memref<1x64xf32, #tpu.memory_space<vmem>> -> memref<64xf32, #tpu.memory_space<vmem>>
      %dma_start3A_1063 = arith.constant 0 : i32
      %dma_start3A_1064 = tpu.memref_slice %arg2[%squeeze3A_1053, %dma_start3A_1063] : memref<1000000x64xf32, #tpu.memory_space<hbm>> -> memref<1x64xf32, #tpu.memory_space<hbm>>
      %dma_start3A_1065 = tpu.memref_squeeze %dma_start3A_1064 : memref<1x64xf32, #tpu.memory_space<hbm>> -> memref<64xf32, #tpu.memory_space<hbm>>
      tpu.enqueue_dma source(%dma_start3A_1065 : memref<64xf32, #tpu.memory_space<hbm>>) target(%dma_start3A_1062 : memref<64xf32, #tpu.memory_space<vmem>>) target_semaphore(%arg12 : memref<!tpu.dma_semaphore, #tpu.memory_space<semaphore_mem>>)
      %slice3A_1066 = vector.extract_strided_slice %get3A_813 {offsets = [5], sizes = [1], strides = [1]} : vector<16xi32> to vector<1xi32>
      %squeeze3A_1067 = vector.extract %slice3A_1066[0] : i32 from vector<1xi32>
      %dma_start3A_1068 = arith.constant 0 : i32
      %dma_start3A_1069 = tpu.memref_slice %arg8[%add3A_1051, %dma_start3A_1068] : memref<256x64xf32, #tpu.memory_space<vmem>> -> memref<1x64xf32, #tpu.memory_space<vmem>>
      %dma_start3A_1070 = tpu.memref_squeeze %dma_start3A_1069 : memref<1x64xf32, #tpu.memory_space<vmem>> -> memref<64xf32, #tpu.memory_space<vmem>>
      %dma_start3A_1071 = arith.constant 0 : i32
      %dma_start3A_1072 = tpu.memref_slice %arg3[%squeeze3A_1067, %dma_start3A_1071] : memref<1000000x64xf32, #tpu.memory_space<hbm>> -> memref<1x64xf32, #tpu.memory_space<hbm>>
      %dma_start3A_1073 = tpu.memref_squeeze %dma_start3A_1072 : memref<1x64xf32, #tpu.memory_space<hbm>> -> memref<64xf32, #tpu.memory_space<hbm>>
      %dma_start3A_1074 = arith.constant 0 : i32
      %dma_start3A_1075 = tpu.memref_slice %arg8[%add3A_1051, %dma_start3A_1074] : memref<256x64xf32, #tpu.memory_space<vmem>> -> memref<1x64xf32, #tpu.memory_space<vmem>>
      %dma_start3A_1076 = tpu.memref_squeeze %dma_start3A_1075 : memref<1x64xf32, #tpu.memory_space<vmem>> -> memref<64xf32, #tpu.memory_space<vmem>>
      %dma_start3A_1077 = arith.constant 0 : i32
      %dma_start3A_1078 = tpu.memref_slice %arg3[%squeeze3A_1067, %dma_start3A_1077] : memref<1000000x64xf32, #tpu.memory_space<hbm>> -> memref<1x64xf32, #tpu.memory_space<hbm>>
      %dma_start3A_1079 = tpu.memref_squeeze %dma_start3A_1078 : memref<1x64xf32, #tpu.memory_space<hbm>> -> memref<64xf32, #tpu.memory_space<hbm>>
      tpu.enqueue_dma source(%dma_start3A_1079 : memref<64xf32, #tpu.memory_space<hbm>>) target(%dma_start3A_1076 : memref<64xf32, #tpu.memory_space<vmem>>) target_semaphore(%arg12 : memref<!tpu.dma_semaphore, #tpu.memory_space<semaphore_mem>>)
      %slice3A_1080 = vector.extract_strided_slice %get3A_817 {offsets = [5], sizes = [1], strides = [1]} : vector<16xi32> to vector<1xi32>
      %squeeze3A_1081 = vector.extract %slice3A_1080[0] : i32 from vector<1xi32>
      %dma_start3A_1082 = arith.constant 0 : i32
      %dma_start3A_1083 = tpu.memref_slice %arg9[%add3A_1051, %dma_start3A_1082] : memref<256x64xf32, #tpu.memory_space<vmem>> -> memref<1x64xf32, #tpu.memory_space<vmem>>
      %dma_start3A_1084 = tpu.memref_squeeze %dma_start3A_1083 : memref<1x64xf32, #tpu.memory_space<vmem>> -> memref<64xf32, #tpu.memory_space<vmem>>
      %dma_start3A_1085 = arith.constant 0 : i32
      %dma_start3A_1086 = tpu.memref_slice %arg2[%squeeze3A_1081, %dma_start3A_1085] : memref<1000000x64xf32, #tpu.memory_space<hbm>> -> memref<1x64xf32, #tpu.memory_space<hbm>>
      %dma_start3A_1087 = tpu.memref_squeeze %dma_start3A_1086 : memref<1x64xf32, #tpu.memory_space<hbm>> -> memref<64xf32, #tpu.memory_space<hbm>>
      %dma_start3A_1088 = arith.constant 0 : i32
      %dma_start3A_1089 = tpu.memref_slice %arg9[%add3A_1051, %dma_start3A_1088] : memref<256x64xf32, #tpu.memory_space<vmem>> -> memref<1x64xf32, #tpu.memory_space<vmem>>
      %dma_start3A_1090 = tpu.memref_squeeze %dma_start3A_1089 : memref<1x64xf32, #tpu.memory_space<vmem>> -> memref<64xf32, #tpu.memory_space<vmem>>
      %dma_start3A_1091 = arith.constant 0 : i32
      %dma_start3A_1092 = tpu.memref_slice %arg2[%squeeze3A_1081, %dma_start3A_1091] : memref<1000000x64xf32, #tpu.memory_space<hbm>> -> memref<1x64xf32, #tpu.memory_space<hbm>>
      %dma_start3A_1093 = tpu.memref_squeeze %dma_start3A_1092 : memref<1x64xf32, #tpu.memory_space<hbm>> -> memref<64xf32, #tpu.memory_space<hbm>>
      tpu.enqueue_dma source(%dma_start3A_1093 : memref<64xf32, #tpu.memory_space<hbm>>) target(%dma_start3A_1090 : memref<64xf32, #tpu.memory_space<vmem>>) target_semaphore(%arg12 : memref<!tpu.dma_semaphore, #tpu.memory_space<semaphore_mem>>)
      %add3A_1094 = arith.constant 128 : i32
      %add3A_1095 = arith.addi %add3A_1094, %add3A_61 : i32
      %add3A_1096 = arith.constant 6 : i32
      %add3A_1097 = arith.addi %add3A_1095, %add3A_1096 : i32
      %slice3A_1098 = vector.extract_strided_slice %get3A_809 {offsets = [6], sizes = [1], strides = [1]} : vector<16xi32> to vector<1xi32>
      %squeeze3A_1099 = vector.extract %slice3A_1098[0] : i32 from vector<1xi32>
      %dma_start3A_1100 = arith.constant 0 : i32
      %dma_start3A_1101 = tpu.memref_slice %arg7[%add3A_1097, %dma_start3A_1100] : memref<256x64xf32, #tpu.memory_space<vmem>> -> memref<1x64xf32, #tpu.memory_space<vmem>>
      %dma_start3A_1102 = tpu.memref_squeeze %dma_start3A_1101 : memref<1x64xf32, #tpu.memory_space<vmem>> -> memref<64xf32, #tpu.memory_space<vmem>>
      %dma_start3A_1103 = arith.constant 0 : i32
      %dma_start3A_1104 = tpu.memref_slice %arg2[%squeeze3A_1099, %dma_start3A_1103] : memref<1000000x64xf32, #tpu.memory_space<hbm>> -> memref<1x64xf32, #tpu.memory_space<hbm>>
      %dma_start3A_1105 = tpu.memref_squeeze %dma_start3A_1104 : memref<1x64xf32, #tpu.memory_space<hbm>> -> memref<64xf32, #tpu.memory_space<hbm>>
      %dma_start3A_1106 = arith.constant 0 : i32
      %dma_start3A_1107 = tpu.memref_slice %arg7[%add3A_1097, %dma_start3A_1106] : memref<256x64xf32, #tpu.memory_space<vmem>> -> memref<1x64xf32, #tpu.memory_space<vmem>>
      %dma_start3A_1108 = tpu.memref_squeeze %dma_start3A_1107 : memref<1x64xf32, #tpu.memory_space<vmem>> -> memref<64xf32, #tpu.memory_space<vmem>>
      %dma_start3A_1109 = arith.constant 0 : i32
      %dma_start3A_1110 = tpu.memref_slice %arg2[%squeeze3A_1099, %dma_start3A_1109] : memref<1000000x64xf32, #tpu.memory_space<hbm>> -> memref<1x64xf32, #tpu.memory_space<hbm>>
      %dma_start3A_1111 = tpu.memref_squeeze %dma_start3A_1110 : memref<1x64xf32, #tpu.memory_space<hbm>> -> memref<64xf32, #tpu.memory_space<hbm>>
      tpu.enqueue_dma source(%dma_start3A_1111 : memref<64xf32, #tpu.memory_space<hbm>>) target(%dma_start3A_1108 : memref<64xf32, #tpu.memory_space<vmem>>) target_semaphore(%arg12 : memref<!tpu.dma_semaphore, #tpu.memory_space<semaphore_mem>>)
      %slice3A_1112 = vector.extract_strided_slice %get3A_813 {offsets = [6], sizes = [1], strides = [1]} : vector<16xi32> to vector<1xi32>
      %squeeze3A_1113 = vector.extract %slice3A_1112[0] : i32 from vector<1xi32>
      %dma_start3A_1114 = arith.constant 0 : i32
      %dma_start3A_1115 = tpu.memref_slice %arg8[%add3A_1097, %dma_start3A_1114] : memref<256x64xf32, #tpu.memory_space<vmem>> -> memref<1x64xf32, #tpu.memory_space<vmem>>
      %dma_start3A_1116 = tpu.memref_squeeze %dma_start3A_1115 : memref<1x64xf32, #tpu.memory_space<vmem>> -> memref<64xf32, #tpu.memory_space<vmem>>
      %dma_start3A_1117 = arith.constant 0 : i32
      %dma_start3A_1118 = tpu.memref_slice %arg3[%squeeze3A_1113, %dma_start3A_1117] : memref<1000000x64xf32, #tpu.memory_space<hbm>> -> memref<1x64xf32, #tpu.memory_space<hbm>>
      %dma_start3A_1119 = tpu.memref_squeeze %dma_start3A_1118 : memref<1x64xf32, #tpu.memory_space<hbm>> -> memref<64xf32, #tpu.memory_space<hbm>>
      %dma_start3A_1120 = arith.constant 0 : i32
      %dma_start3A_1121 = tpu.memref_slice %arg8[%add3A_1097, %dma_start3A_1120] : memref<256x64xf32, #tpu.memory_space<vmem>> -> memref<1x64xf32, #tpu.memory_space<vmem>>
      %dma_start3A_1122 = tpu.memref_squeeze %dma_start3A_1121 : memref<1x64xf32, #tpu.memory_space<vmem>> -> memref<64xf32, #tpu.memory_space<vmem>>
      %dma_start3A_1123 = arith.constant 0 : i32
      %dma_start3A_1124 = tpu.memref_slice %arg3[%squeeze3A_1113, %dma_start3A_1123] : memref<1000000x64xf32, #tpu.memory_space<hbm>> -> memref<1x64xf32, #tpu.memory_space<hbm>>
      %dma_start3A_1125 = tpu.memref_squeeze %dma_start3A_1124 : memref<1x64xf32, #tpu.memory_space<hbm>> -> memref<64xf32, #tpu.memory_space<hbm>>
      tpu.enqueue_dma source(%dma_start3A_1125 : memref<64xf32, #tpu.memory_space<hbm>>) target(%dma_start3A_1122 : memref<64xf32, #tpu.memory_space<vmem>>) target_semaphore(%arg12 : memref<!tpu.dma_semaphore, #tpu.memory_space<semaphore_mem>>)
      %slice3A_1126 = vector.extract_strided_slice %get3A_817 {offsets = [6], sizes = [1], strides = [1]} : vector<16xi32> to vector<1xi32>
      %squeeze3A_1127 = vector.extract %slice3A_1126[0] : i32 from vector<1xi32>
      %dma_start3A_1128 = arith.constant 0 : i32
      %dma_start3A_1129 = tpu.memref_slice %arg9[%add3A_1097, %dma_start3A_1128] : memref<256x64xf32, #tpu.memory_space<vmem>> -> memref<1x64xf32, #tpu.memory_space<vmem>>
      %dma_start3A_1130 = tpu.memref_squeeze %dma_start3A_1129 : memref<1x64xf32, #tpu.memory_space<vmem>> -> memref<64xf32, #tpu.memory_space<vmem>>
      %dma_start3A_1131 = arith.constant 0 : i32
      %dma_start3A_1132 = tpu.memref_slice %arg2[%squeeze3A_1127, %dma_start3A_1131] : memref<1000000x64xf32, #tpu.memory_space<hbm>> -> memref<1x64xf32, #tpu.memory_space<hbm>>
      %dma_start3A_1133 = tpu.memref_squeeze %dma_start3A_1132 : memref<1x64xf32, #tpu.memory_space<hbm>> -> memref<64xf32, #tpu.memory_space<hbm>>
      %dma_start3A_1134 = arith.constant 0 : i32
      %dma_start3A_1135 = tpu.memref_slice %arg9[%add3A_1097, %dma_start3A_1134] : memref<256x64xf32, #tpu.memory_space<vmem>> -> memref<1x64xf32, #tpu.memory_space<vmem>>
      %dma_start3A_1136 = tpu.memref_squeeze %dma_start3A_1135 : memref<1x64xf32, #tpu.memory_space<vmem>> -> memref<64xf32, #tpu.memory_space<vmem>>
      %dma_start3A_1137 = arith.constant 0 : i32
      %dma_start3A_1138 = tpu.memref_slice %arg2[%squeeze3A_1127, %dma_start3A_1137] : memref<1000000x64xf32, #tpu.memory_space<hbm>> -> memref<1x64xf32, #tpu.memory_space<hbm>>
      %dma_start3A_1139 = tpu.memref_squeeze %dma_start3A_1138 : memref<1x64xf32, #tpu.memory_space<hbm>> -> memref<64xf32, #tpu.memory_space<hbm>>
      tpu.enqueue_dma source(%dma_start3A_1139 : memref<64xf32, #tpu.memory_space<hbm>>) target(%dma_start3A_1136 : memref<64xf32, #tpu.memory_space<vmem>>) target_semaphore(%arg12 : memref<!tpu.dma_semaphore, #tpu.memory_space<semaphore_mem>>)
      %add3A_1140 = arith.constant 128 : i32
      %add3A_1141 = arith.addi %add3A_1140, %add3A_61 : i32
      %add3A_1142 = arith.constant 7 : i32
      %add3A_1143 = arith.addi %add3A_1141, %add3A_1142 : i32
      %slice3A_1144 = vector.extract_strided_slice %get3A_809 {offsets = [7], sizes = [1], strides = [1]} : vector<16xi32> to vector<1xi32>
      %squeeze3A_1145 = vector.extract %slice3A_1144[0] : i32 from vector<1xi32>
      %dma_start3A_1146 = arith.constant 0 : i32
      %dma_start3A_1147 = tpu.memref_slice %arg7[%add3A_1143, %dma_start3A_1146] : memref<256x64xf32, #tpu.memory_space<vmem>> -> memref<1x64xf32, #tpu.memory_space<vmem>>
      %dma_start3A_1148 = tpu.memref_squeeze %dma_start3A_1147 : memref<1x64xf32, #tpu.memory_space<vmem>> -> memref<64xf32, #tpu.memory_space<vmem>>
      %dma_start3A_1149 = arith.constant 0 : i32
      %dma_start3A_1150 = tpu.memref_slice %arg2[%squeeze3A_1145, %dma_start3A_1149] : memref<1000000x64xf32, #tpu.memory_space<hbm>> -> memref<1x64xf32, #tpu.memory_space<hbm>>
      %dma_start3A_1151 = tpu.memref_squeeze %dma_start3A_1150 : memref<1x64xf32, #tpu.memory_space<hbm>> -> memref<64xf32, #tpu.memory_space<hbm>>
      %dma_start3A_1152 = arith.constant 0 : i32
      %dma_start3A_1153 = tpu.memref_slice %arg7[%add3A_1143, %dma_start3A_1152] : memref<256x64xf32, #tpu.memory_space<vmem>> -> memref<1x64xf32, #tpu.memory_space<vmem>>
      %dma_start3A_1154 = tpu.memref_squeeze %dma_start3A_1153 : memref<1x64xf32, #tpu.memory_space<vmem>> -> memref<64xf32, #tpu.memory_space<vmem>>
      %dma_start3A_1155 = arith.constant 0 : i32
      %dma_start3A_1156 = tpu.memref_slice %arg2[%squeeze3A_1145, %dma_start3A_1155] : memref<1000000x64xf32, #tpu.memory_space<hbm>> -> memref<1x64xf32, #tpu.memory_space<hbm>>
      %dma_start3A_1157 = tpu.memref_squeeze %dma_start3A_1156 : memref<1x64xf32, #tpu.memory_space<hbm>> -> memref<64xf32, #tpu.memory_space<hbm>>
      tpu.enqueue_dma source(%dma_start3A_1157 : memref<64xf32, #tpu.memory_space<hbm>>) target(%dma_start3A_1154 : memref<64xf32, #tpu.memory_space<vmem>>) target_semaphore(%arg12 : memref<!tpu.dma_semaphore, #tpu.memory_space<semaphore_mem>>)
      %slice3A_1158 = vector.extract_strided_slice %get3A_813 {offsets = [7], sizes = [1], strides = [1]} : vector<16xi32> to vector<1xi32>
      %squeeze3A_1159 = vector.extract %slice3A_1158[0] : i32 from vector<1xi32>
      %dma_start3A_1160 = arith.constant 0 : i32
      %dma_start3A_1161 = tpu.memref_slice %arg8[%add3A_1143, %dma_start3A_1160] : memref<256x64xf32, #tpu.memory_space<vmem>> -> memref<1x64xf32, #tpu.memory_space<vmem>>
      %dma_start3A_1162 = tpu.memref_squeeze %dma_start3A_1161 : memref<1x64xf32, #tpu.memory_space<vmem>> -> memref<64xf32, #tpu.memory_space<vmem>>
      %dma_start3A_1163 = arith.constant 0 : i32
      %dma_start3A_1164 = tpu.memref_slice %arg3[%squeeze3A_1159, %dma_start3A_1163] : memref<1000000x64xf32, #tpu.memory_space<hbm>> -> memref<1x64xf32, #tpu.memory_space<hbm>>
      %dma_start3A_1165 = tpu.memref_squeeze %dma_start3A_1164 : memref<1x64xf32, #tpu.memory_space<hbm>> -> memref<64xf32, #tpu.memory_space<hbm>>
      %dma_start3A_1166 = arith.constant 0 : i32
      %dma_start3A_1167 = tpu.memref_slice %arg8[%add3A_1143, %dma_start3A_1166] : memref<256x64xf32, #tpu.memory_space<vmem>> -> memref<1x64xf32, #tpu.memory_space<vmem>>
      %dma_start3A_1168 = tpu.memref_squeeze %dma_start3A_1167 : memref<1x64xf32, #tpu.memory_space<vmem>> -> memref<64xf32, #tpu.memory_space<vmem>>
      %dma_start3A_1169 = arith.constant 0 : i32
      %dma_start3A_1170 = tpu.memref_slice %arg3[%squeeze3A_1159, %dma_start3A_1169] : memref<1000000x64xf32, #tpu.memory_space<hbm>> -> memref<1x64xf32, #tpu.memory_space<hbm>>
      %dma_start3A_1171 = tpu.memref_squeeze %dma_start3A_1170 : memref<1x64xf32, #tpu.memory_space<hbm>> -> memref<64xf32, #tpu.memory_space<hbm>>
      tpu.enqueue_dma source(%dma_start3A_1171 : memref<64xf32, #tpu.memory_space<hbm>>) target(%dma_start3A_1168 : memref<64xf32, #tpu.memory_space<vmem>>) target_semaphore(%arg12 : memref<!tpu.dma_semaphore, #tpu.memory_space<semaphore_mem>>)
      %slice3A_1172 = vector.extract_strided_slice %get3A_817 {offsets = [7], sizes = [1], strides = [1]} : vector<16xi32> to vector<1xi32>
      %squeeze3A_1173 = vector.extract %slice3A_1172[0] : i32 from vector<1xi32>
      %dma_start3A_1174 = arith.constant 0 : i32
      %dma_start3A_1175 = tpu.memref_slice %arg9[%add3A_1143, %dma_start3A_1174] : memref<256x64xf32, #tpu.memory_space<vmem>> -> memref<1x64xf32, #tpu.memory_space<vmem>>
      %dma_start3A_1176 = tpu.memref_squeeze %dma_start3A_1175 : memref<1x64xf32, #tpu.memory_space<vmem>> -> memref<64xf32, #tpu.memory_space<vmem>>
      %dma_start3A_1177 = arith.constant 0 : i32
      %dma_start3A_1178 = tpu.memref_slice %arg2[%squeeze3A_1173, %dma_start3A_1177] : memref<1000000x64xf32, #tpu.memory_space<hbm>> -> memref<1x64xf32, #tpu.memory_space<hbm>>
      %dma_start3A_1179 = tpu.memref_squeeze %dma_start3A_1178 : memref<1x64xf32, #tpu.memory_space<hbm>> -> memref<64xf32, #tpu.memory_space<hbm>>
      %dma_start3A_1180 = arith.constant 0 : i32
      %dma_start3A_1181 = tpu.memref_slice %arg9[%add3A_1143, %dma_start3A_1180] : memref<256x64xf32, #tpu.memory_space<vmem>> -> memref<1x64xf32, #tpu.memory_space<vmem>>
      %dma_start3A_1182 = tpu.memref_squeeze %dma_start3A_1181 : memref<1x64xf32, #tpu.memory_space<vmem>> -> memref<64xf32, #tpu.memory_space<vmem>>
      %dma_start3A_1183 = arith.constant 0 : i32
      %dma_start3A_1184 = tpu.memref_slice %arg2[%squeeze3A_1173, %dma_start3A_1183] : memref<1000000x64xf32, #tpu.memory_space<hbm>> -> memref<1x64xf32, #tpu.memory_space<hbm>>
      %dma_start3A_1185 = tpu.memref_squeeze %dma_start3A_1184 : memref<1x64xf32, #tpu.memory_space<hbm>> -> memref<64xf32, #tpu.memory_space<hbm>>
      tpu.enqueue_dma source(%dma_start3A_1185 : memref<64xf32, #tpu.memory_space<hbm>>) target(%dma_start3A_1182 : memref<64xf32, #tpu.memory_space<vmem>>) target_semaphore(%arg12 : memref<!tpu.dma_semaphore, #tpu.memory_space<semaphore_mem>>)
      %add3A_1186 = arith.constant 128 : i32
      %add3A_1187 = arith.addi %add3A_1186, %add3A_61 : i32
      %add3A_1188 = arith.constant 8 : i32
      %add3A_1189 = arith.addi %add3A_1187, %add3A_1188 : i32
      %slice3A_1190 = vector.extract_strided_slice %get3A_809 {offsets = [8], sizes = [1], strides = [1]} : vector<16xi32> to vector<1xi32>
      %squeeze3A_1191 = vector.extract %slice3A_1190[0] : i32 from vector<1xi32>
      %dma_start3A_1192 = arith.constant 0 : i32
      %dma_start3A_1193 = tpu.memref_slice %arg7[%add3A_1189, %dma_start3A_1192] : memref<256x64xf32, #tpu.memory_space<vmem>> -> memref<1x64xf32, #tpu.memory_space<vmem>>
      %dma_start3A_1194 = tpu.memref_squeeze %dma_start3A_1193 : memref<1x64xf32, #tpu.memory_space<vmem>> -> memref<64xf32, #tpu.memory_space<vmem>>
      %dma_start3A_1195 = arith.constant 0 : i32
      %dma_start3A_1196 = tpu.memref_slice %arg2[%squeeze3A_1191, %dma_start3A_1195] : memref<1000000x64xf32, #tpu.memory_space<hbm>> -> memref<1x64xf32, #tpu.memory_space<hbm>>
      %dma_start3A_1197 = tpu.memref_squeeze %dma_start3A_1196 : memref<1x64xf32, #tpu.memory_space<hbm>> -> memref<64xf32, #tpu.memory_space<hbm>>
      %dma_start3A_1198 = arith.constant 0 : i32
      %dma_start3A_1199 = tpu.memref_slice %arg7[%add3A_1189, %dma_start3A_1198] : memref<256x64xf32, #tpu.memory_space<vmem>> -> memref<1x64xf32, #tpu.memory_space<vmem>>
      %dma_start3A_1200 = tpu.memref_squeeze %dma_start3A_1199 : memref<1x64xf32, #tpu.memory_space<vmem>> -> memref<64xf32, #tpu.memory_space<vmem>>
      %dma_start3A_1201 = arith.constant 0 : i32
      %dma_start3A_1202 = tpu.memref_slice %arg2[%squeeze3A_1191, %dma_start3A_1201] : memref<1000000x64xf32, #tpu.memory_space<hbm>> -> memref<1x64xf32, #tpu.memory_space<hbm>>
      %dma_start3A_1203 = tpu.memref_squeeze %dma_start3A_1202 : memref<1x64xf32, #tpu.memory_space<hbm>> -> memref<64xf32, #tpu.memory_space<hbm>>
      tpu.enqueue_dma source(%dma_start3A_1203 : memref<64xf32, #tpu.memory_space<hbm>>) target(%dma_start3A_1200 : memref<64xf32, #tpu.memory_space<vmem>>) target_semaphore(%arg12 : memref<!tpu.dma_semaphore, #tpu.memory_space<semaphore_mem>>)
      %slice3A_1204 = vector.extract_strided_slice %get3A_813 {offsets = [8], sizes = [1], strides = [1]} : vector<16xi32> to vector<1xi32>
      %squeeze3A_1205 = vector.extract %slice3A_1204[0] : i32 from vector<1xi32>
      %dma_start3A_1206 = arith.constant 0 : i32
      %dma_start3A_1207 = tpu.memref_slice %arg8[%add3A_1189, %dma_start3A_1206] : memref<256x64xf32, #tpu.memory_space<vmem>> -> memref<1x64xf32, #tpu.memory_space<vmem>>
      %dma_start3A_1208 = tpu.memref_squeeze %dma_start3A_1207 : memref<1x64xf32, #tpu.memory_space<vmem>> -> memref<64xf32, #tpu.memory_space<vmem>>
      %dma_start3A_1209 = arith.constant 0 : i32
      %dma_start3A_1210 = tpu.memref_slice %arg3[%squeeze3A_1205, %dma_start3A_1209] : memref<1000000x64xf32, #tpu.memory_space<hbm>> -> memref<1x64xf32, #tpu.memory_space<hbm>>
      %dma_start3A_1211 = tpu.memref_squeeze %dma_start3A_1210 : memref<1x64xf32, #tpu.memory_space<hbm>> -> memref<64xf32, #tpu.memory_space<hbm>>
      %dma_start3A_1212 = arith.constant 0 : i32
      %dma_start3A_1213 = tpu.memref_slice %arg8[%add3A_1189, %dma_start3A_1212] : memref<256x64xf32, #tpu.memory_space<vmem>> -> memref<1x64xf32, #tpu.memory_space<vmem>>
      %dma_start3A_1214 = tpu.memref_squeeze %dma_start3A_1213 : memref<1x64xf32, #tpu.memory_space<vmem>> -> memref<64xf32, #tpu.memory_space<vmem>>
      %dma_start3A_1215 = arith.constant 0 : i32
      %dma_start3A_1216 = tpu.memref_slice %arg3[%squeeze3A_1205, %dma_start3A_1215] : memref<1000000x64xf32, #tpu.memory_space<hbm>> -> memref<1x64xf32, #tpu.memory_space<hbm>>
      %dma_start3A_1217 = tpu.memref_squeeze %dma_start3A_1216 : memref<1x64xf32, #tpu.memory_space<hbm>> -> memref<64xf32, #tpu.memory_space<hbm>>
      tpu.enqueue_dma source(%dma_start3A_1217 : memref<64xf32, #tpu.memory_space<hbm>>) target(%dma_start3A_1214 : memref<64xf32, #tpu.memory_space<vmem>>) target_semaphore(%arg12 : memref<!tpu.dma_semaphore, #tpu.memory_space<semaphore_mem>>)
      %slice3A_1218 = vector.extract_strided_slice %get3A_817 {offsets = [8], sizes = [1], strides = [1]} : vector<16xi32> to vector<1xi32>
      %squeeze3A_1219 = vector.extract %slice3A_1218[0] : i32 from vector<1xi32>
      %dma_start3A_1220 = arith.constant 0 : i32
      %dma_start3A_1221 = tpu.memref_slice %arg9[%add3A_1189, %dma_start3A_1220] : memref<256x64xf32, #tpu.memory_space<vmem>> -> memref<1x64xf32, #tpu.memory_space<vmem>>
      %dma_start3A_1222 = tpu.memref_squeeze %dma_start3A_1221 : memref<1x64xf32, #tpu.memory_space<vmem>> -> memref<64xf32, #tpu.memory_space<vmem>>
      %dma_start3A_1223 = arith.constant 0 : i32
      %dma_start3A_1224 = tpu.memref_slice %arg2[%squeeze3A_1219, %dma_start3A_1223] : memref<1000000x64xf32, #tpu.memory_space<hbm>> -> memref<1x64xf32, #tpu.memory_space<hbm>>
      %dma_start3A_1225 = tpu.memref_squeeze %dma_start3A_1224 : memref<1x64xf32, #tpu.memory_space<hbm>> -> memref<64xf32, #tpu.memory_space<hbm>>
      %dma_start3A_1226 = arith.constant 0 : i32
      %dma_start3A_1227 = tpu.memref_slice %arg9[%add3A_1189, %dma_start3A_1226] : memref<256x64xf32, #tpu.memory_space<vmem>> -> memref<1x64xf32, #tpu.memory_space<vmem>>
      %dma_start3A_1228 = tpu.memref_squeeze %dma_start3A_1227 : memref<1x64xf32, #tpu.memory_space<vmem>> -> memref<64xf32, #tpu.memory_space<vmem>>
      %dma_start3A_1229 = arith.constant 0 : i32
      %dma_start3A_1230 = tpu.memref_slice %arg2[%squeeze3A_1219, %dma_start3A_1229] : memref<1000000x64xf32, #tpu.memory_space<hbm>> -> memref<1x64xf32, #tpu.memory_space<hbm>>
      %dma_start3A_1231 = tpu.memref_squeeze %dma_start3A_1230 : memref<1x64xf32, #tpu.memory_space<hbm>> -> memref<64xf32, #tpu.memory_space<hbm>>
      tpu.enqueue_dma source(%dma_start3A_1231 : memref<64xf32, #tpu.memory_space<hbm>>) target(%dma_start3A_1228 : memref<64xf32, #tpu.memory_space<vmem>>) target_semaphore(%arg12 : memref<!tpu.dma_semaphore, #tpu.memory_space<semaphore_mem>>)
      %add3A_1232 = arith.constant 128 : i32
      %add3A_1233 = arith.addi %add3A_1232, %add3A_61 : i32
      %add3A_1234 = arith.constant 9 : i32
      %add3A_1235 = arith.addi %add3A_1233, %add3A_1234 : i32
      %slice3A_1236 = vector.extract_strided_slice %get3A_809 {offsets = [9], sizes = [1], strides = [1]} : vector<16xi32> to vector<1xi32>
      %squeeze3A_1237 = vector.extract %slice3A_1236[0] : i32 from vector<1xi32>
      %dma_start3A_1238 = arith.constant 0 : i32
      %dma_start3A_1239 = tpu.memref_slice %arg7[%add3A_1235, %dma_start3A_1238] : memref<256x64xf32, #tpu.memory_space<vmem>> -> memref<1x64xf32, #tpu.memory_space<vmem>>
      %dma_start3A_1240 = tpu.memref_squeeze %dma_start3A_1239 : memref<1x64xf32, #tpu.memory_space<vmem>> -> memref<64xf32, #tpu.memory_space<vmem>>
      %dma_start3A_1241 = arith.constant 0 : i32
      %dma_start3A_1242 = tpu.memref_slice %arg2[%squeeze3A_1237, %dma_start3A_1241] : memref<1000000x64xf32, #tpu.memory_space<hbm>> -> memref<1x64xf32, #tpu.memory_space<hbm>>
      %dma_start3A_1243 = tpu.memref_squeeze %dma_start3A_1242 : memref<1x64xf32, #tpu.memory_space<hbm>> -> memref<64xf32, #tpu.memory_space<hbm>>
      %dma_start3A_1244 = arith.constant 0 : i32
      %dma_start3A_1245 = tpu.memref_slice %arg7[%add3A_1235, %dma_start3A_1244] : memref<256x64xf32, #tpu.memory_space<vmem>> -> memref<1x64xf32, #tpu.memory_space<vmem>>
      %dma_start3A_1246 = tpu.memref_squeeze %dma_start3A_1245 : memref<1x64xf32, #tpu.memory_space<vmem>> -> memref<64xf32, #tpu.memory_space<vmem>>
      %dma_start3A_1247 = arith.constant 0 : i32
      %dma_start3A_1248 = tpu.memref_slice %arg2[%squeeze3A_1237, %dma_start3A_1247] : memref<1000000x64xf32, #tpu.memory_space<hbm>> -> memref<1x64xf32, #tpu.memory_space<hbm>>
      %dma_start3A_1249 = tpu.memref_squeeze %dma_start3A_1248 : memref<1x64xf32, #tpu.memory_space<hbm>> -> memref<64xf32, #tpu.memory_space<hbm>>
      tpu.enqueue_dma source(%dma_start3A_1249 : memref<64xf32, #tpu.memory_space<hbm>>) target(%dma_start3A_1246 : memref<64xf32, #tpu.memory_space<vmem>>) target_semaphore(%arg12 : memref<!tpu.dma_semaphore, #tpu.memory_space<semaphore_mem>>)
      %slice3A_1250 = vector.extract_strided_slice %get3A_813 {offsets = [9], sizes = [1], strides = [1]} : vector<16xi32> to vector<1xi32>
      %squeeze3A_1251 = vector.extract %slice3A_1250[0] : i32 from vector<1xi32>
      %dma_start3A_1252 = arith.constant 0 : i32
      %dma_start3A_1253 = tpu.memref_slice %arg8[%add3A_1235, %dma_start3A_1252] : memref<256x64xf32, #tpu.memory_space<vmem>> -> memref<1x64xf32, #tpu.memory_space<vmem>>
      %dma_start3A_1254 = tpu.memref_squeeze %dma_start3A_1253 : memref<1x64xf32, #tpu.memory_space<vmem>> -> memref<64xf32, #tpu.memory_space<vmem>>
      %dma_start3A_1255 = arith.constant 0 : i32
      %dma_start3A_1256 = tpu.memref_slice %arg3[%squeeze3A_1251, %dma_start3A_1255] : memref<1000000x64xf32, #tpu.memory_space<hbm>> -> memref<1x64xf32, #tpu.memory_space<hbm>>
      %dma_start3A_1257 = tpu.memref_squeeze %dma_start3A_1256 : memref<1x64xf32, #tpu.memory_space<hbm>> -> memref<64xf32, #tpu.memory_space<hbm>>
      %dma_start3A_1258 = arith.constant 0 : i32
      %dma_start3A_1259 = tpu.memref_slice %arg8[%add3A_1235, %dma_start3A_1258] : memref<256x64xf32, #tpu.memory_space<vmem>> -> memref<1x64xf32, #tpu.memory_space<vmem>>
      %dma_start3A_1260 = tpu.memref_squeeze %dma_start3A_1259 : memref<1x64xf32, #tpu.memory_space<vmem>> -> memref<64xf32, #tpu.memory_space<vmem>>
      %dma_start3A_1261 = arith.constant 0 : i32
      %dma_start3A_1262 = tpu.memref_slice %arg3[%squeeze3A_1251, %dma_start3A_1261] : memref<1000000x64xf32, #tpu.memory_space<hbm>> -> memref<1x64xf32, #tpu.memory_space<hbm>>
      %dma_start3A_1263 = tpu.memref_squeeze %dma_start3A_1262 : memref<1x64xf32, #tpu.memory_space<hbm>> -> memref<64xf32, #tpu.memory_space<hbm>>
      tpu.enqueue_dma source(%dma_start3A_1263 : memref<64xf32, #tpu.memory_space<hbm>>) target(%dma_start3A_1260 : memref<64xf32, #tpu.memory_space<vmem>>) target_semaphore(%arg12 : memref<!tpu.dma_semaphore, #tpu.memory_space<semaphore_mem>>)
      %slice3A_1264 = vector.extract_strided_slice %get3A_817 {offsets = [9], sizes = [1], strides = [1]} : vector<16xi32> to vector<1xi32>
      %squeeze3A_1265 = vector.extract %slice3A_1264[0] : i32 from vector<1xi32>
      %dma_start3A_1266 = arith.constant 0 : i32
      %dma_start3A_1267 = tpu.memref_slice %arg9[%add3A_1235, %dma_start3A_1266] : memref<256x64xf32, #tpu.memory_space<vmem>> -> memref<1x64xf32, #tpu.memory_space<vmem>>
      %dma_start3A_1268 = tpu.memref_squeeze %dma_start3A_1267 : memref<1x64xf32, #tpu.memory_space<vmem>> -> memref<64xf32, #tpu.memory_space<vmem>>
      %dma_start3A_1269 = arith.constant 0 : i32
      %dma_start3A_1270 = tpu.memref_slice %arg2[%squeeze3A_1265, %dma_start3A_1269] : memref<1000000x64xf32, #tpu.memory_space<hbm>> -> memref<1x64xf32, #tpu.memory_space<hbm>>
      %dma_start3A_1271 = tpu.memref_squeeze %dma_start3A_1270 : memref<1x64xf32, #tpu.memory_space<hbm>> -> memref<64xf32, #tpu.memory_space<hbm>>
      %dma_start3A_1272 = arith.constant 0 : i32
      %dma_start3A_1273 = tpu.memref_slice %arg9[%add3A_1235, %dma_start3A_1272] : memref<256x64xf32, #tpu.memory_space<vmem>> -> memref<1x64xf32, #tpu.memory_space<vmem>>
      %dma_start3A_1274 = tpu.memref_squeeze %dma_start3A_1273 : memref<1x64xf32, #tpu.memory_space<vmem>> -> memref<64xf32, #tpu.memory_space<vmem>>
      %dma_start3A_1275 = arith.constant 0 : i32
      %dma_start3A_1276 = tpu.memref_slice %arg2[%squeeze3A_1265, %dma_start3A_1275] : memref<1000000x64xf32, #tpu.memory_space<hbm>> -> memref<1x64xf32, #tpu.memory_space<hbm>>
      %dma_start3A_1277 = tpu.memref_squeeze %dma_start3A_1276 : memref<1x64xf32, #tpu.memory_space<hbm>> -> memref<64xf32, #tpu.memory_space<hbm>>
      tpu.enqueue_dma source(%dma_start3A_1277 : memref<64xf32, #tpu.memory_space<hbm>>) target(%dma_start3A_1274 : memref<64xf32, #tpu.memory_space<vmem>>) target_semaphore(%arg12 : memref<!tpu.dma_semaphore, #tpu.memory_space<semaphore_mem>>)
      %add3A_1278 = arith.constant 128 : i32
      %add3A_1279 = arith.addi %add3A_1278, %add3A_61 : i32
      %add3A_1280 = arith.constant 10 : i32
      %add3A_1281 = arith.addi %add3A_1279, %add3A_1280 : i32
      %slice3A_1282 = vector.extract_strided_slice %get3A_809 {offsets = [10], sizes = [1], strides = [1]} : vector<16xi32> to vector<1xi32>
      %squeeze3A_1283 = vector.extract %slice3A_1282[0] : i32 from vector<1xi32>
      %dma_start3A_1284 = arith.constant 0 : i32
      %dma_start3A_1285 = tpu.memref_slice %arg7[%add3A_1281, %dma_start3A_1284] : memref<256x64xf32, #tpu.memory_space<vmem>> -> memref<1x64xf32, #tpu.memory_space<vmem>>
      %dma_start3A_1286 = tpu.memref_squeeze %dma_start3A_1285 : memref<1x64xf32, #tpu.memory_space<vmem>> -> memref<64xf32, #tpu.memory_space<vmem>>
      %dma_start3A_1287 = arith.constant 0 : i32
      %dma_start3A_1288 = tpu.memref_slice %arg2[%squeeze3A_1283, %dma_start3A_1287] : memref<1000000x64xf32, #tpu.memory_space<hbm>> -> memref<1x64xf32, #tpu.memory_space<hbm>>
      %dma_start3A_1289 = tpu.memref_squeeze %dma_start3A_1288 : memref<1x64xf32, #tpu.memory_space<hbm>> -> memref<64xf32, #tpu.memory_space<hbm>>
      %dma_start3A_1290 = arith.constant 0 : i32
      %dma_start3A_1291 = tpu.memref_slice %arg7[%add3A_1281, %dma_start3A_1290] : memref<256x64xf32, #tpu.memory_space<vmem>> -> memref<1x64xf32, #tpu.memory_space<vmem>>
      %dma_start3A_1292 = tpu.memref_squeeze %dma_start3A_1291 : memref<1x64xf32, #tpu.memory_space<vmem>> -> memref<64xf32, #tpu.memory_space<vmem>>
      %dma_start3A_1293 = arith.constant 0 : i32
      %dma_start3A_1294 = tpu.memref_slice %arg2[%squeeze3A_1283, %dma_start3A_1293] : memref<1000000x64xf32, #tpu.memory_space<hbm>> -> memref<1x64xf32, #tpu.memory_space<hbm>>
      %dma_start3A_1295 = tpu.memref_squeeze %dma_start3A_1294 : memref<1x64xf32, #tpu.memory_space<hbm>> -> memref<64xf32, #tpu.memory_space<hbm>>
      tpu.enqueue_dma source(%dma_start3A_1295 : memref<64xf32, #tpu.memory_space<hbm>>) target(%dma_start3A_1292 : memref<64xf32, #tpu.memory_space<vmem>>) target_semaphore(%arg12 : memref<!tpu.dma_semaphore, #tpu.memory_space<semaphore_mem>>)
      %slice3A_1296 = vector.extract_strided_slice %get3A_813 {offsets = [10], sizes = [1], strides = [1]} : vector<16xi32> to vector<1xi32>
      %squeeze3A_1297 = vector.extract %slice3A_1296[0] : i32 from vector<1xi32>
      %dma_start3A_1298 = arith.constant 0 : i32
      %dma_start3A_1299 = tpu.memref_slice %arg8[%add3A_1281, %dma_start3A_1298] : memref<256x64xf32, #tpu.memory_space<vmem>> -> memref<1x64xf32, #tpu.memory_space<vmem>>
      %dma_start3A_1300 = tpu.memref_squeeze %dma_start3A_1299 : memref<1x64xf32, #tpu.memory_space<vmem>> -> memref<64xf32, #tpu.memory_space<vmem>>
      %dma_start3A_1301 = arith.constant 0 : i32
      %dma_start3A_1302 = tpu.memref_slice %arg3[%squeeze3A_1297, %dma_start3A_1301] : memref<1000000x64xf32, #tpu.memory_space<hbm>> -> memref<1x64xf32, #tpu.memory_space<hbm>>
      %dma_start3A_1303 = tpu.memref_squeeze %dma_start3A_1302 : memref<1x64xf32, #tpu.memory_space<hbm>> -> memref<64xf32, #tpu.memory_space<hbm>>
      %dma_start3A_1304 = arith.constant 0 : i32
      %dma_start3A_1305 = tpu.memref_slice %arg8[%add3A_1281, %dma_start3A_1304] : memref<256x64xf32, #tpu.memory_space<vmem>> -> memref<1x64xf32, #tpu.memory_space<vmem>>
      %dma_start3A_1306 = tpu.memref_squeeze %dma_start3A_1305 : memref<1x64xf32, #tpu.memory_space<vmem>> -> memref<64xf32, #tpu.memory_space<vmem>>
      %dma_start3A_1307 = arith.constant 0 : i32
      %dma_start3A_1308 = tpu.memref_slice %arg3[%squeeze3A_1297, %dma_start3A_1307] : memref<1000000x64xf32, #tpu.memory_space<hbm>> -> memref<1x64xf32, #tpu.memory_space<hbm>>
      %dma_start3A_1309 = tpu.memref_squeeze %dma_start3A_1308 : memref<1x64xf32, #tpu.memory_space<hbm>> -> memref<64xf32, #tpu.memory_space<hbm>>
      tpu.enqueue_dma source(%dma_start3A_1309 : memref<64xf32, #tpu.memory_space<hbm>>) target(%dma_start3A_1306 : memref<64xf32, #tpu.memory_space<vmem>>) target_semaphore(%arg12 : memref<!tpu.dma_semaphore, #tpu.memory_space<semaphore_mem>>)
      %slice3A_1310 = vector.extract_strided_slice %get3A_817 {offsets = [10], sizes = [1], strides = [1]} : vector<16xi32> to vector<1xi32>
      %squeeze3A_1311 = vector.extract %slice3A_1310[0] : i32 from vector<1xi32>
      %dma_start3A_1312 = arith.constant 0 : i32
      %dma_start3A_1313 = tpu.memref_slice %arg9[%add3A_1281, %dma_start3A_1312] : memref<256x64xf32, #tpu.memory_space<vmem>> -> memref<1x64xf32, #tpu.memory_space<vmem>>
      %dma_start3A_1314 = tpu.memref_squeeze %dma_start3A_1313 : memref<1x64xf32, #tpu.memory_space<vmem>> -> memref<64xf32, #tpu.memory_space<vmem>>
      %dma_start3A_1315 = arith.constant 0 : i32
      %dma_start3A_1316 = tpu.memref_slice %arg2[%squeeze3A_1311, %dma_start3A_1315] : memref<1000000x64xf32, #tpu.memory_space<hbm>> -> memref<1x64xf32, #tpu.memory_space<hbm>>
      %dma_start3A_1317 = tpu.memref_squeeze %dma_start3A_1316 : memref<1x64xf32, #tpu.memory_space<hbm>> -> memref<64xf32, #tpu.memory_space<hbm>>
      %dma_start3A_1318 = arith.constant 0 : i32
      %dma_start3A_1319 = tpu.memref_slice %arg9[%add3A_1281, %dma_start3A_1318] : memref<256x64xf32, #tpu.memory_space<vmem>> -> memref<1x64xf32, #tpu.memory_space<vmem>>
      %dma_start3A_1320 = tpu.memref_squeeze %dma_start3A_1319 : memref<1x64xf32, #tpu.memory_space<vmem>> -> memref<64xf32, #tpu.memory_space<vmem>>
      %dma_start3A_1321 = arith.constant 0 : i32
      %dma_start3A_1322 = tpu.memref_slice %arg2[%squeeze3A_1311, %dma_start3A_1321] : memref<1000000x64xf32, #tpu.memory_space<hbm>> -> memref<1x64xf32, #tpu.memory_space<hbm>>
      %dma_start3A_1323 = tpu.memref_squeeze %dma_start3A_1322 : memref<1x64xf32, #tpu.memory_space<hbm>> -> memref<64xf32, #tpu.memory_space<hbm>>
      tpu.enqueue_dma source(%dma_start3A_1323 : memref<64xf32, #tpu.memory_space<hbm>>) target(%dma_start3A_1320 : memref<64xf32, #tpu.memory_space<vmem>>) target_semaphore(%arg12 : memref<!tpu.dma_semaphore, #tpu.memory_space<semaphore_mem>>)
      %add3A_1324 = arith.constant 128 : i32
      %add3A_1325 = arith.addi %add3A_1324, %add3A_61 : i32
      %add3A_1326 = arith.constant 11 : i32
      %add3A_1327 = arith.addi %add3A_1325, %add3A_1326 : i32
      %slice3A_1328 = vector.extract_strided_slice %get3A_809 {offsets = [11], sizes = [1], strides = [1]} : vector<16xi32> to vector<1xi32>
      %squeeze3A_1329 = vector.extract %slice3A_1328[0] : i32 from vector<1xi32>
      %dma_start3A_1330 = arith.constant 0 : i32
      %dma_start3A_1331 = tpu.memref_slice %arg7[%add3A_1327, %dma_start3A_1330] : memref<256x64xf32, #tpu.memory_space<vmem>> -> memref<1x64xf32, #tpu.memory_space<vmem>>
      %dma_start3A_1332 = tpu.memref_squeeze %dma_start3A_1331 : memref<1x64xf32, #tpu.memory_space<vmem>> -> memref<64xf32, #tpu.memory_space<vmem>>
      %dma_start3A_1333 = arith.constant 0 : i32
      %dma_start3A_1334 = tpu.memref_slice %arg2[%squeeze3A_1329, %dma_start3A_1333] : memref<1000000x64xf32, #tpu.memory_space<hbm>> -> memref<1x64xf32, #tpu.memory_space<hbm>>
      %dma_start3A_1335 = tpu.memref_squeeze %dma_start3A_1334 : memref<1x64xf32, #tpu.memory_space<hbm>> -> memref<64xf32, #tpu.memory_space<hbm>>
      %dma_start3A_1336 = arith.constant 0 : i32
      %dma_start3A_1337 = tpu.memref_slice %arg7[%add3A_1327, %dma_start3A_1336] : memref<256x64xf32, #tpu.memory_space<vmem>> -> memref<1x64xf32, #tpu.memory_space<vmem>>
      %dma_start3A_1338 = tpu.memref_squeeze %dma_start3A_1337 : memref<1x64xf32, #tpu.memory_space<vmem>> -> memref<64xf32, #tpu.memory_space<vmem>>
      %dma_start3A_1339 = arith.constant 0 : i32
      %dma_start3A_1340 = tpu.memref_slice %arg2[%squeeze3A_1329, %dma_start3A_1339] : memref<1000000x64xf32, #tpu.memory_space<hbm>> -> memref<1x64xf32, #tpu.memory_space<hbm>>
      %dma_start3A_1341 = tpu.memref_squeeze %dma_start3A_1340 : memref<1x64xf32, #tpu.memory_space<hbm>> -> memref<64xf32, #tpu.memory_space<hbm>>
      tpu.enqueue_dma source(%dma_start3A_1341 : memref<64xf32, #tpu.memory_space<hbm>>) target(%dma_start3A_1338 : memref<64xf32, #tpu.memory_space<vmem>>) target_semaphore(%arg12 : memref<!tpu.dma_semaphore, #tpu.memory_space<semaphore_mem>>)
      %slice3A_1342 = vector.extract_strided_slice %get3A_813 {offsets = [11], sizes = [1], strides = [1]} : vector<16xi32> to vector<1xi32>
      %squeeze3A_1343 = vector.extract %slice3A_1342[0] : i32 from vector<1xi32>
      %dma_start3A_1344 = arith.constant 0 : i32
      %dma_start3A_1345 = tpu.memref_slice %arg8[%add3A_1327, %dma_start3A_1344] : memref<256x64xf32, #tpu.memory_space<vmem>> -> memref<1x64xf32, #tpu.memory_space<vmem>>
      %dma_start3A_1346 = tpu.memref_squeeze %dma_start3A_1345 : memref<1x64xf32, #tpu.memory_space<vmem>> -> memref<64xf32, #tpu.memory_space<vmem>>
      %dma_start3A_1347 = arith.constant 0 : i32
      %dma_start3A_1348 = tpu.memref_slice %arg3[%squeeze3A_1343, %dma_start3A_1347] : memref<1000000x64xf32, #tpu.memory_space<hbm>> -> memref<1x64xf32, #tpu.memory_space<hbm>>
      %dma_start3A_1349 = tpu.memref_squeeze %dma_start3A_1348 : memref<1x64xf32, #tpu.memory_space<hbm>> -> memref<64xf32, #tpu.memory_space<hbm>>
      %dma_start3A_1350 = arith.constant 0 : i32
      %dma_start3A_1351 = tpu.memref_slice %arg8[%add3A_1327, %dma_start3A_1350] : memref<256x64xf32, #tpu.memory_space<vmem>> -> memref<1x64xf32, #tpu.memory_space<vmem>>
      %dma_start3A_1352 = tpu.memref_squeeze %dma_start3A_1351 : memref<1x64xf32, #tpu.memory_space<vmem>> -> memref<64xf32, #tpu.memory_space<vmem>>
      %dma_start3A_1353 = arith.constant 0 : i32
      %dma_start3A_1354 = tpu.memref_slice %arg3[%squeeze3A_1343, %dma_start3A_1353] : memref<1000000x64xf32, #tpu.memory_space<hbm>> -> memref<1x64xf32, #tpu.memory_space<hbm>>
      %dma_start3A_1355 = tpu.memref_squeeze %dma_start3A_1354 : memref<1x64xf32, #tpu.memory_space<hbm>> -> memref<64xf32, #tpu.memory_space<hbm>>
      tpu.enqueue_dma source(%dma_start3A_1355 : memref<64xf32, #tpu.memory_space<hbm>>) target(%dma_start3A_1352 : memref<64xf32, #tpu.memory_space<vmem>>) target_semaphore(%arg12 : memref<!tpu.dma_semaphore, #tpu.memory_space<semaphore_mem>>)
      %slice3A_1356 = vector.extract_strided_slice %get3A_817 {offsets = [11], sizes = [1], strides = [1]} : vector<16xi32> to vector<1xi32>
      %squeeze3A_1357 = vector.extract %slice3A_1356[0] : i32 from vector<1xi32>
      %dma_start3A_1358 = arith.constant 0 : i32
      %dma_start3A_1359 = tpu.memref_slice %arg9[%add3A_1327, %dma_start3A_1358] : memref<256x64xf32, #tpu.memory_space<vmem>> -> memref<1x64xf32, #tpu.memory_space<vmem>>
      %dma_start3A_1360 = tpu.memref_squeeze %dma_start3A_1359 : memref<1x64xf32, #tpu.memory_space<vmem>> -> memref<64xf32, #tpu.memory_space<vmem>>
      %dma_start3A_1361 = arith.constant 0 : i32
      %dma_start3A_1362 = tpu.memref_slice %arg2[%squeeze3A_1357, %dma_start3A_1361] : memref<1000000x64xf32, #tpu.memory_space<hbm>> -> memref<1x64xf32, #tpu.memory_space<hbm>>
      %dma_start3A_1363 = tpu.memref_squeeze %dma_start3A_1362 : memref<1x64xf32, #tpu.memory_space<hbm>> -> memref<64xf32, #tpu.memory_space<hbm>>
      %dma_start3A_1364 = arith.constant 0 : i32
      %dma_start3A_1365 = tpu.memref_slice %arg9[%add3A_1327, %dma_start3A_1364] : memref<256x64xf32, #tpu.memory_space<vmem>> -> memref<1x64xf32, #tpu.memory_space<vmem>>
      %dma_start3A_1366 = tpu.memref_squeeze %dma_start3A_1365 : memref<1x64xf32, #tpu.memory_space<vmem>> -> memref<64xf32, #tpu.memory_space<vmem>>
      %dma_start3A_1367 = arith.constant 0 : i32
      %dma_start3A_1368 = tpu.memref_slice %arg2[%squeeze3A_1357, %dma_start3A_1367] : memref<1000000x64xf32, #tpu.memory_space<hbm>> -> memref<1x64xf32, #tpu.memory_space<hbm>>
      %dma_start3A_1369 = tpu.memref_squeeze %dma_start3A_1368 : memref<1x64xf32, #tpu.memory_space<hbm>> -> memref<64xf32, #tpu.memory_space<hbm>>
      tpu.enqueue_dma source(%dma_start3A_1369 : memref<64xf32, #tpu.memory_space<hbm>>) target(%dma_start3A_1366 : memref<64xf32, #tpu.memory_space<vmem>>) target_semaphore(%arg12 : memref<!tpu.dma_semaphore, #tpu.memory_space<semaphore_mem>>)
      %add3A_1370 = arith.constant 128 : i32
      %add3A_1371 = arith.addi %add3A_1370, %add3A_61 : i32
      %add3A_1372 = arith.constant 12 : i32
      %add3A_1373 = arith.addi %add3A_1371, %add3A_1372 : i32
      %slice3A_1374 = vector.extract_strided_slice %get3A_809 {offsets = [12], sizes = [1], strides = [1]} : vector<16xi32> to vector<1xi32>
      %squeeze3A_1375 = vector.extract %slice3A_1374[0] : i32 from vector<1xi32>
      %dma_start3A_1376 = arith.constant 0 : i32
      %dma_start3A_1377 = tpu.memref_slice %arg7[%add3A_1373, %dma_start3A_1376] : memref<256x64xf32, #tpu.memory_space<vmem>> -> memref<1x64xf32, #tpu.memory_space<vmem>>
      %dma_start3A_1378 = tpu.memref_squeeze %dma_start3A_1377 : memref<1x64xf32, #tpu.memory_space<vmem>> -> memref<64xf32, #tpu.memory_space<vmem>>
      %dma_start3A_1379 = arith.constant 0 : i32
      %dma_start3A_1380 = tpu.memref_slice %arg2[%squeeze3A_1375, %dma_start3A_1379] : memref<1000000x64xf32, #tpu.memory_space<hbm>> -> memref<1x64xf32, #tpu.memory_space<hbm>>
      %dma_start3A_1381 = tpu.memref_squeeze %dma_start3A_1380 : memref<1x64xf32, #tpu.memory_space<hbm>> -> memref<64xf32, #tpu.memory_space<hbm>>
      %dma_start3A_1382 = arith.constant 0 : i32
      %dma_start3A_1383 = tpu.memref_slice %arg7[%add3A_1373, %dma_start3A_1382] : memref<256x64xf32, #tpu.memory_space<vmem>> -> memref<1x64xf32, #tpu.memory_space<vmem>>
      %dma_start3A_1384 = tpu.memref_squeeze %dma_start3A_1383 : memref<1x64xf32, #tpu.memory_space<vmem>> -> memref<64xf32, #tpu.memory_space<vmem>>
      %dma_start3A_1385 = arith.constant 0 : i32
      %dma_start3A_1386 = tpu.memref_slice %arg2[%squeeze3A_1375, %dma_start3A_1385] : memref<1000000x64xf32, #tpu.memory_space<hbm>> -> memref<1x64xf32, #tpu.memory_space<hbm>>
      %dma_start3A_1387 = tpu.memref_squeeze %dma_start3A_1386 : memref<1x64xf32, #tpu.memory_space<hbm>> -> memref<64xf32, #tpu.memory_space<hbm>>
      tpu.enqueue_dma source(%dma_start3A_1387 : memref<64xf32, #tpu.memory_space<hbm>>) target(%dma_start3A_1384 : memref<64xf32, #tpu.memory_space<vmem>>) target_semaphore(%arg12 : memref<!tpu.dma_semaphore, #tpu.memory_space<semaphore_mem>>)
      %slice3A_1388 = vector.extract_strided_slice %get3A_813 {offsets = [12], sizes = [1], strides = [1]} : vector<16xi32> to vector<1xi32>
      %squeeze3A_1389 = vector.extract %slice3A_1388[0] : i32 from vector<1xi32>
      %dma_start3A_1390 = arith.constant 0 : i32
      %dma_start3A_1391 = tpu.memref_slice %arg8[%add3A_1373, %dma_start3A_1390] : memref<256x64xf32, #tpu.memory_space<vmem>> -> memref<1x64xf32, #tpu.memory_space<vmem>>
      %dma_start3A_1392 = tpu.memref_squeeze %dma_start3A_1391 : memref<1x64xf32, #tpu.memory_space<vmem>> -> memref<64xf32, #tpu.memory_space<vmem>>
      %dma_start3A_1393 = arith.constant 0 : i32
      %dma_start3A_1394 = tpu.memref_slice %arg3[%squeeze3A_1389, %dma_start3A_1393] : memref<1000000x64xf32, #tpu.memory_space<hbm>> -> memref<1x64xf32, #tpu.memory_space<hbm>>
      %dma_start3A_1395 = tpu.memref_squeeze %dma_start3A_1394 : memref<1x64xf32, #tpu.memory_space<hbm>> -> memref<64xf32, #tpu.memory_space<hbm>>
      %dma_start3A_1396 = arith.constant 0 : i32
      %dma_start3A_1397 = tpu.memref_slice %arg8[%add3A_1373, %dma_start3A_1396] : memref<256x64xf32, #tpu.memory_space<vmem>> -> memref<1x64xf32, #tpu.memory_space<vmem>>
      %dma_start3A_1398 = tpu.memref_squeeze %dma_start3A_1397 : memref<1x64xf32, #tpu.memory_space<vmem>> -> memref<64xf32, #tpu.memory_space<vmem>>
      %dma_start3A_1399 = arith.constant 0 : i32
      %dma_start3A_1400 = tpu.memref_slice %arg3[%squeeze3A_1389, %dma_start3A_1399] : memref<1000000x64xf32, #tpu.memory_space<hbm>> -> memref<1x64xf32, #tpu.memory_space<hbm>>
      %dma_start3A_1401 = tpu.memref_squeeze %dma_start3A_1400 : memref<1x64xf32, #tpu.memory_space<hbm>> -> memref<64xf32, #tpu.memory_space<hbm>>
      tpu.enqueue_dma source(%dma_start3A_1401 : memref<64xf32, #tpu.memory_space<hbm>>) target(%dma_start3A_1398 : memref<64xf32, #tpu.memory_space<vmem>>) target_semaphore(%arg12 : memref<!tpu.dma_semaphore, #tpu.memory_space<semaphore_mem>>)
      %slice3A_1402 = vector.extract_strided_slice %get3A_817 {offsets = [12], sizes = [1], strides = [1]} : vector<16xi32> to vector<1xi32>
      %squeeze3A_1403 = vector.extract %slice3A_1402[0] : i32 from vector<1xi32>
      %dma_start3A_1404 = arith.constant 0 : i32
      %dma_start3A_1405 = tpu.memref_slice %arg9[%add3A_1373, %dma_start3A_1404] : memref<256x64xf32, #tpu.memory_space<vmem>> -> memref<1x64xf32, #tpu.memory_space<vmem>>
      %dma_start3A_1406 = tpu.memref_squeeze %dma_start3A_1405 : memref<1x64xf32, #tpu.memory_space<vmem>> -> memref<64xf32, #tpu.memory_space<vmem>>
      %dma_start3A_1407 = arith.constant 0 : i32
      %dma_start3A_1408 = tpu.memref_slice %arg2[%squeeze3A_1403, %dma_start3A_1407] : memref<1000000x64xf32, #tpu.memory_space<hbm>> -> memref<1x64xf32, #tpu.memory_space<hbm>>
      %dma_start3A_1409 = tpu.memref_squeeze %dma_start3A_1408 : memref<1x64xf32, #tpu.memory_space<hbm>> -> memref<64xf32, #tpu.memory_space<hbm>>
      %dma_start3A_1410 = arith.constant 0 : i32
      %dma_start3A_1411 = tpu.memref_slice %arg9[%add3A_1373, %dma_start3A_1410] : memref<256x64xf32, #tpu.memory_space<vmem>> -> memref<1x64xf32, #tpu.memory_space<vmem>>
      %dma_start3A_1412 = tpu.memref_squeeze %dma_start3A_1411 : memref<1x64xf32, #tpu.memory_space<vmem>> -> memref<64xf32, #tpu.memory_space<vmem>>
      %dma_start3A_1413 = arith.constant 0 : i32
      %dma_start3A_1414 = tpu.memref_slice %arg2[%squeeze3A_1403, %dma_start3A_1413] : memref<1000000x64xf32, #tpu.memory_space<hbm>> -> memref<1x64xf32, #tpu.memory_space<hbm>>
      %dma_start3A_1415 = tpu.memref_squeeze %dma_start3A_1414 : memref<1x64xf32, #tpu.memory_space<hbm>> -> memref<64xf32, #tpu.memory_space<hbm>>
      tpu.enqueue_dma source(%dma_start3A_1415 : memref<64xf32, #tpu.memory_space<hbm>>) target(%dma_start3A_1412 : memref<64xf32, #tpu.memory_space<vmem>>) target_semaphore(%arg12 : memref<!tpu.dma_semaphore, #tpu.memory_space<semaphore_mem>>)
      %add3A_1416 = arith.constant 128 : i32
      %add3A_1417 = arith.addi %add3A_1416, %add3A_61 : i32
      %add3A_1418 = arith.constant 13 : i32
      %add3A_1419 = arith.addi %add3A_1417, %add3A_1418 : i32
      %slice3A_1420 = vector.extract_strided_slice %get3A_809 {offsets = [13], sizes = [1], strides = [1]} : vector<16xi32> to vector<1xi32>
      %squeeze3A_1421 = vector.extract %slice3A_1420[0] : i32 from vector<1xi32>
      %dma_start3A_1422 = arith.constant 0 : i32
      %dma_start3A_1423 = tpu.memref_slice %arg7[%add3A_1419, %dma_start3A_1422] : memref<256x64xf32, #tpu.memory_space<vmem>> -> memref<1x64xf32, #tpu.memory_space<vmem>>
      %dma_start3A_1424 = tpu.memref_squeeze %dma_start3A_1423 : memref<1x64xf32, #tpu.memory_space<vmem>> -> memref<64xf32, #tpu.memory_space<vmem>>
      %dma_start3A_1425 = arith.constant 0 : i32
      %dma_start3A_1426 = tpu.memref_slice %arg2[%squeeze3A_1421, %dma_start3A_1425] : memref<1000000x64xf32, #tpu.memory_space<hbm>> -> memref<1x64xf32, #tpu.memory_space<hbm>>
      %dma_start3A_1427 = tpu.memref_squeeze %dma_start3A_1426 : memref<1x64xf32, #tpu.memory_space<hbm>> -> memref<64xf32, #tpu.memory_space<hbm>>
      %dma_start3A_1428 = arith.constant 0 : i32
      %dma_start3A_1429 = tpu.memref_slice %arg7[%add3A_1419, %dma_start3A_1428] : memref<256x64xf32, #tpu.memory_space<vmem>> -> memref<1x64xf32, #tpu.memory_space<vmem>>
      %dma_start3A_1430 = tpu.memref_squeeze %dma_start3A_1429 : memref<1x64xf32, #tpu.memory_space<vmem>> -> memref<64xf32, #tpu.memory_space<vmem>>
      %dma_start3A_1431 = arith.constant 0 : i32
      %dma_start3A_1432 = tpu.memref_slice %arg2[%squeeze3A_1421, %dma_start3A_1431] : memref<1000000x64xf32, #tpu.memory_space<hbm>> -> memref<1x64xf32, #tpu.memory_space<hbm>>
      %dma_start3A_1433 = tpu.memref_squeeze %dma_start3A_1432 : memref<1x64xf32, #tpu.memory_space<hbm>> -> memref<64xf32, #tpu.memory_space<hbm>>
      tpu.enqueue_dma source(%dma_start3A_1433 : memref<64xf32, #tpu.memory_space<hbm>>) target(%dma_start3A_1430 : memref<64xf32, #tpu.memory_space<vmem>>) target_semaphore(%arg12 : memref<!tpu.dma_semaphore, #tpu.memory_space<semaphore_mem>>)
      %slice3A_1434 = vector.extract_strided_slice %get3A_813 {offsets = [13], sizes = [1], strides = [1]} : vector<16xi32> to vector<1xi32>
      %squeeze3A_1435 = vector.extract %slice3A_1434[0] : i32 from vector<1xi32>
      %dma_start3A_1436 = arith.constant 0 : i32
      %dma_start3A_1437 = tpu.memref_slice %arg8[%add3A_1419, %dma_start3A_1436] : memref<256x64xf32, #tpu.memory_space<vmem>> -> memref<1x64xf32, #tpu.memory_space<vmem>>
      %dma_start3A_1438 = tpu.memref_squeeze %dma_start3A_1437 : memref<1x64xf32, #tpu.memory_space<vmem>> -> memref<64xf32, #tpu.memory_space<vmem>>
      %dma_start3A_1439 = arith.constant 0 : i32
      %dma_start3A_1440 = tpu.memref_slice %arg3[%squeeze3A_1435, %dma_start3A_1439] : memref<1000000x64xf32, #tpu.memory_space<hbm>> -> memref<1x64xf32, #tpu.memory_space<hbm>>
      %dma_start3A_1441 = tpu.memref_squeeze %dma_start3A_1440 : memref<1x64xf32, #tpu.memory_space<hbm>> -> memref<64xf32, #tpu.memory_space<hbm>>
      %dma_start3A_1442 = arith.constant 0 : i32
      %dma_start3A_1443 = tpu.memref_slice %arg8[%add3A_1419, %dma_start3A_1442] : memref<256x64xf32, #tpu.memory_space<vmem>> -> memref<1x64xf32, #tpu.memory_space<vmem>>
      %dma_start3A_1444 = tpu.memref_squeeze %dma_start3A_1443 : memref<1x64xf32, #tpu.memory_space<vmem>> -> memref<64xf32, #tpu.memory_space<vmem>>
      %dma_start3A_1445 = arith.constant 0 : i32
      %dma_start3A_1446 = tpu.memref_slice %arg3[%squeeze3A_1435, %dma_start3A_1445] : memref<1000000x64xf32, #tpu.memory_space<hbm>> -> memref<1x64xf32, #tpu.memory_space<hbm>>
      %dma_start3A_1447 = tpu.memref_squeeze %dma_start3A_1446 : memref<1x64xf32, #tpu.memory_space<hbm>> -> memref<64xf32, #tpu.memory_space<hbm>>
      tpu.enqueue_dma source(%dma_start3A_1447 : memref<64xf32, #tpu.memory_space<hbm>>) target(%dma_start3A_1444 : memref<64xf32, #tpu.memory_space<vmem>>) target_semaphore(%arg12 : memref<!tpu.dma_semaphore, #tpu.memory_space<semaphore_mem>>)
      %slice3A_1448 = vector.extract_strided_slice %get3A_817 {offsets = [13], sizes = [1], strides = [1]} : vector<16xi32> to vector<1xi32>
      %squeeze3A_1449 = vector.extract %slice3A_1448[0] : i32 from vector<1xi32>
      %dma_start3A_1450 = arith.constant 0 : i32
      %dma_start3A_1451 = tpu.memref_slice %arg9[%add3A_1419, %dma_start3A_1450] : memref<256x64xf32, #tpu.memory_space<vmem>> -> memref<1x64xf32, #tpu.memory_space<vmem>>
      %dma_start3A_1452 = tpu.memref_squeeze %dma_start3A_1451 : memref<1x64xf32, #tpu.memory_space<vmem>> -> memref<64xf32, #tpu.memory_space<vmem>>
      %dma_start3A_1453 = arith.constant 0 : i32
      %dma_start3A_1454 = tpu.memref_slice %arg2[%squeeze3A_1449, %dma_start3A_1453] : memref<1000000x64xf32, #tpu.memory_space<hbm>> -> memref<1x64xf32, #tpu.memory_space<hbm>>
      %dma_start3A_1455 = tpu.memref_squeeze %dma_start3A_1454 : memref<1x64xf32, #tpu.memory_space<hbm>> -> memref<64xf32, #tpu.memory_space<hbm>>
      %dma_start3A_1456 = arith.constant 0 : i32
      %dma_start3A_1457 = tpu.memref_slice %arg9[%add3A_1419, %dma_start3A_1456] : memref<256x64xf32, #tpu.memory_space<vmem>> -> memref<1x64xf32, #tpu.memory_space<vmem>>
      %dma_start3A_1458 = tpu.memref_squeeze %dma_start3A_1457 : memref<1x64xf32, #tpu.memory_space<vmem>> -> memref<64xf32, #tpu.memory_space<vmem>>
      %dma_start3A_1459 = arith.constant 0 : i32
      %dma_start3A_1460 = tpu.memref_slice %arg2[%squeeze3A_1449, %dma_start3A_1459] : memref<1000000x64xf32, #tpu.memory_space<hbm>> -> memref<1x64xf32, #tpu.memory_space<hbm>>
      %dma_start3A_1461 = tpu.memref_squeeze %dma_start3A_1460 : memref<1x64xf32, #tpu.memory_space<hbm>> -> memref<64xf32, #tpu.memory_space<hbm>>
      tpu.enqueue_dma source(%dma_start3A_1461 : memref<64xf32, #tpu.memory_space<hbm>>) target(%dma_start3A_1458 : memref<64xf32, #tpu.memory_space<vmem>>) target_semaphore(%arg12 : memref<!tpu.dma_semaphore, #tpu.memory_space<semaphore_mem>>)
      %add3A_1462 = arith.constant 128 : i32
      %add3A_1463 = arith.addi %add3A_1462, %add3A_61 : i32
      %add3A_1464 = arith.constant 14 : i32
      %add3A_1465 = arith.addi %add3A_1463, %add3A_1464 : i32
      %slice3A_1466 = vector.extract_strided_slice %get3A_809 {offsets = [14], sizes = [1], strides = [1]} : vector<16xi32> to vector<1xi32>
      %squeeze3A_1467 = vector.extract %slice3A_1466[0] : i32 from vector<1xi32>
      %dma_start3A_1468 = arith.constant 0 : i32
      %dma_start3A_1469 = tpu.memref_slice %arg7[%add3A_1465, %dma_start3A_1468] : memref<256x64xf32, #tpu.memory_space<vmem>> -> memref<1x64xf32, #tpu.memory_space<vmem>>
      %dma_start3A_1470 = tpu.memref_squeeze %dma_start3A_1469 : memref<1x64xf32, #tpu.memory_space<vmem>> -> memref<64xf32, #tpu.memory_space<vmem>>
      %dma_start3A_1471 = arith.constant 0 : i32
      %dma_start3A_1472 = tpu.memref_slice %arg2[%squeeze3A_1467, %dma_start3A_1471] : memref<1000000x64xf32, #tpu.memory_space<hbm>> -> memref<1x64xf32, #tpu.memory_space<hbm>>
      %dma_start3A_1473 = tpu.memref_squeeze %dma_start3A_1472 : memref<1x64xf32, #tpu.memory_space<hbm>> -> memref<64xf32, #tpu.memory_space<hbm>>
      %dma_start3A_1474 = arith.constant 0 : i32
      %dma_start3A_1475 = tpu.memref_slice %arg7[%add3A_1465, %dma_start3A_1474] : memref<256x64xf32, #tpu.memory_space<vmem>> -> memref<1x64xf32, #tpu.memory_space<vmem>>
      %dma_start3A_1476 = tpu.memref_squeeze %dma_start3A_1475 : memref<1x64xf32, #tpu.memory_space<vmem>> -> memref<64xf32, #tpu.memory_space<vmem>>
      %dma_start3A_1477 = arith.constant 0 : i32
      %dma_start3A_1478 = tpu.memref_slice %arg2[%squeeze3A_1467, %dma_start3A_1477] : memref<1000000x64xf32, #tpu.memory_space<hbm>> -> memref<1x64xf32, #tpu.memory_space<hbm>>
      %dma_start3A_1479 = tpu.memref_squeeze %dma_start3A_1478 : memref<1x64xf32, #tpu.memory_space<hbm>> -> memref<64xf32, #tpu.memory_space<hbm>>
      tpu.enqueue_dma source(%dma_start3A_1479 : memref<64xf32, #tpu.memory_space<hbm>>) target(%dma_start3A_1476 : memref<64xf32, #tpu.memory_space<vmem>>) target_semaphore(%arg12 : memref<!tpu.dma_semaphore, #tpu.memory_space<semaphore_mem>>)
      %slice3A_1480 = vector.extract_strided_slice %get3A_813 {offsets = [14], sizes = [1], strides = [1]} : vector<16xi32> to vector<1xi32>
      %squeeze3A_1481 = vector.extract %slice3A_1480[0] : i32 from vector<1xi32>
      %dma_start3A_1482 = arith.constant 0 : i32
      %dma_start3A_1483 = tpu.memref_slice %arg8[%add3A_1465, %dma_start3A_1482] : memref<256x64xf32, #tpu.memory_space<vmem>> -> memref<1x64xf32, #tpu.memory_space<vmem>>
      %dma_start3A_1484 = tpu.memref_squeeze %dma_start3A_1483 : memref<1x64xf32, #tpu.memory_space<vmem>> -> memref<64xf32, #tpu.memory_space<vmem>>
      %dma_start3A_1485 = arith.constant 0 : i32
      %dma_start3A_1486 = tpu.memref_slice %arg3[%squeeze3A_1481, %dma_start3A_1485] : memref<1000000x64xf32, #tpu.memory_space<hbm>> -> memref<1x64xf32, #tpu.memory_space<hbm>>
      %dma_start3A_1487 = tpu.memref_squeeze %dma_start3A_1486 : memref<1x64xf32, #tpu.memory_space<hbm>> -> memref<64xf32, #tpu.memory_space<hbm>>
      %dma_start3A_1488 = arith.constant 0 : i32
      %dma_start3A_1489 = tpu.memref_slice %arg8[%add3A_1465, %dma_start3A_1488] : memref<256x64xf32, #tpu.memory_space<vmem>> -> memref<1x64xf32, #tpu.memory_space<vmem>>
      %dma_start3A_1490 = tpu.memref_squeeze %dma_start3A_1489 : memref<1x64xf32, #tpu.memory_space<vmem>> -> memref<64xf32, #tpu.memory_space<vmem>>
      %dma_start3A_1491 = arith.constant 0 : i32
      %dma_start3A_1492 = tpu.memref_slice %arg3[%squeeze3A_1481, %dma_start3A_1491] : memref<1000000x64xf32, #tpu.memory_space<hbm>> -> memref<1x64xf32, #tpu.memory_space<hbm>>
      %dma_start3A_1493 = tpu.memref_squeeze %dma_start3A_1492 : memref<1x64xf32, #tpu.memory_space<hbm>> -> memref<64xf32, #tpu.memory_space<hbm>>
      tpu.enqueue_dma source(%dma_start3A_1493 : memref<64xf32, #tpu.memory_space<hbm>>) target(%dma_start3A_1490 : memref<64xf32, #tpu.memory_space<vmem>>) target_semaphore(%arg12 : memref<!tpu.dma_semaphore, #tpu.memory_space<semaphore_mem>>)
      %slice3A_1494 = vector.extract_strided_slice %get3A_817 {offsets = [14], sizes = [1], strides = [1]} : vector<16xi32> to vector<1xi32>
      %squeeze3A_1495 = vector.extract %slice3A_1494[0] : i32 from vector<1xi32>
      %dma_start3A_1496 = arith.constant 0 : i32
      %dma_start3A_1497 = tpu.memref_slice %arg9[%add3A_1465, %dma_start3A_1496] : memref<256x64xf32, #tpu.memory_space<vmem>> -> memref<1x64xf32, #tpu.memory_space<vmem>>
      %dma_start3A_1498 = tpu.memref_squeeze %dma_start3A_1497 : memref<1x64xf32, #tpu.memory_space<vmem>> -> memref<64xf32, #tpu.memory_space<vmem>>
      %dma_start3A_1499 = arith.constant 0 : i32
      %dma_start3A_1500 = tpu.memref_slice %arg2[%squeeze3A_1495, %dma_start3A_1499] : memref<1000000x64xf32, #tpu.memory_space<hbm>> -> memref<1x64xf32, #tpu.memory_space<hbm>>
      %dma_start3A_1501 = tpu.memref_squeeze %dma_start3A_1500 : memref<1x64xf32, #tpu.memory_space<hbm>> -> memref<64xf32, #tpu.memory_space<hbm>>
      %dma_start3A_1502 = arith.constant 0 : i32
      %dma_start3A_1503 = tpu.memref_slice %arg9[%add3A_1465, %dma_start3A_1502] : memref<256x64xf32, #tpu.memory_space<vmem>> -> memref<1x64xf32, #tpu.memory_space<vmem>>
      %dma_start3A_1504 = tpu.memref_squeeze %dma_start3A_1503 : memref<1x64xf32, #tpu.memory_space<vmem>> -> memref<64xf32, #tpu.memory_space<vmem>>
      %dma_start3A_1505 = arith.constant 0 : i32
      %dma_start3A_1506 = tpu.memref_slice %arg2[%squeeze3A_1495, %dma_start3A_1505] : memref<1000000x64xf32, #tpu.memory_space<hbm>> -> memref<1x64xf32, #tpu.memory_space<hbm>>
      %dma_start3A_1507 = tpu.memref_squeeze %dma_start3A_1506 : memref<1x64xf32, #tpu.memory_space<hbm>> -> memref<64xf32, #tpu.memory_space<hbm>>
      tpu.enqueue_dma source(%dma_start3A_1507 : memref<64xf32, #tpu.memory_space<hbm>>) target(%dma_start3A_1504 : memref<64xf32, #tpu.memory_space<vmem>>) target_semaphore(%arg12 : memref<!tpu.dma_semaphore, #tpu.memory_space<semaphore_mem>>)
      %add3A_1508 = arith.constant 128 : i32
      %add3A_1509 = arith.addi %add3A_1508, %add3A_61 : i32
      %add3A_1510 = arith.constant 15 : i32
      %add3A_1511 = arith.addi %add3A_1509, %add3A_1510 : i32
      %slice3A_1512 = vector.extract_strided_slice %get3A_809 {offsets = [15], sizes = [1], strides = [1]} : vector<16xi32> to vector<1xi32>
      %squeeze3A_1513 = vector.extract %slice3A_1512[0] : i32 from vector<1xi32>
      %dma_start3A_1514 = arith.constant 0 : i32
      %dma_start3A_1515 = tpu.memref_slice %arg7[%add3A_1511, %dma_start3A_1514] : memref<256x64xf32, #tpu.memory_space<vmem>> -> memref<1x64xf32, #tpu.memory_space<vmem>>
      %dma_start3A_1516 = tpu.memref_squeeze %dma_start3A_1515 : memref<1x64xf32, #tpu.memory_space<vmem>> -> memref<64xf32, #tpu.memory_space<vmem>>
      %dma_start3A_1517 = arith.constant 0 : i32
      %dma_start3A_1518 = tpu.memref_slice %arg2[%squeeze3A_1513, %dma_start3A_1517] : memref<1000000x64xf32, #tpu.memory_space<hbm>> -> memref<1x64xf32, #tpu.memory_space<hbm>>
      %dma_start3A_1519 = tpu.memref_squeeze %dma_start3A_1518 : memref<1x64xf32, #tpu.memory_space<hbm>> -> memref<64xf32, #tpu.memory_space<hbm>>
      %dma_start3A_1520 = arith.constant 0 : i32
      %dma_start3A_1521 = tpu.memref_slice %arg7[%add3A_1511, %dma_start3A_1520] : memref<256x64xf32, #tpu.memory_space<vmem>> -> memref<1x64xf32, #tpu.memory_space<vmem>>
      %dma_start3A_1522 = tpu.memref_squeeze %dma_start3A_1521 : memref<1x64xf32, #tpu.memory_space<vmem>> -> memref<64xf32, #tpu.memory_space<vmem>>
      %dma_start3A_1523 = arith.constant 0 : i32
      %dma_start3A_1524 = tpu.memref_slice %arg2[%squeeze3A_1513, %dma_start3A_1523] : memref<1000000x64xf32, #tpu.memory_space<hbm>> -> memref<1x64xf32, #tpu.memory_space<hbm>>
      %dma_start3A_1525 = tpu.memref_squeeze %dma_start3A_1524 : memref<1x64xf32, #tpu.memory_space<hbm>> -> memref<64xf32, #tpu.memory_space<hbm>>
      tpu.enqueue_dma source(%dma_start3A_1525 : memref<64xf32, #tpu.memory_space<hbm>>) target(%dma_start3A_1522 : memref<64xf32, #tpu.memory_space<vmem>>) target_semaphore(%arg12 : memref<!tpu.dma_semaphore, #tpu.memory_space<semaphore_mem>>)
      %slice3A_1526 = vector.extract_strided_slice %get3A_813 {offsets = [15], sizes = [1], strides = [1]} : vector<16xi32> to vector<1xi32>
      %squeeze3A_1527 = vector.extract %slice3A_1526[0] : i32 from vector<1xi32>
      %dma_start3A_1528 = arith.constant 0 : i32
      %dma_start3A_1529 = tpu.memref_slice %arg8[%add3A_1511, %dma_start3A_1528] : memref<256x64xf32, #tpu.memory_space<vmem>> -> memref<1x64xf32, #tpu.memory_space<vmem>>
      %dma_start3A_1530 = tpu.memref_squeeze %dma_start3A_1529 : memref<1x64xf32, #tpu.memory_space<vmem>> -> memref<64xf32, #tpu.memory_space<vmem>>
      %dma_start3A_1531 = arith.constant 0 : i32
      %dma_start3A_1532 = tpu.memref_slice %arg3[%squeeze3A_1527, %dma_start3A_1531] : memref<1000000x64xf32, #tpu.memory_space<hbm>> -> memref<1x64xf32, #tpu.memory_space<hbm>>
      %dma_start3A_1533 = tpu.memref_squeeze %dma_start3A_1532 : memref<1x64xf32, #tpu.memory_space<hbm>> -> memref<64xf32, #tpu.memory_space<hbm>>
      %dma_start3A_1534 = arith.constant 0 : i32
      %dma_start3A_1535 = tpu.memref_slice %arg8[%add3A_1511, %dma_start3A_1534] : memref<256x64xf32, #tpu.memory_space<vmem>> -> memref<1x64xf32, #tpu.memory_space<vmem>>
      %dma_start3A_1536 = tpu.memref_squeeze %dma_start3A_1535 : memref<1x64xf32, #tpu.memory_space<vmem>> -> memref<64xf32, #tpu.memory_space<vmem>>
      %dma_start3A_1537 = arith.constant 0 : i32
      %dma_start3A_1538 = tpu.memref_slice %arg3[%squeeze3A_1527, %dma_start3A_1537] : memref<1000000x64xf32, #tpu.memory_space<hbm>> -> memref<1x64xf32, #tpu.memory_space<hbm>>
      %dma_start3A_1539 = tpu.memref_squeeze %dma_start3A_1538 : memref<1x64xf32, #tpu.memory_space<hbm>> -> memref<64xf32, #tpu.memory_space<hbm>>
      tpu.enqueue_dma source(%dma_start3A_1539 : memref<64xf32, #tpu.memory_space<hbm>>) target(%dma_start3A_1536 : memref<64xf32, #tpu.memory_space<vmem>>) target_semaphore(%arg12 : memref<!tpu.dma_semaphore, #tpu.memory_space<semaphore_mem>>)
      %slice3A_1540 = vector.extract_strided_slice %get3A_817 {offsets = [15], sizes = [1], strides = [1]} : vector<16xi32> to vector<1xi32>
      %squeeze3A_1541 = vector.extract %slice3A_1540[0] : i32 from vector<1xi32>
      %dma_start3A_1542 = arith.constant 0 : i32
      %dma_start3A_1543 = tpu.memref_slice %arg9[%add3A_1511, %dma_start3A_1542] : memref<256x64xf32, #tpu.memory_space<vmem>> -> memref<1x64xf32, #tpu.memory_space<vmem>>
      %dma_start3A_1544 = tpu.memref_squeeze %dma_start3A_1543 : memref<1x64xf32, #tpu.memory_space<vmem>> -> memref<64xf32, #tpu.memory_space<vmem>>
      %dma_start3A_1545 = arith.constant 0 : i32
      %dma_start3A_1546 = tpu.memref_slice %arg2[%squeeze3A_1541, %dma_start3A_1545] : memref<1000000x64xf32, #tpu.memory_space<hbm>> -> memref<1x64xf32, #tpu.memory_space<hbm>>
      %dma_start3A_1547 = tpu.memref_squeeze %dma_start3A_1546 : memref<1x64xf32, #tpu.memory_space<hbm>> -> memref<64xf32, #tpu.memory_space<hbm>>
      %dma_start3A_1548 = arith.constant 0 : i32
      %dma_start3A_1549 = tpu.memref_slice %arg9[%add3A_1511, %dma_start3A_1548] : memref<256x64xf32, #tpu.memory_space<vmem>> -> memref<1x64xf32, #tpu.memory_space<vmem>>
      %dma_start3A_1550 = tpu.memref_squeeze %dma_start3A_1549 : memref<1x64xf32, #tpu.memory_space<vmem>> -> memref<64xf32, #tpu.memory_space<vmem>>
      %dma_start3A_1551 = arith.constant 0 : i32
      %dma_start3A_1552 = tpu.memref_slice %arg2[%squeeze3A_1541, %dma_start3A_1551] : memref<1000000x64xf32, #tpu.memory_space<hbm>> -> memref<1x64xf32, #tpu.memory_space<hbm>>
      %dma_start3A_1553 = tpu.memref_squeeze %dma_start3A_1552 : memref<1x64xf32, #tpu.memory_space<hbm>> -> memref<64xf32, #tpu.memory_space<hbm>>
      tpu.enqueue_dma source(%dma_start3A_1553 : memref<64xf32, #tpu.memory_space<hbm>>) target(%dma_start3A_1550 : memref<64xf32, #tpu.memory_space<vmem>>) target_semaphore(%arg12 : memref<!tpu.dma_semaphore, #tpu.memory_space<semaphore_mem>>)
    }
    %scan3A_4 = arith.constant 8 : i32
    %dma_wait3A = arith.constant 0 : i32
    %dma_wait3A_5 = arith.constant 0 : i32
    %dma_wait3A_6 = tpu.memref_slice %arg2[%dma_wait3A, %dma_wait3A_5] : memref<1000000x64xf32, #tpu.memory_space<hbm>> -> memref<256x64xf32, #tpu.memory_space<hbm>>
    %dma_wait3A_7 = arith.constant 0 : i32
    %dma_wait3A_8 = arith.constant 0 : i32
    %dma_wait3A_9 = tpu.memref_slice %arg2[%dma_wait3A_7, %dma_wait3A_8] : memref<1000000x64xf32, #tpu.memory_space<hbm>> -> memref<256x64xf32, #tpu.memory_space<hbm>>
    tpu.wait_dma2 semaphore(%arg12 : memref<!tpu.dma_semaphore, #tpu.memory_space<semaphore_mem>>) src(%dma_wait3A_9 : memref<256x64xf32, #tpu.memory_space<hbm>>) dst(%arg7 : memref<256x64xf32, #tpu.memory_space<vmem>>)
    %dma_wait3A_10 = arith.constant 0 : i32
    %dma_wait3A_11 = arith.constant 0 : i32
    %dma_wait3A_12 = tpu.memref_slice %arg3[%dma_wait3A_10, %dma_wait3A_11] : memref<1000000x64xf32, #tpu.memory_space<hbm>> -> memref<256x64xf32, #tpu.memory_space<hbm>>
    %dma_wait3A_13 = arith.constant 0 : i32
    %dma_wait3A_14 = arith.constant 0 : i32
    %dma_wait3A_15 = tpu.memref_slice %arg3[%dma_wait3A_13, %dma_wait3A_14] : memref<1000000x64xf32, #tpu.memory_space<hbm>> -> memref<256x64xf32, #tpu.memory_space<hbm>>
    tpu.wait_dma2 semaphore(%arg12 : memref<!tpu.dma_semaphore, #tpu.memory_space<semaphore_mem>>) src(%dma_wait3A_15 : memref<256x64xf32, #tpu.memory_space<hbm>>) dst(%arg8 : memref<256x64xf32, #tpu.memory_space<vmem>>)
    %dma_wait3A_16 = arith.constant 0 : i32
    %dma_wait3A_17 = arith.constant 0 : i32
    %dma_wait3A_18 = tpu.memref_slice %arg2[%dma_wait3A_16, %dma_wait3A_17] : memref<1000000x64xf32, #tpu.memory_space<hbm>> -> memref<256x64xf32, #tpu.memory_space<hbm>>
    %dma_wait3A_19 = arith.constant 0 : i32
    %dma_wait3A_20 = arith.constant 0 : i32
    %dma_wait3A_21 = tpu.memref_slice %arg2[%dma_wait3A_19, %dma_wait3A_20] : memref<1000000x64xf32, #tpu.memory_space<hbm>> -> memref<256x64xf32, #tpu.memory_space<hbm>>
    tpu.wait_dma2 semaphore(%arg12 : memref<!tpu.dma_semaphore, #tpu.memory_space<semaphore_mem>>) src(%dma_wait3A_21 : memref<256x64xf32, #tpu.memory_space<hbm>>) dst(%arg9 : memref<256x64xf32, #tpu.memory_space<vmem>>)
    %scan3A_22 = arith.constant 0 : i32
    %scan3A_23 = arith.constant 16 : i32
    %scan3A_24 = arith.addi %scan3A_22, %scan3A_23 : i32
    %scan3A_25 = arith.constant 1 : i32
    scf.for %scan3A_57 = %scan3A_22 to %scan3A_24 step %scan3A_25  : i32 {
      %mul3A_58 = arith.constant 16 : i32
      %mul3A_59 = arith.muli %scan3A_57, %mul3A_58 : i32
      %add3A_60 = arith.constant 0 : i32
      %add3A_61 = arith.addi %add3A_60, %mul3A_59 : i32
      %scan3A_62 = arith.constant 0 : i32
      %scan3A_63 = arith.constant 16 : i32
      %scan3A_64 = arith.addi %scan3A_62, %scan3A_63 : i32
      %scan3A_65 = arith.constant 1 : i32
      scf.for %scan3A_133 = %scan3A_62 to %scan3A_64 step %scan3A_65  : i32 {
        %mul3A_134 = arith.constant 1 : i32
        %mul3A_135 = arith.muli %scan3A_133, %mul3A_134 : i32
        %add3A_136 = arith.constant 0 : i32
        %add3A_137 = arith.addi %add3A_136, %mul3A_135 : i32
        %add3A_138 = arith.addi %add3A_61, %add3A_137 : i32
        %get3A = arith.index_cast %add3A_138 : i32 to index
        %get3A_139 = arith.constant 0 : index
        %get3A_140 = tpu.vector_load %arg7[%get3A, %get3A_139] {strides = array<i32>} : memref<256x64xf32, #tpu.memory_space<vmem>>, vector<16xf32>,
        %get3A_141 = arith.index_cast %add3A_138 : i32 to index
        %get3A_142 = arith.constant 0 : index
        %get3A_143 = tpu.vector_load %arg8[%get3A_141, %get3A_142] {strides = array<i32>} : memref<256x64xf32, #tpu.memory_space<vmem>>, vector<16xf32>,
        %add3A_144 = arith.addf %get3A_140, %get3A_143 : vector<16xf32>
        %get3A_145 = arith.index_cast %add3A_138 : i32 to index
        %get3A_146 = arith.constant 0 : index
        %get3A_147 = tpu.vector_load %arg9[%get3A_145, %get3A_146] {strides = array<i32>} : memref<256x64xf32, #tpu.memory_space<vmem>>, vector<16xf32>,
        %sub3A_148 = arith.subf %add3A_144, %get3A_147 : vector<16xf32>
        %abs3A = math.absf %sub3A_148 : vector<16xf32>
        %get3A_149 = arith.index_cast %add3A_138 : i32 to index
        %get3A_150 = arith.constant 16 : index
        %get3A_151 = tpu.vector_load %arg7[%get3A_149, %get3A_150] {strides = array<i32>} : memref<256x64xf32, #tpu.memory_space<vmem>>, vector<16xf32>,
        %get3A_152 = arith.index_cast %add3A_138 : i32 to index
        %get3A_153 = arith.constant 16 : index
        %get3A_154 = tpu.vector_load %arg8[%get3A_152, %get3A_153] {strides = array<i32>} : memref<256x64xf32, #tpu.memory_space<vmem>>, vector<16xf32>,
        %add3A_155 = arith.addf %get3A_151, %get3A_154 : vector<16xf32>
        %get3A_156 = arith.index_cast %add3A_138 : i32 to index
        %get3A_157 = arith.constant 16 : index
        %get3A_158 = tpu.vector_load %arg9[%get3A_156, %get3A_157] {strides = array<i32>} : memref<256x64xf32, #tpu.memory_space<vmem>>, vector<16xf32>,
        %sub3A_159 = arith.subf %add3A_155, %get3A_158 : vector<16xf32>
        %abs3A_160 = math.absf %sub3A_159 : vector<16xf32>
        %add3A_161 = arith.addf %abs3A, %abs3A_160 : vector<16xf32>
        %get3A_162 = arith.index_cast %add3A_138 : i32 to index
        %get3A_163 = arith.constant 32 : index
        %get3A_164 = tpu.vector_load %arg7[%get3A_162, %get3A_163] {strides = array<i32>} : memref<256x64xf32, #tpu.memory_space<vmem>>, vector<16xf32>,
        %get3A_165 = arith.index_cast %add3A_138 : i32 to index
        %get3A_166 = arith.constant 32 : index
        %get3A_167 = tpu.vector_load %arg8[%get3A_165, %get3A_166] {strides = array<i32>} : memref<256x64xf32, #tpu.memory_space<vmem>>, vector<16xf32>,
        %add3A_168 = arith.addf %get3A_164, %get3A_167 : vector<16xf32>
        %get3A_169 = arith.index_cast %add3A_138 : i32 to index
        %get3A_170 = arith.constant 32 : index
        %get3A_171 = tpu.vector_load %arg9[%get3A_169, %get3A_170] {strides = array<i32>} : memref<256x64xf32, #tpu.memory_space<vmem>>, vector<16xf32>,
        %sub3A_172 = arith.subf %add3A_168, %get3A_171 : vector<16xf32>
        %abs3A_173 = math.absf %sub3A_172 : vector<16xf32>
        %add3A_174 = arith.addf %add3A_161, %abs3A_173 : vector<16xf32>
        %get3A_175 = arith.index_cast %add3A_138 : i32 to index
        %get3A_176 = arith.constant 48 : index
        %get3A_177 = tpu.vector_load %arg7[%get3A_175, %get3A_176] {strides = array<i32>} : memref<256x64xf32, #tpu.memory_space<vmem>>, vector<16xf32>,
        %get3A_178 = arith.index_cast %add3A_138 : i32 to index
        %get3A_179 = arith.constant 48 : index
        %get3A_180 = tpu.vector_load %arg8[%get3A_178, %get3A_179] {strides = array<i32>} : memref<256x64xf32, #tpu.memory_space<vmem>>, vector<16xf32>,
        %add3A_181 = arith.addf %get3A_177, %get3A_180 : vector<16xf32>
        %get3A_182 = arith.index_cast %add3A_138 : i32 to index
        %get3A_183 = arith.constant 48 : index
        %get3A_184 = tpu.vector_load %arg9[%get3A_182, %get3A_183] {strides = array<i32>} : memref<256x64xf32, #tpu.memory_space<vmem>>, vector<16xf32>,
        %sub3A_185 = arith.subf %add3A_181, %get3A_184 : vector<16xf32>
        %abs3A_186 = math.absf %sub3A_185 : vector<16xf32>
        %add3A_187 = arith.addf %add3A_174, %abs3A_186 : vector<16xf32>
        %swap3A_188 = arith.index_cast %add3A_137 : i32 to index
        %swap3A_189 = arith.constant 0 : index
        %swap3A_190 = tpu.vector_load %arg10[%swap3A_188, %swap3A_189] {strides = array<i32>} : memref<16x16xf32, #tpu.memory_space<vmem>>, vector<16xf32>,
        tpu.vector_store %arg10[%swap3A_188, %swap3A_189], %add3A_187 {strides = array<i32>} : memref<16x16xf32, #tpu.memory_space<vmem>>, vector<16xf32>,
      }
      %scan3A_66 = arith.constant 16 : i32
      %broadcast_in_dim3A = arith.constant 0 : i32
      %broadcast_in_dim3A_67 = vector.broadcast %broadcast_in_dim3A : i32 to vector<16xi32>
      %gather3A = tpu.vector_load_idx %arg10[%iota3A, %broadcast_in_dim3A_67] : memref<16x16xf32, #tpu.memory_space<vmem>>[vector<16xi32>, vector<16xi32>], vector<16xf32>,
      %broadcast_in_dim3A_68 = arith.constant 1 : i32
      %broadcast_in_dim3A_69 = vector.broadcast %broadcast_in_dim3A_68 : i32 to vector<16xi32>
      %gather3A_70 = tpu.vector_load_idx %arg10[%iota3A, %broadcast_in_dim3A_69] : memref<16x16xf32, #tpu.memory_space<vmem>>[vector<16xi32>, vector<16xi32>], vector<16xf32>,
      %add3A_71 = arith.addf %gather3A, %gather3A_70 : vector<16xf32>
      %broadcast_in_dim3A_72 = arith.constant 2 : i32
      %broadcast_in_dim3A_73 = vector.broadcast %broadcast_in_dim3A_72 : i32 to vector<16xi32>
      %gather3A_74 = tpu.vector_load_idx %arg10[%iota3A, %broadcast_in_dim3A_73] : memref<16x16xf32, #tpu.memory_space<vmem>>[vector<16xi32>, vector<16xi32>], vector<16xf32>,
      %add3A_75 = arith.addf %add3A_71, %gather3A_74 : vector<16xf32>
      %broadcast_in_dim3A_76 = arith.constant 3 : i32
      %broadcast_in_dim3A_77 = vector.broadcast %broadcast_in_dim3A_76 : i32 to vector<16xi32>
      %gather3A_78 = tpu.vector_load_idx %arg10[%iota3A, %broadcast_in_dim3A_77] : memref<16x16xf32, #tpu.memory_space<vmem>>[vector<16xi32>, vector<16xi32>], vector<16xf32>,
      %add3A_79 = arith.addf %add3A_75, %gather3A_78 : vector<16xf32>
      %broadcast_in_dim3A_80 = arith.constant 4 : i32
      %broadcast_in_dim3A_81 = vector.broadcast %broadcast_in_dim3A_80 : i32 to vector<16xi32>
      %gather3A_82 = tpu.vector_load_idx %arg10[%iota3A, %broadcast_in_dim3A_81] : memref<16x16xf32, #tpu.memory_space<vmem>>[vector<16xi32>, vector<16xi32>], vector<16xf32>,
      %add3A_83 = arith.addf %add3A_79, %gather3A_82 : vector<16xf32>
      %broadcast_in_dim3A_84 = arith.constant 5 : i32
      %broadcast_in_dim3A_85 = vector.broadcast %broadcast_in_dim3A_84 : i32 to vector<16xi32>
      %gather3A_86 = tpu.vector_load_idx %arg10[%iota3A, %broadcast_in_dim3A_85] : memref<16x16xf32, #tpu.memory_space<vmem>>[vector<16xi32>, vector<16xi32>], vector<16xf32>,
      %add3A_87 = arith.addf %add3A_83, %gather3A_86 : vector<16xf32>
      %broadcast_in_dim3A_88 = arith.constant 6 : i32
      %broadcast_in_dim3A_89 = vector.broadcast %broadcast_in_dim3A_88 : i32 to vector<16xi32>
      %gather3A_90 = tpu.vector_load_idx %arg10[%iota3A, %broadcast_in_dim3A_89] : memref<16x16xf32, #tpu.memory_space<vmem>>[vector<16xi32>, vector<16xi32>], vector<16xf32>,
      %add3A_91 = arith.addf %add3A_87, %gather3A_90 : vector<16xf32>
      %broadcast_in_dim3A_92 = arith.constant 7 : i32
      %broadcast_in_dim3A_93 = vector.broadcast %broadcast_in_dim3A_92 : i32 to vector<16xi32>
      %gather3A_94 = tpu.vector_load_idx %arg10[%iota3A, %broadcast_in_dim3A_93] : memref<16x16xf32, #tpu.memory_space<vmem>>[vector<16xi32>, vector<16xi32>], vector<16xf32>,
      %add3A_95 = arith.addf %add3A_91, %gather3A_94 : vector<16xf32>
      %broadcast_in_dim3A_96 = arith.constant 8 : i32
      %broadcast_in_dim3A_97 = vector.broadcast %broadcast_in_dim3A_96 : i32 to vector<16xi32>
      %gather3A_98 = tpu.vector_load_idx %arg10[%iota3A, %broadcast_in_dim3A_97] : memref<16x16xf32, #tpu.memory_space<vmem>>[vector<16xi32>, vector<16xi32>], vector<16xf32>,
      %add3A_99 = arith.addf %add3A_95, %gather3A_98 : vector<16xf32>
      %broadcast_in_dim3A_100 = arith.constant 9 : i32
      %broadcast_in_dim3A_101 = vector.broadcast %broadcast_in_dim3A_100 : i32 to vector<16xi32>
      %gather3A_102 = tpu.vector_load_idx %arg10[%iota3A, %broadcast_in_dim3A_101] : memref<16x16xf32, #tpu.memory_space<vmem>>[vector<16xi32>, vector<16xi32>], vector<16xf32>,
      %add3A_103 = arith.addf %add3A_99, %gather3A_102 : vector<16xf32>
      %broadcast_in_dim3A_104 = arith.constant 10 : i32
      %broadcast_in_dim3A_105 = vector.broadcast %broadcast_in_dim3A_104 : i32 to vector<16xi32>
      %gather3A_106 = tpu.vector_load_idx %arg10[%iota3A, %broadcast_in_dim3A_105] : memref<16x16xf32, #tpu.memory_space<vmem>>[vector<16xi32>, vector<16xi32>], vector<16xf32>,
      %add3A_107 = arith.addf %add3A_103, %gather3A_106 : vector<16xf32>
      %broadcast_in_dim3A_108 = arith.constant 11 : i32
      %broadcast_in_dim3A_109 = vector.broadcast %broadcast_in_dim3A_108 : i32 to vector<16xi32>
      %gather3A_110 = tpu.vector_load_idx %arg10[%iota3A, %broadcast_in_dim3A_109] : memref<16x16xf32, #tpu.memory_space<vmem>>[vector<16xi32>, vector<16xi32>], vector<16xf32>,
      %add3A_111 = arith.addf %add3A_107, %gather3A_110 : vector<16xf32>
      %broadcast_in_dim3A_112 = arith.constant 12 : i32
      %broadcast_in_dim3A_113 = vector.broadcast %broadcast_in_dim3A_112 : i32 to vector<16xi32>
      %gather3A_114 = tpu.vector_load_idx %arg10[%iota3A, %broadcast_in_dim3A_113] : memref<16x16xf32, #tpu.memory_space<vmem>>[vector<16xi32>, vector<16xi32>], vector<16xf32>,
      %add3A_115 = arith.addf %add3A_111, %gather3A_114 : vector<16xf32>
      %broadcast_in_dim3A_116 = arith.constant 13 : i32
      %broadcast_in_dim3A_117 = vector.broadcast %broadcast_in_dim3A_116 : i32 to vector<16xi32>
      %gather3A_118 = tpu.vector_load_idx %arg10[%iota3A, %broadcast_in_dim3A_117] : memref<16x16xf32, #tpu.memory_space<vmem>>[vector<16xi32>, vector<16xi32>], vector<16xf32>,
      %add3A_119 = arith.addf %add3A_115, %gather3A_118 : vector<16xf32>
      %broadcast_in_dim3A_120 = arith.constant 14 : i32
      %broadcast_in_dim3A_121 = vector.broadcast %broadcast_in_dim3A_120 : i32 to vector<16xi32>
      %gather3A_122 = tpu.vector_load_idx %arg10[%iota3A, %broadcast_in_dim3A_121] : memref<16x16xf32, #tpu.memory_space<vmem>>[vector<16xi32>, vector<16xi32>], vector<16xf32>,
      %add3A_123 = arith.addf %add3A_119, %gather3A_122 : vector<16xf32>
      %broadcast_in_dim3A_124 = arith.constant 15 : i32
      %broadcast_in_dim3A_125 = vector.broadcast %broadcast_in_dim3A_124 : i32 to vector<16xi32>
      %gather3A_126 = tpu.vector_load_idx %arg10[%iota3A, %broadcast_in_dim3A_125] : memref<16x16xf32, #tpu.memory_space<vmem>>[vector<16xi32>, vector<16xi32>], vector<16xf32>,
      %add3A_127 = arith.addf %add3A_123, %gather3A_126 : vector<16xf32>
      %sub3A = arith.constant 1.200000e+01 : f32
      %sub3A_128 = vector.broadcast %sub3A : f32 to vector<16xf32>
      %sub3A_129 = arith.subf %sub3A_128, %add3A_127 : vector<16xf32>
      %add3A_130 = arith.constant 0 : i32
      %add3A_131 = arith.addi %add3A_130, %add3A_61 : i32
      %swap3A = arith.index_cast %add3A_131 : i32 to index
      %swap3A_132 = tpu.vector_load %arg11[%swap3A] {strides = array<i32>} : memref<512xf32, #tpu.memory_space<vmem>>, vector<16xf32>,
      tpu.vector_store %arg11[%swap3A], %sub3A_129 {strides = array<i32>} : memref<512xf32, #tpu.memory_space<vmem>>, vector<16xf32>,
    }
    %scan3A_26 = arith.constant 16 : i32
    %scan3A_27 = arith.constant 0 : i32
    %scan3A_28 = arith.constant 8 : i32
    %scan3A_29 = arith.addi %scan3A_27, %scan3A_28 : i32
    %scan3A_30 = arith.constant 1 : i32
    scf.for %scan3A_57 = %scan3A_27 to %scan3A_29 step %scan3A_30  : i32 {
      %mul3A_58 = arith.constant 16 : i32
      %mul3A_59 = arith.muli %scan3A_57, %mul3A_58 : i32
      %add3A_60 = arith.constant 0 : i32
      %add3A_61 = arith.addi %add3A_60, %mul3A_59 : i32
      %get3A = arith.constant 2 : i32
      %get3A_62 = arith.index_cast %get3A : i32 to index
      %get3A_63 = arith.index_cast %add3A_61 : i32 to index
      %get3A_64 = tpu.vector_load %arg6[%get3A_62, %get3A_63] {strides = array<i32>} : memref<16x128xi32, #tpu.memory_space<vmem>>, vector<16xi32>,
      %get3A_65 = arith.constant 6 : i32
      %get3A_66 = arith.index_cast %get3A_65 : i32 to index
      %get3A_67 = arith.index_cast %add3A_61 : i32 to index
      %get3A_68 = tpu.vector_load %arg6[%get3A_66, %get3A_67] {strides = array<i32>} : memref<16x128xi32, #tpu.memory_space<vmem>>, vector<16xi32>,
      %get3A_69 = arith.constant 10 : i32
      %get3A_70 = arith.index_cast %get3A_69 : i32 to index
      %get3A_71 = arith.index_cast %add3A_61 : i32 to index
      %get3A_72 = tpu.vector_load %arg6[%get3A_70, %get3A_71] {strides = array<i32>} : memref<16x128xi32, #tpu.memory_space<vmem>>, vector<16xi32>,
      %add3A_73 = arith.constant 0 : i32
      %add3A_74 = arith.addi %add3A_73, %add3A_61 : i32
      %add3A_75 = arith.constant 0 : i32
      %add3A_76 = arith.addi %add3A_74, %add3A_75 : i32
      %slice3A = vector.extract_strided_slice %get3A_64 {offsets = [0], sizes = [1], strides = [1]} : vector<16xi32> to vector<1xi32>
      %squeeze3A = vector.extract %slice3A[0] : i32 from vector<1xi32>
      %dma_start3A = arith.constant 0 : i32
      %dma_start3A_77 = tpu.memref_slice %arg7[%add3A_76, %dma_start3A] : memref<256x64xf32, #tpu.memory_space<vmem>> -> memref<1x64xf32, #tpu.memory_space<vmem>>
      %dma_start3A_78 = tpu.memref_squeeze %dma_start3A_77 : memref<1x64xf32, #tpu.memory_space<vmem>> -> memref<64xf32, #tpu.memory_space<vmem>>
      %dma_start3A_79 = arith.constant 0 : i32
      %dma_start3A_80 = tpu.memref_slice %arg2[%squeeze3A, %dma_start3A_79] : memref<1000000x64xf32, #tpu.memory_space<hbm>> -> memref<1x64xf32, #tpu.memory_space<hbm>>
      %dma_start3A_81 = tpu.memref_squeeze %dma_start3A_80 : memref<1x64xf32, #tpu.memory_space<hbm>> -> memref<64xf32, #tpu.memory_space<hbm>>
      %dma_start3A_82 = arith.constant 0 : i32
      %dma_start3A_83 = tpu.memref_slice %arg7[%add3A_76, %dma_start3A_82] : memref<256x64xf32, #tpu.memory_space<vmem>> -> memref<1x64xf32, #tpu.memory_space<vmem>>
      %dma_start3A_84 = tpu.memref_squeeze %dma_start3A_83 : memref<1x64xf32, #tpu.memory_space<vmem>> -> memref<64xf32, #tpu.memory_space<vmem>>
      %dma_start3A_85 = arith.constant 0 : i32
      %dma_start3A_86 = tpu.memref_slice %arg2[%squeeze3A, %dma_start3A_85] : memref<1000000x64xf32, #tpu.memory_space<hbm>> -> memref<1x64xf32, #tpu.memory_space<hbm>>
      %dma_start3A_87 = tpu.memref_squeeze %dma_start3A_86 : memref<1x64xf32, #tpu.memory_space<hbm>> -> memref<64xf32, #tpu.memory_space<hbm>>
      tpu.enqueue_dma source(%dma_start3A_87 : memref<64xf32, #tpu.memory_space<hbm>>) target(%dma_start3A_84 : memref<64xf32, #tpu.memory_space<vmem>>) target_semaphore(%arg12 : memref<!tpu.dma_semaphore, #tpu.memory_space<semaphore_mem>>)
      %slice3A_88 = vector.extract_strided_slice %get3A_68 {offsets = [0], sizes = [1], strides = [1]} : vector<16xi32> to vector<1xi32>
      %squeeze3A_89 = vector.extract %slice3A_88[0] : i32 from vector<1xi32>
      %dma_start3A_90 = arith.constant 0 : i32
      %dma_start3A_91 = tpu.memref_slice %arg8[%add3A_76, %dma_start3A_90] : memref<256x64xf32, #tpu.memory_space<vmem>> -> memref<1x64xf32, #tpu.memory_space<vmem>>
      %dma_start3A_92 = tpu.memref_squeeze %dma_start3A_91 : memref<1x64xf32, #tpu.memory_space<vmem>> -> memref<64xf32, #tpu.memory_space<vmem>>
      %dma_start3A_93 = arith.constant 0 : i32
      %dma_start3A_94 = tpu.memref_slice %arg3[%squeeze3A_89, %dma_start3A_93] : memref<1000000x64xf32, #tpu.memory_space<hbm>> -> memref<1x64xf32, #tpu.memory_space<hbm>>
      %dma_start3A_95 = tpu.memref_squeeze %dma_start3A_94 : memref<1x64xf32, #tpu.memory_space<hbm>> -> memref<64xf32, #tpu.memory_space<hbm>>
      %dma_start3A_96 = arith.constant 0 : i32
      %dma_start3A_97 = tpu.memref_slice %arg8[%add3A_76, %dma_start3A_96] : memref<256x64xf32, #tpu.memory_space<vmem>> -> memref<1x64xf32, #tpu.memory_space<vmem>>
      %dma_start3A_98 = tpu.memref_squeeze %dma_start3A_97 : memref<1x64xf32, #tpu.memory_space<vmem>> -> memref<64xf32, #tpu.memory_space<vmem>>
      %dma_start3A_99 = arith.constant 0 : i32
      %dma_start3A_100 = tpu.memref_slice %arg3[%squeeze3A_89, %dma_start3A_99] : memref<1000000x64xf32, #tpu.memory_space<hbm>> -> memref<1x64xf32, #tpu.memory_space<hbm>>
      %dma_start3A_101 = tpu.memref_squeeze %dma_start3A_100 : memref<1x64xf32, #tpu.memory_space<hbm>> -> memref<64xf32, #tpu.memory_space<hbm>>
      tpu.enqueue_dma source(%dma_start3A_101 : memref<64xf32, #tpu.memory_space<hbm>>) target(%dma_start3A_98 : memref<64xf32, #tpu.memory_space<vmem>>) target_semaphore(%arg12 : memref<!tpu.dma_semaphore, #tpu.memory_space<semaphore_mem>>)
      %slice3A_102 = vector.extract_strided_slice %get3A_72 {offsets = [0], sizes = [1], strides = [1]} : vector<16xi32> to vector<1xi32>
      %squeeze3A_103 = vector.extract %slice3A_102[0] : i32 from vector<1xi32>
      %dma_start3A_104 = arith.constant 0 : i32
      %dma_start3A_105 = tpu.memref_slice %arg9[%add3A_76, %dma_start3A_104] : memref<256x64xf32, #tpu.memory_space<vmem>> -> memref<1x64xf32, #tpu.memory_space<vmem>>
      %dma_start3A_106 = tpu.memref_squeeze %dma_start3A_105 : memref<1x64xf32, #tpu.memory_space<vmem>> -> memref<64xf32, #tpu.memory_space<vmem>>
      %dma_start3A_107 = arith.constant 0 : i32
      %dma_start3A_108 = tpu.memref_slice %arg2[%squeeze3A_103, %dma_start3A_107] : memref<1000000x64xf32, #tpu.memory_space<hbm>> -> memref<1x64xf32, #tpu.memory_space<hbm>>
      %dma_start3A_109 = tpu.memref_squeeze %dma_start3A_108 : memref<1x64xf32, #tpu.memory_space<hbm>> -> memref<64xf32, #tpu.memory_space<hbm>>
      %dma_start3A_110 = arith.constant 0 : i32
      %dma_start3A_111 = tpu.memref_slice %arg9[%add3A_76, %dma_start3A_110] : memref<256x64xf32, #tpu.memory_space<vmem>> -> memref<1x64xf32, #tpu.memory_space<vmem>>
      %dma_start3A_112 = tpu.memref_squeeze %dma_start3A_111 : memref<1x64xf32, #tpu.memory_space<vmem>> -> memref<64xf32, #tpu.memory_space<vmem>>
      %dma_start3A_113 = arith.constant 0 : i32
      %dma_start3A_114 = tpu.memref_slice %arg2[%squeeze3A_103, %dma_start3A_113] : memref<1000000x64xf32, #tpu.memory_space<hbm>> -> memref<1x64xf32, #tpu.memory_space<hbm>>
      %dma_start3A_115 = tpu.memref_squeeze %dma_start3A_114 : memref<1x64xf32, #tpu.memory_space<hbm>> -> memref<64xf32, #tpu.memory_space<hbm>>
      tpu.enqueue_dma source(%dma_start3A_115 : memref<64xf32, #tpu.memory_space<hbm>>) target(%dma_start3A_112 : memref<64xf32, #tpu.memory_space<vmem>>) target_semaphore(%arg12 : memref<!tpu.dma_semaphore, #tpu.memory_space<semaphore_mem>>)
      %add3A_116 = arith.constant 0 : i32
      %add3A_117 = arith.addi %add3A_116, %add3A_61 : i32
      %add3A_118 = arith.constant 1 : i32
      %add3A_119 = arith.addi %add3A_117, %add3A_118 : i32
      %slice3A_120 = vector.extract_strided_slice %get3A_64 {offsets = [1], sizes = [1], strides = [1]} : vector<16xi32> to vector<1xi32>
      %squeeze3A_121 = vector.extract %slice3A_120[0] : i32 from vector<1xi32>
      %dma_start3A_122 = arith.constant 0 : i32
      %dma_start3A_123 = tpu.memref_slice %arg7[%add3A_119, %dma_start3A_122] : memref<256x64xf32, #tpu.memory_space<vmem>> -> memref<1x64xf32, #tpu.memory_space<vmem>>
      %dma_start3A_124 = tpu.memref_squeeze %dma_start3A_123 : memref<1x64xf32, #tpu.memory_space<vmem>> -> memref<64xf32, #tpu.memory_space<vmem>>
      %dma_start3A_125 = arith.constant 0 : i32
      %dma_start3A_126 = tpu.memref_slice %arg2[%squeeze3A_121, %dma_start3A_125] : memref<1000000x64xf32, #tpu.memory_space<hbm>> -> memref<1x64xf32, #tpu.memory_space<hbm>>
      %dma_start3A_127 = tpu.memref_squeeze %dma_start3A_126 : memref<1x64xf32, #tpu.memory_space<hbm>> -> memref<64xf32, #tpu.memory_space<hbm>>
      %dma_start3A_128 = arith.constant 0 : i32
      %dma_start3A_129 = tpu.memref_slice %arg7[%add3A_119, %dma_start3A_128] : memref<256x64xf32, #tpu.memory_space<vmem>> -> memref<1x64xf32, #tpu.memory_space<vmem>>
      %dma_start3A_130 = tpu.memref_squeeze %dma_start3A_129 : memref<1x64xf32, #tpu.memory_space<vmem>> -> memref<64xf32, #tpu.memory_space<vmem>>
      %dma_start3A_131 = arith.constant 0 : i32
      %dma_start3A_132 = tpu.memref_slice %arg2[%squeeze3A_121, %dma_start3A_131] : memref<1000000x64xf32, #tpu.memory_space<hbm>> -> memref<1x64xf32, #tpu.memory_space<hbm>>
      %dma_start3A_133 = tpu.memref_squeeze %dma_start3A_132 : memref<1x64xf32, #tpu.memory_space<hbm>> -> memref<64xf32, #tpu.memory_space<hbm>>
      tpu.enqueue_dma source(%dma_start3A_133 : memref<64xf32, #tpu.memory_space<hbm>>) target(%dma_start3A_130 : memref<64xf32, #tpu.memory_space<vmem>>) target_semaphore(%arg12 : memref<!tpu.dma_semaphore, #tpu.memory_space<semaphore_mem>>)
      %slice3A_134 = vector.extract_strided_slice %get3A_68 {offsets = [1], sizes = [1], strides = [1]} : vector<16xi32> to vector<1xi32>
      %squeeze3A_135 = vector.extract %slice3A_134[0] : i32 from vector<1xi32>
      %dma_start3A_136 = arith.constant 0 : i32
      %dma_start3A_137 = tpu.memref_slice %arg8[%add3A_119, %dma_start3A_136] : memref<256x64xf32, #tpu.memory_space<vmem>> -> memref<1x64xf32, #tpu.memory_space<vmem>>
      %dma_start3A_138 = tpu.memref_squeeze %dma_start3A_137 : memref<1x64xf32, #tpu.memory_space<vmem>> -> memref<64xf32, #tpu.memory_space<vmem>>
      %dma_start3A_139 = arith.constant 0 : i32
      %dma_start3A_140 = tpu.memref_slice %arg3[%squeeze3A_135, %dma_start3A_139] : memref<1000000x64xf32, #tpu.memory_space<hbm>> -> memref<1x64xf32, #tpu.memory_space<hbm>>
      %dma_start3A_141 = tpu.memref_squeeze %dma_start3A_140 : memref<1x64xf32, #tpu.memory_space<hbm>> -> memref<64xf32, #tpu.memory_space<hbm>>
      %dma_start3A_142 = arith.constant 0 : i32
      %dma_start3A_143 = tpu.memref_slice %arg8[%add3A_119, %dma_start3A_142] : memref<256x64xf32, #tpu.memory_space<vmem>> -> memref<1x64xf32, #tpu.memory_space<vmem>>
      %dma_start3A_144 = tpu.memref_squeeze %dma_start3A_143 : memref<1x64xf32, #tpu.memory_space<vmem>> -> memref<64xf32, #tpu.memory_space<vmem>>
      %dma_start3A_145 = arith.constant 0 : i32
      %dma_start3A_146 = tpu.memref_slice %arg3[%squeeze3A_135, %dma_start3A_145] : memref<1000000x64xf32, #tpu.memory_space<hbm>> -> memref<1x64xf32, #tpu.memory_space<hbm>>
      %dma_start3A_147 = tpu.memref_squeeze %dma_start3A_146 : memref<1x64xf32, #tpu.memory_space<hbm>> -> memref<64xf32, #tpu.memory_space<hbm>>
      tpu.enqueue_dma source(%dma_start3A_147 : memref<64xf32, #tpu.memory_space<hbm>>) target(%dma_start3A_144 : memref<64xf32, #tpu.memory_space<vmem>>) target_semaphore(%arg12 : memref<!tpu.dma_semaphore, #tpu.memory_space<semaphore_mem>>)
      %slice3A_148 = vector.extract_strided_slice %get3A_72 {offsets = [1], sizes = [1], strides = [1]} : vector<16xi32> to vector<1xi32>
      %squeeze3A_149 = vector.extract %slice3A_148[0] : i32 from vector<1xi32>
      %dma_start3A_150 = arith.constant 0 : i32
      %dma_start3A_151 = tpu.memref_slice %arg9[%add3A_119, %dma_start3A_150] : memref<256x64xf32, #tpu.memory_space<vmem>> -> memref<1x64xf32, #tpu.memory_space<vmem>>
      %dma_start3A_152 = tpu.memref_squeeze %dma_start3A_151 : memref<1x64xf32, #tpu.memory_space<vmem>> -> memref<64xf32, #tpu.memory_space<vmem>>
      %dma_start3A_153 = arith.constant 0 : i32
      %dma_start3A_154 = tpu.memref_slice %arg2[%squeeze3A_149, %dma_start3A_153] : memref<1000000x64xf32, #tpu.memory_space<hbm>> -> memref<1x64xf32, #tpu.memory_space<hbm>>
      %dma_start3A_155 = tpu.memref_squeeze %dma_start3A_154 : memref<1x64xf32, #tpu.memory_space<hbm>> -> memref<64xf32, #tpu.memory_space<hbm>>
      %dma_start3A_156 = arith.constant 0 : i32
      %dma_start3A_157 = tpu.memref_slice %arg9[%add3A_119, %dma_start3A_156] : memref<256x64xf32, #tpu.memory_space<vmem>> -> memref<1x64xf32, #tpu.memory_space<vmem>>
      %dma_start3A_158 = tpu.memref_squeeze %dma_start3A_157 : memref<1x64xf32, #tpu.memory_space<vmem>> -> memref<64xf32, #tpu.memory_space<vmem>>
      %dma_start3A_159 = arith.constant 0 : i32
      %dma_start3A_160 = tpu.memref_slice %arg2[%squeeze3A_149, %dma_start3A_159] : memref<1000000x64xf32, #tpu.memory_space<hbm>> -> memref<1x64xf32, #tpu.memory_space<hbm>>
      %dma_start3A_161 = tpu.memref_squeeze %dma_start3A_160 : memref<1x64xf32, #tpu.memory_space<hbm>> -> memref<64xf32, #tpu.memory_space<hbm>>
      tpu.enqueue_dma source(%dma_start3A_161 : memref<64xf32, #tpu.memory_space<hbm>>) target(%dma_start3A_158 : memref<64xf32, #tpu.memory_space<vmem>>) target_semaphore(%arg12 : memref<!tpu.dma_semaphore, #tpu.memory_space<semaphore_mem>>)
      %add3A_162 = arith.constant 0 : i32
      %add3A_163 = arith.addi %add3A_162, %add3A_61 : i32
      %add3A_164 = arith.constant 2 : i32
      %add3A_165 = arith.addi %add3A_163, %add3A_164 : i32
      %slice3A_166 = vector.extract_strided_slice %get3A_64 {offsets = [2], sizes = [1], strides = [1]} : vector<16xi32> to vector<1xi32>
      %squeeze3A_167 = vector.extract %slice3A_166[0] : i32 from vector<1xi32>
      %dma_start3A_168 = arith.constant 0 : i32
      %dma_start3A_169 = tpu.memref_slice %arg7[%add3A_165, %dma_start3A_168] : memref<256x64xf32, #tpu.memory_space<vmem>> -> memref<1x64xf32, #tpu.memory_space<vmem>>
      %dma_start3A_170 = tpu.memref_squeeze %dma_start3A_169 : memref<1x64xf32, #tpu.memory_space<vmem>> -> memref<64xf32, #tpu.memory_space<vmem>>
      %dma_start3A_171 = arith.constant 0 : i32
      %dma_start3A_172 = tpu.memref_slice %arg2[%squeeze3A_167, %dma_start3A_171] : memref<1000000x64xf32, #tpu.memory_space<hbm>> -> memref<1x64xf32, #tpu.memory_space<hbm>>
      %dma_start3A_173 = tpu.memref_squeeze %dma_start3A_172 : memref<1x64xf32, #tpu.memory_space<hbm>> -> memref<64xf32, #tpu.memory_space<hbm>>
      %dma_start3A_174 = arith.constant 0 : i32
      %dma_start3A_175 = tpu.memref_slice %arg7[%add3A_165, %dma_start3A_174] : memref<256x64xf32, #tpu.memory_space<vmem>> -> memref<1x64xf32, #tpu.memory_space<vmem>>
      %dma_start3A_176 = tpu.memref_squeeze %dma_start3A_175 : memref<1x64xf32, #tpu.memory_space<vmem>> -> memref<64xf32, #tpu.memory_space<vmem>>
      %dma_start3A_177 = arith.constant 0 : i32
      %dma_start3A_178 = tpu.memref_slice %arg2[%squeeze3A_167, %dma_start3A_177] : memref<1000000x64xf32, #tpu.memory_space<hbm>> -> memref<1x64xf32, #tpu.memory_space<hbm>>
      %dma_start3A_179 = tpu.memref_squeeze %dma_start3A_178 : memref<1x64xf32, #tpu.memory_space<hbm>> -> memref<64xf32, #tpu.memory_space<hbm>>
      tpu.enqueue_dma source(%dma_start3A_179 : memref<64xf32, #tpu.memory_space<hbm>>) target(%dma_start3A_176 : memref<64xf32, #tpu.memory_space<vmem>>) target_semaphore(%arg12 : memref<!tpu.dma_semaphore, #tpu.memory_space<semaphore_mem>>)
      %slice3A_180 = vector.extract_strided_slice %get3A_68 {offsets = [2], sizes = [1], strides = [1]} : vector<16xi32> to vector<1xi32>
      %squeeze3A_181 = vector.extract %slice3A_180[0] : i32 from vector<1xi32>
      %dma_start3A_182 = arith.constant 0 : i32
      %dma_start3A_183 = tpu.memref_slice %arg8[%add3A_165, %dma_start3A_182] : memref<256x64xf32, #tpu.memory_space<vmem>> -> memref<1x64xf32, #tpu.memory_space<vmem>>
      %dma_start3A_184 = tpu.memref_squeeze %dma_start3A_183 : memref<1x64xf32, #tpu.memory_space<vmem>> -> memref<64xf32, #tpu.memory_space<vmem>>
      %dma_start3A_185 = arith.constant 0 : i32
      %dma_start3A_186 = tpu.memref_slice %arg3[%squeeze3A_181, %dma_start3A_185] : memref<1000000x64xf32, #tpu.memory_space<hbm>> -> memref<1x64xf32, #tpu.memory_space<hbm>>
      %dma_start3A_187 = tpu.memref_squeeze %dma_start3A_186 : memref<1x64xf32, #tpu.memory_space<hbm>> -> memref<64xf32, #tpu.memory_space<hbm>>
      %dma_start3A_188 = arith.constant 0 : i32
      %dma_start3A_189 = tpu.memref_slice %arg8[%add3A_165, %dma_start3A_188] : memref<256x64xf32, #tpu.memory_space<vmem>> -> memref<1x64xf32, #tpu.memory_space<vmem>>
      %dma_start3A_190 = tpu.memref_squeeze %dma_start3A_189 : memref<1x64xf32, #tpu.memory_space<vmem>> -> memref<64xf32, #tpu.memory_space<vmem>>
      %dma_start3A_191 = arith.constant 0 : i32
      %dma_start3A_192 = tpu.memref_slice %arg3[%squeeze3A_181, %dma_start3A_191] : memref<1000000x64xf32, #tpu.memory_space<hbm>> -> memref<1x64xf32, #tpu.memory_space<hbm>>
      %dma_start3A_193 = tpu.memref_squeeze %dma_start3A_192 : memref<1x64xf32, #tpu.memory_space<hbm>> -> memref<64xf32, #tpu.memory_space<hbm>>
      tpu.enqueue_dma source(%dma_start3A_193 : memref<64xf32, #tpu.memory_space<hbm>>) target(%dma_start3A_190 : memref<64xf32, #tpu.memory_space<vmem>>) target_semaphore(%arg12 : memref<!tpu.dma_semaphore, #tpu.memory_space<semaphore_mem>>)
      %slice3A_194 = vector.extract_strided_slice %get3A_72 {offsets = [2], sizes = [1], strides = [1]} : vector<16xi32> to vector<1xi32>
      %squeeze3A_195 = vector.extract %slice3A_194[0] : i32 from vector<1xi32>
      %dma_start3A_196 = arith.constant 0 : i32
      %dma_start3A_197 = tpu.memref_slice %arg9[%add3A_165, %dma_start3A_196] : memref<256x64xf32, #tpu.memory_space<vmem>> -> memref<1x64xf32, #tpu.memory_space<vmem>>
      %dma_start3A_198 = tpu.memref_squeeze %dma_start3A_197 : memref<1x64xf32, #tpu.memory_space<vmem>> -> memref<64xf32, #tpu.memory_space<vmem>>
      %dma_start3A_199 = arith.constant 0 : i32
      %dma_start3A_200 = tpu.memref_slice %arg2[%squeeze3A_195, %dma_start3A_199] : memref<1000000x64xf32, #tpu.memory_space<hbm>> -> memref<1x64xf32, #tpu.memory_space<hbm>>
      %dma_start3A_201 = tpu.memref_squeeze %dma_start3A_200 : memref<1x64xf32, #tpu.memory_space<hbm>> -> memref<64xf32, #tpu.memory_space<hbm>>
      %dma_start3A_202 = arith.constant 0 : i32
      %dma_start3A_203 = tpu.memref_slice %arg9[%add3A_165, %dma_start3A_202] : memref<256x64xf32, #tpu.memory_space<vmem>> -> memref<1x64xf32, #tpu.memory_space<vmem>>
      %dma_start3A_204 = tpu.memref_squeeze %dma_start3A_203 : memref<1x64xf32, #tpu.memory_space<vmem>> -> memref<64xf32, #tpu.memory_space<vmem>>
      %dma_start3A_205 = arith.constant 0 : i32
      %dma_start3A_206 = tpu.memref_slice %arg2[%squeeze3A_195, %dma_start3A_205] : memref<1000000x64xf32, #tpu.memory_space<hbm>> -> memref<1x64xf32, #tpu.memory_space<hbm>>
      %dma_start3A_207 = tpu.memref_squeeze %dma_start3A_206 : memref<1x64xf32, #tpu.memory_space<hbm>> -> memref<64xf32, #tpu.memory_space<hbm>>
      tpu.enqueue_dma source(%dma_start3A_207 : memref<64xf32, #tpu.memory_space<hbm>>) target(%dma_start3A_204 : memref<64xf32, #tpu.memory_space<vmem>>) target_semaphore(%arg12 : memref<!tpu.dma_semaphore, #tpu.memory_space<semaphore_mem>>)
      %add3A_208 = arith.constant 0 : i32
      %add3A_209 = arith.addi %add3A_208, %add3A_61 : i32
      %add3A_210 = arith.constant 3 : i32
      %add3A_211 = arith.addi %add3A_209, %add3A_210 : i32
      %slice3A_212 = vector.extract_strided_slice %get3A_64 {offsets = [3], sizes = [1], strides = [1]} : vector<16xi32> to vector<1xi32>
      %squeeze3A_213 = vector.extract %slice3A_212[0] : i32 from vector<1xi32>
      %dma_start3A_214 = arith.constant 0 : i32
      %dma_start3A_215 = tpu.memref_slice %arg7[%add3A_211, %dma_start3A_214] : memref<256x64xf32, #tpu.memory_space<vmem>> -> memref<1x64xf32, #tpu.memory_space<vmem>>
      %dma_start3A_216 = tpu.memref_squeeze %dma_start3A_215 : memref<1x64xf32, #tpu.memory_space<vmem>> -> memref<64xf32, #tpu.memory_space<vmem>>
      %dma_start3A_217 = arith.constant 0 : i32
      %dma_start3A_218 = tpu.memref_slice %arg2[%squeeze3A_213, %dma_start3A_217] : memref<1000000x64xf32, #tpu.memory_space<hbm>> -> memref<1x64xf32, #tpu.memory_space<hbm>>
      %dma_start3A_219 = tpu.memref_squeeze %dma_start3A_218 : memref<1x64xf32, #tpu.memory_space<hbm>> -> memref<64xf32, #tpu.memory_space<hbm>>
      %dma_start3A_220 = arith.constant 0 : i32
      %dma_start3A_221 = tpu.memref_slice %arg7[%add3A_211, %dma_start3A_220] : memref<256x64xf32, #tpu.memory_space<vmem>> -> memref<1x64xf32, #tpu.memory_space<vmem>>
      %dma_start3A_222 = tpu.memref_squeeze %dma_start3A_221 : memref<1x64xf32, #tpu.memory_space<vmem>> -> memref<64xf32, #tpu.memory_space<vmem>>
      %dma_start3A_223 = arith.constant 0 : i32
      %dma_start3A_224 = tpu.memref_slice %arg2[%squeeze3A_213, %dma_start3A_223] : memref<1000000x64xf32, #tpu.memory_space<hbm>> -> memref<1x64xf32, #tpu.memory_space<hbm>>
      %dma_start3A_225 = tpu.memref_squeeze %dma_start3A_224 : memref<1x64xf32, #tpu.memory_space<hbm>> -> memref<64xf32, #tpu.memory_space<hbm>>
      tpu.enqueue_dma source(%dma_start3A_225 : memref<64xf32, #tpu.memory_space<hbm>>) target(%dma_start3A_222 : memref<64xf32, #tpu.memory_space<vmem>>) target_semaphore(%arg12 : memref<!tpu.dma_semaphore, #tpu.memory_space<semaphore_mem>>)
      %slice3A_226 = vector.extract_strided_slice %get3A_68 {offsets = [3], sizes = [1], strides = [1]} : vector<16xi32> to vector<1xi32>
      %squeeze3A_227 = vector.extract %slice3A_226[0] : i32 from vector<1xi32>
      %dma_start3A_228 = arith.constant 0 : i32
      %dma_start3A_229 = tpu.memref_slice %arg8[%add3A_211, %dma_start3A_228] : memref<256x64xf32, #tpu.memory_space<vmem>> -> memref<1x64xf32, #tpu.memory_space<vmem>>
      %dma_start3A_230 = tpu.memref_squeeze %dma_start3A_229 : memref<1x64xf32, #tpu.memory_space<vmem>> -> memref<64xf32, #tpu.memory_space<vmem>>
      %dma_start3A_231 = arith.constant 0 : i32
      %dma_start3A_232 = tpu.memref_slice %arg3[%squeeze3A_227, %dma_start3A_231] : memref<1000000x64xf32, #tpu.memory_space<hbm>> -> memref<1x64xf32, #tpu.memory_space<hbm>>
      %dma_start3A_233 = tpu.memref_squeeze %dma_start3A_232 : memref<1x64xf32, #tpu.memory_space<hbm>> -> memref<64xf32, #tpu.memory_space<hbm>>
      %dma_start3A_234 = arith.constant 0 : i32
      %dma_start3A_235 = tpu.memref_slice %arg8[%add3A_211, %dma_start3A_234] : memref<256x64xf32, #tpu.memory_space<vmem>> -> memref<1x64xf32, #tpu.memory_space<vmem>>
      %dma_start3A_236 = tpu.memref_squeeze %dma_start3A_235 : memref<1x64xf32, #tpu.memory_space<vmem>> -> memref<64xf32, #tpu.memory_space<vmem>>
      %dma_start3A_237 = arith.constant 0 : i32
      %dma_start3A_238 = tpu.memref_slice %arg3[%squeeze3A_227, %dma_start3A_237] : memref<1000000x64xf32, #tpu.memory_space<hbm>> -> memref<1x64xf32, #tpu.memory_space<hbm>>
      %dma_start3A_239 = tpu.memref_squeeze %dma_start3A_238 : memref<1x64xf32, #tpu.memory_space<hbm>> -> memref<64xf32, #tpu.memory_space<hbm>>
      tpu.enqueue_dma source(%dma_start3A_239 : memref<64xf32, #tpu.memory_space<hbm>>) target(%dma_start3A_236 : memref<64xf32, #tpu.memory_space<vmem>>) target_semaphore(%arg12 : memref<!tpu.dma_semaphore, #tpu.memory_space<semaphore_mem>>)
      %slice3A_240 = vector.extract_strided_slice %get3A_72 {offsets = [3], sizes = [1], strides = [1]} : vector<16xi32> to vector<1xi32>
      %squeeze3A_241 = vector.extract %slice3A_240[0] : i32 from vector<1xi32>
      %dma_start3A_242 = arith.constant 0 : i32
      %dma_start3A_243 = tpu.memref_slice %arg9[%add3A_211, %dma_start3A_242] : memref<256x64xf32, #tpu.memory_space<vmem>> -> memref<1x64xf32, #tpu.memory_space<vmem>>
      %dma_start3A_244 = tpu.memref_squeeze %dma_start3A_243 : memref<1x64xf32, #tpu.memory_space<vmem>> -> memref<64xf32, #tpu.memory_space<vmem>>
      %dma_start3A_245 = arith.constant 0 : i32
      %dma_start3A_246 = tpu.memref_slice %arg2[%squeeze3A_241, %dma_start3A_245] : memref<1000000x64xf32, #tpu.memory_space<hbm>> -> memref<1x64xf32, #tpu.memory_space<hbm>>
      %dma_start3A_247 = tpu.memref_squeeze %dma_start3A_246 : memref<1x64xf32, #tpu.memory_space<hbm>> -> memref<64xf32, #tpu.memory_space<hbm>>
      %dma_start3A_248 = arith.constant 0 : i32
      %dma_start3A_249 = tpu.memref_slice %arg9[%add3A_211, %dma_start3A_248] : memref<256x64xf32, #tpu.memory_space<vmem>> -> memref<1x64xf32, #tpu.memory_space<vmem>>
      %dma_start3A_250 = tpu.memref_squeeze %dma_start3A_249 : memref<1x64xf32, #tpu.memory_space<vmem>> -> memref<64xf32, #tpu.memory_space<vmem>>
      %dma_start3A_251 = arith.constant 0 : i32
      %dma_start3A_252 = tpu.memref_slice %arg2[%squeeze3A_241, %dma_start3A_251] : memref<1000000x64xf32, #tpu.memory_space<hbm>> -> memref<1x64xf32, #tpu.memory_space<hbm>>
      %dma_start3A_253 = tpu.memref_squeeze %dma_start3A_252 : memref<1x64xf32, #tpu.memory_space<hbm>> -> memref<64xf32, #tpu.memory_space<hbm>>
      tpu.enqueue_dma source(%dma_start3A_253 : memref<64xf32, #tpu.memory_space<hbm>>) target(%dma_start3A_250 : memref<64xf32, #tpu.memory_space<vmem>>) target_semaphore(%arg12 : memref<!tpu.dma_semaphore, #tpu.memory_space<semaphore_mem>>)
      %add3A_254 = arith.constant 0 : i32
      %add3A_255 = arith.addi %add3A_254, %add3A_61 : i32
      %add3A_256 = arith.constant 4 : i32
      %add3A_257 = arith.addi %add3A_255, %add3A_256 : i32
      %slice3A_258 = vector.extract_strided_slice %get3A_64 {offsets = [4], sizes = [1], strides = [1]} : vector<16xi32> to vector<1xi32>
      %squeeze3A_259 = vector.extract %slice3A_258[0] : i32 from vector<1xi32>
      %dma_start3A_260 = arith.constant 0 : i32
      %dma_start3A_261 = tpu.memref_slice %arg7[%add3A_257, %dma_start3A_260] : memref<256x64xf32, #tpu.memory_space<vmem>> -> memref<1x64xf32, #tpu.memory_space<vmem>>
      %dma_start3A_262 = tpu.memref_squeeze %dma_start3A_261 : memref<1x64xf32, #tpu.memory_space<vmem>> -> memref<64xf32, #tpu.memory_space<vmem>>
      %dma_start3A_263 = arith.constant 0 : i32
      %dma_start3A_264 = tpu.memref_slice %arg2[%squeeze3A_259, %dma_start3A_263] : memref<1000000x64xf32, #tpu.memory_space<hbm>> -> memref<1x64xf32, #tpu.memory_space<hbm>>
      %dma_start3A_265 = tpu.memref_squeeze %dma_start3A_264 : memref<1x64xf32, #tpu.memory_space<hbm>> -> memref<64xf32, #tpu.memory_space<hbm>>
      %dma_start3A_266 = arith.constant 0 : i32
      %dma_start3A_267 = tpu.memref_slice %arg7[%add3A_257, %dma_start3A_266] : memref<256x64xf32, #tpu.memory_space<vmem>> -> memref<1x64xf32, #tpu.memory_space<vmem>>
      %dma_start3A_268 = tpu.memref_squeeze %dma_start3A_267 : memref<1x64xf32, #tpu.memory_space<vmem>> -> memref<64xf32, #tpu.memory_space<vmem>>
      %dma_start3A_269 = arith.constant 0 : i32
      %dma_start3A_270 = tpu.memref_slice %arg2[%squeeze3A_259, %dma_start3A_269] : memref<1000000x64xf32, #tpu.memory_space<hbm>> -> memref<1x64xf32, #tpu.memory_space<hbm>>
      %dma_start3A_271 = tpu.memref_squeeze %dma_start3A_270 : memref<1x64xf32, #tpu.memory_space<hbm>> -> memref<64xf32, #tpu.memory_space<hbm>>
      tpu.enqueue_dma source(%dma_start3A_271 : memref<64xf32, #tpu.memory_space<hbm>>) target(%dma_start3A_268 : memref<64xf32, #tpu.memory_space<vmem>>) target_semaphore(%arg12 : memref<!tpu.dma_semaphore, #tpu.memory_space<semaphore_mem>>)
      %slice3A_272 = vector.extract_strided_slice %get3A_68 {offsets = [4], sizes = [1], strides = [1]} : vector<16xi32> to vector<1xi32>
      %squeeze3A_273 = vector.extract %slice3A_272[0] : i32 from vector<1xi32>
      %dma_start3A_274 = arith.constant 0 : i32
      %dma_start3A_275 = tpu.memref_slice %arg8[%add3A_257, %dma_start3A_274] : memref<256x64xf32, #tpu.memory_space<vmem>> -> memref<1x64xf32, #tpu.memory_space<vmem>>
      %dma_start3A_276 = tpu.memref_squeeze %dma_start3A_275 : memref<1x64xf32, #tpu.memory_space<vmem>> -> memref<64xf32, #tpu.memory_space<vmem>>
      %dma_start3A_277 = arith.constant 0 : i32
      %dma_start3A_278 = tpu.memref_slice %arg3[%squeeze3A_273, %dma_start3A_277] : memref<1000000x64xf32, #tpu.memory_space<hbm>> -> memref<1x64xf32, #tpu.memory_space<hbm>>
      %dma_start3A_279 = tpu.memref_squeeze %dma_start3A_278 : memref<1x64xf32, #tpu.memory_space<hbm>> -> memref<64xf32, #tpu.memory_space<hbm>>
      %dma_start3A_280 = arith.constant 0 : i32
      %dma_start3A_281 = tpu.memref_slice %arg8[%add3A_257, %dma_start3A_280] : memref<256x64xf32, #tpu.memory_space<vmem>> -> memref<1x64xf32, #tpu.memory_space<vmem>>
      %dma_start3A_282 = tpu.memref_squeeze %dma_start3A_281 : memref<1x64xf32, #tpu.memory_space<vmem>> -> memref<64xf32, #tpu.memory_space<vmem>>
      %dma_start3A_283 = arith.constant 0 : i32
      %dma_start3A_284 = tpu.memref_slice %arg3[%squeeze3A_273, %dma_start3A_283] : memref<1000000x64xf32, #tpu.memory_space<hbm>> -> memref<1x64xf32, #tpu.memory_space<hbm>>
      %dma_start3A_285 = tpu.memref_squeeze %dma_start3A_284 : memref<1x64xf32, #tpu.memory_space<hbm>> -> memref<64xf32, #tpu.memory_space<hbm>>
      tpu.enqueue_dma source(%dma_start3A_285 : memref<64xf32, #tpu.memory_space<hbm>>) target(%dma_start3A_282 : memref<64xf32, #tpu.memory_space<vmem>>) target_semaphore(%arg12 : memref<!tpu.dma_semaphore, #tpu.memory_space<semaphore_mem>>)
      %slice3A_286 = vector.extract_strided_slice %get3A_72 {offsets = [4], sizes = [1], strides = [1]} : vector<16xi32> to vector<1xi32>
      %squeeze3A_287 = vector.extract %slice3A_286[0] : i32 from vector<1xi32>
      %dma_start3A_288 = arith.constant 0 : i32
      %dma_start3A_289 = tpu.memref_slice %arg9[%add3A_257, %dma_start3A_288] : memref<256x64xf32, #tpu.memory_space<vmem>> -> memref<1x64xf32, #tpu.memory_space<vmem>>
      %dma_start3A_290 = tpu.memref_squeeze %dma_start3A_289 : memref<1x64xf32, #tpu.memory_space<vmem>> -> memref<64xf32, #tpu.memory_space<vmem>>
      %dma_start3A_291 = arith.constant 0 : i32
      %dma_start3A_292 = tpu.memref_slice %arg2[%squeeze3A_287, %dma_start3A_291] : memref<1000000x64xf32, #tpu.memory_space<hbm>> -> memref<1x64xf32, #tpu.memory_space<hbm>>
      %dma_start3A_293 = tpu.memref_squeeze %dma_start3A_292 : memref<1x64xf32, #tpu.memory_space<hbm>> -> memref<64xf32, #tpu.memory_space<hbm>>
      %dma_start3A_294 = arith.constant 0 : i32
      %dma_start3A_295 = tpu.memref_slice %arg9[%add3A_257, %dma_start3A_294] : memref<256x64xf32, #tpu.memory_space<vmem>> -> memref<1x64xf32, #tpu.memory_space<vmem>>
      %dma_start3A_296 = tpu.memref_squeeze %dma_start3A_295 : memref<1x64xf32, #tpu.memory_space<vmem>> -> memref<64xf32, #tpu.memory_space<vmem>>
      %dma_start3A_297 = arith.constant 0 : i32
      %dma_start3A_298 = tpu.memref_slice %arg2[%squeeze3A_287, %dma_start3A_297] : memref<1000000x64xf32, #tpu.memory_space<hbm>> -> memref<1x64xf32, #tpu.memory_space<hbm>>
      %dma_start3A_299 = tpu.memref_squeeze %dma_start3A_298 : memref<1x64xf32, #tpu.memory_space<hbm>> -> memref<64xf32, #tpu.memory_space<hbm>>
      tpu.enqueue_dma source(%dma_start3A_299 : memref<64xf32, #tpu.memory_space<hbm>>) target(%dma_start3A_296 : memref<64xf32, #tpu.memory_space<vmem>>) target_semaphore(%arg12 : memref<!tpu.dma_semaphore, #tpu.memory_space<semaphore_mem>>)
      %add3A_300 = arith.constant 0 : i32
      %add3A_301 = arith.addi %add3A_300, %add3A_61 : i32
      %add3A_302 = arith.constant 5 : i32
      %add3A_303 = arith.addi %add3A_301, %add3A_302 : i32
      %slice3A_304 = vector.extract_strided_slice %get3A_64 {offsets = [5], sizes = [1], strides = [1]} : vector<16xi32> to vector<1xi32>
      %squeeze3A_305 = vector.extract %slice3A_304[0] : i32 from vector<1xi32>
      %dma_start3A_306 = arith.constant 0 : i32
      %dma_start3A_307 = tpu.memref_slice %arg7[%add3A_303, %dma_start3A_306] : memref<256x64xf32, #tpu.memory_space<vmem>> -> memref<1x64xf32, #tpu.memory_space<vmem>>
      %dma_start3A_308 = tpu.memref_squeeze %dma_start3A_307 : memref<1x64xf32, #tpu.memory_space<vmem>> -> memref<64xf32, #tpu.memory_space<vmem>>
      %dma_start3A_309 = arith.constant 0 : i32
      %dma_start3A_310 = tpu.memref_slice %arg2[%squeeze3A_305, %dma_start3A_309] : memref<1000000x64xf32, #tpu.memory_space<hbm>> -> memref<1x64xf32, #tpu.memory_space<hbm>>
      %dma_start3A_311 = tpu.memref_squeeze %dma_start3A_310 : memref<1x64xf32, #tpu.memory_space<hbm>> -> memref<64xf32, #tpu.memory_space<hbm>>
      %dma_start3A_312 = arith.constant 0 : i32
      %dma_start3A_313 = tpu.memref_slice %arg7[%add3A_303, %dma_start3A_312] : memref<256x64xf32, #tpu.memory_space<vmem>> -> memref<1x64xf32, #tpu.memory_space<vmem>>
      %dma_start3A_314 = tpu.memref_squeeze %dma_start3A_313 : memref<1x64xf32, #tpu.memory_space<vmem>> -> memref<64xf32, #tpu.memory_space<vmem>>
      %dma_start3A_315 = arith.constant 0 : i32
      %dma_start3A_316 = tpu.memref_slice %arg2[%squeeze3A_305, %dma_start3A_315] : memref<1000000x64xf32, #tpu.memory_space<hbm>> -> memref<1x64xf32, #tpu.memory_space<hbm>>
      %dma_start3A_317 = tpu.memref_squeeze %dma_start3A_316 : memref<1x64xf32, #tpu.memory_space<hbm>> -> memref<64xf32, #tpu.memory_space<hbm>>
      tpu.enqueue_dma source(%dma_start3A_317 : memref<64xf32, #tpu.memory_space<hbm>>) target(%dma_start3A_314 : memref<64xf32, #tpu.memory_space<vmem>>) target_semaphore(%arg12 : memref<!tpu.dma_semaphore, #tpu.memory_space<semaphore_mem>>)
      %slice3A_318 = vector.extract_strided_slice %get3A_68 {offsets = [5], sizes = [1], strides = [1]} : vector<16xi32> to vector<1xi32>
      %squeeze3A_319 = vector.extract %slice3A_318[0] : i32 from vector<1xi32>
      %dma_start3A_320 = arith.constant 0 : i32
      %dma_start3A_321 = tpu.memref_slice %arg8[%add3A_303, %dma_start3A_320] : memref<256x64xf32, #tpu.memory_space<vmem>> -> memref<1x64xf32, #tpu.memory_space<vmem>>
      %dma_start3A_322 = tpu.memref_squeeze %dma_start3A_321 : memref<1x64xf32, #tpu.memory_space<vmem>> -> memref<64xf32, #tpu.memory_space<vmem>>
      %dma_start3A_323 = arith.constant 0 : i32
      %dma_start3A_324 = tpu.memref_slice %arg3[%squeeze3A_319, %dma_start3A_323] : memref<1000000x64xf32, #tpu.memory_space<hbm>> -> memref<1x64xf32, #tpu.memory_space<hbm>>
      %dma_start3A_325 = tpu.memref_squeeze %dma_start3A_324 : memref<1x64xf32, #tpu.memory_space<hbm>> -> memref<64xf32, #tpu.memory_space<hbm>>
      %dma_start3A_326 = arith.constant 0 : i32
      %dma_start3A_327 = tpu.memref_slice %arg8[%add3A_303, %dma_start3A_326] : memref<256x64xf32, #tpu.memory_space<vmem>> -> memref<1x64xf32, #tpu.memory_space<vmem>>
      %dma_start3A_328 = tpu.memref_squeeze %dma_start3A_327 : memref<1x64xf32, #tpu.memory_space<vmem>> -> memref<64xf32, #tpu.memory_space<vmem>>
      %dma_start3A_329 = arith.constant 0 : i32
      %dma_start3A_330 = tpu.memref_slice %arg3[%squeeze3A_319, %dma_start3A_329] : memref<1000000x64xf32, #tpu.memory_space<hbm>> -> memref<1x64xf32, #tpu.memory_space<hbm>>
      %dma_start3A_331 = tpu.memref_squeeze %dma_start3A_330 : memref<1x64xf32, #tpu.memory_space<hbm>> -> memref<64xf32, #tpu.memory_space<hbm>>
      tpu.enqueue_dma source(%dma_start3A_331 : memref<64xf32, #tpu.memory_space<hbm>>) target(%dma_start3A_328 : memref<64xf32, #tpu.memory_space<vmem>>) target_semaphore(%arg12 : memref<!tpu.dma_semaphore, #tpu.memory_space<semaphore_mem>>)
      %slice3A_332 = vector.extract_strided_slice %get3A_72 {offsets = [5], sizes = [1], strides = [1]} : vector<16xi32> to vector<1xi32>
      %squeeze3A_333 = vector.extract %slice3A_332[0] : i32 from vector<1xi32>
      %dma_start3A_334 = arith.constant 0 : i32
      %dma_start3A_335 = tpu.memref_slice %arg9[%add3A_303, %dma_start3A_334] : memref<256x64xf32, #tpu.memory_space<vmem>> -> memref<1x64xf32, #tpu.memory_space<vmem>>
      %dma_start3A_336 = tpu.memref_squeeze %dma_start3A_335 : memref<1x64xf32, #tpu.memory_space<vmem>> -> memref<64xf32, #tpu.memory_space<vmem>>
      %dma_start3A_337 = arith.constant 0 : i32
      %dma_start3A_338 = tpu.memref_slice %arg2[%squeeze3A_333, %dma_start3A_337] : memref<1000000x64xf32, #tpu.memory_space<hbm>> -> memref<1x64xf32, #tpu.memory_space<hbm>>
      %dma_start3A_339 = tpu.memref_squeeze %dma_start3A_338 : memref<1x64xf32, #tpu.memory_space<hbm>> -> memref<64xf32, #tpu.memory_space<hbm>>
      %dma_start3A_340 = arith.constant 0 : i32
      %dma_start3A_341 = tpu.memref_slice %arg9[%add3A_303, %dma_start3A_340] : memref<256x64xf32, #tpu.memory_space<vmem>> -> memref<1x64xf32, #tpu.memory_space<vmem>>
      %dma_start3A_342 = tpu.memref_squeeze %dma_start3A_341 : memref<1x64xf32, #tpu.memory_space<vmem>> -> memref<64xf32, #tpu.memory_space<vmem>>
      %dma_start3A_343 = arith.constant 0 : i32
      %dma_start3A_344 = tpu.memref_slice %arg2[%squeeze3A_333, %dma_start3A_343] : memref<1000000x64xf32, #tpu.memory_space<hbm>> -> memref<1x64xf32, #tpu.memory_space<hbm>>
      %dma_start3A_345 = tpu.memref_squeeze %dma_start3A_344 : memref<1x64xf32, #tpu.memory_space<hbm>> -> memref<64xf32, #tpu.memory_space<hbm>>
      tpu.enqueue_dma source(%dma_start3A_345 : memref<64xf32, #tpu.memory_space<hbm>>) target(%dma_start3A_342 : memref<64xf32, #tpu.memory_space<vmem>>) target_semaphore(%arg12 : memref<!tpu.dma_semaphore, #tpu.memory_space<semaphore_mem>>)
      %add3A_346 = arith.constant 0 : i32
      %add3A_347 = arith.addi %add3A_346, %add3A_61 : i32
      %add3A_348 = arith.constant 6 : i32
      %add3A_349 = arith.addi %add3A_347, %add3A_348 : i32
      %slice3A_350 = vector.extract_strided_slice %get3A_64 {offsets = [6], sizes = [1], strides = [1]} : vector<16xi32> to vector<1xi32>
      %squeeze3A_351 = vector.extract %slice3A_350[0] : i32 from vector<1xi32>
      %dma_start3A_352 = arith.constant 0 : i32
      %dma_start3A_353 = tpu.memref_slice %arg7[%add3A_349, %dma_start3A_352] : memref<256x64xf32, #tpu.memory_space<vmem>> -> memref<1x64xf32, #tpu.memory_space<vmem>>
      %dma_start3A_354 = tpu.memref_squeeze %dma_start3A_353 : memref<1x64xf32, #tpu.memory_space<vmem>> -> memref<64xf32, #tpu.memory_space<vmem>>
      %dma_start3A_355 = arith.constant 0 : i32
      %dma_start3A_356 = tpu.memref_slice %arg2[%squeeze3A_351, %dma_start3A_355] : memref<1000000x64xf32, #tpu.memory_space<hbm>> -> memref<1x64xf32, #tpu.memory_space<hbm>>
      %dma_start3A_357 = tpu.memref_squeeze %dma_start3A_356 : memref<1x64xf32, #tpu.memory_space<hbm>> -> memref<64xf32, #tpu.memory_space<hbm>>
      %dma_start3A_358 = arith.constant 0 : i32
      %dma_start3A_359 = tpu.memref_slice %arg7[%add3A_349, %dma_start3A_358] : memref<256x64xf32, #tpu.memory_space<vmem>> -> memref<1x64xf32, #tpu.memory_space<vmem>>
      %dma_start3A_360 = tpu.memref_squeeze %dma_start3A_359 : memref<1x64xf32, #tpu.memory_space<vmem>> -> memref<64xf32, #tpu.memory_space<vmem>>
      %dma_start3A_361 = arith.constant 0 : i32
      %dma_start3A_362 = tpu.memref_slice %arg2[%squeeze3A_351, %dma_start3A_361] : memref<1000000x64xf32, #tpu.memory_space<hbm>> -> memref<1x64xf32, #tpu.memory_space<hbm>>
      %dma_start3A_363 = tpu.memref_squeeze %dma_start3A_362 : memref<1x64xf32, #tpu.memory_space<hbm>> -> memref<64xf32, #tpu.memory_space<hbm>>
      tpu.enqueue_dma source(%dma_start3A_363 : memref<64xf32, #tpu.memory_space<hbm>>) target(%dma_start3A_360 : memref<64xf32, #tpu.memory_space<vmem>>) target_semaphore(%arg12 : memref<!tpu.dma_semaphore, #tpu.memory_space<semaphore_mem>>)
      %slice3A_364 = vector.extract_strided_slice %get3A_68 {offsets = [6], sizes = [1], strides = [1]} : vector<16xi32> to vector<1xi32>
      %squeeze3A_365 = vector.extract %slice3A_364[0] : i32 from vector<1xi32>
      %dma_start3A_366 = arith.constant 0 : i32
      %dma_start3A_367 = tpu.memref_slice %arg8[%add3A_349, %dma_start3A_366] : memref<256x64xf32, #tpu.memory_space<vmem>> -> memref<1x64xf32, #tpu.memory_space<vmem>>
      %dma_start3A_368 = tpu.memref_squeeze %dma_start3A_367 : memref<1x64xf32, #tpu.memory_space<vmem>> -> memref<64xf32, #tpu.memory_space<vmem>>
      %dma_start3A_369 = arith.constant 0 : i32
      %dma_start3A_370 = tpu.memref_slice %arg3[%squeeze3A_365, %dma_start3A_369] : memref<1000000x64xf32, #tpu.memory_space<hbm>> -> memref<1x64xf32, #tpu.memory_space<hbm>>
      %dma_start3A_371 = tpu.memref_squeeze %dma_start3A_370 : memref<1x64xf32, #tpu.memory_space<hbm>> -> memref<64xf32, #tpu.memory_space<hbm>>
      %dma_start3A_372 = arith.constant 0 : i32
      %dma_start3A_373 = tpu.memref_slice %arg8[%add3A_349, %dma_start3A_372] : memref<256x64xf32, #tpu.memory_space<vmem>> -> memref<1x64xf32, #tpu.memory_space<vmem>>
      %dma_start3A_374 = tpu.memref_squeeze %dma_start3A_373 : memref<1x64xf32, #tpu.memory_space<vmem>> -> memref<64xf32, #tpu.memory_space<vmem>>
      %dma_start3A_375 = arith.constant 0 : i32
      %dma_start3A_376 = tpu.memref_slice %arg3[%squeeze3A_365, %dma_start3A_375] : memref<1000000x64xf32, #tpu.memory_space<hbm>> -> memref<1x64xf32, #tpu.memory_space<hbm>>
      %dma_start3A_377 = tpu.memref_squeeze %dma_start3A_376 : memref<1x64xf32, #tpu.memory_space<hbm>> -> memref<64xf32, #tpu.memory_space<hbm>>
      tpu.enqueue_dma source(%dma_start3A_377 : memref<64xf32, #tpu.memory_space<hbm>>) target(%dma_start3A_374 : memref<64xf32, #tpu.memory_space<vmem>>) target_semaphore(%arg12 : memref<!tpu.dma_semaphore, #tpu.memory_space<semaphore_mem>>)
      %slice3A_378 = vector.extract_strided_slice %get3A_72 {offsets = [6], sizes = [1], strides = [1]} : vector<16xi32> to vector<1xi32>
      %squeeze3A_379 = vector.extract %slice3A_378[0] : i32 from vector<1xi32>
      %dma_start3A_380 = arith.constant 0 : i32
      %dma_start3A_381 = tpu.memref_slice %arg9[%add3A_349, %dma_start3A_380] : memref<256x64xf32, #tpu.memory_space<vmem>> -> memref<1x64xf32, #tpu.memory_space<vmem>>
      %dma_start3A_382 = tpu.memref_squeeze %dma_start3A_381 : memref<1x64xf32, #tpu.memory_space<vmem>> -> memref<64xf32, #tpu.memory_space<vmem>>
      %dma_start3A_383 = arith.constant 0 : i32
      %dma_start3A_384 = tpu.memref_slice %arg2[%squeeze3A_379, %dma_start3A_383] : memref<1000000x64xf32, #tpu.memory_space<hbm>> -> memref<1x64xf32, #tpu.memory_space<hbm>>
      %dma_start3A_385 = tpu.memref_squeeze %dma_start3A_384 : memref<1x64xf32, #tpu.memory_space<hbm>> -> memref<64xf32, #tpu.memory_space<hbm>>
      %dma_start3A_386 = arith.constant 0 : i32
      %dma_start3A_387 = tpu.memref_slice %arg9[%add3A_349, %dma_start3A_386] : memref<256x64xf32, #tpu.memory_space<vmem>> -> memref<1x64xf32, #tpu.memory_space<vmem>>
      %dma_start3A_388 = tpu.memref_squeeze %dma_start3A_387 : memref<1x64xf32, #tpu.memory_space<vmem>> -> memref<64xf32, #tpu.memory_space<vmem>>
      %dma_start3A_389 = arith.constant 0 : i32
      %dma_start3A_390 = tpu.memref_slice %arg2[%squeeze3A_379, %dma_start3A_389] : memref<1000000x64xf32, #tpu.memory_space<hbm>> -> memref<1x64xf32, #tpu.memory_space<hbm>>
      %dma_start3A_391 = tpu.memref_squeeze %dma_start3A_390 : memref<1x64xf32, #tpu.memory_space<hbm>> -> memref<64xf32, #tpu.memory_space<hbm>>
      tpu.enqueue_dma source(%dma_start3A_391 : memref<64xf32, #tpu.memory_space<hbm>>) target(%dma_start3A_388 : memref<64xf32, #tpu.memory_space<vmem>>) target_semaphore(%arg12 : memref<!tpu.dma_semaphore, #tpu.memory_space<semaphore_mem>>)
      %add3A_392 = arith.constant 0 : i32
      %add3A_393 = arith.addi %add3A_392, %add3A_61 : i32
      %add3A_394 = arith.constant 7 : i32
      %add3A_395 = arith.addi %add3A_393, %add3A_394 : i32
      %slice3A_396 = vector.extract_strided_slice %get3A_64 {offsets = [7], sizes = [1], strides = [1]} : vector<16xi32> to vector<1xi32>
      %squeeze3A_397 = vector.extract %slice3A_396[0] : i32 from vector<1xi32>
      %dma_start3A_398 = arith.constant 0 : i32
      %dma_start3A_399 = tpu.memref_slice %arg7[%add3A_395, %dma_start3A_398] : memref<256x64xf32, #tpu.memory_space<vmem>> -> memref<1x64xf32, #tpu.memory_space<vmem>>
      %dma_start3A_400 = tpu.memref_squeeze %dma_start3A_399 : memref<1x64xf32, #tpu.memory_space<vmem>> -> memref<64xf32, #tpu.memory_space<vmem>>
      %dma_start3A_401 = arith.constant 0 : i32
      %dma_start3A_402 = tpu.memref_slice %arg2[%squeeze3A_397, %dma_start3A_401] : memref<1000000x64xf32, #tpu.memory_space<hbm>> -> memref<1x64xf32, #tpu.memory_space<hbm>>
      %dma_start3A_403 = tpu.memref_squeeze %dma_start3A_402 : memref<1x64xf32, #tpu.memory_space<hbm>> -> memref<64xf32, #tpu.memory_space<hbm>>
      %dma_start3A_404 = arith.constant 0 : i32
      %dma_start3A_405 = tpu.memref_slice %arg7[%add3A_395, %dma_start3A_404] : memref<256x64xf32, #tpu.memory_space<vmem>> -> memref<1x64xf32, #tpu.memory_space<vmem>>
      %dma_start3A_406 = tpu.memref_squeeze %dma_start3A_405 : memref<1x64xf32, #tpu.memory_space<vmem>> -> memref<64xf32, #tpu.memory_space<vmem>>
      %dma_start3A_407 = arith.constant 0 : i32
      %dma_start3A_408 = tpu.memref_slice %arg2[%squeeze3A_397, %dma_start3A_407] : memref<1000000x64xf32, #tpu.memory_space<hbm>> -> memref<1x64xf32, #tpu.memory_space<hbm>>
      %dma_start3A_409 = tpu.memref_squeeze %dma_start3A_408 : memref<1x64xf32, #tpu.memory_space<hbm>> -> memref<64xf32, #tpu.memory_space<hbm>>
      tpu.enqueue_dma source(%dma_start3A_409 : memref<64xf32, #tpu.memory_space<hbm>>) target(%dma_start3A_406 : memref<64xf32, #tpu.memory_space<vmem>>) target_semaphore(%arg12 : memref<!tpu.dma_semaphore, #tpu.memory_space<semaphore_mem>>)
      %slice3A_410 = vector.extract_strided_slice %get3A_68 {offsets = [7], sizes = [1], strides = [1]} : vector<16xi32> to vector<1xi32>
      %squeeze3A_411 = vector.extract %slice3A_410[0] : i32 from vector<1xi32>
      %dma_start3A_412 = arith.constant 0 : i32
      %dma_start3A_413 = tpu.memref_slice %arg8[%add3A_395, %dma_start3A_412] : memref<256x64xf32, #tpu.memory_space<vmem>> -> memref<1x64xf32, #tpu.memory_space<vmem>>
      %dma_start3A_414 = tpu.memref_squeeze %dma_start3A_413 : memref<1x64xf32, #tpu.memory_space<vmem>> -> memref<64xf32, #tpu.memory_space<vmem>>
      %dma_start3A_415 = arith.constant 0 : i32
      %dma_start3A_416 = tpu.memref_slice %arg3[%squeeze3A_411, %dma_start3A_415] : memref<1000000x64xf32, #tpu.memory_space<hbm>> -> memref<1x64xf32, #tpu.memory_space<hbm>>
      %dma_start3A_417 = tpu.memref_squeeze %dma_start3A_416 : memref<1x64xf32, #tpu.memory_space<hbm>> -> memref<64xf32, #tpu.memory_space<hbm>>
      %dma_start3A_418 = arith.constant 0 : i32
      %dma_start3A_419 = tpu.memref_slice %arg8[%add3A_395, %dma_start3A_418] : memref<256x64xf32, #tpu.memory_space<vmem>> -> memref<1x64xf32, #tpu.memory_space<vmem>>
      %dma_start3A_420 = tpu.memref_squeeze %dma_start3A_419 : memref<1x64xf32, #tpu.memory_space<vmem>> -> memref<64xf32, #tpu.memory_space<vmem>>
      %dma_start3A_421 = arith.constant 0 : i32
      %dma_start3A_422 = tpu.memref_slice %arg3[%squeeze3A_411, %dma_start3A_421] : memref<1000000x64xf32, #tpu.memory_space<hbm>> -> memref<1x64xf32, #tpu.memory_space<hbm>>
      %dma_start3A_423 = tpu.memref_squeeze %dma_start3A_422 : memref<1x64xf32, #tpu.memory_space<hbm>> -> memref<64xf32, #tpu.memory_space<hbm>>
      tpu.enqueue_dma source(%dma_start3A_423 : memref<64xf32, #tpu.memory_space<hbm>>) target(%dma_start3A_420 : memref<64xf32, #tpu.memory_space<vmem>>) target_semaphore(%arg12 : memref<!tpu.dma_semaphore, #tpu.memory_space<semaphore_mem>>)
      %slice3A_424 = vector.extract_strided_slice %get3A_72 {offsets = [7], sizes = [1], strides = [1]} : vector<16xi32> to vector<1xi32>
      %squeeze3A_425 = vector.extract %slice3A_424[0] : i32 from vector<1xi32>
      %dma_start3A_426 = arith.constant 0 : i32
      %dma_start3A_427 = tpu.memref_slice %arg9[%add3A_395, %dma_start3A_426] : memref<256x64xf32, #tpu.memory_space<vmem>> -> memref<1x64xf32, #tpu.memory_space<vmem>>
      %dma_start3A_428 = tpu.memref_squeeze %dma_start3A_427 : memref<1x64xf32, #tpu.memory_space<vmem>> -> memref<64xf32, #tpu.memory_space<vmem>>
      %dma_start3A_429 = arith.constant 0 : i32
      %dma_start3A_430 = tpu.memref_slice %arg2[%squeeze3A_425, %dma_start3A_429] : memref<1000000x64xf32, #tpu.memory_space<hbm>> -> memref<1x64xf32, #tpu.memory_space<hbm>>
      %dma_start3A_431 = tpu.memref_squeeze %dma_start3A_430 : memref<1x64xf32, #tpu.memory_space<hbm>> -> memref<64xf32, #tpu.memory_space<hbm>>
      %dma_start3A_432 = arith.constant 0 : i32
      %dma_start3A_433 = tpu.memref_slice %arg9[%add3A_395, %dma_start3A_432] : memref<256x64xf32, #tpu.memory_space<vmem>> -> memref<1x64xf32, #tpu.memory_space<vmem>>
      %dma_start3A_434 = tpu.memref_squeeze %dma_start3A_433 : memref<1x64xf32, #tpu.memory_space<vmem>> -> memref<64xf32, #tpu.memory_space<vmem>>
      %dma_start3A_435 = arith.constant 0 : i32
      %dma_start3A_436 = tpu.memref_slice %arg2[%squeeze3A_425, %dma_start3A_435] : memref<1000000x64xf32, #tpu.memory_space<hbm>> -> memref<1x64xf32, #tpu.memory_space<hbm>>
      %dma_start3A_437 = tpu.memref_squeeze %dma_start3A_436 : memref<1x64xf32, #tpu.memory_space<hbm>> -> memref<64xf32, #tpu.memory_space<hbm>>
      tpu.enqueue_dma source(%dma_start3A_437 : memref<64xf32, #tpu.memory_space<hbm>>) target(%dma_start3A_434 : memref<64xf32, #tpu.memory_space<vmem>>) target_semaphore(%arg12 : memref<!tpu.dma_semaphore, #tpu.memory_space<semaphore_mem>>)
      %add3A_438 = arith.constant 0 : i32
      %add3A_439 = arith.addi %add3A_438, %add3A_61 : i32
      %add3A_440 = arith.constant 8 : i32
      %add3A_441 = arith.addi %add3A_439, %add3A_440 : i32
      %slice3A_442 = vector.extract_strided_slice %get3A_64 {offsets = [8], sizes = [1], strides = [1]} : vector<16xi32> to vector<1xi32>
      %squeeze3A_443 = vector.extract %slice3A_442[0] : i32 from vector<1xi32>
      %dma_start3A_444 = arith.constant 0 : i32
      %dma_start3A_445 = tpu.memref_slice %arg7[%add3A_441, %dma_start3A_444] : memref<256x64xf32, #tpu.memory_space<vmem>> -> memref<1x64xf32, #tpu.memory_space<vmem>>
      %dma_start3A_446 = tpu.memref_squeeze %dma_start3A_445 : memref<1x64xf32, #tpu.memory_space<vmem>> -> memref<64xf32, #tpu.memory_space<vmem>>
      %dma_start3A_447 = arith.constant 0 : i32
      %dma_start3A_448 = tpu.memref_slice %arg2[%squeeze3A_443, %dma_start3A_447] : memref<1000000x64xf32, #tpu.memory_space<hbm>> -> memref<1x64xf32, #tpu.memory_space<hbm>>
      %dma_start3A_449 = tpu.memref_squeeze %dma_start3A_448 : memref<1x64xf32, #tpu.memory_space<hbm>> -> memref<64xf32, #tpu.memory_space<hbm>>
      %dma_start3A_450 = arith.constant 0 : i32
      %dma_start3A_451 = tpu.memref_slice %arg7[%add3A_441, %dma_start3A_450] : memref<256x64xf32, #tpu.memory_space<vmem>> -> memref<1x64xf32, #tpu.memory_space<vmem>>
      %dma_start3A_452 = tpu.memref_squeeze %dma_start3A_451 : memref<1x64xf32, #tpu.memory_space<vmem>> -> memref<64xf32, #tpu.memory_space<vmem>>
      %dma_start3A_453 = arith.constant 0 : i32
      %dma_start3A_454 = tpu.memref_slice %arg2[%squeeze3A_443, %dma_start3A_453] : memref<1000000x64xf32, #tpu.memory_space<hbm>> -> memref<1x64xf32, #tpu.memory_space<hbm>>
      %dma_start3A_455 = tpu.memref_squeeze %dma_start3A_454 : memref<1x64xf32, #tpu.memory_space<hbm>> -> memref<64xf32, #tpu.memory_space<hbm>>
      tpu.enqueue_dma source(%dma_start3A_455 : memref<64xf32, #tpu.memory_space<hbm>>) target(%dma_start3A_452 : memref<64xf32, #tpu.memory_space<vmem>>) target_semaphore(%arg12 : memref<!tpu.dma_semaphore, #tpu.memory_space<semaphore_mem>>)
      %slice3A_456 = vector.extract_strided_slice %get3A_68 {offsets = [8], sizes = [1], strides = [1]} : vector<16xi32> to vector<1xi32>
      %squeeze3A_457 = vector.extract %slice3A_456[0] : i32 from vector<1xi32>
      %dma_start3A_458 = arith.constant 0 : i32
      %dma_start3A_459 = tpu.memref_slice %arg8[%add3A_441, %dma_start3A_458] : memref<256x64xf32, #tpu.memory_space<vmem>> -> memref<1x64xf32, #tpu.memory_space<vmem>>
      %dma_start3A_460 = tpu.memref_squeeze %dma_start3A_459 : memref<1x64xf32, #tpu.memory_space<vmem>> -> memref<64xf32, #tpu.memory_space<vmem>>
      %dma_start3A_461 = arith.constant 0 : i32
      %dma_start3A_462 = tpu.memref_slice %arg3[%squeeze3A_457, %dma_start3A_461] : memref<1000000x64xf32, #tpu.memory_space<hbm>> -> memref<1x64xf32, #tpu.memory_space<hbm>>
      %dma_start3A_463 = tpu.memref_squeeze %dma_start3A_462 : memref<1x64xf32, #tpu.memory_space<hbm>> -> memref<64xf32, #tpu.memory_space<hbm>>
      %dma_start3A_464 = arith.constant 0 : i32
      %dma_start3A_465 = tpu.memref_slice %arg8[%add3A_441, %dma_start3A_464] : memref<256x64xf32, #tpu.memory_space<vmem>> -> memref<1x64xf32, #tpu.memory_space<vmem>>
      %dma_start3A_466 = tpu.memref_squeeze %dma_start3A_465 : memref<1x64xf32, #tpu.memory_space<vmem>> -> memref<64xf32, #tpu.memory_space<vmem>>
      %dma_start3A_467 = arith.constant 0 : i32
      %dma_start3A_468 = tpu.memref_slice %arg3[%squeeze3A_457, %dma_start3A_467] : memref<1000000x64xf32, #tpu.memory_space<hbm>> -> memref<1x64xf32, #tpu.memory_space<hbm>>
      %dma_start3A_469 = tpu.memref_squeeze %dma_start3A_468 : memref<1x64xf32, #tpu.memory_space<hbm>> -> memref<64xf32, #tpu.memory_space<hbm>>
      tpu.enqueue_dma source(%dma_start3A_469 : memref<64xf32, #tpu.memory_space<hbm>>) target(%dma_start3A_466 : memref<64xf32, #tpu.memory_space<vmem>>) target_semaphore(%arg12 : memref<!tpu.dma_semaphore, #tpu.memory_space<semaphore_mem>>)
      %slice3A_470 = vector.extract_strided_slice %get3A_72 {offsets = [8], sizes = [1], strides = [1]} : vector<16xi32> to vector<1xi32>
      %squeeze3A_471 = vector.extract %slice3A_470[0] : i32 from vector<1xi32>
      %dma_start3A_472 = arith.constant 0 : i32
      %dma_start3A_473 = tpu.memref_slice %arg9[%add3A_441, %dma_start3A_472] : memref<256x64xf32, #tpu.memory_space<vmem>> -> memref<1x64xf32, #tpu.memory_space<vmem>>
      %dma_start3A_474 = tpu.memref_squeeze %dma_start3A_473 : memref<1x64xf32, #tpu.memory_space<vmem>> -> memref<64xf32, #tpu.memory_space<vmem>>
      %dma_start3A_475 = arith.constant 0 : i32
      %dma_start3A_476 = tpu.memref_slice %arg2[%squeeze3A_471, %dma_start3A_475] : memref<1000000x64xf32, #tpu.memory_space<hbm>> -> memref<1x64xf32, #tpu.memory_space<hbm>>
      %dma_start3A_477 = tpu.memref_squeeze %dma_start3A_476 : memref<1x64xf32, #tpu.memory_space<hbm>> -> memref<64xf32, #tpu.memory_space<hbm>>
      %dma_start3A_478 = arith.constant 0 : i32
      %dma_start3A_479 = tpu.memref_slice %arg9[%add3A_441, %dma_start3A_478] : memref<256x64xf32, #tpu.memory_space<vmem>> -> memref<1x64xf32, #tpu.memory_space<vmem>>
      %dma_start3A_480 = tpu.memref_squeeze %dma_start3A_479 : memref<1x64xf32, #tpu.memory_space<vmem>> -> memref<64xf32, #tpu.memory_space<vmem>>
      %dma_start3A_481 = arith.constant 0 : i32
      %dma_start3A_482 = tpu.memref_slice %arg2[%squeeze3A_471, %dma_start3A_481] : memref<1000000x64xf32, #tpu.memory_space<hbm>> -> memref<1x64xf32, #tpu.memory_space<hbm>>
      %dma_start3A_483 = tpu.memref_squeeze %dma_start3A_482 : memref<1x64xf32, #tpu.memory_space<hbm>> -> memref<64xf32, #tpu.memory_space<hbm>>
      tpu.enqueue_dma source(%dma_start3A_483 : memref<64xf32, #tpu.memory_space<hbm>>) target(%dma_start3A_480 : memref<64xf32, #tpu.memory_space<vmem>>) target_semaphore(%arg12 : memref<!tpu.dma_semaphore, #tpu.memory_space<semaphore_mem>>)
      %add3A_484 = arith.constant 0 : i32
      %add3A_485 = arith.addi %add3A_484, %add3A_61 : i32
      %add3A_486 = arith.constant 9 : i32
      %add3A_487 = arith.addi %add3A_485, %add3A_486 : i32
      %slice3A_488 = vector.extract_strided_slice %get3A_64 {offsets = [9], sizes = [1], strides = [1]} : vector<16xi32> to vector<1xi32>
      %squeeze3A_489 = vector.extract %slice3A_488[0] : i32 from vector<1xi32>
      %dma_start3A_490 = arith.constant 0 : i32
      %dma_start3A_491 = tpu.memref_slice %arg7[%add3A_487, %dma_start3A_490] : memref<256x64xf32, #tpu.memory_space<vmem>> -> memref<1x64xf32, #tpu.memory_space<vmem>>
      %dma_start3A_492 = tpu.memref_squeeze %dma_start3A_491 : memref<1x64xf32, #tpu.memory_space<vmem>> -> memref<64xf32, #tpu.memory_space<vmem>>
      %dma_start3A_493 = arith.constant 0 : i32
      %dma_start3A_494 = tpu.memref_slice %arg2[%squeeze3A_489, %dma_start3A_493] : memref<1000000x64xf32, #tpu.memory_space<hbm>> -> memref<1x64xf32, #tpu.memory_space<hbm>>
      %dma_start3A_495 = tpu.memref_squeeze %dma_start3A_494 : memref<1x64xf32, #tpu.memory_space<hbm>> -> memref<64xf32, #tpu.memory_space<hbm>>
      %dma_start3A_496 = arith.constant 0 : i32
      %dma_start3A_497 = tpu.memref_slice %arg7[%add3A_487, %dma_start3A_496] : memref<256x64xf32, #tpu.memory_space<vmem>> -> memref<1x64xf32, #tpu.memory_space<vmem>>
      %dma_start3A_498 = tpu.memref_squeeze %dma_start3A_497 : memref<1x64xf32, #tpu.memory_space<vmem>> -> memref<64xf32, #tpu.memory_space<vmem>>
      %dma_start3A_499 = arith.constant 0 : i32
      %dma_start3A_500 = tpu.memref_slice %arg2[%squeeze3A_489, %dma_start3A_499] : memref<1000000x64xf32, #tpu.memory_space<hbm>> -> memref<1x64xf32, #tpu.memory_space<hbm>>
      %dma_start3A_501 = tpu.memref_squeeze %dma_start3A_500 : memref<1x64xf32, #tpu.memory_space<hbm>> -> memref<64xf32, #tpu.memory_space<hbm>>
      tpu.enqueue_dma source(%dma_start3A_501 : memref<64xf32, #tpu.memory_space<hbm>>) target(%dma_start3A_498 : memref<64xf32, #tpu.memory_space<vmem>>) target_semaphore(%arg12 : memref<!tpu.dma_semaphore, #tpu.memory_space<semaphore_mem>>)
      %slice3A_502 = vector.extract_strided_slice %get3A_68 {offsets = [9], sizes = [1], strides = [1]} : vector<16xi32> to vector<1xi32>
      %squeeze3A_503 = vector.extract %slice3A_502[0] : i32 from vector<1xi32>
      %dma_start3A_504 = arith.constant 0 : i32
      %dma_start3A_505 = tpu.memref_slice %arg8[%add3A_487, %dma_start3A_504] : memref<256x64xf32, #tpu.memory_space<vmem>> -> memref<1x64xf32, #tpu.memory_space<vmem>>
      %dma_start3A_506 = tpu.memref_squeeze %dma_start3A_505 : memref<1x64xf32, #tpu.memory_space<vmem>> -> memref<64xf32, #tpu.memory_space<vmem>>
      %dma_start3A_507 = arith.constant 0 : i32
      %dma_start3A_508 = tpu.memref_slice %arg3[%squeeze3A_503, %dma_start3A_507] : memref<1000000x64xf32, #tpu.memory_space<hbm>> -> memref<1x64xf32, #tpu.memory_space<hbm>>
      %dma_start3A_509 = tpu.memref_squeeze %dma_start3A_508 : memref<1x64xf32, #tpu.memory_space<hbm>> -> memref<64xf32, #tpu.memory_space<hbm>>
      %dma_start3A_510 = arith.constant 0 : i32
      %dma_start3A_511 = tpu.memref_slice %arg8[%add3A_487, %dma_start3A_510] : memref<256x64xf32, #tpu.memory_space<vmem>> -> memref<1x64xf32, #tpu.memory_space<vmem>>
      %dma_start3A_512 = tpu.memref_squeeze %dma_start3A_511 : memref<1x64xf32, #tpu.memory_space<vmem>> -> memref<64xf32, #tpu.memory_space<vmem>>
      %dma_start3A_513 = arith.constant 0 : i32
      %dma_start3A_514 = tpu.memref_slice %arg3[%squeeze3A_503, %dma_start3A_513] : memref<1000000x64xf32, #tpu.memory_space<hbm>> -> memref<1x64xf32, #tpu.memory_space<hbm>>
      %dma_start3A_515 = tpu.memref_squeeze %dma_start3A_514 : memref<1x64xf32, #tpu.memory_space<hbm>> -> memref<64xf32, #tpu.memory_space<hbm>>
      tpu.enqueue_dma source(%dma_start3A_515 : memref<64xf32, #tpu.memory_space<hbm>>) target(%dma_start3A_512 : memref<64xf32, #tpu.memory_space<vmem>>) target_semaphore(%arg12 : memref<!tpu.dma_semaphore, #tpu.memory_space<semaphore_mem>>)
      %slice3A_516 = vector.extract_strided_slice %get3A_72 {offsets = [9], sizes = [1], strides = [1]} : vector<16xi32> to vector<1xi32>
      %squeeze3A_517 = vector.extract %slice3A_516[0] : i32 from vector<1xi32>
      %dma_start3A_518 = arith.constant 0 : i32
      %dma_start3A_519 = tpu.memref_slice %arg9[%add3A_487, %dma_start3A_518] : memref<256x64xf32, #tpu.memory_space<vmem>> -> memref<1x64xf32, #tpu.memory_space<vmem>>
      %dma_start3A_520 = tpu.memref_squeeze %dma_start3A_519 : memref<1x64xf32, #tpu.memory_space<vmem>> -> memref<64xf32, #tpu.memory_space<vmem>>
      %dma_start3A_521 = arith.constant 0 : i32
      %dma_start3A_522 = tpu.memref_slice %arg2[%squeeze3A_517, %dma_start3A_521] : memref<1000000x64xf32, #tpu.memory_space<hbm>> -> memref<1x64xf32, #tpu.memory_space<hbm>>
      %dma_start3A_523 = tpu.memref_squeeze %dma_start3A_522 : memref<1x64xf32, #tpu.memory_space<hbm>> -> memref<64xf32, #tpu.memory_space<hbm>>
      %dma_start3A_524 = arith.constant 0 : i32
      %dma_start3A_525 = tpu.memref_slice %arg9[%add3A_487, %dma_start3A_524] : memref<256x64xf32, #tpu.memory_space<vmem>> -> memref<1x64xf32, #tpu.memory_space<vmem>>
      %dma_start3A_526 = tpu.memref_squeeze %dma_start3A_525 : memref<1x64xf32, #tpu.memory_space<vmem>> -> memref<64xf32, #tpu.memory_space<vmem>>
      %dma_start3A_527 = arith.constant 0 : i32
      %dma_start3A_528 = tpu.memref_slice %arg2[%squeeze3A_517, %dma_start3A_527] : memref<1000000x64xf32, #tpu.memory_space<hbm>> -> memref<1x64xf32, #tpu.memory_space<hbm>>
      %dma_start3A_529 = tpu.memref_squeeze %dma_start3A_528 : memref<1x64xf32, #tpu.memory_space<hbm>> -> memref<64xf32, #tpu.memory_space<hbm>>
      tpu.enqueue_dma source(%dma_start3A_529 : memref<64xf32, #tpu.memory_space<hbm>>) target(%dma_start3A_526 : memref<64xf32, #tpu.memory_space<vmem>>) target_semaphore(%arg12 : memref<!tpu.dma_semaphore, #tpu.memory_space<semaphore_mem>>)
      %add3A_530 = arith.constant 0 : i32
      %add3A_531 = arith.addi %add3A_530, %add3A_61 : i32
      %add3A_532 = arith.constant 10 : i32
      %add3A_533 = arith.addi %add3A_531, %add3A_532 : i32
      %slice3A_534 = vector.extract_strided_slice %get3A_64 {offsets = [10], sizes = [1], strides = [1]} : vector<16xi32> to vector<1xi32>
      %squeeze3A_535 = vector.extract %slice3A_534[0] : i32 from vector<1xi32>
      %dma_start3A_536 = arith.constant 0 : i32
      %dma_start3A_537 = tpu.memref_slice %arg7[%add3A_533, %dma_start3A_536] : memref<256x64xf32, #tpu.memory_space<vmem>> -> memref<1x64xf32, #tpu.memory_space<vmem>>
      %dma_start3A_538 = tpu.memref_squeeze %dma_start3A_537 : memref<1x64xf32, #tpu.memory_space<vmem>> -> memref<64xf32, #tpu.memory_space<vmem>>
      %dma_start3A_539 = arith.constant 0 : i32
      %dma_start3A_540 = tpu.memref_slice %arg2[%squeeze3A_535, %dma_start3A_539] : memref<1000000x64xf32, #tpu.memory_space<hbm>> -> memref<1x64xf32, #tpu.memory_space<hbm>>
      %dma_start3A_541 = tpu.memref_squeeze %dma_start3A_540 : memref<1x64xf32, #tpu.memory_space<hbm>> -> memref<64xf32, #tpu.memory_space<hbm>>
      %dma_start3A_542 = arith.constant 0 : i32
      %dma_start3A_543 = tpu.memref_slice %arg7[%add3A_533, %dma_start3A_542] : memref<256x64xf32, #tpu.memory_space<vmem>> -> memref<1x64xf32, #tpu.memory_space<vmem>>
      %dma_start3A_544 = tpu.memref_squeeze %dma_start3A_543 : memref<1x64xf32, #tpu.memory_space<vmem>> -> memref<64xf32, #tpu.memory_space<vmem>>
      %dma_start3A_545 = arith.constant 0 : i32
      %dma_start3A_546 = tpu.memref_slice %arg2[%squeeze3A_535, %dma_start3A_545] : memref<1000000x64xf32, #tpu.memory_space<hbm>> -> memref<1x64xf32, #tpu.memory_space<hbm>>
      %dma_start3A_547 = tpu.memref_squeeze %dma_start3A_546 : memref<1x64xf32, #tpu.memory_space<hbm>> -> memref<64xf32, #tpu.memory_space<hbm>>
      tpu.enqueue_dma source(%dma_start3A_547 : memref<64xf32, #tpu.memory_space<hbm>>) target(%dma_start3A_544 : memref<64xf32, #tpu.memory_space<vmem>>) target_semaphore(%arg12 : memref<!tpu.dma_semaphore, #tpu.memory_space<semaphore_mem>>)
      %slice3A_548 = vector.extract_strided_slice %get3A_68 {offsets = [10], sizes = [1], strides = [1]} : vector<16xi32> to vector<1xi32>
      %squeeze3A_549 = vector.extract %slice3A_548[0] : i32 from vector<1xi32>
      %dma_start3A_550 = arith.constant 0 : i32
      %dma_start3A_551 = tpu.memref_slice %arg8[%add3A_533, %dma_start3A_550] : memref<256x64xf32, #tpu.memory_space<vmem>> -> memref<1x64xf32, #tpu.memory_space<vmem>>
      %dma_start3A_552 = tpu.memref_squeeze %dma_start3A_551 : memref<1x64xf32, #tpu.memory_space<vmem>> -> memref<64xf32, #tpu.memory_space<vmem>>
      %dma_start3A_553 = arith.constant 0 : i32
      %dma_start3A_554 = tpu.memref_slice %arg3[%squeeze3A_549, %dma_start3A_553] : memref<1000000x64xf32, #tpu.memory_space<hbm>> -> memref<1x64xf32, #tpu.memory_space<hbm>>
      %dma_start3A_555 = tpu.memref_squeeze %dma_start3A_554 : memref<1x64xf32, #tpu.memory_space<hbm>> -> memref<64xf32, #tpu.memory_space<hbm>>
      %dma_start3A_556 = arith.constant 0 : i32
      %dma_start3A_557 = tpu.memref_slice %arg8[%add3A_533, %dma_start3A_556] : memref<256x64xf32, #tpu.memory_space<vmem>> -> memref<1x64xf32, #tpu.memory_space<vmem>>
      %dma_start3A_558 = tpu.memref_squeeze %dma_start3A_557 : memref<1x64xf32, #tpu.memory_space<vmem>> -> memref<64xf32, #tpu.memory_space<vmem>>
      %dma_start3A_559 = arith.constant 0 : i32
      %dma_start3A_560 = tpu.memref_slice %arg3[%squeeze3A_549, %dma_start3A_559] : memref<1000000x64xf32, #tpu.memory_space<hbm>> -> memref<1x64xf32, #tpu.memory_space<hbm>>
      %dma_start3A_561 = tpu.memref_squeeze %dma_start3A_560 : memref<1x64xf32, #tpu.memory_space<hbm>> -> memref<64xf32, #tpu.memory_space<hbm>>
      tpu.enqueue_dma source(%dma_start3A_561 : memref<64xf32, #tpu.memory_space<hbm>>) target(%dma_start3A_558 : memref<64xf32, #tpu.memory_space<vmem>>) target_semaphore(%arg12 : memref<!tpu.dma_semaphore, #tpu.memory_space<semaphore_mem>>)
      %slice3A_562 = vector.extract_strided_slice %get3A_72 {offsets = [10], sizes = [1], strides = [1]} : vector<16xi32> to vector<1xi32>
      %squeeze3A_563 = vector.extract %slice3A_562[0] : i32 from vector<1xi32>
      %dma_start3A_564 = arith.constant 0 : i32
      %dma_start3A_565 = tpu.memref_slice %arg9[%add3A_533, %dma_start3A_564] : memref<256x64xf32, #tpu.memory_space<vmem>> -> memref<1x64xf32, #tpu.memory_space<vmem>>
      %dma_start3A_566 = tpu.memref_squeeze %dma_start3A_565 : memref<1x64xf32, #tpu.memory_space<vmem>> -> memref<64xf32, #tpu.memory_space<vmem>>
      %dma_start3A_567 = arith.constant 0 : i32
      %dma_start3A_568 = tpu.memref_slice %arg2[%squeeze3A_563, %dma_start3A_567] : memref<1000000x64xf32, #tpu.memory_space<hbm>> -> memref<1x64xf32, #tpu.memory_space<hbm>>
      %dma_start3A_569 = tpu.memref_squeeze %dma_start3A_568 : memref<1x64xf32, #tpu.memory_space<hbm>> -> memref<64xf32, #tpu.memory_space<hbm>>
      %dma_start3A_570 = arith.constant 0 : i32
      %dma_start3A_571 = tpu.memref_slice %arg9[%add3A_533, %dma_start3A_570] : memref<256x64xf32, #tpu.memory_space<vmem>> -> memref<1x64xf32, #tpu.memory_space<vmem>>
      %dma_start3A_572 = tpu.memref_squeeze %dma_start3A_571 : memref<1x64xf32, #tpu.memory_space<vmem>> -> memref<64xf32, #tpu.memory_space<vmem>>
      %dma_start3A_573 = arith.constant 0 : i32
      %dma_start3A_574 = tpu.memref_slice %arg2[%squeeze3A_563, %dma_start3A_573] : memref<1000000x64xf32, #tpu.memory_space<hbm>> -> memref<1x64xf32, #tpu.memory_space<hbm>>
      %dma_start3A_575 = tpu.memref_squeeze %dma_start3A_574 : memref<1x64xf32, #tpu.memory_space<hbm>> -> memref<64xf32, #tpu.memory_space<hbm>>
      tpu.enqueue_dma source(%dma_start3A_575 : memref<64xf32, #tpu.memory_space<hbm>>) target(%dma_start3A_572 : memref<64xf32, #tpu.memory_space<vmem>>) target_semaphore(%arg12 : memref<!tpu.dma_semaphore, #tpu.memory_space<semaphore_mem>>)
      %add3A_576 = arith.constant 0 : i32
      %add3A_577 = arith.addi %add3A_576, %add3A_61 : i32
      %add3A_578 = arith.constant 11 : i32
      %add3A_579 = arith.addi %add3A_577, %add3A_578 : i32
      %slice3A_580 = vector.extract_strided_slice %get3A_64 {offsets = [11], sizes = [1], strides = [1]} : vector<16xi32> to vector<1xi32>
      %squeeze3A_581 = vector.extract %slice3A_580[0] : i32 from vector<1xi32>
      %dma_start3A_582 = arith.constant 0 : i32
      %dma_start3A_583 = tpu.memref_slice %arg7[%add3A_579, %dma_start3A_582] : memref<256x64xf32, #tpu.memory_space<vmem>> -> memref<1x64xf32, #tpu.memory_space<vmem>>
      %dma_start3A_584 = tpu.memref_squeeze %dma_start3A_583 : memref<1x64xf32, #tpu.memory_space<vmem>> -> memref<64xf32, #tpu.memory_space<vmem>>
      %dma_start3A_585 = arith.constant 0 : i32
      %dma_start3A_586 = tpu.memref_slice %arg2[%squeeze3A_581, %dma_start3A_585] : memref<1000000x64xf32, #tpu.memory_space<hbm>> -> memref<1x64xf32, #tpu.memory_space<hbm>>
      %dma_start3A_587 = tpu.memref_squeeze %dma_start3A_586 : memref<1x64xf32, #tpu.memory_space<hbm>> -> memref<64xf32, #tpu.memory_space<hbm>>
      %dma_start3A_588 = arith.constant 0 : i32
      %dma_start3A_589 = tpu.memref_slice %arg7[%add3A_579, %dma_start3A_588] : memref<256x64xf32, #tpu.memory_space<vmem>> -> memref<1x64xf32, #tpu.memory_space<vmem>>
      %dma_start3A_590 = tpu.memref_squeeze %dma_start3A_589 : memref<1x64xf32, #tpu.memory_space<vmem>> -> memref<64xf32, #tpu.memory_space<vmem>>
      %dma_start3A_591 = arith.constant 0 : i32
      %dma_start3A_592 = tpu.memref_slice %arg2[%squeeze3A_581, %dma_start3A_591] : memref<1000000x64xf32, #tpu.memory_space<hbm>> -> memref<1x64xf32, #tpu.memory_space<hbm>>
      %dma_start3A_593 = tpu.memref_squeeze %dma_start3A_592 : memref<1x64xf32, #tpu.memory_space<hbm>> -> memref<64xf32, #tpu.memory_space<hbm>>
      tpu.enqueue_dma source(%dma_start3A_593 : memref<64xf32, #tpu.memory_space<hbm>>) target(%dma_start3A_590 : memref<64xf32, #tpu.memory_space<vmem>>) target_semaphore(%arg12 : memref<!tpu.dma_semaphore, #tpu.memory_space<semaphore_mem>>)
      %slice3A_594 = vector.extract_strided_slice %get3A_68 {offsets = [11], sizes = [1], strides = [1]} : vector<16xi32> to vector<1xi32>
      %squeeze3A_595 = vector.extract %slice3A_594[0] : i32 from vector<1xi32>
      %dma_start3A_596 = arith.constant 0 : i32
      %dma_start3A_597 = tpu.memref_slice %arg8[%add3A_579, %dma_start3A_596] : memref<256x64xf32, #tpu.memory_space<vmem>> -> memref<1x64xf32, #tpu.memory_space<vmem>>
      %dma_start3A_598 = tpu.memref_squeeze %dma_start3A_597 : memref<1x64xf32, #tpu.memory_space<vmem>> -> memref<64xf32, #tpu.memory_space<vmem>>
      %dma_start3A_599 = arith.constant 0 : i32
      %dma_start3A_600 = tpu.memref_slice %arg3[%squeeze3A_595, %dma_start3A_599] : memref<1000000x64xf32, #tpu.memory_space<hbm>> -> memref<1x64xf32, #tpu.memory_space<hbm>>
      %dma_start3A_601 = tpu.memref_squeeze %dma_start3A_600 : memref<1x64xf32, #tpu.memory_space<hbm>> -> memref<64xf32, #tpu.memory_space<hbm>>
      %dma_start3A_602 = arith.constant 0 : i32
      %dma_start3A_603 = tpu.memref_slice %arg8[%add3A_579, %dma_start3A_602] : memref<256x64xf32, #tpu.memory_space<vmem>> -> memref<1x64xf32, #tpu.memory_space<vmem>>
      %dma_start3A_604 = tpu.memref_squeeze %dma_start3A_603 : memref<1x64xf32, #tpu.memory_space<vmem>> -> memref<64xf32, #tpu.memory_space<vmem>>
      %dma_start3A_605 = arith.constant 0 : i32
      %dma_start3A_606 = tpu.memref_slice %arg3[%squeeze3A_595, %dma_start3A_605] : memref<1000000x64xf32, #tpu.memory_space<hbm>> -> memref<1x64xf32, #tpu.memory_space<hbm>>
      %dma_start3A_607 = tpu.memref_squeeze %dma_start3A_606 : memref<1x64xf32, #tpu.memory_space<hbm>> -> memref<64xf32, #tpu.memory_space<hbm>>
      tpu.enqueue_dma source(%dma_start3A_607 : memref<64xf32, #tpu.memory_space<hbm>>) target(%dma_start3A_604 : memref<64xf32, #tpu.memory_space<vmem>>) target_semaphore(%arg12 : memref<!tpu.dma_semaphore, #tpu.memory_space<semaphore_mem>>)
      %slice3A_608 = vector.extract_strided_slice %get3A_72 {offsets = [11], sizes = [1], strides = [1]} : vector<16xi32> to vector<1xi32>
      %squeeze3A_609 = vector.extract %slice3A_608[0] : i32 from vector<1xi32>
      %dma_start3A_610 = arith.constant 0 : i32
      %dma_start3A_611 = tpu.memref_slice %arg9[%add3A_579, %dma_start3A_610] : memref<256x64xf32, #tpu.memory_space<vmem>> -> memref<1x64xf32, #tpu.memory_space<vmem>>
      %dma_start3A_612 = tpu.memref_squeeze %dma_start3A_611 : memref<1x64xf32, #tpu.memory_space<vmem>> -> memref<64xf32, #tpu.memory_space<vmem>>
      %dma_start3A_613 = arith.constant 0 : i32
      %dma_start3A_614 = tpu.memref_slice %arg2[%squeeze3A_609, %dma_start3A_613] : memref<1000000x64xf32, #tpu.memory_space<hbm>> -> memref<1x64xf32, #tpu.memory_space<hbm>>
      %dma_start3A_615 = tpu.memref_squeeze %dma_start3A_614 : memref<1x64xf32, #tpu.memory_space<hbm>> -> memref<64xf32, #tpu.memory_space<hbm>>
      %dma_start3A_616 = arith.constant 0 : i32
      %dma_start3A_617 = tpu.memref_slice %arg9[%add3A_579, %dma_start3A_616] : memref<256x64xf32, #tpu.memory_space<vmem>> -> memref<1x64xf32, #tpu.memory_space<vmem>>
      %dma_start3A_618 = tpu.memref_squeeze %dma_start3A_617 : memref<1x64xf32, #tpu.memory_space<vmem>> -> memref<64xf32, #tpu.memory_space<vmem>>
      %dma_start3A_619 = arith.constant 0 : i32
      %dma_start3A_620 = tpu.memref_slice %arg2[%squeeze3A_609, %dma_start3A_619] : memref<1000000x64xf32, #tpu.memory_space<hbm>> -> memref<1x64xf32, #tpu.memory_space<hbm>>
      %dma_start3A_621 = tpu.memref_squeeze %dma_start3A_620 : memref<1x64xf32, #tpu.memory_space<hbm>> -> memref<64xf32, #tpu.memory_space<hbm>>
      tpu.enqueue_dma source(%dma_start3A_621 : memref<64xf32, #tpu.memory_space<hbm>>) target(%dma_start3A_618 : memref<64xf32, #tpu.memory_space<vmem>>) target_semaphore(%arg12 : memref<!tpu.dma_semaphore, #tpu.memory_space<semaphore_mem>>)
      %add3A_622 = arith.constant 0 : i32
      %add3A_623 = arith.addi %add3A_622, %add3A_61 : i32
      %add3A_624 = arith.constant 12 : i32
      %add3A_625 = arith.addi %add3A_623, %add3A_624 : i32
      %slice3A_626 = vector.extract_strided_slice %get3A_64 {offsets = [12], sizes = [1], strides = [1]} : vector<16xi32> to vector<1xi32>
      %squeeze3A_627 = vector.extract %slice3A_626[0] : i32 from vector<1xi32>
      %dma_start3A_628 = arith.constant 0 : i32
      %dma_start3A_629 = tpu.memref_slice %arg7[%add3A_625, %dma_start3A_628] : memref<256x64xf32, #tpu.memory_space<vmem>> -> memref<1x64xf32, #tpu.memory_space<vmem>>
      %dma_start3A_630 = tpu.memref_squeeze %dma_start3A_629 : memref<1x64xf32, #tpu.memory_space<vmem>> -> memref<64xf32, #tpu.memory_space<vmem>>
      %dma_start3A_631 = arith.constant 0 : i32
      %dma_start3A_632 = tpu.memref_slice %arg2[%squeeze3A_627, %dma_start3A_631] : memref<1000000x64xf32, #tpu.memory_space<hbm>> -> memref<1x64xf32, #tpu.memory_space<hbm>>
      %dma_start3A_633 = tpu.memref_squeeze %dma_start3A_632 : memref<1x64xf32, #tpu.memory_space<hbm>> -> memref<64xf32, #tpu.memory_space<hbm>>
      %dma_start3A_634 = arith.constant 0 : i32
      %dma_start3A_635 = tpu.memref_slice %arg7[%add3A_625, %dma_start3A_634] : memref<256x64xf32, #tpu.memory_space<vmem>> -> memref<1x64xf32, #tpu.memory_space<vmem>>
      %dma_start3A_636 = tpu.memref_squeeze %dma_start3A_635 : memref<1x64xf32, #tpu.memory_space<vmem>> -> memref<64xf32, #tpu.memory_space<vmem>>
      %dma_start3A_637 = arith.constant 0 : i32
      %dma_start3A_638 = tpu.memref_slice %arg2[%squeeze3A_627, %dma_start3A_637] : memref<1000000x64xf32, #tpu.memory_space<hbm>> -> memref<1x64xf32, #tpu.memory_space<hbm>>
      %dma_start3A_639 = tpu.memref_squeeze %dma_start3A_638 : memref<1x64xf32, #tpu.memory_space<hbm>> -> memref<64xf32, #tpu.memory_space<hbm>>
      tpu.enqueue_dma source(%dma_start3A_639 : memref<64xf32, #tpu.memory_space<hbm>>) target(%dma_start3A_636 : memref<64xf32, #tpu.memory_space<vmem>>) target_semaphore(%arg12 : memref<!tpu.dma_semaphore, #tpu.memory_space<semaphore_mem>>)
      %slice3A_640 = vector.extract_strided_slice %get3A_68 {offsets = [12], sizes = [1], strides = [1]} : vector<16xi32> to vector<1xi32>
      %squeeze3A_641 = vector.extract %slice3A_640[0] : i32 from vector<1xi32>
      %dma_start3A_642 = arith.constant 0 : i32
      %dma_start3A_643 = tpu.memref_slice %arg8[%add3A_625, %dma_start3A_642] : memref<256x64xf32, #tpu.memory_space<vmem>> -> memref<1x64xf32, #tpu.memory_space<vmem>>
      %dma_start3A_644 = tpu.memref_squeeze %dma_start3A_643 : memref<1x64xf32, #tpu.memory_space<vmem>> -> memref<64xf32, #tpu.memory_space<vmem>>
      %dma_start3A_645 = arith.constant 0 : i32
      %dma_start3A_646 = tpu.memref_slice %arg3[%squeeze3A_641, %dma_start3A_645] : memref<1000000x64xf32, #tpu.memory_space<hbm>> -> memref<1x64xf32, #tpu.memory_space<hbm>>
      %dma_start3A_647 = tpu.memref_squeeze %dma_start3A_646 : memref<1x64xf32, #tpu.memory_space<hbm>> -> memref<64xf32, #tpu.memory_space<hbm>>
      %dma_start3A_648 = arith.constant 0 : i32
      %dma_start3A_649 = tpu.memref_slice %arg8[%add3A_625, %dma_start3A_648] : memref<256x64xf32, #tpu.memory_space<vmem>> -> memref<1x64xf32, #tpu.memory_space<vmem>>
      %dma_start3A_650 = tpu.memref_squeeze %dma_start3A_649 : memref<1x64xf32, #tpu.memory_space<vmem>> -> memref<64xf32, #tpu.memory_space<vmem>>
      %dma_start3A_651 = arith.constant 0 : i32
      %dma_start3A_652 = tpu.memref_slice %arg3[%squeeze3A_641, %dma_start3A_651] : memref<1000000x64xf32, #tpu.memory_space<hbm>> -> memref<1x64xf32, #tpu.memory_space<hbm>>
      %dma_start3A_653 = tpu.memref_squeeze %dma_start3A_652 : memref<1x64xf32, #tpu.memory_space<hbm>> -> memref<64xf32, #tpu.memory_space<hbm>>
      tpu.enqueue_dma source(%dma_start3A_653 : memref<64xf32, #tpu.memory_space<hbm>>) target(%dma_start3A_650 : memref<64xf32, #tpu.memory_space<vmem>>) target_semaphore(%arg12 : memref<!tpu.dma_semaphore, #tpu.memory_space<semaphore_mem>>)
      %slice3A_654 = vector.extract_strided_slice %get3A_72 {offsets = [12], sizes = [1], strides = [1]} : vector<16xi32> to vector<1xi32>
      %squeeze3A_655 = vector.extract %slice3A_654[0] : i32 from vector<1xi32>
      %dma_start3A_656 = arith.constant 0 : i32
      %dma_start3A_657 = tpu.memref_slice %arg9[%add3A_625, %dma_start3A_656] : memref<256x64xf32, #tpu.memory_space<vmem>> -> memref<1x64xf32, #tpu.memory_space<vmem>>
      %dma_start3A_658 = tpu.memref_squeeze %dma_start3A_657 : memref<1x64xf32, #tpu.memory_space<vmem>> -> memref<64xf32, #tpu.memory_space<vmem>>
      %dma_start3A_659 = arith.constant 0 : i32
      %dma_start3A_660 = tpu.memref_slice %arg2[%squeeze3A_655, %dma_start3A_659] : memref<1000000x64xf32, #tpu.memory_space<hbm>> -> memref<1x64xf32, #tpu.memory_space<hbm>>
      %dma_start3A_661 = tpu.memref_squeeze %dma_start3A_660 : memref<1x64xf32, #tpu.memory_space<hbm>> -> memref<64xf32, #tpu.memory_space<hbm>>
      %dma_start3A_662 = arith.constant 0 : i32
      %dma_start3A_663 = tpu.memref_slice %arg9[%add3A_625, %dma_start3A_662] : memref<256x64xf32, #tpu.memory_space<vmem>> -> memref<1x64xf32, #tpu.memory_space<vmem>>
      %dma_start3A_664 = tpu.memref_squeeze %dma_start3A_663 : memref<1x64xf32, #tpu.memory_space<vmem>> -> memref<64xf32, #tpu.memory_space<vmem>>
      %dma_start3A_665 = arith.constant 0 : i32
      %dma_start3A_666 = tpu.memref_slice %arg2[%squeeze3A_655, %dma_start3A_665] : memref<1000000x64xf32, #tpu.memory_space<hbm>> -> memref<1x64xf32, #tpu.memory_space<hbm>>
      %dma_start3A_667 = tpu.memref_squeeze %dma_start3A_666 : memref<1x64xf32, #tpu.memory_space<hbm>> -> memref<64xf32, #tpu.memory_space<hbm>>
      tpu.enqueue_dma source(%dma_start3A_667 : memref<64xf32, #tpu.memory_space<hbm>>) target(%dma_start3A_664 : memref<64xf32, #tpu.memory_space<vmem>>) target_semaphore(%arg12 : memref<!tpu.dma_semaphore, #tpu.memory_space<semaphore_mem>>)
      %add3A_668 = arith.constant 0 : i32
      %add3A_669 = arith.addi %add3A_668, %add3A_61 : i32
      %add3A_670 = arith.constant 13 : i32
      %add3A_671 = arith.addi %add3A_669, %add3A_670 : i32
      %slice3A_672 = vector.extract_strided_slice %get3A_64 {offsets = [13], sizes = [1], strides = [1]} : vector<16xi32> to vector<1xi32>
      %squeeze3A_673 = vector.extract %slice3A_672[0] : i32 from vector<1xi32>
      %dma_start3A_674 = arith.constant 0 : i32
      %dma_start3A_675 = tpu.memref_slice %arg7[%add3A_671, %dma_start3A_674] : memref<256x64xf32, #tpu.memory_space<vmem>> -> memref<1x64xf32, #tpu.memory_space<vmem>>
      %dma_start3A_676 = tpu.memref_squeeze %dma_start3A_675 : memref<1x64xf32, #tpu.memory_space<vmem>> -> memref<64xf32, #tpu.memory_space<vmem>>
      %dma_start3A_677 = arith.constant 0 : i32
      %dma_start3A_678 = tpu.memref_slice %arg2[%squeeze3A_673, %dma_start3A_677] : memref<1000000x64xf32, #tpu.memory_space<hbm>> -> memref<1x64xf32, #tpu.memory_space<hbm>>
      %dma_start3A_679 = tpu.memref_squeeze %dma_start3A_678 : memref<1x64xf32, #tpu.memory_space<hbm>> -> memref<64xf32, #tpu.memory_space<hbm>>
      %dma_start3A_680 = arith.constant 0 : i32
      %dma_start3A_681 = tpu.memref_slice %arg7[%add3A_671, %dma_start3A_680] : memref<256x64xf32, #tpu.memory_space<vmem>> -> memref<1x64xf32, #tpu.memory_space<vmem>>
      %dma_start3A_682 = tpu.memref_squeeze %dma_start3A_681 : memref<1x64xf32, #tpu.memory_space<vmem>> -> memref<64xf32, #tpu.memory_space<vmem>>
      %dma_start3A_683 = arith.constant 0 : i32
      %dma_start3A_684 = tpu.memref_slice %arg2[%squeeze3A_673, %dma_start3A_683] : memref<1000000x64xf32, #tpu.memory_space<hbm>> -> memref<1x64xf32, #tpu.memory_space<hbm>>
      %dma_start3A_685 = tpu.memref_squeeze %dma_start3A_684 : memref<1x64xf32, #tpu.memory_space<hbm>> -> memref<64xf32, #tpu.memory_space<hbm>>
      tpu.enqueue_dma source(%dma_start3A_685 : memref<64xf32, #tpu.memory_space<hbm>>) target(%dma_start3A_682 : memref<64xf32, #tpu.memory_space<vmem>>) target_semaphore(%arg12 : memref<!tpu.dma_semaphore, #tpu.memory_space<semaphore_mem>>)
      %slice3A_686 = vector.extract_strided_slice %get3A_68 {offsets = [13], sizes = [1], strides = [1]} : vector<16xi32> to vector<1xi32>
      %squeeze3A_687 = vector.extract %slice3A_686[0] : i32 from vector<1xi32>
      %dma_start3A_688 = arith.constant 0 : i32
      %dma_start3A_689 = tpu.memref_slice %arg8[%add3A_671, %dma_start3A_688] : memref<256x64xf32, #tpu.memory_space<vmem>> -> memref<1x64xf32, #tpu.memory_space<vmem>>
      %dma_start3A_690 = tpu.memref_squeeze %dma_start3A_689 : memref<1x64xf32, #tpu.memory_space<vmem>> -> memref<64xf32, #tpu.memory_space<vmem>>
      %dma_start3A_691 = arith.constant 0 : i32
      %dma_start3A_692 = tpu.memref_slice %arg3[%squeeze3A_687, %dma_start3A_691] : memref<1000000x64xf32, #tpu.memory_space<hbm>> -> memref<1x64xf32, #tpu.memory_space<hbm>>
      %dma_start3A_693 = tpu.memref_squeeze %dma_start3A_692 : memref<1x64xf32, #tpu.memory_space<hbm>> -> memref<64xf32, #tpu.memory_space<hbm>>
      %dma_start3A_694 = arith.constant 0 : i32
      %dma_start3A_695 = tpu.memref_slice %arg8[%add3A_671, %dma_start3A_694] : memref<256x64xf32, #tpu.memory_space<vmem>> -> memref<1x64xf32, #tpu.memory_space<vmem>>
      %dma_start3A_696 = tpu.memref_squeeze %dma_start3A_695 : memref<1x64xf32, #tpu.memory_space<vmem>> -> memref<64xf32, #tpu.memory_space<vmem>>
      %dma_start3A_697 = arith.constant 0 : i32
      %dma_start3A_698 = tpu.memref_slice %arg3[%squeeze3A_687, %dma_start3A_697] : memref<1000000x64xf32, #tpu.memory_space<hbm>> -> memref<1x64xf32, #tpu.memory_space<hbm>>
      %dma_start3A_699 = tpu.memref_squeeze %dma_start3A_698 : memref<1x64xf32, #tpu.memory_space<hbm>> -> memref<64xf32, #tpu.memory_space<hbm>>
      tpu.enqueue_dma source(%dma_start3A_699 : memref<64xf32, #tpu.memory_space<hbm>>) target(%dma_start3A_696 : memref<64xf32, #tpu.memory_space<vmem>>) target_semaphore(%arg12 : memref<!tpu.dma_semaphore, #tpu.memory_space<semaphore_mem>>)
      %slice3A_700 = vector.extract_strided_slice %get3A_72 {offsets = [13], sizes = [1], strides = [1]} : vector<16xi32> to vector<1xi32>
      %squeeze3A_701 = vector.extract %slice3A_700[0] : i32 from vector<1xi32>
      %dma_start3A_702 = arith.constant 0 : i32
      %dma_start3A_703 = tpu.memref_slice %arg9[%add3A_671, %dma_start3A_702] : memref<256x64xf32, #tpu.memory_space<vmem>> -> memref<1x64xf32, #tpu.memory_space<vmem>>
      %dma_start3A_704 = tpu.memref_squeeze %dma_start3A_703 : memref<1x64xf32, #tpu.memory_space<vmem>> -> memref<64xf32, #tpu.memory_space<vmem>>
      %dma_start3A_705 = arith.constant 0 : i32
      %dma_start3A_706 = tpu.memref_slice %arg2[%squeeze3A_701, %dma_start3A_705] : memref<1000000x64xf32, #tpu.memory_space<hbm>> -> memref<1x64xf32, #tpu.memory_space<hbm>>
      %dma_start3A_707 = tpu.memref_squeeze %dma_start3A_706 : memref<1x64xf32, #tpu.memory_space<hbm>> -> memref<64xf32, #tpu.memory_space<hbm>>
      %dma_start3A_708 = arith.constant 0 : i32
      %dma_start3A_709 = tpu.memref_slice %arg9[%add3A_671, %dma_start3A_708] : memref<256x64xf32, #tpu.memory_space<vmem>> -> memref<1x64xf32, #tpu.memory_space<vmem>>
      %dma_start3A_710 = tpu.memref_squeeze %dma_start3A_709 : memref<1x64xf32, #tpu.memory_space<vmem>> -> memref<64xf32, #tpu.memory_space<vmem>>
      %dma_start3A_711 = arith.constant 0 : i32
      %dma_start3A_712 = tpu.memref_slice %arg2[%squeeze3A_701, %dma_start3A_711] : memref<1000000x64xf32, #tpu.memory_space<hbm>> -> memref<1x64xf32, #tpu.memory_space<hbm>>
      %dma_start3A_713 = tpu.memref_squeeze %dma_start3A_712 : memref<1x64xf32, #tpu.memory_space<hbm>> -> memref<64xf32, #tpu.memory_space<hbm>>
      tpu.enqueue_dma source(%dma_start3A_713 : memref<64xf32, #tpu.memory_space<hbm>>) target(%dma_start3A_710 : memref<64xf32, #tpu.memory_space<vmem>>) target_semaphore(%arg12 : memref<!tpu.dma_semaphore, #tpu.memory_space<semaphore_mem>>)
      %add3A_714 = arith.constant 0 : i32
      %add3A_715 = arith.addi %add3A_714, %add3A_61 : i32
      %add3A_716 = arith.constant 14 : i32
      %add3A_717 = arith.addi %add3A_715, %add3A_716 : i32
      %slice3A_718 = vector.extract_strided_slice %get3A_64 {offsets = [14], sizes = [1], strides = [1]} : vector<16xi32> to vector<1xi32>
      %squeeze3A_719 = vector.extract %slice3A_718[0] : i32 from vector<1xi32>
      %dma_start3A_720 = arith.constant 0 : i32
      %dma_start3A_721 = tpu.memref_slice %arg7[%add3A_717, %dma_start3A_720] : memref<256x64xf32, #tpu.memory_space<vmem>> -> memref<1x64xf32, #tpu.memory_space<vmem>>
      %dma_start3A_722 = tpu.memref_squeeze %dma_start3A_721 : memref<1x64xf32, #tpu.memory_space<vmem>> -> memref<64xf32, #tpu.memory_space<vmem>>
      %dma_start3A_723 = arith.constant 0 : i32
      %dma_start3A_724 = tpu.memref_slice %arg2[%squeeze3A_719, %dma_start3A_723] : memref<1000000x64xf32, #tpu.memory_space<hbm>> -> memref<1x64xf32, #tpu.memory_space<hbm>>
      %dma_start3A_725 = tpu.memref_squeeze %dma_start3A_724 : memref<1x64xf32, #tpu.memory_space<hbm>> -> memref<64xf32, #tpu.memory_space<hbm>>
      %dma_start3A_726 = arith.constant 0 : i32
      %dma_start3A_727 = tpu.memref_slice %arg7[%add3A_717, %dma_start3A_726] : memref<256x64xf32, #tpu.memory_space<vmem>> -> memref<1x64xf32, #tpu.memory_space<vmem>>
      %dma_start3A_728 = tpu.memref_squeeze %dma_start3A_727 : memref<1x64xf32, #tpu.memory_space<vmem>> -> memref<64xf32, #tpu.memory_space<vmem>>
      %dma_start3A_729 = arith.constant 0 : i32
      %dma_start3A_730 = tpu.memref_slice %arg2[%squeeze3A_719, %dma_start3A_729] : memref<1000000x64xf32, #tpu.memory_space<hbm>> -> memref<1x64xf32, #tpu.memory_space<hbm>>
      %dma_start3A_731 = tpu.memref_squeeze %dma_start3A_730 : memref<1x64xf32, #tpu.memory_space<hbm>> -> memref<64xf32, #tpu.memory_space<hbm>>
      tpu.enqueue_dma source(%dma_start3A_731 : memref<64xf32, #tpu.memory_space<hbm>>) target(%dma_start3A_728 : memref<64xf32, #tpu.memory_space<vmem>>) target_semaphore(%arg12 : memref<!tpu.dma_semaphore, #tpu.memory_space<semaphore_mem>>)
      %slice3A_732 = vector.extract_strided_slice %get3A_68 {offsets = [14], sizes = [1], strides = [1]} : vector<16xi32> to vector<1xi32>
      %squeeze3A_733 = vector.extract %slice3A_732[0] : i32 from vector<1xi32>
      %dma_start3A_734 = arith.constant 0 : i32
      %dma_start3A_735 = tpu.memref_slice %arg8[%add3A_717, %dma_start3A_734] : memref<256x64xf32, #tpu.memory_space<vmem>> -> memref<1x64xf32, #tpu.memory_space<vmem>>
      %dma_start3A_736 = tpu.memref_squeeze %dma_start3A_735 : memref<1x64xf32, #tpu.memory_space<vmem>> -> memref<64xf32, #tpu.memory_space<vmem>>
      %dma_start3A_737 = arith.constant 0 : i32
      %dma_start3A_738 = tpu.memref_slice %arg3[%squeeze3A_733, %dma_start3A_737] : memref<1000000x64xf32, #tpu.memory_space<hbm>> -> memref<1x64xf32, #tpu.memory_space<hbm>>
      %dma_start3A_739 = tpu.memref_squeeze %dma_start3A_738 : memref<1x64xf32, #tpu.memory_space<hbm>> -> memref<64xf32, #tpu.memory_space<hbm>>
      %dma_start3A_740 = arith.constant 0 : i32
      %dma_start3A_741 = tpu.memref_slice %arg8[%add3A_717, %dma_start3A_740] : memref<256x64xf32, #tpu.memory_space<vmem>> -> memref<1x64xf32, #tpu.memory_space<vmem>>
      %dma_start3A_742 = tpu.memref_squeeze %dma_start3A_741 : memref<1x64xf32, #tpu.memory_space<vmem>> -> memref<64xf32, #tpu.memory_space<vmem>>
      %dma_start3A_743 = arith.constant 0 : i32
      %dma_start3A_744 = tpu.memref_slice %arg3[%squeeze3A_733, %dma_start3A_743] : memref<1000000x64xf32, #tpu.memory_space<hbm>> -> memref<1x64xf32, #tpu.memory_space<hbm>>
      %dma_start3A_745 = tpu.memref_squeeze %dma_start3A_744 : memref<1x64xf32, #tpu.memory_space<hbm>> -> memref<64xf32, #tpu.memory_space<hbm>>
      tpu.enqueue_dma source(%dma_start3A_745 : memref<64xf32, #tpu.memory_space<hbm>>) target(%dma_start3A_742 : memref<64xf32, #tpu.memory_space<vmem>>) target_semaphore(%arg12 : memref<!tpu.dma_semaphore, #tpu.memory_space<semaphore_mem>>)
      %slice3A_746 = vector.extract_strided_slice %get3A_72 {offsets = [14], sizes = [1], strides = [1]} : vector<16xi32> to vector<1xi32>
      %squeeze3A_747 = vector.extract %slice3A_746[0] : i32 from vector<1xi32>
      %dma_start3A_748 = arith.constant 0 : i32
      %dma_start3A_749 = tpu.memref_slice %arg9[%add3A_717, %dma_start3A_748] : memref<256x64xf32, #tpu.memory_space<vmem>> -> memref<1x64xf32, #tpu.memory_space<vmem>>
      %dma_start3A_750 = tpu.memref_squeeze %dma_start3A_749 : memref<1x64xf32, #tpu.memory_space<vmem>> -> memref<64xf32, #tpu.memory_space<vmem>>
      %dma_start3A_751 = arith.constant 0 : i32
      %dma_start3A_752 = tpu.memref_slice %arg2[%squeeze3A_747, %dma_start3A_751] : memref<1000000x64xf32, #tpu.memory_space<hbm>> -> memref<1x64xf32, #tpu.memory_space<hbm>>
      %dma_start3A_753 = tpu.memref_squeeze %dma_start3A_752 : memref<1x64xf32, #tpu.memory_space<hbm>> -> memref<64xf32, #tpu.memory_space<hbm>>
      %dma_start3A_754 = arith.constant 0 : i32
      %dma_start3A_755 = tpu.memref_slice %arg9[%add3A_717, %dma_start3A_754] : memref<256x64xf32, #tpu.memory_space<vmem>> -> memref<1x64xf32, #tpu.memory_space<vmem>>
      %dma_start3A_756 = tpu.memref_squeeze %dma_start3A_755 : memref<1x64xf32, #tpu.memory_space<vmem>> -> memref<64xf32, #tpu.memory_space<vmem>>
      %dma_start3A_757 = arith.constant 0 : i32
      %dma_start3A_758 = tpu.memref_slice %arg2[%squeeze3A_747, %dma_start3A_757] : memref<1000000x64xf32, #tpu.memory_space<hbm>> -> memref<1x64xf32, #tpu.memory_space<hbm>>
      %dma_start3A_759 = tpu.memref_squeeze %dma_start3A_758 : memref<1x64xf32, #tpu.memory_space<hbm>> -> memref<64xf32, #tpu.memory_space<hbm>>
      tpu.enqueue_dma source(%dma_start3A_759 : memref<64xf32, #tpu.memory_space<hbm>>) target(%dma_start3A_756 : memref<64xf32, #tpu.memory_space<vmem>>) target_semaphore(%arg12 : memref<!tpu.dma_semaphore, #tpu.memory_space<semaphore_mem>>)
      %add3A_760 = arith.constant 0 : i32
      %add3A_761 = arith.addi %add3A_760, %add3A_61 : i32
      %add3A_762 = arith.constant 15 : i32
      %add3A_763 = arith.addi %add3A_761, %add3A_762 : i32
      %slice3A_764 = vector.extract_strided_slice %get3A_64 {offsets = [15], sizes = [1], strides = [1]} : vector<16xi32> to vector<1xi32>
      %squeeze3A_765 = vector.extract %slice3A_764[0] : i32 from vector<1xi32>
      %dma_start3A_766 = arith.constant 0 : i32
      %dma_start3A_767 = tpu.memref_slice %arg7[%add3A_763, %dma_start3A_766] : memref<256x64xf32, #tpu.memory_space<vmem>> -> memref<1x64xf32, #tpu.memory_space<vmem>>
      %dma_start3A_768 = tpu.memref_squeeze %dma_start3A_767 : memref<1x64xf32, #tpu.memory_space<vmem>> -> memref<64xf32, #tpu.memory_space<vmem>>
      %dma_start3A_769 = arith.constant 0 : i32
      %dma_start3A_770 = tpu.memref_slice %arg2[%squeeze3A_765, %dma_start3A_769] : memref<1000000x64xf32, #tpu.memory_space<hbm>> -> memref<1x64xf32, #tpu.memory_space<hbm>>
      %dma_start3A_771 = tpu.memref_squeeze %dma_start3A_770 : memref<1x64xf32, #tpu.memory_space<hbm>> -> memref<64xf32, #tpu.memory_space<hbm>>
      %dma_start3A_772 = arith.constant 0 : i32
      %dma_start3A_773 = tpu.memref_slice %arg7[%add3A_763, %dma_start3A_772] : memref<256x64xf32, #tpu.memory_space<vmem>> -> memref<1x64xf32, #tpu.memory_space<vmem>>
      %dma_start3A_774 = tpu.memref_squeeze %dma_start3A_773 : memref<1x64xf32, #tpu.memory_space<vmem>> -> memref<64xf32, #tpu.memory_space<vmem>>
      %dma_start3A_775 = arith.constant 0 : i32
      %dma_start3A_776 = tpu.memref_slice %arg2[%squeeze3A_765, %dma_start3A_775] : memref<1000000x64xf32, #tpu.memory_space<hbm>> -> memref<1x64xf32, #tpu.memory_space<hbm>>
      %dma_start3A_777 = tpu.memref_squeeze %dma_start3A_776 : memref<1x64xf32, #tpu.memory_space<hbm>> -> memref<64xf32, #tpu.memory_space<hbm>>
      tpu.enqueue_dma source(%dma_start3A_777 : memref<64xf32, #tpu.memory_space<hbm>>) target(%dma_start3A_774 : memref<64xf32, #tpu.memory_space<vmem>>) target_semaphore(%arg12 : memref<!tpu.dma_semaphore, #tpu.memory_space<semaphore_mem>>)
      %slice3A_778 = vector.extract_strided_slice %get3A_68 {offsets = [15], sizes = [1], strides = [1]} : vector<16xi32> to vector<1xi32>
      %squeeze3A_779 = vector.extract %slice3A_778[0] : i32 from vector<1xi32>
      %dma_start3A_780 = arith.constant 0 : i32
      %dma_start3A_781 = tpu.memref_slice %arg8[%add3A_763, %dma_start3A_780] : memref<256x64xf32, #tpu.memory_space<vmem>> -> memref<1x64xf32, #tpu.memory_space<vmem>>
      %dma_start3A_782 = tpu.memref_squeeze %dma_start3A_781 : memref<1x64xf32, #tpu.memory_space<vmem>> -> memref<64xf32, #tpu.memory_space<vmem>>
      %dma_start3A_783 = arith.constant 0 : i32
      %dma_start3A_784 = tpu.memref_slice %arg3[%squeeze3A_779, %dma_start3A_783] : memref<1000000x64xf32, #tpu.memory_space<hbm>> -> memref<1x64xf32, #tpu.memory_space<hbm>>
      %dma_start3A_785 = tpu.memref_squeeze %dma_start3A_784 : memref<1x64xf32, #tpu.memory_space<hbm>> -> memref<64xf32, #tpu.memory_space<hbm>>
      %dma_start3A_786 = arith.constant 0 : i32
      %dma_start3A_787 = tpu.memref_slice %arg8[%add3A_763, %dma_start3A_786] : memref<256x64xf32, #tpu.memory_space<vmem>> -> memref<1x64xf32, #tpu.memory_space<vmem>>
      %dma_start3A_788 = tpu.memref_squeeze %dma_start3A_787 : memref<1x64xf32, #tpu.memory_space<vmem>> -> memref<64xf32, #tpu.memory_space<vmem>>
      %dma_start3A_789 = arith.constant 0 : i32
      %dma_start3A_790 = tpu.memref_slice %arg3[%squeeze3A_779, %dma_start3A_789] : memref<1000000x64xf32, #tpu.memory_space<hbm>> -> memref<1x64xf32, #tpu.memory_space<hbm>>
      %dma_start3A_791 = tpu.memref_squeeze %dma_start3A_790 : memref<1x64xf32, #tpu.memory_space<hbm>> -> memref<64xf32, #tpu.memory_space<hbm>>
      tpu.enqueue_dma source(%dma_start3A_791 : memref<64xf32, #tpu.memory_space<hbm>>) target(%dma_start3A_788 : memref<64xf32, #tpu.memory_space<vmem>>) target_semaphore(%arg12 : memref<!tpu.dma_semaphore, #tpu.memory_space<semaphore_mem>>)
      %slice3A_792 = vector.extract_strided_slice %get3A_72 {offsets = [15], sizes = [1], strides = [1]} : vector<16xi32> to vector<1xi32>
      %squeeze3A_793 = vector.extract %slice3A_792[0] : i32 from vector<1xi32>
      %dma_start3A_794 = arith.constant 0 : i32
      %dma_start3A_795 = tpu.memref_slice %arg9[%add3A_763, %dma_start3A_794] : memref<256x64xf32, #tpu.memory_space<vmem>> -> memref<1x64xf32, #tpu.memory_space<vmem>>
      %dma_start3A_796 = tpu.memref_squeeze %dma_start3A_795 : memref<1x64xf32, #tpu.memory_space<vmem>> -> memref<64xf32, #tpu.memory_space<vmem>>
      %dma_start3A_797 = arith.constant 0 : i32
      %dma_start3A_798 = tpu.memref_slice %arg2[%squeeze3A_793, %dma_start3A_797] : memref<1000000x64xf32, #tpu.memory_space<hbm>> -> memref<1x64xf32, #tpu.memory_space<hbm>>
      %dma_start3A_799 = tpu.memref_squeeze %dma_start3A_798 : memref<1x64xf32, #tpu.memory_space<hbm>> -> memref<64xf32, #tpu.memory_space<hbm>>
      %dma_start3A_800 = arith.constant 0 : i32
      %dma_start3A_801 = tpu.memref_slice %arg9[%add3A_763, %dma_start3A_800] : memref<256x64xf32, #tpu.memory_space<vmem>> -> memref<1x64xf32, #tpu.memory_space<vmem>>
      %dma_start3A_802 = tpu.memref_squeeze %dma_start3A_801 : memref<1x64xf32, #tpu.memory_space<vmem>> -> memref<64xf32, #tpu.memory_space<vmem>>
      %dma_start3A_803 = arith.constant 0 : i32
      %dma_start3A_804 = tpu.memref_slice %arg2[%squeeze3A_793, %dma_start3A_803] : memref<1000000x64xf32, #tpu.memory_space<hbm>> -> memref<1x64xf32, #tpu.memory_space<hbm>>
      %dma_start3A_805 = tpu.memref_squeeze %dma_start3A_804 : memref<1x64xf32, #tpu.memory_space<hbm>> -> memref<64xf32, #tpu.memory_space<hbm>>
      tpu.enqueue_dma source(%dma_start3A_805 : memref<64xf32, #tpu.memory_space<hbm>>) target(%dma_start3A_802 : memref<64xf32, #tpu.memory_space<vmem>>) target_semaphore(%arg12 : memref<!tpu.dma_semaphore, #tpu.memory_space<semaphore_mem>>)
      %get3A_806 = arith.constant 3 : i32
      %get3A_807 = arith.index_cast %get3A_806 : i32 to index
      %get3A_808 = arith.index_cast %add3A_61 : i32 to index
      %get3A_809 = tpu.vector_load %arg6[%get3A_807, %get3A_808] {strides = array<i32>} : memref<16x128xi32, #tpu.memory_space<vmem>>, vector<16xi32>,
      %get3A_810 = arith.constant 7 : i32
      %get3A_811 = arith.index_cast %get3A_810 : i32 to index
      %get3A_812 = arith.index_cast %add3A_61 : i32 to index
      %get3A_813 = tpu.vector_load %arg6[%get3A_811, %get3A_812] {strides = array<i32>} : memref<16x128xi32, #tpu.memory_space<vmem>>, vector<16xi32>,
      %get3A_814 = arith.constant 11 : i32
      %get3A_815 = arith.index_cast %get3A_814 : i32 to index
      %get3A_816 = arith.index_cast %add3A_61 : i32 to index
      %get3A_817 = tpu.vector_load %arg6[%get3A_815, %get3A_816] {strides = array<i32>} : memref<16x128xi32, #tpu.memory_space<vmem>>, vector<16xi32>,
      %add3A_818 = arith.constant 128 : i32
      %add3A_819 = arith.addi %add3A_818, %add3A_61 : i32
      %add3A_820 = arith.constant 0 : i32
      %add3A_821 = arith.addi %add3A_819, %add3A_820 : i32
      %slice3A_822 = vector.extract_strided_slice %get3A_809 {offsets = [0], sizes = [1], strides = [1]} : vector<16xi32> to vector<1xi32>
      %squeeze3A_823 = vector.extract %slice3A_822[0] : i32 from vector<1xi32>
      %dma_start3A_824 = arith.constant 0 : i32
      %dma_start3A_825 = tpu.memref_slice %arg7[%add3A_821, %dma_start3A_824] : memref<256x64xf32, #tpu.memory_space<vmem>> -> memref<1x64xf32, #tpu.memory_space<vmem>>
      %dma_start3A_826 = tpu.memref_squeeze %dma_start3A_825 : memref<1x64xf32, #tpu.memory_space<vmem>> -> memref<64xf32, #tpu.memory_space<vmem>>
      %dma_start3A_827 = arith.constant 0 : i32
      %dma_start3A_828 = tpu.memref_slice %arg2[%squeeze3A_823, %dma_start3A_827] : memref<1000000x64xf32, #tpu.memory_space<hbm>> -> memref<1x64xf32, #tpu.memory_space<hbm>>
      %dma_start3A_829 = tpu.memref_squeeze %dma_start3A_828 : memref<1x64xf32, #tpu.memory_space<hbm>> -> memref<64xf32, #tpu.memory_space<hbm>>
      %dma_start3A_830 = arith.constant 0 : i32
      %dma_start3A_831 = tpu.memref_slice %arg7[%add3A_821, %dma_start3A_830] : memref<256x64xf32, #tpu.memory_space<vmem>> -> memref<1x64xf32, #tpu.memory_space<vmem>>
      %dma_start3A_832 = tpu.memref_squeeze %dma_start3A_831 : memref<1x64xf32, #tpu.memory_space<vmem>> -> memref<64xf32, #tpu.memory_space<vmem>>
      %dma_start3A_833 = arith.constant 0 : i32
      %dma_start3A_834 = tpu.memref_slice %arg2[%squeeze3A_823, %dma_start3A_833] : memref<1000000x64xf32, #tpu.memory_space<hbm>> -> memref<1x64xf32, #tpu.memory_space<hbm>>
      %dma_start3A_835 = tpu.memref_squeeze %dma_start3A_834 : memref<1x64xf32, #tpu.memory_space<hbm>> -> memref<64xf32, #tpu.memory_space<hbm>>
      tpu.enqueue_dma source(%dma_start3A_835 : memref<64xf32, #tpu.memory_space<hbm>>) target(%dma_start3A_832 : memref<64xf32, #tpu.memory_space<vmem>>) target_semaphore(%arg12 : memref<!tpu.dma_semaphore, #tpu.memory_space<semaphore_mem>>)
      %slice3A_836 = vector.extract_strided_slice %get3A_813 {offsets = [0], sizes = [1], strides = [1]} : vector<16xi32> to vector<1xi32>
      %squeeze3A_837 = vector.extract %slice3A_836[0] : i32 from vector<1xi32>
      %dma_start3A_838 = arith.constant 0 : i32
      %dma_start3A_839 = tpu.memref_slice %arg8[%add3A_821, %dma_start3A_838] : memref<256x64xf32, #tpu.memory_space<vmem>> -> memref<1x64xf32, #tpu.memory_space<vmem>>
      %dma_start3A_840 = tpu.memref_squeeze %dma_start3A_839 : memref<1x64xf32, #tpu.memory_space<vmem>> -> memref<64xf32, #tpu.memory_space<vmem>>
      %dma_start3A_841 = arith.constant 0 : i32
      %dma_start3A_842 = tpu.memref_slice %arg3[%squeeze3A_837, %dma_start3A_841] : memref<1000000x64xf32, #tpu.memory_space<hbm>> -> memref<1x64xf32, #tpu.memory_space<hbm>>
      %dma_start3A_843 = tpu.memref_squeeze %dma_start3A_842 : memref<1x64xf32, #tpu.memory_space<hbm>> -> memref<64xf32, #tpu.memory_space<hbm>>
      %dma_start3A_844 = arith.constant 0 : i32
      %dma_start3A_845 = tpu.memref_slice %arg8[%add3A_821, %dma_start3A_844] : memref<256x64xf32, #tpu.memory_space<vmem>> -> memref<1x64xf32, #tpu.memory_space<vmem>>
      %dma_start3A_846 = tpu.memref_squeeze %dma_start3A_845 : memref<1x64xf32, #tpu.memory_space<vmem>> -> memref<64xf32, #tpu.memory_space<vmem>>
      %dma_start3A_847 = arith.constant 0 : i32
      %dma_start3A_848 = tpu.memref_slice %arg3[%squeeze3A_837, %dma_start3A_847] : memref<1000000x64xf32, #tpu.memory_space<hbm>> -> memref<1x64xf32, #tpu.memory_space<hbm>>
      %dma_start3A_849 = tpu.memref_squeeze %dma_start3A_848 : memref<1x64xf32, #tpu.memory_space<hbm>> -> memref<64xf32, #tpu.memory_space<hbm>>
      tpu.enqueue_dma source(%dma_start3A_849 : memref<64xf32, #tpu.memory_space<hbm>>) target(%dma_start3A_846 : memref<64xf32, #tpu.memory_space<vmem>>) target_semaphore(%arg12 : memref<!tpu.dma_semaphore, #tpu.memory_space<semaphore_mem>>)
      %slice3A_850 = vector.extract_strided_slice %get3A_817 {offsets = [0], sizes = [1], strides = [1]} : vector<16xi32> to vector<1xi32>
      %squeeze3A_851 = vector.extract %slice3A_850[0] : i32 from vector<1xi32>
      %dma_start3A_852 = arith.constant 0 : i32
      %dma_start3A_853 = tpu.memref_slice %arg9[%add3A_821, %dma_start3A_852] : memref<256x64xf32, #tpu.memory_space<vmem>> -> memref<1x64xf32, #tpu.memory_space<vmem>>
      %dma_start3A_854 = tpu.memref_squeeze %dma_start3A_853 : memref<1x64xf32, #tpu.memory_space<vmem>> -> memref<64xf32, #tpu.memory_space<vmem>>
      %dma_start3A_855 = arith.constant 0 : i32
      %dma_start3A_856 = tpu.memref_slice %arg2[%squeeze3A_851, %dma_start3A_855] : memref<1000000x64xf32, #tpu.memory_space<hbm>> -> memref<1x64xf32, #tpu.memory_space<hbm>>
      %dma_start3A_857 = tpu.memref_squeeze %dma_start3A_856 : memref<1x64xf32, #tpu.memory_space<hbm>> -> memref<64xf32, #tpu.memory_space<hbm>>
      %dma_start3A_858 = arith.constant 0 : i32
      %dma_start3A_859 = tpu.memref_slice %arg9[%add3A_821, %dma_start3A_858] : memref<256x64xf32, #tpu.memory_space<vmem>> -> memref<1x64xf32, #tpu.memory_space<vmem>>
      %dma_start3A_860 = tpu.memref_squeeze %dma_start3A_859 : memref<1x64xf32, #tpu.memory_space<vmem>> -> memref<64xf32, #tpu.memory_space<vmem>>
      %dma_start3A_861 = arith.constant 0 : i32
      %dma_start3A_862 = tpu.memref_slice %arg2[%squeeze3A_851, %dma_start3A_861] : memref<1000000x64xf32, #tpu.memory_space<hbm>> -> memref<1x64xf32, #tpu.memory_space<hbm>>
      %dma_start3A_863 = tpu.memref_squeeze %dma_start3A_862 : memref<1x64xf32, #tpu.memory_space<hbm>> -> memref<64xf32, #tpu.memory_space<hbm>>
      tpu.enqueue_dma source(%dma_start3A_863 : memref<64xf32, #tpu.memory_space<hbm>>) target(%dma_start3A_860 : memref<64xf32, #tpu.memory_space<vmem>>) target_semaphore(%arg12 : memref<!tpu.dma_semaphore, #tpu.memory_space<semaphore_mem>>)
      %add3A_864 = arith.constant 128 : i32
      %add3A_865 = arith.addi %add3A_864, %add3A_61 : i32
      %add3A_866 = arith.constant 1 : i32
      %add3A_867 = arith.addi %add3A_865, %add3A_866 : i32
      %slice3A_868 = vector.extract_strided_slice %get3A_809 {offsets = [1], sizes = [1], strides = [1]} : vector<16xi32> to vector<1xi32>
      %squeeze3A_869 = vector.extract %slice3A_868[0] : i32 from vector<1xi32>
      %dma_start3A_870 = arith.constant 0 : i32
      %dma_start3A_871 = tpu.memref_slice %arg7[%add3A_867, %dma_start3A_870] : memref<256x64xf32, #tpu.memory_space<vmem>> -> memref<1x64xf32, #tpu.memory_space<vmem>>
      %dma_start3A_872 = tpu.memref_squeeze %dma_start3A_871 : memref<1x64xf32, #tpu.memory_space<vmem>> -> memref<64xf32, #tpu.memory_space<vmem>>
      %dma_start3A_873 = arith.constant 0 : i32
      %dma_start3A_874 = tpu.memref_slice %arg2[%squeeze3A_869, %dma_start3A_873] : memref<1000000x64xf32, #tpu.memory_space<hbm>> -> memref<1x64xf32, #tpu.memory_space<hbm>>
      %dma_start3A_875 = tpu.memref_squeeze %dma_start3A_874 : memref<1x64xf32, #tpu.memory_space<hbm>> -> memref<64xf32, #tpu.memory_space<hbm>>
      %dma_start3A_876 = arith.constant 0 : i32
      %dma_start3A_877 = tpu.memref_slice %arg7[%add3A_867, %dma_start3A_876] : memref<256x64xf32, #tpu.memory_space<vmem>> -> memref<1x64xf32, #tpu.memory_space<vmem>>
      %dma_start3A_878 = tpu.memref_squeeze %dma_start3A_877 : memref<1x64xf32, #tpu.memory_space<vmem>> -> memref<64xf32, #tpu.memory_space<vmem>>
      %dma_start3A_879 = arith.constant 0 : i32
      %dma_start3A_880 = tpu.memref_slice %arg2[%squeeze3A_869, %dma_start3A_879] : memref<1000000x64xf32, #tpu.memory_space<hbm>> -> memref<1x64xf32, #tpu.memory_space<hbm>>
      %dma_start3A_881 = tpu.memref_squeeze %dma_start3A_880 : memref<1x64xf32, #tpu.memory_space<hbm>> -> memref<64xf32, #tpu.memory_space<hbm>>
      tpu.enqueue_dma source(%dma_start3A_881 : memref<64xf32, #tpu.memory_space<hbm>>) target(%dma_start3A_878 : memref<64xf32, #tpu.memory_space<vmem>>) target_semaphore(%arg12 : memref<!tpu.dma_semaphore, #tpu.memory_space<semaphore_mem>>)
      %slice3A_882 = vector.extract_strided_slice %get3A_813 {offsets = [1], sizes = [1], strides = [1]} : vector<16xi32> to vector<1xi32>
      %squeeze3A_883 = vector.extract %slice3A_882[0] : i32 from vector<1xi32>
      %dma_start3A_884 = arith.constant 0 : i32
      %dma_start3A_885 = tpu.memref_slice %arg8[%add3A_867, %dma_start3A_884] : memref<256x64xf32, #tpu.memory_space<vmem>> -> memref<1x64xf32, #tpu.memory_space<vmem>>
      %dma_start3A_886 = tpu.memref_squeeze %dma_start3A_885 : memref<1x64xf32, #tpu.memory_space<vmem>> -> memref<64xf32, #tpu.memory_space<vmem>>
      %dma_start3A_887 = arith.constant 0 : i32
      %dma_start3A_888 = tpu.memref_slice %arg3[%squeeze3A_883, %dma_start3A_887] : memref<1000000x64xf32, #tpu.memory_space<hbm>> -> memref<1x64xf32, #tpu.memory_space<hbm>>
      %dma_start3A_889 = tpu.memref_squeeze %dma_start3A_888 : memref<1x64xf32, #tpu.memory_space<hbm>> -> memref<64xf32, #tpu.memory_space<hbm>>
      %dma_start3A_890 = arith.constant 0 : i32
      %dma_start3A_891 = tpu.memref_slice %arg8[%add3A_867, %dma_start3A_890] : memref<256x64xf32, #tpu.memory_space<vmem>> -> memref<1x64xf32, #tpu.memory_space<vmem>>
      %dma_start3A_892 = tpu.memref_squeeze %dma_start3A_891 : memref<1x64xf32, #tpu.memory_space<vmem>> -> memref<64xf32, #tpu.memory_space<vmem>>
      %dma_start3A_893 = arith.constant 0 : i32
      %dma_start3A_894 = tpu.memref_slice %arg3[%squeeze3A_883, %dma_start3A_893] : memref<1000000x64xf32, #tpu.memory_space<hbm>> -> memref<1x64xf32, #tpu.memory_space<hbm>>
      %dma_start3A_895 = tpu.memref_squeeze %dma_start3A_894 : memref<1x64xf32, #tpu.memory_space<hbm>> -> memref<64xf32, #tpu.memory_space<hbm>>
      tpu.enqueue_dma source(%dma_start3A_895 : memref<64xf32, #tpu.memory_space<hbm>>) target(%dma_start3A_892 : memref<64xf32, #tpu.memory_space<vmem>>) target_semaphore(%arg12 : memref<!tpu.dma_semaphore, #tpu.memory_space<semaphore_mem>>)
      %slice3A_896 = vector.extract_strided_slice %get3A_817 {offsets = [1], sizes = [1], strides = [1]} : vector<16xi32> to vector<1xi32>
      %squeeze3A_897 = vector.extract %slice3A_896[0] : i32 from vector<1xi32>
      %dma_start3A_898 = arith.constant 0 : i32
      %dma_start3A_899 = tpu.memref_slice %arg9[%add3A_867, %dma_start3A_898] : memref<256x64xf32, #tpu.memory_space<vmem>> -> memref<1x64xf32, #tpu.memory_space<vmem>>
      %dma_start3A_900 = tpu.memref_squeeze %dma_start3A_899 : memref<1x64xf32, #tpu.memory_space<vmem>> -> memref<64xf32, #tpu.memory_space<vmem>>
      %dma_start3A_901 = arith.constant 0 : i32
      %dma_start3A_902 = tpu.memref_slice %arg2[%squeeze3A_897, %dma_start3A_901] : memref<1000000x64xf32, #tpu.memory_space<hbm>> -> memref<1x64xf32, #tpu.memory_space<hbm>>
      %dma_start3A_903 = tpu.memref_squeeze %dma_start3A_902 : memref<1x64xf32, #tpu.memory_space<hbm>> -> memref<64xf32, #tpu.memory_space<hbm>>
      %dma_start3A_904 = arith.constant 0 : i32
      %dma_start3A_905 = tpu.memref_slice %arg9[%add3A_867, %dma_start3A_904] : memref<256x64xf32, #tpu.memory_space<vmem>> -> memref<1x64xf32, #tpu.memory_space<vmem>>
      %dma_start3A_906 = tpu.memref_squeeze %dma_start3A_905 : memref<1x64xf32, #tpu.memory_space<vmem>> -> memref<64xf32, #tpu.memory_space<vmem>>
      %dma_start3A_907 = arith.constant 0 : i32
      %dma_start3A_908 = tpu.memref_slice %arg2[%squeeze3A_897, %dma_start3A_907] : memref<1000000x64xf32, #tpu.memory_space<hbm>> -> memref<1x64xf32, #tpu.memory_space<hbm>>
      %dma_start3A_909 = tpu.memref_squeeze %dma_start3A_908 : memref<1x64xf32, #tpu.memory_space<hbm>> -> memref<64xf32, #tpu.memory_space<hbm>>
      tpu.enqueue_dma source(%dma_start3A_909 : memref<64xf32, #tpu.memory_space<hbm>>) target(%dma_start3A_906 : memref<64xf32, #tpu.memory_space<vmem>>) target_semaphore(%arg12 : memref<!tpu.dma_semaphore, #tpu.memory_space<semaphore_mem>>)
      %add3A_910 = arith.constant 128 : i32
      %add3A_911 = arith.addi %add3A_910, %add3A_61 : i32
      %add3A_912 = arith.constant 2 : i32
      %add3A_913 = arith.addi %add3A_911, %add3A_912 : i32
      %slice3A_914 = vector.extract_strided_slice %get3A_809 {offsets = [2], sizes = [1], strides = [1]} : vector<16xi32> to vector<1xi32>
      %squeeze3A_915 = vector.extract %slice3A_914[0] : i32 from vector<1xi32>
      %dma_start3A_916 = arith.constant 0 : i32
      %dma_start3A_917 = tpu.memref_slice %arg7[%add3A_913, %dma_start3A_916] : memref<256x64xf32, #tpu.memory_space<vmem>> -> memref<1x64xf32, #tpu.memory_space<vmem>>
      %dma_start3A_918 = tpu.memref_squeeze %dma_start3A_917 : memref<1x64xf32, #tpu.memory_space<vmem>> -> memref<64xf32, #tpu.memory_space<vmem>>
      %dma_start3A_919 = arith.constant 0 : i32
      %dma_start3A_920 = tpu.memref_slice %arg2[%squeeze3A_915, %dma_start3A_919] : memref<1000000x64xf32, #tpu.memory_space<hbm>> -> memref<1x64xf32, #tpu.memory_space<hbm>>
      %dma_start3A_921 = tpu.memref_squeeze %dma_start3A_920 : memref<1x64xf32, #tpu.memory_space<hbm>> -> memref<64xf32, #tpu.memory_space<hbm>>
      %dma_start3A_922 = arith.constant 0 : i32
      %dma_start3A_923 = tpu.memref_slice %arg7[%add3A_913, %dma_start3A_922] : memref<256x64xf32, #tpu.memory_space<vmem>> -> memref<1x64xf32, #tpu.memory_space<vmem>>
      %dma_start3A_924 = tpu.memref_squeeze %dma_start3A_923 : memref<1x64xf32, #tpu.memory_space<vmem>> -> memref<64xf32, #tpu.memory_space<vmem>>
      %dma_start3A_925 = arith.constant 0 : i32
      %dma_start3A_926 = tpu.memref_slice %arg2[%squeeze3A_915, %dma_start3A_925] : memref<1000000x64xf32, #tpu.memory_space<hbm>> -> memref<1x64xf32, #tpu.memory_space<hbm>>
      %dma_start3A_927 = tpu.memref_squeeze %dma_start3A_926 : memref<1x64xf32, #tpu.memory_space<hbm>> -> memref<64xf32, #tpu.memory_space<hbm>>
      tpu.enqueue_dma source(%dma_start3A_927 : memref<64xf32, #tpu.memory_space<hbm>>) target(%dma_start3A_924 : memref<64xf32, #tpu.memory_space<vmem>>) target_semaphore(%arg12 : memref<!tpu.dma_semaphore, #tpu.memory_space<semaphore_mem>>)
      %slice3A_928 = vector.extract_strided_slice %get3A_813 {offsets = [2], sizes = [1], strides = [1]} : vector<16xi32> to vector<1xi32>
      %squeeze3A_929 = vector.extract %slice3A_928[0] : i32 from vector<1xi32>
      %dma_start3A_930 = arith.constant 0 : i32
      %dma_start3A_931 = tpu.memref_slice %arg8[%add3A_913, %dma_start3A_930] : memref<256x64xf32, #tpu.memory_space<vmem>> -> memref<1x64xf32, #tpu.memory_space<vmem>>
      %dma_start3A_932 = tpu.memref_squeeze %dma_start3A_931 : memref<1x64xf32, #tpu.memory_space<vmem>> -> memref<64xf32, #tpu.memory_space<vmem>>
      %dma_start3A_933 = arith.constant 0 : i32
      %dma_start3A_934 = tpu.memref_slice %arg3[%squeeze3A_929, %dma_start3A_933] : memref<1000000x64xf32, #tpu.memory_space<hbm>> -> memref<1x64xf32, #tpu.memory_space<hbm>>
      %dma_start3A_935 = tpu.memref_squeeze %dma_start3A_934 : memref<1x64xf32, #tpu.memory_space<hbm>> -> memref<64xf32, #tpu.memory_space<hbm>>
      %dma_start3A_936 = arith.constant 0 : i32
      %dma_start3A_937 = tpu.memref_slice %arg8[%add3A_913, %dma_start3A_936] : memref<256x64xf32, #tpu.memory_space<vmem>> -> memref<1x64xf32, #tpu.memory_space<vmem>>
      %dma_start3A_938 = tpu.memref_squeeze %dma_start3A_937 : memref<1x64xf32, #tpu.memory_space<vmem>> -> memref<64xf32, #tpu.memory_space<vmem>>
      %dma_start3A_939 = arith.constant 0 : i32
      %dma_start3A_940 = tpu.memref_slice %arg3[%squeeze3A_929, %dma_start3A_939] : memref<1000000x64xf32, #tpu.memory_space<hbm>> -> memref<1x64xf32, #tpu.memory_space<hbm>>
      %dma_start3A_941 = tpu.memref_squeeze %dma_start3A_940 : memref<1x64xf32, #tpu.memory_space<hbm>> -> memref<64xf32, #tpu.memory_space<hbm>>
      tpu.enqueue_dma source(%dma_start3A_941 : memref<64xf32, #tpu.memory_space<hbm>>) target(%dma_start3A_938 : memref<64xf32, #tpu.memory_space<vmem>>) target_semaphore(%arg12 : memref<!tpu.dma_semaphore, #tpu.memory_space<semaphore_mem>>)
      %slice3A_942 = vector.extract_strided_slice %get3A_817 {offsets = [2], sizes = [1], strides = [1]} : vector<16xi32> to vector<1xi32>
      %squeeze3A_943 = vector.extract %slice3A_942[0] : i32 from vector<1xi32>
      %dma_start3A_944 = arith.constant 0 : i32
      %dma_start3A_945 = tpu.memref_slice %arg9[%add3A_913, %dma_start3A_944] : memref<256x64xf32, #tpu.memory_space<vmem>> -> memref<1x64xf32, #tpu.memory_space<vmem>>
      %dma_start3A_946 = tpu.memref_squeeze %dma_start3A_945 : memref<1x64xf32, #tpu.memory_space<vmem>> -> memref<64xf32, #tpu.memory_space<vmem>>
      %dma_start3A_947 = arith.constant 0 : i32
      %dma_start3A_948 = tpu.memref_slice %arg2[%squeeze3A_943, %dma_start3A_947] : memref<1000000x64xf32, #tpu.memory_space<hbm>> -> memref<1x64xf32, #tpu.memory_space<hbm>>
      %dma_start3A_949 = tpu.memref_squeeze %dma_start3A_948 : memref<1x64xf32, #tpu.memory_space<hbm>> -> memref<64xf32, #tpu.memory_space<hbm>>
      %dma_start3A_950 = arith.constant 0 : i32
      %dma_start3A_951 = tpu.memref_slice %arg9[%add3A_913, %dma_start3A_950] : memref<256x64xf32, #tpu.memory_space<vmem>> -> memref<1x64xf32, #tpu.memory_space<vmem>>
      %dma_start3A_952 = tpu.memref_squeeze %dma_start3A_951 : memref<1x64xf32, #tpu.memory_space<vmem>> -> memref<64xf32, #tpu.memory_space<vmem>>
      %dma_start3A_953 = arith.constant 0 : i32
      %dma_start3A_954 = tpu.memref_slice %arg2[%squeeze3A_943, %dma_start3A_953] : memref<1000000x64xf32, #tpu.memory_space<hbm>> -> memref<1x64xf32, #tpu.memory_space<hbm>>
      %dma_start3A_955 = tpu.memref_squeeze %dma_start3A_954 : memref<1x64xf32, #tpu.memory_space<hbm>> -> memref<64xf32, #tpu.memory_space<hbm>>
      tpu.enqueue_dma source(%dma_start3A_955 : memref<64xf32, #tpu.memory_space<hbm>>) target(%dma_start3A_952 : memref<64xf32, #tpu.memory_space<vmem>>) target_semaphore(%arg12 : memref<!tpu.dma_semaphore, #tpu.memory_space<semaphore_mem>>)
      %add3A_956 = arith.constant 128 : i32
      %add3A_957 = arith.addi %add3A_956, %add3A_61 : i32
      %add3A_958 = arith.constant 3 : i32
      %add3A_959 = arith.addi %add3A_957, %add3A_958 : i32
      %slice3A_960 = vector.extract_strided_slice %get3A_809 {offsets = [3], sizes = [1], strides = [1]} : vector<16xi32> to vector<1xi32>
      %squeeze3A_961 = vector.extract %slice3A_960[0] : i32 from vector<1xi32>
      %dma_start3A_962 = arith.constant 0 : i32
      %dma_start3A_963 = tpu.memref_slice %arg7[%add3A_959, %dma_start3A_962] : memref<256x64xf32, #tpu.memory_space<vmem>> -> memref<1x64xf32, #tpu.memory_space<vmem>>
      %dma_start3A_964 = tpu.memref_squeeze %dma_start3A_963 : memref<1x64xf32, #tpu.memory_space<vmem>> -> memref<64xf32, #tpu.memory_space<vmem>>
      %dma_start3A_965 = arith.constant 0 : i32
      %dma_start3A_966 = tpu.memref_slice %arg2[%squeeze3A_961, %dma_start3A_965] : memref<1000000x64xf32, #tpu.memory_space<hbm>> -> memref<1x64xf32, #tpu.memory_space<hbm>>
      %dma_start3A_967 = tpu.memref_squeeze %dma_start3A_966 : memref<1x64xf32, #tpu.memory_space<hbm>> -> memref<64xf32, #tpu.memory_space<hbm>>
      %dma_start3A_968 = arith.constant 0 : i32
      %dma_start3A_969 = tpu.memref_slice %arg7[%add3A_959, %dma_start3A_968] : memref<256x64xf32, #tpu.memory_space<vmem>> -> memref<1x64xf32, #tpu.memory_space<vmem>>
      %dma_start3A_970 = tpu.memref_squeeze %dma_start3A_969 : memref<1x64xf32, #tpu.memory_space<vmem>> -> memref<64xf32, #tpu.memory_space<vmem>>
      %dma_start3A_971 = arith.constant 0 : i32
      %dma_start3A_972 = tpu.memref_slice %arg2[%squeeze3A_961, %dma_start3A_971] : memref<1000000x64xf32, #tpu.memory_space<hbm>> -> memref<1x64xf32, #tpu.memory_space<hbm>>
      %dma_start3A_973 = tpu.memref_squeeze %dma_start3A_972 : memref<1x64xf32, #tpu.memory_space<hbm>> -> memref<64xf32, #tpu.memory_space<hbm>>
      tpu.enqueue_dma source(%dma_start3A_973 : memref<64xf32, #tpu.memory_space<hbm>>) target(%dma_start3A_970 : memref<64xf32, #tpu.memory_space<vmem>>) target_semaphore(%arg12 : memref<!tpu.dma_semaphore, #tpu.memory_space<semaphore_mem>>)
      %slice3A_974 = vector.extract_strided_slice %get3A_813 {offsets = [3], sizes = [1], strides = [1]} : vector<16xi32> to vector<1xi32>
      %squeeze3A_975 = vector.extract %slice3A_974[0] : i32 from vector<1xi32>
      %dma_start3A_976 = arith.constant 0 : i32
      %dma_start3A_977 = tpu.memref_slice %arg8[%add3A_959, %dma_start3A_976] : memref<256x64xf32, #tpu.memory_space<vmem>> -> memref<1x64xf32, #tpu.memory_space<vmem>>
      %dma_start3A_978 = tpu.memref_squeeze %dma_start3A_977 : memref<1x64xf32, #tpu.memory_space<vmem>> -> memref<64xf32, #tpu.memory_space<vmem>>
      %dma_start3A_979 = arith.constant 0 : i32
      %dma_start3A_980 = tpu.memref_slice %arg3[%squeeze3A_975, %dma_start3A_979] : memref<1000000x64xf32, #tpu.memory_space<hbm>> -> memref<1x64xf32, #tpu.memory_space<hbm>>
      %dma_start3A_981 = tpu.memref_squeeze %dma_start3A_980 : memref<1x64xf32, #tpu.memory_space<hbm>> -> memref<64xf32, #tpu.memory_space<hbm>>
      %dma_start3A_982 = arith.constant 0 : i32
      %dma_start3A_983 = tpu.memref_slice %arg8[%add3A_959, %dma_start3A_982] : memref<256x64xf32, #tpu.memory_space<vmem>> -> memref<1x64xf32, #tpu.memory_space<vmem>>
      %dma_start3A_984 = tpu.memref_squeeze %dma_start3A_983 : memref<1x64xf32, #tpu.memory_space<vmem>> -> memref<64xf32, #tpu.memory_space<vmem>>
      %dma_start3A_985 = arith.constant 0 : i32
      %dma_start3A_986 = tpu.memref_slice %arg3[%squeeze3A_975, %dma_start3A_985] : memref<1000000x64xf32, #tpu.memory_space<hbm>> -> memref<1x64xf32, #tpu.memory_space<hbm>>
      %dma_start3A_987 = tpu.memref_squeeze %dma_start3A_986 : memref<1x64xf32, #tpu.memory_space<hbm>> -> memref<64xf32, #tpu.memory_space<hbm>>
      tpu.enqueue_dma source(%dma_start3A_987 : memref<64xf32, #tpu.memory_space<hbm>>) target(%dma_start3A_984 : memref<64xf32, #tpu.memory_space<vmem>>) target_semaphore(%arg12 : memref<!tpu.dma_semaphore, #tpu.memory_space<semaphore_mem>>)
      %slice3A_988 = vector.extract_strided_slice %get3A_817 {offsets = [3], sizes = [1], strides = [1]} : vector<16xi32> to vector<1xi32>
      %squeeze3A_989 = vector.extract %slice3A_988[0] : i32 from vector<1xi32>
      %dma_start3A_990 = arith.constant 0 : i32
      %dma_start3A_991 = tpu.memref_slice %arg9[%add3A_959, %dma_start3A_990] : memref<256x64xf32, #tpu.memory_space<vmem>> -> memref<1x64xf32, #tpu.memory_space<vmem>>
      %dma_start3A_992 = tpu.memref_squeeze %dma_start3A_991 : memref<1x64xf32, #tpu.memory_space<vmem>> -> memref<64xf32, #tpu.memory_space<vmem>>
      %dma_start3A_993 = arith.constant 0 : i32
      %dma_start3A_994 = tpu.memref_slice %arg2[%squeeze3A_989, %dma_start3A_993] : memref<1000000x64xf32, #tpu.memory_space<hbm>> -> memref<1x64xf32, #tpu.memory_space<hbm>>
      %dma_start3A_995 = tpu.memref_squeeze %dma_start3A_994 : memref<1x64xf32, #tpu.memory_space<hbm>> -> memref<64xf32, #tpu.memory_space<hbm>>
      %dma_start3A_996 = arith.constant 0 : i32
      %dma_start3A_997 = tpu.memref_slice %arg9[%add3A_959, %dma_start3A_996] : memref<256x64xf32, #tpu.memory_space<vmem>> -> memref<1x64xf32, #tpu.memory_space<vmem>>
      %dma_start3A_998 = tpu.memref_squeeze %dma_start3A_997 : memref<1x64xf32, #tpu.memory_space<vmem>> -> memref<64xf32, #tpu.memory_space<vmem>>
      %dma_start3A_999 = arith.constant 0 : i32
      %dma_start3A_1000 = tpu.memref_slice %arg2[%squeeze3A_989, %dma_start3A_999] : memref<1000000x64xf32, #tpu.memory_space<hbm>> -> memref<1x64xf32, #tpu.memory_space<hbm>>
      %dma_start3A_1001 = tpu.memref_squeeze %dma_start3A_1000 : memref<1x64xf32, #tpu.memory_space<hbm>> -> memref<64xf32, #tpu.memory_space<hbm>>
      tpu.enqueue_dma source(%dma_start3A_1001 : memref<64xf32, #tpu.memory_space<hbm>>) target(%dma_start3A_998 : memref<64xf32, #tpu.memory_space<vmem>>) target_semaphore(%arg12 : memref<!tpu.dma_semaphore, #tpu.memory_space<semaphore_mem>>)
      %add3A_1002 = arith.constant 128 : i32
      %add3A_1003 = arith.addi %add3A_1002, %add3A_61 : i32
      %add3A_1004 = arith.constant 4 : i32
      %add3A_1005 = arith.addi %add3A_1003, %add3A_1004 : i32
      %slice3A_1006 = vector.extract_strided_slice %get3A_809 {offsets = [4], sizes = [1], strides = [1]} : vector<16xi32> to vector<1xi32>
      %squeeze3A_1007 = vector.extract %slice3A_1006[0] : i32 from vector<1xi32>
      %dma_start3A_1008 = arith.constant 0 : i32
      %dma_start3A_1009 = tpu.memref_slice %arg7[%add3A_1005, %dma_start3A_1008] : memref<256x64xf32, #tpu.memory_space<vmem>> -> memref<1x64xf32, #tpu.memory_space<vmem>>
      %dma_start3A_1010 = tpu.memref_squeeze %dma_start3A_1009 : memref<1x64xf32, #tpu.memory_space<vmem>> -> memref<64xf32, #tpu.memory_space<vmem>>
      %dma_start3A_1011 = arith.constant 0 : i32
      %dma_start3A_1012 = tpu.memref_slice %arg2[%squeeze3A_1007, %dma_start3A_1011] : memref<1000000x64xf32, #tpu.memory_space<hbm>> -> memref<1x64xf32, #tpu.memory_space<hbm>>
      %dma_start3A_1013 = tpu.memref_squeeze %dma_start3A_1012 : memref<1x64xf32, #tpu.memory_space<hbm>> -> memref<64xf32, #tpu.memory_space<hbm>>
      %dma_start3A_1014 = arith.constant 0 : i32
      %dma_start3A_1015 = tpu.memref_slice %arg7[%add3A_1005, %dma_start3A_1014] : memref<256x64xf32, #tpu.memory_space<vmem>> -> memref<1x64xf32, #tpu.memory_space<vmem>>
      %dma_start3A_1016 = tpu.memref_squeeze %dma_start3A_1015 : memref<1x64xf32, #tpu.memory_space<vmem>> -> memref<64xf32, #tpu.memory_space<vmem>>
      %dma_start3A_1017 = arith.constant 0 : i32
      %dma_start3A_1018 = tpu.memref_slice %arg2[%squeeze3A_1007, %dma_start3A_1017] : memref<1000000x64xf32, #tpu.memory_space<hbm>> -> memref<1x64xf32, #tpu.memory_space<hbm>>
      %dma_start3A_1019 = tpu.memref_squeeze %dma_start3A_1018 : memref<1x64xf32, #tpu.memory_space<hbm>> -> memref<64xf32, #tpu.memory_space<hbm>>
      tpu.enqueue_dma source(%dma_start3A_1019 : memref<64xf32, #tpu.memory_space<hbm>>) target(%dma_start3A_1016 : memref<64xf32, #tpu.memory_space<vmem>>) target_semaphore(%arg12 : memref<!tpu.dma_semaphore, #tpu.memory_space<semaphore_mem>>)
      %slice3A_1020 = vector.extract_strided_slice %get3A_813 {offsets = [4], sizes = [1], strides = [1]} : vector<16xi32> to vector<1xi32>
      %squeeze3A_1021 = vector.extract %slice3A_1020[0] : i32 from vector<1xi32>
      %dma_start3A_1022 = arith.constant 0 : i32
      %dma_start3A_1023 = tpu.memref_slice %arg8[%add3A_1005, %dma_start3A_1022] : memref<256x64xf32, #tpu.memory_space<vmem>> -> memref<1x64xf32, #tpu.memory_space<vmem>>
      %dma_start3A_1024 = tpu.memref_squeeze %dma_start3A_1023 : memref<1x64xf32, #tpu.memory_space<vmem>> -> memref<64xf32, #tpu.memory_space<vmem>>
      %dma_start3A_1025 = arith.constant 0 : i32
      %dma_start3A_1026 = tpu.memref_slice %arg3[%squeeze3A_1021, %dma_start3A_1025] : memref<1000000x64xf32, #tpu.memory_space<hbm>> -> memref<1x64xf32, #tpu.memory_space<hbm>>
      %dma_start3A_1027 = tpu.memref_squeeze %dma_start3A_1026 : memref<1x64xf32, #tpu.memory_space<hbm>> -> memref<64xf32, #tpu.memory_space<hbm>>
      %dma_start3A_1028 = arith.constant 0 : i32
      %dma_start3A_1029 = tpu.memref_slice %arg8[%add3A_1005, %dma_start3A_1028] : memref<256x64xf32, #tpu.memory_space<vmem>> -> memref<1x64xf32, #tpu.memory_space<vmem>>
      %dma_start3A_1030 = tpu.memref_squeeze %dma_start3A_1029 : memref<1x64xf32, #tpu.memory_space<vmem>> -> memref<64xf32, #tpu.memory_space<vmem>>
      %dma_start3A_1031 = arith.constant 0 : i32
      %dma_start3A_1032 = tpu.memref_slice %arg3[%squeeze3A_1021, %dma_start3A_1031] : memref<1000000x64xf32, #tpu.memory_space<hbm>> -> memref<1x64xf32, #tpu.memory_space<hbm>>
      %dma_start3A_1033 = tpu.memref_squeeze %dma_start3A_1032 : memref<1x64xf32, #tpu.memory_space<hbm>> -> memref<64xf32, #tpu.memory_space<hbm>>
      tpu.enqueue_dma source(%dma_start3A_1033 : memref<64xf32, #tpu.memory_space<hbm>>) target(%dma_start3A_1030 : memref<64xf32, #tpu.memory_space<vmem>>) target_semaphore(%arg12 : memref<!tpu.dma_semaphore, #tpu.memory_space<semaphore_mem>>)
      %slice3A_1034 = vector.extract_strided_slice %get3A_817 {offsets = [4], sizes = [1], strides = [1]} : vector<16xi32> to vector<1xi32>
      %squeeze3A_1035 = vector.extract %slice3A_1034[0] : i32 from vector<1xi32>
      %dma_start3A_1036 = arith.constant 0 : i32
      %dma_start3A_1037 = tpu.memref_slice %arg9[%add3A_1005, %dma_start3A_1036] : memref<256x64xf32, #tpu.memory_space<vmem>> -> memref<1x64xf32, #tpu.memory_space<vmem>>
      %dma_start3A_1038 = tpu.memref_squeeze %dma_start3A_1037 : memref<1x64xf32, #tpu.memory_space<vmem>> -> memref<64xf32, #tpu.memory_space<vmem>>
      %dma_start3A_1039 = arith.constant 0 : i32
      %dma_start3A_1040 = tpu.memref_slice %arg2[%squeeze3A_1035, %dma_start3A_1039] : memref<1000000x64xf32, #tpu.memory_space<hbm>> -> memref<1x64xf32, #tpu.memory_space<hbm>>
      %dma_start3A_1041 = tpu.memref_squeeze %dma_start3A_1040 : memref<1x64xf32, #tpu.memory_space<hbm>> -> memref<64xf32, #tpu.memory_space<hbm>>
      %dma_start3A_1042 = arith.constant 0 : i32
      %dma_start3A_1043 = tpu.memref_slice %arg9[%add3A_1005, %dma_start3A_1042] : memref<256x64xf32, #tpu.memory_space<vmem>> -> memref<1x64xf32, #tpu.memory_space<vmem>>
      %dma_start3A_1044 = tpu.memref_squeeze %dma_start3A_1043 : memref<1x64xf32, #tpu.memory_space<vmem>> -> memref<64xf32, #tpu.memory_space<vmem>>
      %dma_start3A_1045 = arith.constant 0 : i32
      %dma_start3A_1046 = tpu.memref_slice %arg2[%squeeze3A_1035, %dma_start3A_1045] : memref<1000000x64xf32, #tpu.memory_space<hbm>> -> memref<1x64xf32, #tpu.memory_space<hbm>>
      %dma_start3A_1047 = tpu.memref_squeeze %dma_start3A_1046 : memref<1x64xf32, #tpu.memory_space<hbm>> -> memref<64xf32, #tpu.memory_space<hbm>>
      tpu.enqueue_dma source(%dma_start3A_1047 : memref<64xf32, #tpu.memory_space<hbm>>) target(%dma_start3A_1044 : memref<64xf32, #tpu.memory_space<vmem>>) target_semaphore(%arg12 : memref<!tpu.dma_semaphore, #tpu.memory_space<semaphore_mem>>)
      %add3A_1048 = arith.constant 128 : i32
      %add3A_1049 = arith.addi %add3A_1048, %add3A_61 : i32
      %add3A_1050 = arith.constant 5 : i32
      %add3A_1051 = arith.addi %add3A_1049, %add3A_1050 : i32
      %slice3A_1052 = vector.extract_strided_slice %get3A_809 {offsets = [5], sizes = [1], strides = [1]} : vector<16xi32> to vector<1xi32>
      %squeeze3A_1053 = vector.extract %slice3A_1052[0] : i32 from vector<1xi32>
      %dma_start3A_1054 = arith.constant 0 : i32
      %dma_start3A_1055 = tpu.memref_slice %arg7[%add3A_1051, %dma_start3A_1054] : memref<256x64xf32, #tpu.memory_space<vmem>> -> memref<1x64xf32, #tpu.memory_space<vmem>>
      %dma_start3A_1056 = tpu.memref_squeeze %dma_start3A_1055 : memref<1x64xf32, #tpu.memory_space<vmem>> -> memref<64xf32, #tpu.memory_space<vmem>>
      %dma_start3A_1057 = arith.constant 0 : i32
      %dma_start3A_1058 = tpu.memref_slice %arg2[%squeeze3A_1053, %dma_start3A_1057] : memref<1000000x64xf32, #tpu.memory_space<hbm>> -> memref<1x64xf32, #tpu.memory_space<hbm>>
      %dma_start3A_1059 = tpu.memref_squeeze %dma_start3A_1058 : memref<1x64xf32, #tpu.memory_space<hbm>> -> memref<64xf32, #tpu.memory_space<hbm>>
      %dma_start3A_1060 = arith.constant 0 : i32
      %dma_start3A_1061 = tpu.memref_slice %arg7[%add3A_1051, %dma_start3A_1060] : memref<256x64xf32, #tpu.memory_space<vmem>> -> memref<1x64xf32, #tpu.memory_space<vmem>>
      %dma_start3A_1062 = tpu.memref_squeeze %dma_start3A_1061 : memref<1x64xf32, #tpu.memory_space<vmem>> -> memref<64xf32, #tpu.memory_space<vmem>>
      %dma_start3A_1063 = arith.constant 0 : i32
      %dma_start3A_1064 = tpu.memref_slice %arg2[%squeeze3A_1053, %dma_start3A_1063] : memref<1000000x64xf32, #tpu.memory_space<hbm>> -> memref<1x64xf32, #tpu.memory_space<hbm>>
      %dma_start3A_1065 = tpu.memref_squeeze %dma_start3A_1064 : memref<1x64xf32, #tpu.memory_space<hbm>> -> memref<64xf32, #tpu.memory_space<hbm>>
      tpu.enqueue_dma source(%dma_start3A_1065 : memref<64xf32, #tpu.memory_space<hbm>>) target(%dma_start3A_1062 : memref<64xf32, #tpu.memory_space<vmem>>) target_semaphore(%arg12 : memref<!tpu.dma_semaphore, #tpu.memory_space<semaphore_mem>>)
      %slice3A_1066 = vector.extract_strided_slice %get3A_813 {offsets = [5], sizes = [1], strides = [1]} : vector<16xi32> to vector<1xi32>
      %squeeze3A_1067 = vector.extract %slice3A_1066[0] : i32 from vector<1xi32>
      %dma_start3A_1068 = arith.constant 0 : i32
      %dma_start3A_1069 = tpu.memref_slice %arg8[%add3A_1051, %dma_start3A_1068] : memref<256x64xf32, #tpu.memory_space<vmem>> -> memref<1x64xf32, #tpu.memory_space<vmem>>
      %dma_start3A_1070 = tpu.memref_squeeze %dma_start3A_1069 : memref<1x64xf32, #tpu.memory_space<vmem>> -> memref<64xf32, #tpu.memory_space<vmem>>
      %dma_start3A_1071 = arith.constant 0 : i32
      %dma_start3A_1072 = tpu.memref_slice %arg3[%squeeze3A_1067, %dma_start3A_1071] : memref<1000000x64xf32, #tpu.memory_space<hbm>> -> memref<1x64xf32, #tpu.memory_space<hbm>>
      %dma_start3A_1073 = tpu.memref_squeeze %dma_start3A_1072 : memref<1x64xf32, #tpu.memory_space<hbm>> -> memref<64xf32, #tpu.memory_space<hbm>>
      %dma_start3A_1074 = arith.constant 0 : i32
      %dma_start3A_1075 = tpu.memref_slice %arg8[%add3A_1051, %dma_start3A_1074] : memref<256x64xf32, #tpu.memory_space<vmem>> -> memref<1x64xf32, #tpu.memory_space<vmem>>
      %dma_start3A_1076 = tpu.memref_squeeze %dma_start3A_1075 : memref<1x64xf32, #tpu.memory_space<vmem>> -> memref<64xf32, #tpu.memory_space<vmem>>
      %dma_start3A_1077 = arith.constant 0 : i32
      %dma_start3A_1078 = tpu.memref_slice %arg3[%squeeze3A_1067, %dma_start3A_1077] : memref<1000000x64xf32, #tpu.memory_space<hbm>> -> memref<1x64xf32, #tpu.memory_space<hbm>>
      %dma_start3A_1079 = tpu.memref_squeeze %dma_start3A_1078 : memref<1x64xf32, #tpu.memory_space<hbm>> -> memref<64xf32, #tpu.memory_space<hbm>>
      tpu.enqueue_dma source(%dma_start3A_1079 : memref<64xf32, #tpu.memory_space<hbm>>) target(%dma_start3A_1076 : memref<64xf32, #tpu.memory_space<vmem>>) target_semaphore(%arg12 : memref<!tpu.dma_semaphore, #tpu.memory_space<semaphore_mem>>)
      %slice3A_1080 = vector.extract_strided_slice %get3A_817 {offsets = [5], sizes = [1], strides = [1]} : vector<16xi32> to vector<1xi32>
      %squeeze3A_1081 = vector.extract %slice3A_1080[0] : i32 from vector<1xi32>
      %dma_start3A_1082 = arith.constant 0 : i32
      %dma_start3A_1083 = tpu.memref_slice %arg9[%add3A_1051, %dma_start3A_1082] : memref<256x64xf32, #tpu.memory_space<vmem>> -> memref<1x64xf32, #tpu.memory_space<vmem>>
      %dma_start3A_1084 = tpu.memref_squeeze %dma_start3A_1083 : memref<1x64xf32, #tpu.memory_space<vmem>> -> memref<64xf32, #tpu.memory_space<vmem>>
      %dma_start3A_1085 = arith.constant 0 : i32
      %dma_start3A_1086 = tpu.memref_slice %arg2[%squeeze3A_1081, %dma_start3A_1085] : memref<1000000x64xf32, #tpu.memory_space<hbm>> -> memref<1x64xf32, #tpu.memory_space<hbm>>
      %dma_start3A_1087 = tpu.memref_squeeze %dma_start3A_1086 : memref<1x64xf32, #tpu.memory_space<hbm>> -> memref<64xf32, #tpu.memory_space<hbm>>
      %dma_start3A_1088 = arith.constant 0 : i32
      %dma_start3A_1089 = tpu.memref_slice %arg9[%add3A_1051, %dma_start3A_1088] : memref<256x64xf32, #tpu.memory_space<vmem>> -> memref<1x64xf32, #tpu.memory_space<vmem>>
      %dma_start3A_1090 = tpu.memref_squeeze %dma_start3A_1089 : memref<1x64xf32, #tpu.memory_space<vmem>> -> memref<64xf32, #tpu.memory_space<vmem>>
      %dma_start3A_1091 = arith.constant 0 : i32
      %dma_start3A_1092 = tpu.memref_slice %arg2[%squeeze3A_1081, %dma_start3A_1091] : memref<1000000x64xf32, #tpu.memory_space<hbm>> -> memref<1x64xf32, #tpu.memory_space<hbm>>
      %dma_start3A_1093 = tpu.memref_squeeze %dma_start3A_1092 : memref<1x64xf32, #tpu.memory_space<hbm>> -> memref<64xf32, #tpu.memory_space<hbm>>
      tpu.enqueue_dma source(%dma_start3A_1093 : memref<64xf32, #tpu.memory_space<hbm>>) target(%dma_start3A_1090 : memref<64xf32, #tpu.memory_space<vmem>>) target_semaphore(%arg12 : memref<!tpu.dma_semaphore, #tpu.memory_space<semaphore_mem>>)
      %add3A_1094 = arith.constant 128 : i32
      %add3A_1095 = arith.addi %add3A_1094, %add3A_61 : i32
      %add3A_1096 = arith.constant 6 : i32
      %add3A_1097 = arith.addi %add3A_1095, %add3A_1096 : i32
      %slice3A_1098 = vector.extract_strided_slice %get3A_809 {offsets = [6], sizes = [1], strides = [1]} : vector<16xi32> to vector<1xi32>
      %squeeze3A_1099 = vector.extract %slice3A_1098[0] : i32 from vector<1xi32>
      %dma_start3A_1100 = arith.constant 0 : i32
      %dma_start3A_1101 = tpu.memref_slice %arg7[%add3A_1097, %dma_start3A_1100] : memref<256x64xf32, #tpu.memory_space<vmem>> -> memref<1x64xf32, #tpu.memory_space<vmem>>
      %dma_start3A_1102 = tpu.memref_squeeze %dma_start3A_1101 : memref<1x64xf32, #tpu.memory_space<vmem>> -> memref<64xf32, #tpu.memory_space<vmem>>
      %dma_start3A_1103 = arith.constant 0 : i32
      %dma_start3A_1104 = tpu.memref_slice %arg2[%squeeze3A_1099, %dma_start3A_1103] : memref<1000000x64xf32, #tpu.memory_space<hbm>> -> memref<1x64xf32, #tpu.memory_space<hbm>>
      %dma_start3A_1105 = tpu.memref_squeeze %dma_start3A_1104 : memref<1x64xf32, #tpu.memory_space<hbm>> -> memref<64xf32, #tpu.memory_space<hbm>>
      %dma_start3A_1106 = arith.constant 0 : i32
      %dma_start3A_1107 = tpu.memref_slice %arg7[%add3A_1097, %dma_start3A_1106] : memref<256x64xf32, #tpu.memory_space<vmem>> -> memref<1x64xf32, #tpu.memory_space<vmem>>
      %dma_start3A_1108 = tpu.memref_squeeze %dma_start3A_1107 : memref<1x64xf32, #tpu.memory_space<vmem>> -> memref<64xf32, #tpu.memory_space<vmem>>
      %dma_start3A_1109 = arith.constant 0 : i32
      %dma_start3A_1110 = tpu.memref_slice %arg2[%squeeze3A_1099, %dma_start3A_1109] : memref<1000000x64xf32, #tpu.memory_space<hbm>> -> memref<1x64xf32, #tpu.memory_space<hbm>>
      %dma_start3A_1111 = tpu.memref_squeeze %dma_start3A_1110 : memref<1x64xf32, #tpu.memory_space<hbm>> -> memref<64xf32, #tpu.memory_space<hbm>>
      tpu.enqueue_dma source(%dma_start3A_1111 : memref<64xf32, #tpu.memory_space<hbm>>) target(%dma_start3A_1108 : memref<64xf32, #tpu.memory_space<vmem>>) target_semaphore(%arg12 : memref<!tpu.dma_semaphore, #tpu.memory_space<semaphore_mem>>)
      %slice3A_1112 = vector.extract_strided_slice %get3A_813 {offsets = [6], sizes = [1], strides = [1]} : vector<16xi32> to vector<1xi32>
      %squeeze3A_1113 = vector.extract %slice3A_1112[0] : i32 from vector<1xi32>
      %dma_start3A_1114 = arith.constant 0 : i32
      %dma_start3A_1115 = tpu.memref_slice %arg8[%add3A_1097, %dma_start3A_1114] : memref<256x64xf32, #tpu.memory_space<vmem>> -> memref<1x64xf32, #tpu.memory_space<vmem>>
      %dma_start3A_1116 = tpu.memref_squeeze %dma_start3A_1115 : memref<1x64xf32, #tpu.memory_space<vmem>> -> memref<64xf32, #tpu.memory_space<vmem>>
      %dma_start3A_1117 = arith.constant 0 : i32
      %dma_start3A_1118 = tpu.memref_slice %arg3[%squeeze3A_1113, %dma_start3A_1117] : memref<1000000x64xf32, #tpu.memory_space<hbm>> -> memref<1x64xf32, #tpu.memory_space<hbm>>
      %dma_start3A_1119 = tpu.memref_squeeze %dma_start3A_1118 : memref<1x64xf32, #tpu.memory_space<hbm>> -> memref<64xf32, #tpu.memory_space<hbm>>
      %dma_start3A_1120 = arith.constant 0 : i32
      %dma_start3A_1121 = tpu.memref_slice %arg8[%add3A_1097, %dma_start3A_1120] : memref<256x64xf32, #tpu.memory_space<vmem>> -> memref<1x64xf32, #tpu.memory_space<vmem>>
      %dma_start3A_1122 = tpu.memref_squeeze %dma_start3A_1121 : memref<1x64xf32, #tpu.memory_space<vmem>> -> memref<64xf32, #tpu.memory_space<vmem>>
      %dma_start3A_1123 = arith.constant 0 : i32
      %dma_start3A_1124 = tpu.memref_slice %arg3[%squeeze3A_1113, %dma_start3A_1123] : memref<1000000x64xf32, #tpu.memory_space<hbm>> -> memref<1x64xf32, #tpu.memory_space<hbm>>
      %dma_start3A_1125 = tpu.memref_squeeze %dma_start3A_1124 : memref<1x64xf32, #tpu.memory_space<hbm>> -> memref<64xf32, #tpu.memory_space<hbm>>
      tpu.enqueue_dma source(%dma_start3A_1125 : memref<64xf32, #tpu.memory_space<hbm>>) target(%dma_start3A_1122 : memref<64xf32, #tpu.memory_space<vmem>>) target_semaphore(%arg12 : memref<!tpu.dma_semaphore, #tpu.memory_space<semaphore_mem>>)
      %slice3A_1126 = vector.extract_strided_slice %get3A_817 {offsets = [6], sizes = [1], strides = [1]} : vector<16xi32> to vector<1xi32>
      %squeeze3A_1127 = vector.extract %slice3A_1126[0] : i32 from vector<1xi32>
      %dma_start3A_1128 = arith.constant 0 : i32
      %dma_start3A_1129 = tpu.memref_slice %arg9[%add3A_1097, %dma_start3A_1128] : memref<256x64xf32, #tpu.memory_space<vmem>> -> memref<1x64xf32, #tpu.memory_space<vmem>>
      %dma_start3A_1130 = tpu.memref_squeeze %dma_start3A_1129 : memref<1x64xf32, #tpu.memory_space<vmem>> -> memref<64xf32, #tpu.memory_space<vmem>>
      %dma_start3A_1131 = arith.constant 0 : i32
      %dma_start3A_1132 = tpu.memref_slice %arg2[%squeeze3A_1127, %dma_start3A_1131] : memref<1000000x64xf32, #tpu.memory_space<hbm>> -> memref<1x64xf32, #tpu.memory_space<hbm>>
      %dma_start3A_1133 = tpu.memref_squeeze %dma_start3A_1132 : memref<1x64xf32, #tpu.memory_space<hbm>> -> memref<64xf32, #tpu.memory_space<hbm>>
      %dma_start3A_1134 = arith.constant 0 : i32
      %dma_start3A_1135 = tpu.memref_slice %arg9[%add3A_1097, %dma_start3A_1134] : memref<256x64xf32, #tpu.memory_space<vmem>> -> memref<1x64xf32, #tpu.memory_space<vmem>>
      %dma_start3A_1136 = tpu.memref_squeeze %dma_start3A_1135 : memref<1x64xf32, #tpu.memory_space<vmem>> -> memref<64xf32, #tpu.memory_space<vmem>>
      %dma_start3A_1137 = arith.constant 0 : i32
      %dma_start3A_1138 = tpu.memref_slice %arg2[%squeeze3A_1127, %dma_start3A_1137] : memref<1000000x64xf32, #tpu.memory_space<hbm>> -> memref<1x64xf32, #tpu.memory_space<hbm>>
      %dma_start3A_1139 = tpu.memref_squeeze %dma_start3A_1138 : memref<1x64xf32, #tpu.memory_space<hbm>> -> memref<64xf32, #tpu.memory_space<hbm>>
      tpu.enqueue_dma source(%dma_start3A_1139 : memref<64xf32, #tpu.memory_space<hbm>>) target(%dma_start3A_1136 : memref<64xf32, #tpu.memory_space<vmem>>) target_semaphore(%arg12 : memref<!tpu.dma_semaphore, #tpu.memory_space<semaphore_mem>>)
      %add3A_1140 = arith.constant 128 : i32
      %add3A_1141 = arith.addi %add3A_1140, %add3A_61 : i32
      %add3A_1142 = arith.constant 7 : i32
      %add3A_1143 = arith.addi %add3A_1141, %add3A_1142 : i32
      %slice3A_1144 = vector.extract_strided_slice %get3A_809 {offsets = [7], sizes = [1], strides = [1]} : vector<16xi32> to vector<1xi32>
      %squeeze3A_1145 = vector.extract %slice3A_1144[0] : i32 from vector<1xi32>
      %dma_start3A_1146 = arith.constant 0 : i32
      %dma_start3A_1147 = tpu.memref_slice %arg7[%add3A_1143, %dma_start3A_1146] : memref<256x64xf32, #tpu.memory_space<vmem>> -> memref<1x64xf32, #tpu.memory_space<vmem>>
      %dma_start3A_1148 = tpu.memref_squeeze %dma_start3A_1147 : memref<1x64xf32, #tpu.memory_space<vmem>> -> memref<64xf32, #tpu.memory_space<vmem>>
      %dma_start3A_1149 = arith.constant 0 : i32
      %dma_start3A_1150 = tpu.memref_slice %arg2[%squeeze3A_1145, %dma_start3A_1149] : memref<1000000x64xf32, #tpu.memory_space<hbm>> -> memref<1x64xf32, #tpu.memory_space<hbm>>
      %dma_start3A_1151 = tpu.memref_squeeze %dma_start3A_1150 : memref<1x64xf32, #tpu.memory_space<hbm>> -> memref<64xf32, #tpu.memory_space<hbm>>
      %dma_start3A_1152 = arith.constant 0 : i32
      %dma_start3A_1153 = tpu.memref_slice %arg7[%add3A_1143, %dma_start3A_1152] : memref<256x64xf32, #tpu.memory_space<vmem>> -> memref<1x64xf32, #tpu.memory_space<vmem>>
      %dma_start3A_1154 = tpu.memref_squeeze %dma_start3A_1153 : memref<1x64xf32, #tpu.memory_space<vmem>> -> memref<64xf32, #tpu.memory_space<vmem>>
      %dma_start3A_1155 = arith.constant 0 : i32
      %dma_start3A_1156 = tpu.memref_slice %arg2[%squeeze3A_1145, %dma_start3A_1155] : memref<1000000x64xf32, #tpu.memory_space<hbm>> -> memref<1x64xf32, #tpu.memory_space<hbm>>
      %dma_start3A_1157 = tpu.memref_squeeze %dma_start3A_1156 : memref<1x64xf32, #tpu.memory_space<hbm>> -> memref<64xf32, #tpu.memory_space<hbm>>
      tpu.enqueue_dma source(%dma_start3A_1157 : memref<64xf32, #tpu.memory_space<hbm>>) target(%dma_start3A_1154 : memref<64xf32, #tpu.memory_space<vmem>>) target_semaphore(%arg12 : memref<!tpu.dma_semaphore, #tpu.memory_space<semaphore_mem>>)
      %slice3A_1158 = vector.extract_strided_slice %get3A_813 {offsets = [7], sizes = [1], strides = [1]} : vector<16xi32> to vector<1xi32>
      %squeeze3A_1159 = vector.extract %slice3A_1158[0] : i32 from vector<1xi32>
      %dma_start3A_1160 = arith.constant 0 : i32
      %dma_start3A_1161 = tpu.memref_slice %arg8[%add3A_1143, %dma_start3A_1160] : memref<256x64xf32, #tpu.memory_space<vmem>> -> memref<1x64xf32, #tpu.memory_space<vmem>>
      %dma_start3A_1162 = tpu.memref_squeeze %dma_start3A_1161 : memref<1x64xf32, #tpu.memory_space<vmem>> -> memref<64xf32, #tpu.memory_space<vmem>>
      %dma_start3A_1163 = arith.constant 0 : i32
      %dma_start3A_1164 = tpu.memref_slice %arg3[%squeeze3A_1159, %dma_start3A_1163] : memref<1000000x64xf32, #tpu.memory_space<hbm>> -> memref<1x64xf32, #tpu.memory_space<hbm>>
      %dma_start3A_1165 = tpu.memref_squeeze %dma_start3A_1164 : memref<1x64xf32, #tpu.memory_space<hbm>> -> memref<64xf32, #tpu.memory_space<hbm>>
      %dma_start3A_1166 = arith.constant 0 : i32
      %dma_start3A_1167 = tpu.memref_slice %arg8[%add3A_1143, %dma_start3A_1166] : memref<256x64xf32, #tpu.memory_space<vmem>> -> memref<1x64xf32, #tpu.memory_space<vmem>>
      %dma_start3A_1168 = tpu.memref_squeeze %dma_start3A_1167 : memref<1x64xf32, #tpu.memory_space<vmem>> -> memref<64xf32, #tpu.memory_space<vmem>>
      %dma_start3A_1169 = arith.constant 0 : i32
      %dma_start3A_1170 = tpu.memref_slice %arg3[%squeeze3A_1159, %dma_start3A_1169] : memref<1000000x64xf32, #tpu.memory_space<hbm>> -> memref<1x64xf32, #tpu.memory_space<hbm>>
      %dma_start3A_1171 = tpu.memref_squeeze %dma_start3A_1170 : memref<1x64xf32, #tpu.memory_space<hbm>> -> memref<64xf32, #tpu.memory_space<hbm>>
      tpu.enqueue_dma source(%dma_start3A_1171 : memref<64xf32, #tpu.memory_space<hbm>>) target(%dma_start3A_1168 : memref<64xf32, #tpu.memory_space<vmem>>) target_semaphore(%arg12 : memref<!tpu.dma_semaphore, #tpu.memory_space<semaphore_mem>>)
      %slice3A_1172 = vector.extract_strided_slice %get3A_817 {offsets = [7], sizes = [1], strides = [1]} : vector<16xi32> to vector<1xi32>
      %squeeze3A_1173 = vector.extract %slice3A_1172[0] : i32 from vector<1xi32>
      %dma_start3A_1174 = arith.constant 0 : i32
      %dma_start3A_1175 = tpu.memref_slice %arg9[%add3A_1143, %dma_start3A_1174] : memref<256x64xf32, #tpu.memory_space<vmem>> -> memref<1x64xf32, #tpu.memory_space<vmem>>
      %dma_start3A_1176 = tpu.memref_squeeze %dma_start3A_1175 : memref<1x64xf32, #tpu.memory_space<vmem>> -> memref<64xf32, #tpu.memory_space<vmem>>
      %dma_start3A_1177 = arith.constant 0 : i32
      %dma_start3A_1178 = tpu.memref_slice %arg2[%squeeze3A_1173, %dma_start3A_1177] : memref<1000000x64xf32, #tpu.memory_space<hbm>> -> memref<1x64xf32, #tpu.memory_space<hbm>>
      %dma_start3A_1179 = tpu.memref_squeeze %dma_start3A_1178 : memref<1x64xf32, #tpu.memory_space<hbm>> -> memref<64xf32, #tpu.memory_space<hbm>>
      %dma_start3A_1180 = arith.constant 0 : i32
      %dma_start3A_1181 = tpu.memref_slice %arg9[%add3A_1143, %dma_start3A_1180] : memref<256x64xf32, #tpu.memory_space<vmem>> -> memref<1x64xf32, #tpu.memory_space<vmem>>
      %dma_start3A_1182 = tpu.memref_squeeze %dma_start3A_1181 : memref<1x64xf32, #tpu.memory_space<vmem>> -> memref<64xf32, #tpu.memory_space<vmem>>
      %dma_start3A_1183 = arith.constant 0 : i32
      %dma_start3A_1184 = tpu.memref_slice %arg2[%squeeze3A_1173, %dma_start3A_1183] : memref<1000000x64xf32, #tpu.memory_space<hbm>> -> memref<1x64xf32, #tpu.memory_space<hbm>>
      %dma_start3A_1185 = tpu.memref_squeeze %dma_start3A_1184 : memref<1x64xf32, #tpu.memory_space<hbm>> -> memref<64xf32, #tpu.memory_space<hbm>>
      tpu.enqueue_dma source(%dma_start3A_1185 : memref<64xf32, #tpu.memory_space<hbm>>) target(%dma_start3A_1182 : memref<64xf32, #tpu.memory_space<vmem>>) target_semaphore(%arg12 : memref<!tpu.dma_semaphore, #tpu.memory_space<semaphore_mem>>)
      %add3A_1186 = arith.constant 128 : i32
      %add3A_1187 = arith.addi %add3A_1186, %add3A_61 : i32
      %add3A_1188 = arith.constant 8 : i32
      %add3A_1189 = arith.addi %add3A_1187, %add3A_1188 : i32
      %slice3A_1190 = vector.extract_strided_slice %get3A_809 {offsets = [8], sizes = [1], strides = [1]} : vector<16xi32> to vector<1xi32>
      %squeeze3A_1191 = vector.extract %slice3A_1190[0] : i32 from vector<1xi32>
      %dma_start3A_1192 = arith.constant 0 : i32
      %dma_start3A_1193 = tpu.memref_slice %arg7[%add3A_1189, %dma_start3A_1192] : memref<256x64xf32, #tpu.memory_space<vmem>> -> memref<1x64xf32, #tpu.memory_space<vmem>>
      %dma_start3A_1194 = tpu.memref_squeeze %dma_start3A_1193 : memref<1x64xf32, #tpu.memory_space<vmem>> -> memref<64xf32, #tpu.memory_space<vmem>>
      %dma_start3A_1195 = arith.constant 0 : i32
      %dma_start3A_1196 = tpu.memref_slice %arg2[%squeeze3A_1191, %dma_start3A_1195] : memref<1000000x64xf32, #tpu.memory_space<hbm>> -> memref<1x64xf32, #tpu.memory_space<hbm>>
      %dma_start3A_1197 = tpu.memref_squeeze %dma_start3A_1196 : memref<1x64xf32, #tpu.memory_space<hbm>> -> memref<64xf32, #tpu.memory_space<hbm>>
      %dma_start3A_1198 = arith.constant 0 : i32
      %dma_start3A_1199 = tpu.memref_slice %arg7[%add3A_1189, %dma_start3A_1198] : memref<256x64xf32, #tpu.memory_space<vmem>> -> memref<1x64xf32, #tpu.memory_space<vmem>>
      %dma_start3A_1200 = tpu.memref_squeeze %dma_start3A_1199 : memref<1x64xf32, #tpu.memory_space<vmem>> -> memref<64xf32, #tpu.memory_space<vmem>>
      %dma_start3A_1201 = arith.constant 0 : i32
      %dma_start3A_1202 = tpu.memref_slice %arg2[%squeeze3A_1191, %dma_start3A_1201] : memref<1000000x64xf32, #tpu.memory_space<hbm>> -> memref<1x64xf32, #tpu.memory_space<hbm>>
      %dma_start3A_1203 = tpu.memref_squeeze %dma_start3A_1202 : memref<1x64xf32, #tpu.memory_space<hbm>> -> memref<64xf32, #tpu.memory_space<hbm>>
      tpu.enqueue_dma source(%dma_start3A_1203 : memref<64xf32, #tpu.memory_space<hbm>>) target(%dma_start3A_1200 : memref<64xf32, #tpu.memory_space<vmem>>) target_semaphore(%arg12 : memref<!tpu.dma_semaphore, #tpu.memory_space<semaphore_mem>>)
      %slice3A_1204 = vector.extract_strided_slice %get3A_813 {offsets = [8], sizes = [1], strides = [1]} : vector<16xi32> to vector<1xi32>
      %squeeze3A_1205 = vector.extract %slice3A_1204[0] : i32 from vector<1xi32>
      %dma_start3A_1206 = arith.constant 0 : i32
      %dma_start3A_1207 = tpu.memref_slice %arg8[%add3A_1189, %dma_start3A_1206] : memref<256x64xf32, #tpu.memory_space<vmem>> -> memref<1x64xf32, #tpu.memory_space<vmem>>
      %dma_start3A_1208 = tpu.memref_squeeze %dma_start3A_1207 : memref<1x64xf32, #tpu.memory_space<vmem>> -> memref<64xf32, #tpu.memory_space<vmem>>
      %dma_start3A_1209 = arith.constant 0 : i32
      %dma_start3A_1210 = tpu.memref_slice %arg3[%squeeze3A_1205, %dma_start3A_1209] : memref<1000000x64xf32, #tpu.memory_space<hbm>> -> memref<1x64xf32, #tpu.memory_space<hbm>>
      %dma_start3A_1211 = tpu.memref_squeeze %dma_start3A_1210 : memref<1x64xf32, #tpu.memory_space<hbm>> -> memref<64xf32, #tpu.memory_space<hbm>>
      %dma_start3A_1212 = arith.constant 0 : i32
      %dma_start3A_1213 = tpu.memref_slice %arg8[%add3A_1189, %dma_start3A_1212] : memref<256x64xf32, #tpu.memory_space<vmem>> -> memref<1x64xf32, #tpu.memory_space<vmem>>
      %dma_start3A_1214 = tpu.memref_squeeze %dma_start3A_1213 : memref<1x64xf32, #tpu.memory_space<vmem>> -> memref<64xf32, #tpu.memory_space<vmem>>
      %dma_start3A_1215 = arith.constant 0 : i32
      %dma_start3A_1216 = tpu.memref_slice %arg3[%squeeze3A_1205, %dma_start3A_1215] : memref<1000000x64xf32, #tpu.memory_space<hbm>> -> memref<1x64xf32, #tpu.memory_space<hbm>>
      %dma_start3A_1217 = tpu.memref_squeeze %dma_start3A_1216 : memref<1x64xf32, #tpu.memory_space<hbm>> -> memref<64xf32, #tpu.memory_space<hbm>>
      tpu.enqueue_dma source(%dma_start3A_1217 : memref<64xf32, #tpu.memory_space<hbm>>) target(%dma_start3A_1214 : memref<64xf32, #tpu.memory_space<vmem>>) target_semaphore(%arg12 : memref<!tpu.dma_semaphore, #tpu.memory_space<semaphore_mem>>)
      %slice3A_1218 = vector.extract_strided_slice %get3A_817 {offsets = [8], sizes = [1], strides = [1]} : vector<16xi32> to vector<1xi32>
      %squeeze3A_1219 = vector.extract %slice3A_1218[0] : i32 from vector<1xi32>
      %dma_start3A_1220 = arith.constant 0 : i32
      %dma_start3A_1221 = tpu.memref_slice %arg9[%add3A_1189, %dma_start3A_1220] : memref<256x64xf32, #tpu.memory_space<vmem>> -> memref<1x64xf32, #tpu.memory_space<vmem>>
      %dma_start3A_1222 = tpu.memref_squeeze %dma_start3A_1221 : memref<1x64xf32, #tpu.memory_space<vmem>> -> memref<64xf32, #tpu.memory_space<vmem>>
      %dma_start3A_1223 = arith.constant 0 : i32
      %dma_start3A_1224 = tpu.memref_slice %arg2[%squeeze3A_1219, %dma_start3A_1223] : memref<1000000x64xf32, #tpu.memory_space<hbm>> -> memref<1x64xf32, #tpu.memory_space<hbm>>
      %dma_start3A_1225 = tpu.memref_squeeze %dma_start3A_1224 : memref<1x64xf32, #tpu.memory_space<hbm>> -> memref<64xf32, #tpu.memory_space<hbm>>
      %dma_start3A_1226 = arith.constant 0 : i32
      %dma_start3A_1227 = tpu.memref_slice %arg9[%add3A_1189, %dma_start3A_1226] : memref<256x64xf32, #tpu.memory_space<vmem>> -> memref<1x64xf32, #tpu.memory_space<vmem>>
      %dma_start3A_1228 = tpu.memref_squeeze %dma_start3A_1227 : memref<1x64xf32, #tpu.memory_space<vmem>> -> memref<64xf32, #tpu.memory_space<vmem>>
      %dma_start3A_1229 = arith.constant 0 : i32
      %dma_start3A_1230 = tpu.memref_slice %arg2[%squeeze3A_1219, %dma_start3A_1229] : memref<1000000x64xf32, #tpu.memory_space<hbm>> -> memref<1x64xf32, #tpu.memory_space<hbm>>
      %dma_start3A_1231 = tpu.memref_squeeze %dma_start3A_1230 : memref<1x64xf32, #tpu.memory_space<hbm>> -> memref<64xf32, #tpu.memory_space<hbm>>
      tpu.enqueue_dma source(%dma_start3A_1231 : memref<64xf32, #tpu.memory_space<hbm>>) target(%dma_start3A_1228 : memref<64xf32, #tpu.memory_space<vmem>>) target_semaphore(%arg12 : memref<!tpu.dma_semaphore, #tpu.memory_space<semaphore_mem>>)
      %add3A_1232 = arith.constant 128 : i32
      %add3A_1233 = arith.addi %add3A_1232, %add3A_61 : i32
      %add3A_1234 = arith.constant 9 : i32
      %add3A_1235 = arith.addi %add3A_1233, %add3A_1234 : i32
      %slice3A_1236 = vector.extract_strided_slice %get3A_809 {offsets = [9], sizes = [1], strides = [1]} : vector<16xi32> to vector<1xi32>
      %squeeze3A_1237 = vector.extract %slice3A_1236[0] : i32 from vector<1xi32>
      %dma_start3A_1238 = arith.constant 0 : i32
      %dma_start3A_1239 = tpu.memref_slice %arg7[%add3A_1235, %dma_start3A_1238] : memref<256x64xf32, #tpu.memory_space<vmem>> -> memref<1x64xf32, #tpu.memory_space<vmem>>
      %dma_start3A_1240 = tpu.memref_squeeze %dma_start3A_1239 : memref<1x64xf32, #tpu.memory_space<vmem>> -> memref<64xf32, #tpu.memory_space<vmem>>
      %dma_start3A_1241 = arith.constant 0 : i32
      %dma_start3A_1242 = tpu.memref_slice %arg2[%squeeze3A_1237, %dma_start3A_1241] : memref<1000000x64xf32, #tpu.memory_space<hbm>> -> memref<1x64xf32, #tpu.memory_space<hbm>>
      %dma_start3A_1243 = tpu.memref_squeeze %dma_start3A_1242 : memref<1x64xf32, #tpu.memory_space<hbm>> -> memref<64xf32, #tpu.memory_space<hbm>>
      %dma_start3A_1244 = arith.constant 0 : i32
      %dma_start3A_1245 = tpu.memref_slice %arg7[%add3A_1235, %dma_start3A_1244] : memref<256x64xf32, #tpu.memory_space<vmem>> -> memref<1x64xf32, #tpu.memory_space<vmem>>
      %dma_start3A_1246 = tpu.memref_squeeze %dma_start3A_1245 : memref<1x64xf32, #tpu.memory_space<vmem>> -> memref<64xf32, #tpu.memory_space<vmem>>
      %dma_start3A_1247 = arith.constant 0 : i32
      %dma_start3A_1248 = tpu.memref_slice %arg2[%squeeze3A_1237, %dma_start3A_1247] : memref<1000000x64xf32, #tpu.memory_space<hbm>> -> memref<1x64xf32, #tpu.memory_space<hbm>>
      %dma_start3A_1249 = tpu.memref_squeeze %dma_start3A_1248 : memref<1x64xf32, #tpu.memory_space<hbm>> -> memref<64xf32, #tpu.memory_space<hbm>>
      tpu.enqueue_dma source(%dma_start3A_1249 : memref<64xf32, #tpu.memory_space<hbm>>) target(%dma_start3A_1246 : memref<64xf32, #tpu.memory_space<vmem>>) target_semaphore(%arg12 : memref<!tpu.dma_semaphore, #tpu.memory_space<semaphore_mem>>)
      %slice3A_1250 = vector.extract_strided_slice %get3A_813 {offsets = [9], sizes = [1], strides = [1]} : vector<16xi32> to vector<1xi32>
      %squeeze3A_1251 = vector.extract %slice3A_1250[0] : i32 from vector<1xi32>
      %dma_start3A_1252 = arith.constant 0 : i32
      %dma_start3A_1253 = tpu.memref_slice %arg8[%add3A_1235, %dma_start3A_1252] : memref<256x64xf32, #tpu.memory_space<vmem>> -> memref<1x64xf32, #tpu.memory_space<vmem>>
      %dma_start3A_1254 = tpu.memref_squeeze %dma_start3A_1253 : memref<1x64xf32, #tpu.memory_space<vmem>> -> memref<64xf32, #tpu.memory_space<vmem>>
      %dma_start3A_1255 = arith.constant 0 : i32
      %dma_start3A_1256 = tpu.memref_slice %arg3[%squeeze3A_1251, %dma_start3A_1255] : memref<1000000x64xf32, #tpu.memory_space<hbm>> -> memref<1x64xf32, #tpu.memory_space<hbm>>
      %dma_start3A_1257 = tpu.memref_squeeze %dma_start3A_1256 : memref<1x64xf32, #tpu.memory_space<hbm>> -> memref<64xf32, #tpu.memory_space<hbm>>
      %dma_start3A_1258 = arith.constant 0 : i32
      %dma_start3A_1259 = tpu.memref_slice %arg8[%add3A_1235, %dma_start3A_1258] : memref<256x64xf32, #tpu.memory_space<vmem>> -> memref<1x64xf32, #tpu.memory_space<vmem>>
      %dma_start3A_1260 = tpu.memref_squeeze %dma_start3A_1259 : memref<1x64xf32, #tpu.memory_space<vmem>> -> memref<64xf32, #tpu.memory_space<vmem>>
      %dma_start3A_1261 = arith.constant 0 : i32
      %dma_start3A_1262 = tpu.memref_slice %arg3[%squeeze3A_1251, %dma_start3A_1261] : memref<1000000x64xf32, #tpu.memory_space<hbm>> -> memref<1x64xf32, #tpu.memory_space<hbm>>
      %dma_start3A_1263 = tpu.memref_squeeze %dma_start3A_1262 : memref<1x64xf32, #tpu.memory_space<hbm>> -> memref<64xf32, #tpu.memory_space<hbm>>
      tpu.enqueue_dma source(%dma_start3A_1263 : memref<64xf32, #tpu.memory_space<hbm>>) target(%dma_start3A_1260 : memref<64xf32, #tpu.memory_space<vmem>>) target_semaphore(%arg12 : memref<!tpu.dma_semaphore, #tpu.memory_space<semaphore_mem>>)
      %slice3A_1264 = vector.extract_strided_slice %get3A_817 {offsets = [9], sizes = [1], strides = [1]} : vector<16xi32> to vector<1xi32>
      %squeeze3A_1265 = vector.extract %slice3A_1264[0] : i32 from vector<1xi32>
      %dma_start3A_1266 = arith.constant 0 : i32
      %dma_start3A_1267 = tpu.memref_slice %arg9[%add3A_1235, %dma_start3A_1266] : memref<256x64xf32, #tpu.memory_space<vmem>> -> memref<1x64xf32, #tpu.memory_space<vmem>>
      %dma_start3A_1268 = tpu.memref_squeeze %dma_start3A_1267 : memref<1x64xf32, #tpu.memory_space<vmem>> -> memref<64xf32, #tpu.memory_space<vmem>>
      %dma_start3A_1269 = arith.constant 0 : i32
      %dma_start3A_1270 = tpu.memref_slice %arg2[%squeeze3A_1265, %dma_start3A_1269] : memref<1000000x64xf32, #tpu.memory_space<hbm>> -> memref<1x64xf32, #tpu.memory_space<hbm>>
      %dma_start3A_1271 = tpu.memref_squeeze %dma_start3A_1270 : memref<1x64xf32, #tpu.memory_space<hbm>> -> memref<64xf32, #tpu.memory_space<hbm>>
      %dma_start3A_1272 = arith.constant 0 : i32
      %dma_start3A_1273 = tpu.memref_slice %arg9[%add3A_1235, %dma_start3A_1272] : memref<256x64xf32, #tpu.memory_space<vmem>> -> memref<1x64xf32, #tpu.memory_space<vmem>>
      %dma_start3A_1274 = tpu.memref_squeeze %dma_start3A_1273 : memref<1x64xf32, #tpu.memory_space<vmem>> -> memref<64xf32, #tpu.memory_space<vmem>>
      %dma_start3A_1275 = arith.constant 0 : i32
      %dma_start3A_1276 = tpu.memref_slice %arg2[%squeeze3A_1265, %dma_start3A_1275] : memref<1000000x64xf32, #tpu.memory_space<hbm>> -> memref<1x64xf32, #tpu.memory_space<hbm>>
      %dma_start3A_1277 = tpu.memref_squeeze %dma_start3A_1276 : memref<1x64xf32, #tpu.memory_space<hbm>> -> memref<64xf32, #tpu.memory_space<hbm>>
      tpu.enqueue_dma source(%dma_start3A_1277 : memref<64xf32, #tpu.memory_space<hbm>>) target(%dma_start3A_1274 : memref<64xf32, #tpu.memory_space<vmem>>) target_semaphore(%arg12 : memref<!tpu.dma_semaphore, #tpu.memory_space<semaphore_mem>>)
      %add3A_1278 = arith.constant 128 : i32
      %add3A_1279 = arith.addi %add3A_1278, %add3A_61 : i32
      %add3A_1280 = arith.constant 10 : i32
      %add3A_1281 = arith.addi %add3A_1279, %add3A_1280 : i32
      %slice3A_1282 = vector.extract_strided_slice %get3A_809 {offsets = [10], sizes = [1], strides = [1]} : vector<16xi32> to vector<1xi32>
      %squeeze3A_1283 = vector.extract %slice3A_1282[0] : i32 from vector<1xi32>
      %dma_start3A_1284 = arith.constant 0 : i32
      %dma_start3A_1285 = tpu.memref_slice %arg7[%add3A_1281, %dma_start3A_1284] : memref<256x64xf32, #tpu.memory_space<vmem>> -> memref<1x64xf32, #tpu.memory_space<vmem>>
      %dma_start3A_1286 = tpu.memref_squeeze %dma_start3A_1285 : memref<1x64xf32, #tpu.memory_space<vmem>> -> memref<64xf32, #tpu.memory_space<vmem>>
      %dma_start3A_1287 = arith.constant 0 : i32
      %dma_start3A_1288 = tpu.memref_slice %arg2[%squeeze3A_1283, %dma_start3A_1287] : memref<1000000x64xf32, #tpu.memory_space<hbm>> -> memref<1x64xf32, #tpu.memory_space<hbm>>
      %dma_start3A_1289 = tpu.memref_squeeze %dma_start3A_1288 : memref<1x64xf32, #tpu.memory_space<hbm>> -> memref<64xf32, #tpu.memory_space<hbm>>
      %dma_start3A_1290 = arith.constant 0 : i32
      %dma_start3A_1291 = tpu.memref_slice %arg7[%add3A_1281, %dma_start3A_1290] : memref<256x64xf32, #tpu.memory_space<vmem>> -> memref<1x64xf32, #tpu.memory_space<vmem>>
      %dma_start3A_1292 = tpu.memref_squeeze %dma_start3A_1291 : memref<1x64xf32, #tpu.memory_space<vmem>> -> memref<64xf32, #tpu.memory_space<vmem>>
      %dma_start3A_1293 = arith.constant 0 : i32
      %dma_start3A_1294 = tpu.memref_slice %arg2[%squeeze3A_1283, %dma_start3A_1293] : memref<1000000x64xf32, #tpu.memory_space<hbm>> -> memref<1x64xf32, #tpu.memory_space<hbm>>
      %dma_start3A_1295 = tpu.memref_squeeze %dma_start3A_1294 : memref<1x64xf32, #tpu.memory_space<hbm>> -> memref<64xf32, #tpu.memory_space<hbm>>
      tpu.enqueue_dma source(%dma_start3A_1295 : memref<64xf32, #tpu.memory_space<hbm>>) target(%dma_start3A_1292 : memref<64xf32, #tpu.memory_space<vmem>>) target_semaphore(%arg12 : memref<!tpu.dma_semaphore, #tpu.memory_space<semaphore_mem>>)
      %slice3A_1296 = vector.extract_strided_slice %get3A_813 {offsets = [10], sizes = [1], strides = [1]} : vector<16xi32> to vector<1xi32>
      %squeeze3A_1297 = vector.extract %slice3A_1296[0] : i32 from vector<1xi32>
      %dma_start3A_1298 = arith.constant 0 : i32
      %dma_start3A_1299 = tpu.memref_slice %arg8[%add3A_1281, %dma_start3A_1298] : memref<256x64xf32, #tpu.memory_space<vmem>> -> memref<1x64xf32, #tpu.memory_space<vmem>>
      %dma_start3A_1300 = tpu.memref_squeeze %dma_start3A_1299 : memref<1x64xf32, #tpu.memory_space<vmem>> -> memref<64xf32, #tpu.memory_space<vmem>>
      %dma_start3A_1301 = arith.constant 0 : i32
      %dma_start3A_1302 = tpu.memref_slice %arg3[%squeeze3A_1297, %dma_start3A_1301] : memref<1000000x64xf32, #tpu.memory_space<hbm>> -> memref<1x64xf32, #tpu.memory_space<hbm>>
      %dma_start3A_1303 = tpu.memref_squeeze %dma_start3A_1302 : memref<1x64xf32, #tpu.memory_space<hbm>> -> memref<64xf32, #tpu.memory_space<hbm>>
      %dma_start3A_1304 = arith.constant 0 : i32
      %dma_start3A_1305 = tpu.memref_slice %arg8[%add3A_1281, %dma_start3A_1304] : memref<256x64xf32, #tpu.memory_space<vmem>> -> memref<1x64xf32, #tpu.memory_space<vmem>>
      %dma_start3A_1306 = tpu.memref_squeeze %dma_start3A_1305 : memref<1x64xf32, #tpu.memory_space<vmem>> -> memref<64xf32, #tpu.memory_space<vmem>>
      %dma_start3A_1307 = arith.constant 0 : i32
      %dma_start3A_1308 = tpu.memref_slice %arg3[%squeeze3A_1297, %dma_start3A_1307] : memref<1000000x64xf32, #tpu.memory_space<hbm>> -> memref<1x64xf32, #tpu.memory_space<hbm>>
      %dma_start3A_1309 = tpu.memref_squeeze %dma_start3A_1308 : memref<1x64xf32, #tpu.memory_space<hbm>> -> memref<64xf32, #tpu.memory_space<hbm>>
      tpu.enqueue_dma source(%dma_start3A_1309 : memref<64xf32, #tpu.memory_space<hbm>>) target(%dma_start3A_1306 : memref<64xf32, #tpu.memory_space<vmem>>) target_semaphore(%arg12 : memref<!tpu.dma_semaphore, #tpu.memory_space<semaphore_mem>>)
      %slice3A_1310 = vector.extract_strided_slice %get3A_817 {offsets = [10], sizes = [1], strides = [1]} : vector<16xi32> to vector<1xi32>
      %squeeze3A_1311 = vector.extract %slice3A_1310[0] : i32 from vector<1xi32>
      %dma_start3A_1312 = arith.constant 0 : i32
      %dma_start3A_1313 = tpu.memref_slice %arg9[%add3A_1281, %dma_start3A_1312] : memref<256x64xf32, #tpu.memory_space<vmem>> -> memref<1x64xf32, #tpu.memory_space<vmem>>
      %dma_start3A_1314 = tpu.memref_squeeze %dma_start3A_1313 : memref<1x64xf32, #tpu.memory_space<vmem>> -> memref<64xf32, #tpu.memory_space<vmem>>
      %dma_start3A_1315 = arith.constant 0 : i32
      %dma_start3A_1316 = tpu.memref_slice %arg2[%squeeze3A_1311, %dma_start3A_1315] : memref<1000000x64xf32, #tpu.memory_space<hbm>> -> memref<1x64xf32, #tpu.memory_space<hbm>>
      %dma_start3A_1317 = tpu.memref_squeeze %dma_start3A_1316 : memref<1x64xf32, #tpu.memory_space<hbm>> -> memref<64xf32, #tpu.memory_space<hbm>>
      %dma_start3A_1318 = arith.constant 0 : i32
      %dma_start3A_1319 = tpu.memref_slice %arg9[%add3A_1281, %dma_start3A_1318] : memref<256x64xf32, #tpu.memory_space<vmem>> -> memref<1x64xf32, #tpu.memory_space<vmem>>
      %dma_start3A_1320 = tpu.memref_squeeze %dma_start3A_1319 : memref<1x64xf32, #tpu.memory_space<vmem>> -> memref<64xf32, #tpu.memory_space<vmem>>
      %dma_start3A_1321 = arith.constant 0 : i32
      %dma_start3A_1322 = tpu.memref_slice %arg2[%squeeze3A_1311, %dma_start3A_1321] : memref<1000000x64xf32, #tpu.memory_space<hbm>> -> memref<1x64xf32, #tpu.memory_space<hbm>>
      %dma_start3A_1323 = tpu.memref_squeeze %dma_start3A_1322 : memref<1x64xf32, #tpu.memory_space<hbm>> -> memref<64xf32, #tpu.memory_space<hbm>>
      tpu.enqueue_dma source(%dma_start3A_1323 : memref<64xf32, #tpu.memory_space<hbm>>) target(%dma_start3A_1320 : memref<64xf32, #tpu.memory_space<vmem>>) target_semaphore(%arg12 : memref<!tpu.dma_semaphore, #tpu.memory_space<semaphore_mem>>)
      %add3A_1324 = arith.constant 128 : i32
      %add3A_1325 = arith.addi %add3A_1324, %add3A_61 : i32
      %add3A_1326 = arith.constant 11 : i32
      %add3A_1327 = arith.addi %add3A_1325, %add3A_1326 : i32
      %slice3A_1328 = vector.extract_strided_slice %get3A_809 {offsets = [11], sizes = [1], strides = [1]} : vector<16xi32> to vector<1xi32>
      %squeeze3A_1329 = vector.extract %slice3A_1328[0] : i32 from vector<1xi32>
      %dma_start3A_1330 = arith.constant 0 : i32
      %dma_start3A_1331 = tpu.memref_slice %arg7[%add3A_1327, %dma_start3A_1330] : memref<256x64xf32, #tpu.memory_space<vmem>> -> memref<1x64xf32, #tpu.memory_space<vmem>>
      %dma_start3A_1332 = tpu.memref_squeeze %dma_start3A_1331 : memref<1x64xf32, #tpu.memory_space<vmem>> -> memref<64xf32, #tpu.memory_space<vmem>>
      %dma_start3A_1333 = arith.constant 0 : i32
      %dma_start3A_1334 = tpu.memref_slice %arg2[%squeeze3A_1329, %dma_start3A_1333] : memref<1000000x64xf32, #tpu.memory_space<hbm>> -> memref<1x64xf32, #tpu.memory_space<hbm>>
      %dma_start3A_1335 = tpu.memref_squeeze %dma_start3A_1334 : memref<1x64xf32, #tpu.memory_space<hbm>> -> memref<64xf32, #tpu.memory_space<hbm>>
      %dma_start3A_1336 = arith.constant 0 : i32
      %dma_start3A_1337 = tpu.memref_slice %arg7[%add3A_1327, %dma_start3A_1336] : memref<256x64xf32, #tpu.memory_space<vmem>> -> memref<1x64xf32, #tpu.memory_space<vmem>>
      %dma_start3A_1338 = tpu.memref_squeeze %dma_start3A_1337 : memref<1x64xf32, #tpu.memory_space<vmem>> -> memref<64xf32, #tpu.memory_space<vmem>>
      %dma_start3A_1339 = arith.constant 0 : i32
      %dma_start3A_1340 = tpu.memref_slice %arg2[%squeeze3A_1329, %dma_start3A_1339] : memref<1000000x64xf32, #tpu.memory_space<hbm>> -> memref<1x64xf32, #tpu.memory_space<hbm>>
      %dma_start3A_1341 = tpu.memref_squeeze %dma_start3A_1340 : memref<1x64xf32, #tpu.memory_space<hbm>> -> memref<64xf32, #tpu.memory_space<hbm>>
      tpu.enqueue_dma source(%dma_start3A_1341 : memref<64xf32, #tpu.memory_space<hbm>>) target(%dma_start3A_1338 : memref<64xf32, #tpu.memory_space<vmem>>) target_semaphore(%arg12 : memref<!tpu.dma_semaphore, #tpu.memory_space<semaphore_mem>>)
      %slice3A_1342 = vector.extract_strided_slice %get3A_813 {offsets = [11], sizes = [1], strides = [1]} : vector<16xi32> to vector<1xi32>
      %squeeze3A_1343 = vector.extract %slice3A_1342[0] : i32 from vector<1xi32>
      %dma_start3A_1344 = arith.constant 0 : i32
      %dma_start3A_1345 = tpu.memref_slice %arg8[%add3A_1327, %dma_start3A_1344] : memref<256x64xf32, #tpu.memory_space<vmem>> -> memref<1x64xf32, #tpu.memory_space<vmem>>
      %dma_start3A_1346 = tpu.memref_squeeze %dma_start3A_1345 : memref<1x64xf32, #tpu.memory_space<vmem>> -> memref<64xf32, #tpu.memory_space<vmem>>
      %dma_start3A_1347 = arith.constant 0 : i32
      %dma_start3A_1348 = tpu.memref_slice %arg3[%squeeze3A_1343, %dma_start3A_1347] : memref<1000000x64xf32, #tpu.memory_space<hbm>> -> memref<1x64xf32, #tpu.memory_space<hbm>>
      %dma_start3A_1349 = tpu.memref_squeeze %dma_start3A_1348 : memref<1x64xf32, #tpu.memory_space<hbm>> -> memref<64xf32, #tpu.memory_space<hbm>>
      %dma_start3A_1350 = arith.constant 0 : i32
      %dma_start3A_1351 = tpu.memref_slice %arg8[%add3A_1327, %dma_start3A_1350] : memref<256x64xf32, #tpu.memory_space<vmem>> -> memref<1x64xf32, #tpu.memory_space<vmem>>
      %dma_start3A_1352 = tpu.memref_squeeze %dma_start3A_1351 : memref<1x64xf32, #tpu.memory_space<vmem>> -> memref<64xf32, #tpu.memory_space<vmem>>
      %dma_start3A_1353 = arith.constant 0 : i32
      %dma_start3A_1354 = tpu.memref_slice %arg3[%squeeze3A_1343, %dma_start3A_1353] : memref<1000000x64xf32, #tpu.memory_space<hbm>> -> memref<1x64xf32, #tpu.memory_space<hbm>>
      %dma_start3A_1355 = tpu.memref_squeeze %dma_start3A_1354 : memref<1x64xf32, #tpu.memory_space<hbm>> -> memref<64xf32, #tpu.memory_space<hbm>>
      tpu.enqueue_dma source(%dma_start3A_1355 : memref<64xf32, #tpu.memory_space<hbm>>) target(%dma_start3A_1352 : memref<64xf32, #tpu.memory_space<vmem>>) target_semaphore(%arg12 : memref<!tpu.dma_semaphore, #tpu.memory_space<semaphore_mem>>)
      %slice3A_1356 = vector.extract_strided_slice %get3A_817 {offsets = [11], sizes = [1], strides = [1]} : vector<16xi32> to vector<1xi32>
      %squeeze3A_1357 = vector.extract %slice3A_1356[0] : i32 from vector<1xi32>
      %dma_start3A_1358 = arith.constant 0 : i32
      %dma_start3A_1359 = tpu.memref_slice %arg9[%add3A_1327, %dma_start3A_1358] : memref<256x64xf32, #tpu.memory_space<vmem>> -> memref<1x64xf32, #tpu.memory_space<vmem>>
      %dma_start3A_1360 = tpu.memref_squeeze %dma_start3A_1359 : memref<1x64xf32, #tpu.memory_space<vmem>> -> memref<64xf32, #tpu.memory_space<vmem>>
      %dma_start3A_1361 = arith.constant 0 : i32
      %dma_start3A_1362 = tpu.memref_slice %arg2[%squeeze3A_1357, %dma_start3A_1361] : memref<1000000x64xf32, #tpu.memory_space<hbm>> -> memref<1x64xf32, #tpu.memory_space<hbm>>
      %dma_start3A_1363 = tpu.memref_squeeze %dma_start3A_1362 : memref<1x64xf32, #tpu.memory_space<hbm>> -> memref<64xf32, #tpu.memory_space<hbm>>
      %dma_start3A_1364 = arith.constant 0 : i32
      %dma_start3A_1365 = tpu.memref_slice %arg9[%add3A_1327, %dma_start3A_1364] : memref<256x64xf32, #tpu.memory_space<vmem>> -> memref<1x64xf32, #tpu.memory_space<vmem>>
      %dma_start3A_1366 = tpu.memref_squeeze %dma_start3A_1365 : memref<1x64xf32, #tpu.memory_space<vmem>> -> memref<64xf32, #tpu.memory_space<vmem>>
      %dma_start3A_1367 = arith.constant 0 : i32
      %dma_start3A_1368 = tpu.memref_slice %arg2[%squeeze3A_1357, %dma_start3A_1367] : memref<1000000x64xf32, #tpu.memory_space<hbm>> -> memref<1x64xf32, #tpu.memory_space<hbm>>
      %dma_start3A_1369 = tpu.memref_squeeze %dma_start3A_1368 : memref<1x64xf32, #tpu.memory_space<hbm>> -> memref<64xf32, #tpu.memory_space<hbm>>
      tpu.enqueue_dma source(%dma_start3A_1369 : memref<64xf32, #tpu.memory_space<hbm>>) target(%dma_start3A_1366 : memref<64xf32, #tpu.memory_space<vmem>>) target_semaphore(%arg12 : memref<!tpu.dma_semaphore, #tpu.memory_space<semaphore_mem>>)
      %add3A_1370 = arith.constant 128 : i32
      %add3A_1371 = arith.addi %add3A_1370, %add3A_61 : i32
      %add3A_1372 = arith.constant 12 : i32
      %add3A_1373 = arith.addi %add3A_1371, %add3A_1372 : i32
      %slice3A_1374 = vector.extract_strided_slice %get3A_809 {offsets = [12], sizes = [1], strides = [1]} : vector<16xi32> to vector<1xi32>
      %squeeze3A_1375 = vector.extract %slice3A_1374[0] : i32 from vector<1xi32>
      %dma_start3A_1376 = arith.constant 0 : i32
      %dma_start3A_1377 = tpu.memref_slice %arg7[%add3A_1373, %dma_start3A_1376] : memref<256x64xf32, #tpu.memory_space<vmem>> -> memref<1x64xf32, #tpu.memory_space<vmem>>
      %dma_start3A_1378 = tpu.memref_squeeze %dma_start3A_1377 : memref<1x64xf32, #tpu.memory_space<vmem>> -> memref<64xf32, #tpu.memory_space<vmem>>
      %dma_start3A_1379 = arith.constant 0 : i32
      %dma_start3A_1380 = tpu.memref_slice %arg2[%squeeze3A_1375, %dma_start3A_1379] : memref<1000000x64xf32, #tpu.memory_space<hbm>> -> memref<1x64xf32, #tpu.memory_space<hbm>>
      %dma_start3A_1381 = tpu.memref_squeeze %dma_start3A_1380 : memref<1x64xf32, #tpu.memory_space<hbm>> -> memref<64xf32, #tpu.memory_space<hbm>>
      %dma_start3A_1382 = arith.constant 0 : i32
      %dma_start3A_1383 = tpu.memref_slice %arg7[%add3A_1373, %dma_start3A_1382] : memref<256x64xf32, #tpu.memory_space<vmem>> -> memref<1x64xf32, #tpu.memory_space<vmem>>
      %dma_start3A_1384 = tpu.memref_squeeze %dma_start3A_1383 : memref<1x64xf32, #tpu.memory_space<vmem>> -> memref<64xf32, #tpu.memory_space<vmem>>
      %dma_start3A_1385 = arith.constant 0 : i32
      %dma_start3A_1386 = tpu.memref_slice %arg2[%squeeze3A_1375, %dma_start3A_1385] : memref<1000000x64xf32, #tpu.memory_space<hbm>> -> memref<1x64xf32, #tpu.memory_space<hbm>>
      %dma_start3A_1387 = tpu.memref_squeeze %dma_start3A_1386 : memref<1x64xf32, #tpu.memory_space<hbm>> -> memref<64xf32, #tpu.memory_space<hbm>>
      tpu.enqueue_dma source(%dma_start3A_1387 : memref<64xf32, #tpu.memory_space<hbm>>) target(%dma_start3A_1384 : memref<64xf32, #tpu.memory_space<vmem>>) target_semaphore(%arg12 : memref<!tpu.dma_semaphore, #tpu.memory_space<semaphore_mem>>)
      %slice3A_1388 = vector.extract_strided_slice %get3A_813 {offsets = [12], sizes = [1], strides = [1]} : vector<16xi32> to vector<1xi32>
      %squeeze3A_1389 = vector.extract %slice3A_1388[0] : i32 from vector<1xi32>
      %dma_start3A_1390 = arith.constant 0 : i32
      %dma_start3A_1391 = tpu.memref_slice %arg8[%add3A_1373, %dma_start3A_1390] : memref<256x64xf32, #tpu.memory_space<vmem>> -> memref<1x64xf32, #tpu.memory_space<vmem>>
      %dma_start3A_1392 = tpu.memref_squeeze %dma_start3A_1391 : memref<1x64xf32, #tpu.memory_space<vmem>> -> memref<64xf32, #tpu.memory_space<vmem>>
      %dma_start3A_1393 = arith.constant 0 : i32
      %dma_start3A_1394 = tpu.memref_slice %arg3[%squeeze3A_1389, %dma_start3A_1393] : memref<1000000x64xf32, #tpu.memory_space<hbm>> -> memref<1x64xf32, #tpu.memory_space<hbm>>
      %dma_start3A_1395 = tpu.memref_squeeze %dma_start3A_1394 : memref<1x64xf32, #tpu.memory_space<hbm>> -> memref<64xf32, #tpu.memory_space<hbm>>
      %dma_start3A_1396 = arith.constant 0 : i32
      %dma_start3A_1397 = tpu.memref_slice %arg8[%add3A_1373, %dma_start3A_1396] : memref<256x64xf32, #tpu.memory_space<vmem>> -> memref<1x64xf32, #tpu.memory_space<vmem>>
      %dma_start3A_1398 = tpu.memref_squeeze %dma_start3A_1397 : memref<1x64xf32, #tpu.memory_space<vmem>> -> memref<64xf32, #tpu.memory_space<vmem>>
      %dma_start3A_1399 = arith.constant 0 : i32
      %dma_start3A_1400 = tpu.memref_slice %arg3[%squeeze3A_1389, %dma_start3A_1399] : memref<1000000x64xf32, #tpu.memory_space<hbm>> -> memref<1x64xf32, #tpu.memory_space<hbm>>
      %dma_start3A_1401 = tpu.memref_squeeze %dma_start3A_1400 : memref<1x64xf32, #tpu.memory_space<hbm>> -> memref<64xf32, #tpu.memory_space<hbm>>
      tpu.enqueue_dma source(%dma_start3A_1401 : memref<64xf32, #tpu.memory_space<hbm>>) target(%dma_start3A_1398 : memref<64xf32, #tpu.memory_space<vmem>>) target_semaphore(%arg12 : memref<!tpu.dma_semaphore, #tpu.memory_space<semaphore_mem>>)
      %slice3A_1402 = vector.extract_strided_slice %get3A_817 {offsets = [12], sizes = [1], strides = [1]} : vector<16xi32> to vector<1xi32>
      %squeeze3A_1403 = vector.extract %slice3A_1402[0] : i32 from vector<1xi32>
      %dma_start3A_1404 = arith.constant 0 : i32
      %dma_start3A_1405 = tpu.memref_slice %arg9[%add3A_1373, %dma_start3A_1404] : memref<256x64xf32, #tpu.memory_space<vmem>> -> memref<1x64xf32, #tpu.memory_space<vmem>>
      %dma_start3A_1406 = tpu.memref_squeeze %dma_start3A_1405 : memref<1x64xf32, #tpu.memory_space<vmem>> -> memref<64xf32, #tpu.memory_space<vmem>>
      %dma_start3A_1407 = arith.constant 0 : i32
      %dma_start3A_1408 = tpu.memref_slice %arg2[%squeeze3A_1403, %dma_start3A_1407] : memref<1000000x64xf32, #tpu.memory_space<hbm>> -> memref<1x64xf32, #tpu.memory_space<hbm>>
      %dma_start3A_1409 = tpu.memref_squeeze %dma_start3A_1408 : memref<1x64xf32, #tpu.memory_space<hbm>> -> memref<64xf32, #tpu.memory_space<hbm>>
      %dma_start3A_1410 = arith.constant 0 : i32
      %dma_start3A_1411 = tpu.memref_slice %arg9[%add3A_1373, %dma_start3A_1410] : memref<256x64xf32, #tpu.memory_space<vmem>> -> memref<1x64xf32, #tpu.memory_space<vmem>>
      %dma_start3A_1412 = tpu.memref_squeeze %dma_start3A_1411 : memref<1x64xf32, #tpu.memory_space<vmem>> -> memref<64xf32, #tpu.memory_space<vmem>>
      %dma_start3A_1413 = arith.constant 0 : i32
      %dma_start3A_1414 = tpu.memref_slice %arg2[%squeeze3A_1403, %dma_start3A_1413] : memref<1000000x64xf32, #tpu.memory_space<hbm>> -> memref<1x64xf32, #tpu.memory_space<hbm>>
      %dma_start3A_1415 = tpu.memref_squeeze %dma_start3A_1414 : memref<1x64xf32, #tpu.memory_space<hbm>> -> memref<64xf32, #tpu.memory_space<hbm>>
      tpu.enqueue_dma source(%dma_start3A_1415 : memref<64xf32, #tpu.memory_space<hbm>>) target(%dma_start3A_1412 : memref<64xf32, #tpu.memory_space<vmem>>) target_semaphore(%arg12 : memref<!tpu.dma_semaphore, #tpu.memory_space<semaphore_mem>>)
      %add3A_1416 = arith.constant 128 : i32
      %add3A_1417 = arith.addi %add3A_1416, %add3A_61 : i32
      %add3A_1418 = arith.constant 13 : i32
      %add3A_1419 = arith.addi %add3A_1417, %add3A_1418 : i32
      %slice3A_1420 = vector.extract_strided_slice %get3A_809 {offsets = [13], sizes = [1], strides = [1]} : vector<16xi32> to vector<1xi32>
      %squeeze3A_1421 = vector.extract %slice3A_1420[0] : i32 from vector<1xi32>
      %dma_start3A_1422 = arith.constant 0 : i32
      %dma_start3A_1423 = tpu.memref_slice %arg7[%add3A_1419, %dma_start3A_1422] : memref<256x64xf32, #tpu.memory_space<vmem>> -> memref<1x64xf32, #tpu.memory_space<vmem>>
      %dma_start3A_1424 = tpu.memref_squeeze %dma_start3A_1423 : memref<1x64xf32, #tpu.memory_space<vmem>> -> memref<64xf32, #tpu.memory_space<vmem>>
      %dma_start3A_1425 = arith.constant 0 : i32
      %dma_start3A_1426 = tpu.memref_slice %arg2[%squeeze3A_1421, %dma_start3A_1425] : memref<1000000x64xf32, #tpu.memory_space<hbm>> -> memref<1x64xf32, #tpu.memory_space<hbm>>
      %dma_start3A_1427 = tpu.memref_squeeze %dma_start3A_1426 : memref<1x64xf32, #tpu.memory_space<hbm>> -> memref<64xf32, #tpu.memory_space<hbm>>
      %dma_start3A_1428 = arith.constant 0 : i32
      %dma_start3A_1429 = tpu.memref_slice %arg7[%add3A_1419, %dma_start3A_1428] : memref<256x64xf32, #tpu.memory_space<vmem>> -> memref<1x64xf32, #tpu.memory_space<vmem>>
      %dma_start3A_1430 = tpu.memref_squeeze %dma_start3A_1429 : memref<1x64xf32, #tpu.memory_space<vmem>> -> memref<64xf32, #tpu.memory_space<vmem>>
      %dma_start3A_1431 = arith.constant 0 : i32
      %dma_start3A_1432 = tpu.memref_slice %arg2[%squeeze3A_1421, %dma_start3A_1431] : memref<1000000x64xf32, #tpu.memory_space<hbm>> -> memref<1x64xf32, #tpu.memory_space<hbm>>
      %dma_start3A_1433 = tpu.memref_squeeze %dma_start3A_1432 : memref<1x64xf32, #tpu.memory_space<hbm>> -> memref<64xf32, #tpu.memory_space<hbm>>
      tpu.enqueue_dma source(%dma_start3A_1433 : memref<64xf32, #tpu.memory_space<hbm>>) target(%dma_start3A_1430 : memref<64xf32, #tpu.memory_space<vmem>>) target_semaphore(%arg12 : memref<!tpu.dma_semaphore, #tpu.memory_space<semaphore_mem>>)
      %slice3A_1434 = vector.extract_strided_slice %get3A_813 {offsets = [13], sizes = [1], strides = [1]} : vector<16xi32> to vector<1xi32>
      %squeeze3A_1435 = vector.extract %slice3A_1434[0] : i32 from vector<1xi32>
      %dma_start3A_1436 = arith.constant 0 : i32
      %dma_start3A_1437 = tpu.memref_slice %arg8[%add3A_1419, %dma_start3A_1436] : memref<256x64xf32, #tpu.memory_space<vmem>> -> memref<1x64xf32, #tpu.memory_space<vmem>>
      %dma_start3A_1438 = tpu.memref_squeeze %dma_start3A_1437 : memref<1x64xf32, #tpu.memory_space<vmem>> -> memref<64xf32, #tpu.memory_space<vmem>>
      %dma_start3A_1439 = arith.constant 0 : i32
      %dma_start3A_1440 = tpu.memref_slice %arg3[%squeeze3A_1435, %dma_start3A_1439] : memref<1000000x64xf32, #tpu.memory_space<hbm>> -> memref<1x64xf32, #tpu.memory_space<hbm>>
      %dma_start3A_1441 = tpu.memref_squeeze %dma_start3A_1440 : memref<1x64xf32, #tpu.memory_space<hbm>> -> memref<64xf32, #tpu.memory_space<hbm>>
      %dma_start3A_1442 = arith.constant 0 : i32
      %dma_start3A_1443 = tpu.memref_slice %arg8[%add3A_1419, %dma_start3A_1442] : memref<256x64xf32, #tpu.memory_space<vmem>> -> memref<1x64xf32, #tpu.memory_space<vmem>>
      %dma_start3A_1444 = tpu.memref_squeeze %dma_start3A_1443 : memref<1x64xf32, #tpu.memory_space<vmem>> -> memref<64xf32, #tpu.memory_space<vmem>>
      %dma_start3A_1445 = arith.constant 0 : i32
      %dma_start3A_1446 = tpu.memref_slice %arg3[%squeeze3A_1435, %dma_start3A_1445] : memref<1000000x64xf32, #tpu.memory_space<hbm>> -> memref<1x64xf32, #tpu.memory_space<hbm>>
      %dma_start3A_1447 = tpu.memref_squeeze %dma_start3A_1446 : memref<1x64xf32, #tpu.memory_space<hbm>> -> memref<64xf32, #tpu.memory_space<hbm>>
      tpu.enqueue_dma source(%dma_start3A_1447 : memref<64xf32, #tpu.memory_space<hbm>>) target(%dma_start3A_1444 : memref<64xf32, #tpu.memory_space<vmem>>) target_semaphore(%arg12 : memref<!tpu.dma_semaphore, #tpu.memory_space<semaphore_mem>>)
      %slice3A_1448 = vector.extract_strided_slice %get3A_817 {offsets = [13], sizes = [1], strides = [1]} : vector<16xi32> to vector<1xi32>
      %squeeze3A_1449 = vector.extract %slice3A_1448[0] : i32 from vector<1xi32>
      %dma_start3A_1450 = arith.constant 0 : i32
      %dma_start3A_1451 = tpu.memref_slice %arg9[%add3A_1419, %dma_start3A_1450] : memref<256x64xf32, #tpu.memory_space<vmem>> -> memref<1x64xf32, #tpu.memory_space<vmem>>
      %dma_start3A_1452 = tpu.memref_squeeze %dma_start3A_1451 : memref<1x64xf32, #tpu.memory_space<vmem>> -> memref<64xf32, #tpu.memory_space<vmem>>
      %dma_start3A_1453 = arith.constant 0 : i32
      %dma_start3A_1454 = tpu.memref_slice %arg2[%squeeze3A_1449, %dma_start3A_1453] : memref<1000000x64xf32, #tpu.memory_space<hbm>> -> memref<1x64xf32, #tpu.memory_space<hbm>>
      %dma_start3A_1455 = tpu.memref_squeeze %dma_start3A_1454 : memref<1x64xf32, #tpu.memory_space<hbm>> -> memref<64xf32, #tpu.memory_space<hbm>>
      %dma_start3A_1456 = arith.constant 0 : i32
      %dma_start3A_1457 = tpu.memref_slice %arg9[%add3A_1419, %dma_start3A_1456] : memref<256x64xf32, #tpu.memory_space<vmem>> -> memref<1x64xf32, #tpu.memory_space<vmem>>
      %dma_start3A_1458 = tpu.memref_squeeze %dma_start3A_1457 : memref<1x64xf32, #tpu.memory_space<vmem>> -> memref<64xf32, #tpu.memory_space<vmem>>
      %dma_start3A_1459 = arith.constant 0 : i32
      %dma_start3A_1460 = tpu.memref_slice %arg2[%squeeze3A_1449, %dma_start3A_1459] : memref<1000000x64xf32, #tpu.memory_space<hbm>> -> memref<1x64xf32, #tpu.memory_space<hbm>>
      %dma_start3A_1461 = tpu.memref_squeeze %dma_start3A_1460 : memref<1x64xf32, #tpu.memory_space<hbm>> -> memref<64xf32, #tpu.memory_space<hbm>>
      tpu.enqueue_dma source(%dma_start3A_1461 : memref<64xf32, #tpu.memory_space<hbm>>) target(%dma_start3A_1458 : memref<64xf32, #tpu.memory_space<vmem>>) target_semaphore(%arg12 : memref<!tpu.dma_semaphore, #tpu.memory_space<semaphore_mem>>)
      %add3A_1462 = arith.constant 128 : i32
      %add3A_1463 = arith.addi %add3A_1462, %add3A_61 : i32
      %add3A_1464 = arith.constant 14 : i32
      %add3A_1465 = arith.addi %add3A_1463, %add3A_1464 : i32
      %slice3A_1466 = vector.extract_strided_slice %get3A_809 {offsets = [14], sizes = [1], strides = [1]} : vector<16xi32> to vector<1xi32>
      %squeeze3A_1467 = vector.extract %slice3A_1466[0] : i32 from vector<1xi32>
      %dma_start3A_1468 = arith.constant 0 : i32
      %dma_start3A_1469 = tpu.memref_slice %arg7[%add3A_1465, %dma_start3A_1468] : memref<256x64xf32, #tpu.memory_space<vmem>> -> memref<1x64xf32, #tpu.memory_space<vmem>>
      %dma_start3A_1470 = tpu.memref_squeeze %dma_start3A_1469 : memref<1x64xf32, #tpu.memory_space<vmem>> -> memref<64xf32, #tpu.memory_space<vmem>>
      %dma_start3A_1471 = arith.constant 0 : i32
      %dma_start3A_1472 = tpu.memref_slice %arg2[%squeeze3A_1467, %dma_start3A_1471] : memref<1000000x64xf32, #tpu.memory_space<hbm>> -> memref<1x64xf32, #tpu.memory_space<hbm>>
      %dma_start3A_1473 = tpu.memref_squeeze %dma_start3A_1472 : memref<1x64xf32, #tpu.memory_space<hbm>> -> memref<64xf32, #tpu.memory_space<hbm>>
      %dma_start3A_1474 = arith.constant 0 : i32
      %dma_start3A_1475 = tpu.memref_slice %arg7[%add3A_1465, %dma_start3A_1474] : memref<256x64xf32, #tpu.memory_space<vmem>> -> memref<1x64xf32, #tpu.memory_space<vmem>>
      %dma_start3A_1476 = tpu.memref_squeeze %dma_start3A_1475 : memref<1x64xf32, #tpu.memory_space<vmem>> -> memref<64xf32, #tpu.memory_space<vmem>>
      %dma_start3A_1477 = arith.constant 0 : i32
      %dma_start3A_1478 = tpu.memref_slice %arg2[%squeeze3A_1467, %dma_start3A_1477] : memref<1000000x64xf32, #tpu.memory_space<hbm>> -> memref<1x64xf32, #tpu.memory_space<hbm>>
      %dma_start3A_1479 = tpu.memref_squeeze %dma_start3A_1478 : memref<1x64xf32, #tpu.memory_space<hbm>> -> memref<64xf32, #tpu.memory_space<hbm>>
      tpu.enqueue_dma source(%dma_start3A_1479 : memref<64xf32, #tpu.memory_space<hbm>>) target(%dma_start3A_1476 : memref<64xf32, #tpu.memory_space<vmem>>) target_semaphore(%arg12 : memref<!tpu.dma_semaphore, #tpu.memory_space<semaphore_mem>>)
      %slice3A_1480 = vector.extract_strided_slice %get3A_813 {offsets = [14], sizes = [1], strides = [1]} : vector<16xi32> to vector<1xi32>
      %squeeze3A_1481 = vector.extract %slice3A_1480[0] : i32 from vector<1xi32>
      %dma_start3A_1482 = arith.constant 0 : i32
      %dma_start3A_1483 = tpu.memref_slice %arg8[%add3A_1465, %dma_start3A_1482] : memref<256x64xf32, #tpu.memory_space<vmem>> -> memref<1x64xf32, #tpu.memory_space<vmem>>
      %dma_start3A_1484 = tpu.memref_squeeze %dma_start3A_1483 : memref<1x64xf32, #tpu.memory_space<vmem>> -> memref<64xf32, #tpu.memory_space<vmem>>
      %dma_start3A_1485 = arith.constant 0 : i32
      %dma_start3A_1486 = tpu.memref_slice %arg3[%squeeze3A_1481, %dma_start3A_1485] : memref<1000000x64xf32, #tpu.memory_space<hbm>> -> memref<1x64xf32, #tpu.memory_space<hbm>>
      %dma_start3A_1487 = tpu.memref_squeeze %dma_start3A_1486 : memref<1x64xf32, #tpu.memory_space<hbm>> -> memref<64xf32, #tpu.memory_space<hbm>>
      %dma_start3A_1488 = arith.constant 0 : i32
      %dma_start3A_1489 = tpu.memref_slice %arg8[%add3A_1465, %dma_start3A_1488] : memref<256x64xf32, #tpu.memory_space<vmem>> -> memref<1x64xf32, #tpu.memory_space<vmem>>
      %dma_start3A_1490 = tpu.memref_squeeze %dma_start3A_1489 : memref<1x64xf32, #tpu.memory_space<vmem>> -> memref<64xf32, #tpu.memory_space<vmem>>
      %dma_start3A_1491 = arith.constant 0 : i32
      %dma_start3A_1492 = tpu.memref_slice %arg3[%squeeze3A_1481, %dma_start3A_1491] : memref<1000000x64xf32, #tpu.memory_space<hbm>> -> memref<1x64xf32, #tpu.memory_space<hbm>>
      %dma_start3A_1493 = tpu.memref_squeeze %dma_start3A_1492 : memref<1x64xf32, #tpu.memory_space<hbm>> -> memref<64xf32, #tpu.memory_space<hbm>>
      tpu.enqueue_dma source(%dma_start3A_1493 : memref<64xf32, #tpu.memory_space<hbm>>) target(%dma_start3A_1490 : memref<64xf32, #tpu.memory_space<vmem>>) target_semaphore(%arg12 : memref<!tpu.dma_semaphore, #tpu.memory_space<semaphore_mem>>)
      %slice3A_1494 = vector.extract_strided_slice %get3A_817 {offsets = [14], sizes = [1], strides = [1]} : vector<16xi32> to vector<1xi32>
      %squeeze3A_1495 = vector.extract %slice3A_1494[0] : i32 from vector<1xi32>
      %dma_start3A_1496 = arith.constant 0 : i32
      %dma_start3A_1497 = tpu.memref_slice %arg9[%add3A_1465, %dma_start3A_1496] : memref<256x64xf32, #tpu.memory_space<vmem>> -> memref<1x64xf32, #tpu.memory_space<vmem>>
      %dma_start3A_1498 = tpu.memref_squeeze %dma_start3A_1497 : memref<1x64xf32, #tpu.memory_space<vmem>> -> memref<64xf32, #tpu.memory_space<vmem>>
      %dma_start3A_1499 = arith.constant 0 : i32
      %dma_start3A_1500 = tpu.memref_slice %arg2[%squeeze3A_1495, %dma_start3A_1499] : memref<1000000x64xf32, #tpu.memory_space<hbm>> -> memref<1x64xf32, #tpu.memory_space<hbm>>
      %dma_start3A_1501 = tpu.memref_squeeze %dma_start3A_1500 : memref<1x64xf32, #tpu.memory_space<hbm>> -> memref<64xf32, #tpu.memory_space<hbm>>
      %dma_start3A_1502 = arith.constant 0 : i32
      %dma_start3A_1503 = tpu.memref_slice %arg9[%add3A_1465, %dma_start3A_1502] : memref<256x64xf32, #tpu.memory_space<vmem>> -> memref<1x64xf32, #tpu.memory_space<vmem>>
      %dma_start3A_1504 = tpu.memref_squeeze %dma_start3A_1503 : memref<1x64xf32, #tpu.memory_space<vmem>> -> memref<64xf32, #tpu.memory_space<vmem>>
      %dma_start3A_1505 = arith.constant 0 : i32
      %dma_start3A_1506 = tpu.memref_slice %arg2[%squeeze3A_1495, %dma_start3A_1505] : memref<1000000x64xf32, #tpu.memory_space<hbm>> -> memref<1x64xf32, #tpu.memory_space<hbm>>
      %dma_start3A_1507 = tpu.memref_squeeze %dma_start3A_1506 : memref<1x64xf32, #tpu.memory_space<hbm>> -> memref<64xf32, #tpu.memory_space<hbm>>
      tpu.enqueue_dma source(%dma_start3A_1507 : memref<64xf32, #tpu.memory_space<hbm>>) target(%dma_start3A_1504 : memref<64xf32, #tpu.memory_space<vmem>>) target_semaphore(%arg12 : memref<!tpu.dma_semaphore, #tpu.memory_space<semaphore_mem>>)
      %add3A_1508 = arith.constant 128 : i32
      %add3A_1509 = arith.addi %add3A_1508, %add3A_61 : i32
      %add3A_1510 = arith.constant 15 : i32
      %add3A_1511 = arith.addi %add3A_1509, %add3A_1510 : i32
      %slice3A_1512 = vector.extract_strided_slice %get3A_809 {offsets = [15], sizes = [1], strides = [1]} : vector<16xi32> to vector<1xi32>
      %squeeze3A_1513 = vector.extract %slice3A_1512[0] : i32 from vector<1xi32>
      %dma_start3A_1514 = arith.constant 0 : i32
      %dma_start3A_1515 = tpu.memref_slice %arg7[%add3A_1511, %dma_start3A_1514] : memref<256x64xf32, #tpu.memory_space<vmem>> -> memref<1x64xf32, #tpu.memory_space<vmem>>
      %dma_start3A_1516 = tpu.memref_squeeze %dma_start3A_1515 : memref<1x64xf32, #tpu.memory_space<vmem>> -> memref<64xf32, #tpu.memory_space<vmem>>
      %dma_start3A_1517 = arith.constant 0 : i32
      %dma_start3A_1518 = tpu.memref_slice %arg2[%squeeze3A_1513, %dma_start3A_1517] : memref<1000000x64xf32, #tpu.memory_space<hbm>> -> memref<1x64xf32, #tpu.memory_space<hbm>>
      %dma_start3A_1519 = tpu.memref_squeeze %dma_start3A_1518 : memref<1x64xf32, #tpu.memory_space<hbm>> -> memref<64xf32, #tpu.memory_space<hbm>>
      %dma_start3A_1520 = arith.constant 0 : i32
      %dma_start3A_1521 = tpu.memref_slice %arg7[%add3A_1511, %dma_start3A_1520] : memref<256x64xf32, #tpu.memory_space<vmem>> -> memref<1x64xf32, #tpu.memory_space<vmem>>
      %dma_start3A_1522 = tpu.memref_squeeze %dma_start3A_1521 : memref<1x64xf32, #tpu.memory_space<vmem>> -> memref<64xf32, #tpu.memory_space<vmem>>
      %dma_start3A_1523 = arith.constant 0 : i32
      %dma_start3A_1524 = tpu.memref_slice %arg2[%squeeze3A_1513, %dma_start3A_1523] : memref<1000000x64xf32, #tpu.memory_space<hbm>> -> memref<1x64xf32, #tpu.memory_space<hbm>>
      %dma_start3A_1525 = tpu.memref_squeeze %dma_start3A_1524 : memref<1x64xf32, #tpu.memory_space<hbm>> -> memref<64xf32, #tpu.memory_space<hbm>>
      tpu.enqueue_dma source(%dma_start3A_1525 : memref<64xf32, #tpu.memory_space<hbm>>) target(%dma_start3A_1522 : memref<64xf32, #tpu.memory_space<vmem>>) target_semaphore(%arg12 : memref<!tpu.dma_semaphore, #tpu.memory_space<semaphore_mem>>)
      %slice3A_1526 = vector.extract_strided_slice %get3A_813 {offsets = [15], sizes = [1], strides = [1]} : vector<16xi32> to vector<1xi32>
      %squeeze3A_1527 = vector.extract %slice3A_1526[0] : i32 from vector<1xi32>
      %dma_start3A_1528 = arith.constant 0 : i32
      %dma_start3A_1529 = tpu.memref_slice %arg8[%add3A_1511, %dma_start3A_1528] : memref<256x64xf32, #tpu.memory_space<vmem>> -> memref<1x64xf32, #tpu.memory_space<vmem>>
      %dma_start3A_1530 = tpu.memref_squeeze %dma_start3A_1529 : memref<1x64xf32, #tpu.memory_space<vmem>> -> memref<64xf32, #tpu.memory_space<vmem>>
      %dma_start3A_1531 = arith.constant 0 : i32
      %dma_start3A_1532 = tpu.memref_slice %arg3[%squeeze3A_1527, %dma_start3A_1531] : memref<1000000x64xf32, #tpu.memory_space<hbm>> -> memref<1x64xf32, #tpu.memory_space<hbm>>
      %dma_start3A_1533 = tpu.memref_squeeze %dma_start3A_1532 : memref<1x64xf32, #tpu.memory_space<hbm>> -> memref<64xf32, #tpu.memory_space<hbm>>
      %dma_start3A_1534 = arith.constant 0 : i32
      %dma_start3A_1535 = tpu.memref_slice %arg8[%add3A_1511, %dma_start3A_1534] : memref<256x64xf32, #tpu.memory_space<vmem>> -> memref<1x64xf32, #tpu.memory_space<vmem>>
      %dma_start3A_1536 = tpu.memref_squeeze %dma_start3A_1535 : memref<1x64xf32, #tpu.memory_space<vmem>> -> memref<64xf32, #tpu.memory_space<vmem>>
      %dma_start3A_1537 = arith.constant 0 : i32
      %dma_start3A_1538 = tpu.memref_slice %arg3[%squeeze3A_1527, %dma_start3A_1537] : memref<1000000x64xf32, #tpu.memory_space<hbm>> -> memref<1x64xf32, #tpu.memory_space<hbm>>
      %dma_start3A_1539 = tpu.memref_squeeze %dma_start3A_1538 : memref<1x64xf32, #tpu.memory_space<hbm>> -> memref<64xf32, #tpu.memory_space<hbm>>
      tpu.enqueue_dma source(%dma_start3A_1539 : memref<64xf32, #tpu.memory_space<hbm>>) target(%dma_start3A_1536 : memref<64xf32, #tpu.memory_space<vmem>>) target_semaphore(%arg12 : memref<!tpu.dma_semaphore, #tpu.memory_space<semaphore_mem>>)
      %slice3A_1540 = vector.extract_strided_slice %get3A_817 {offsets = [15], sizes = [1], strides = [1]} : vector<16xi32> to vector<1xi32>
      %squeeze3A_1541 = vector.extract %slice3A_1540[0] : i32 from vector<1xi32>
      %dma_start3A_1542 = arith.constant 0 : i32
      %dma_start3A_1543 = tpu.memref_slice %arg9[%add3A_1511, %dma_start3A_1542] : memref<256x64xf32, #tpu.memory_space<vmem>> -> memref<1x64xf32, #tpu.memory_space<vmem>>
      %dma_start3A_1544 = tpu.memref_squeeze %dma_start3A_1543 : memref<1x64xf32, #tpu.memory_space<vmem>> -> memref<64xf32, #tpu.memory_space<vmem>>
      %dma_start3A_1545 = arith.constant 0 : i32
      %dma_start3A_1546 = tpu.memref_slice %arg2[%squeeze3A_1541, %dma_start3A_1545] : memref<1000000x64xf32, #tpu.memory_space<hbm>> -> memref<1x64xf32, #tpu.memory_space<hbm>>
      %dma_start3A_1547 = tpu.memref_squeeze %dma_start3A_1546 : memref<1x64xf32, #tpu.memory_space<hbm>> -> memref<64xf32, #tpu.memory_space<hbm>>
      %dma_start3A_1548 = arith.constant 0 : i32
      %dma_start3A_1549 = tpu.memref_slice %arg9[%add3A_1511, %dma_start3A_1548] : memref<256x64xf32, #tpu.memory_space<vmem>> -> memref<1x64xf32, #tpu.memory_space<vmem>>
      %dma_start3A_1550 = tpu.memref_squeeze %dma_start3A_1549 : memref<1x64xf32, #tpu.memory_space<vmem>> -> memref<64xf32, #tpu.memory_space<vmem>>
      %dma_start3A_1551 = arith.constant 0 : i32
      %dma_start3A_1552 = tpu.memref_slice %arg2[%squeeze3A_1541, %dma_start3A_1551] : memref<1000000x64xf32, #tpu.memory_space<hbm>> -> memref<1x64xf32, #tpu.memory_space<hbm>>
      %dma_start3A_1553 = tpu.memref_squeeze %dma_start3A_1552 : memref<1x64xf32, #tpu.memory_space<hbm>> -> memref<64xf32, #tpu.memory_space<hbm>>
      tpu.enqueue_dma source(%dma_start3A_1553 : memref<64xf32, #tpu.memory_space<hbm>>) target(%dma_start3A_1550 : memref<64xf32, #tpu.memory_space<vmem>>) target_semaphore(%arg12 : memref<!tpu.dma_semaphore, #tpu.memory_space<semaphore_mem>>)
    }
    %scan3A_31 = arith.constant 8 : i32
    %dma_wait3A_32 = arith.constant 0 : i32
    %dma_wait3A_33 = arith.constant 0 : i32
    %dma_wait3A_34 = tpu.memref_slice %arg2[%dma_wait3A_32, %dma_wait3A_33] : memref<1000000x64xf32, #tpu.memory_space<hbm>> -> memref<256x64xf32, #tpu.memory_space<hbm>>
    %dma_wait3A_35 = arith.constant 0 : i32
    %dma_wait3A_36 = arith.constant 0 : i32
    %dma_wait3A_37 = tpu.memref_slice %arg2[%dma_wait3A_35, %dma_wait3A_36] : memref<1000000x64xf32, #tpu.memory_space<hbm>> -> memref<256x64xf32, #tpu.memory_space<hbm>>
    tpu.wait_dma2 semaphore(%arg12 : memref<!tpu.dma_semaphore, #tpu.memory_space<semaphore_mem>>) src(%dma_wait3A_37 : memref<256x64xf32, #tpu.memory_space<hbm>>) dst(%arg7 : memref<256x64xf32, #tpu.memory_space<vmem>>)
    %dma_wait3A_38 = arith.constant 0 : i32
    %dma_wait3A_39 = arith.constant 0 : i32
    %dma_wait3A_40 = tpu.memref_slice %arg3[%dma_wait3A_38, %dma_wait3A_39] : memref<1000000x64xf32, #tpu.memory_space<hbm>> -> memref<256x64xf32, #tpu.memory_space<hbm>>
    %dma_wait3A_41 = arith.constant 0 : i32
    %dma_wait3A_42 = arith.constant 0 : i32
    %dma_wait3A_43 = tpu.memref_slice %arg3[%dma_wait3A_41, %dma_wait3A_42] : memref<1000000x64xf32, #tpu.memory_space<hbm>> -> memref<256x64xf32, #tpu.memory_space<hbm>>
    tpu.wait_dma2 semaphore(%arg12 : memref<!tpu.dma_semaphore, #tpu.memory_space<semaphore_mem>>) src(%dma_wait3A_43 : memref<256x64xf32, #tpu.memory_space<hbm>>) dst(%arg8 : memref<256x64xf32, #tpu.memory_space<vmem>>)
    %dma_wait3A_44 = arith.constant 0 : i32
    %dma_wait3A_45 = arith.constant 0 : i32
    %dma_wait3A_46 = tpu.memref_slice %arg2[%dma_wait3A_44, %dma_wait3A_45] : memref<1000000x64xf32, #tpu.memory_space<hbm>> -> memref<256x64xf32, #tpu.memory_space<hbm>>
    %dma_wait3A_47 = arith.constant 0 : i32
    %dma_wait3A_48 = arith.constant 0 : i32
    %dma_wait3A_49 = tpu.memref_slice %arg2[%dma_wait3A_47, %dma_wait3A_48] : memref<1000000x64xf32, #tpu.memory_space<hbm>> -> memref<256x64xf32, #tpu.memory_space<hbm>>
    tpu.wait_dma2 semaphore(%arg12 : memref<!tpu.dma_semaphore, #tpu.memory_space<semaphore_mem>>) src(%dma_wait3A_49 : memref<256x64xf32, #tpu.memory_space<hbm>>) dst(%arg9 : memref<256x64xf32, #tpu.memory_space<vmem>>)
    %scan3A_50 = arith.constant 0 : i32
    %scan3A_51 = arith.constant 16 : i32
    %scan3A_52 = arith.addi %scan3A_50, %scan3A_51 : i32
    %scan3A_53 = arith.constant 1 : i32
    scf.for %scan3A_57 = %scan3A_50 to %scan3A_52 step %scan3A_53  : i32 {
      %mul3A_58 = arith.constant 16 : i32
      %mul3A_59 = arith.muli %scan3A_57, %mul3A_58 : i32
      %add3A_60 = arith.constant 0 : i32
      %add3A_61 = arith.addi %add3A_60, %mul3A_59 : i32
      %scan3A_62 = arith.constant 0 : i32
      %scan3A_63 = arith.constant 16 : i32
      %scan3A_64 = arith.addi %scan3A_62, %scan3A_63 : i32
      %scan3A_65 = arith.constant 1 : i32
      scf.for %scan3A_133 = %scan3A_62 to %scan3A_64 step %scan3A_65  : i32 {
        %mul3A_134 = arith.constant 1 : i32
        %mul3A_135 = arith.muli %scan3A_133, %mul3A_134 : i32
        %add3A_136 = arith.constant 0 : i32
        %add3A_137 = arith.addi %add3A_136, %mul3A_135 : i32
        %add3A_138 = arith.addi %add3A_61, %add3A_137 : i32
        %get3A = arith.index_cast %add3A_138 : i32 to index
        %get3A_139 = arith.constant 0 : index
        %get3A_140 = tpu.vector_load %arg7[%get3A, %get3A_139] {strides = array<i32>} : memref<256x64xf32, #tpu.memory_space<vmem>>, vector<16xf32>,
        %get3A_141 = arith.index_cast %add3A_138 : i32 to index
        %get3A_142 = arith.constant 0 : index
        %get3A_143 = tpu.vector_load %arg8[%get3A_141, %get3A_142] {strides = array<i32>} : memref<256x64xf32, #tpu.memory_space<vmem>>, vector<16xf32>,
        %add3A_144 = arith.addf %get3A_140, %get3A_143 : vector<16xf32>
        %get3A_145 = arith.index_cast %add3A_138 : i32 to index
        %get3A_146 = arith.constant 0 : index
        %get3A_147 = tpu.vector_load %arg9[%get3A_145, %get3A_146] {strides = array<i32>} : memref<256x64xf32, #tpu.memory_space<vmem>>, vector<16xf32>,
        %sub3A_148 = arith.subf %add3A_144, %get3A_147 : vector<16xf32>
        %abs3A = math.absf %sub3A_148 : vector<16xf32>
        %get3A_149 = arith.index_cast %add3A_138 : i32 to index
        %get3A_150 = arith.constant 16 : index
        %get3A_151 = tpu.vector_load %arg7[%get3A_149, %get3A_150] {strides = array<i32>} : memref<256x64xf32, #tpu.memory_space<vmem>>, vector<16xf32>,
        %get3A_152 = arith.index_cast %add3A_138 : i32 to index
        %get3A_153 = arith.constant 16 : index
        %get3A_154 = tpu.vector_load %arg8[%get3A_152, %get3A_153] {strides = array<i32>} : memref<256x64xf32, #tpu.memory_space<vmem>>, vector<16xf32>,
        %add3A_155 = arith.addf %get3A_151, %get3A_154 : vector<16xf32>
        %get3A_156 = arith.index_cast %add3A_138 : i32 to index
        %get3A_157 = arith.constant 16 : index
        %get3A_158 = tpu.vector_load %arg9[%get3A_156, %get3A_157] {strides = array<i32>} : memref<256x64xf32, #tpu.memory_space<vmem>>, vector<16xf32>,
        %sub3A_159 = arith.subf %add3A_155, %get3A_158 : vector<16xf32>
        %abs3A_160 = math.absf %sub3A_159 : vector<16xf32>
        %add3A_161 = arith.addf %abs3A, %abs3A_160 : vector<16xf32>
        %get3A_162 = arith.index_cast %add3A_138 : i32 to index
        %get3A_163 = arith.constant 32 : index
        %get3A_164 = tpu.vector_load %arg7[%get3A_162, %get3A_163] {strides = array<i32>} : memref<256x64xf32, #tpu.memory_space<vmem>>, vector<16xf32>,
        %get3A_165 = arith.index_cast %add3A_138 : i32 to index
        %get3A_166 = arith.constant 32 : index
        %get3A_167 = tpu.vector_load %arg8[%get3A_165, %get3A_166] {strides = array<i32>} : memref<256x64xf32, #tpu.memory_space<vmem>>, vector<16xf32>,
        %add3A_168 = arith.addf %get3A_164, %get3A_167 : vector<16xf32>
        %get3A_169 = arith.index_cast %add3A_138 : i32 to index
        %get3A_170 = arith.constant 32 : index
        %get3A_171 = tpu.vector_load %arg9[%get3A_169, %get3A_170] {strides = array<i32>} : memref<256x64xf32, #tpu.memory_space<vmem>>, vector<16xf32>,
        %sub3A_172 = arith.subf %add3A_168, %get3A_171 : vector<16xf32>
        %abs3A_173 = math.absf %sub3A_172 : vector<16xf32>
        %add3A_174 = arith.addf %add3A_161, %abs3A_173 : vector<16xf32>
        %get3A_175 = arith.index_cast %add3A_138 : i32 to index
        %get3A_176 = arith.constant 48 : index
        %get3A_177 = tpu.vector_load %arg7[%get3A_175, %get3A_176] {strides = array<i32>} : memref<256x64xf32, #tpu.memory_space<vmem>>, vector<16xf32>,
        %get3A_178 = arith.index_cast %add3A_138 : i32 to index
        %get3A_179 = arith.constant 48 : index
        %get3A_180 = tpu.vector_load %arg8[%get3A_178, %get3A_179] {strides = array<i32>} : memref<256x64xf32, #tpu.memory_space<vmem>>, vector<16xf32>,
        %add3A_181 = arith.addf %get3A_177, %get3A_180 : vector<16xf32>
        %get3A_182 = arith.index_cast %add3A_138 : i32 to index
        %get3A_183 = arith.constant 48 : index
        %get3A_184 = tpu.vector_load %arg9[%get3A_182, %get3A_183] {strides = array<i32>} : memref<256x64xf32, #tpu.memory_space<vmem>>, vector<16xf32>,
        %sub3A_185 = arith.subf %add3A_181, %get3A_184 : vector<16xf32>
        %abs3A_186 = math.absf %sub3A_185 : vector<16xf32>
        %add3A_187 = arith.addf %add3A_174, %abs3A_186 : vector<16xf32>
        %swap3A_188 = arith.index_cast %add3A_137 : i32 to index
        %swap3A_189 = arith.constant 0 : index
        %swap3A_190 = tpu.vector_load %arg10[%swap3A_188, %swap3A_189] {strides = array<i32>} : memref<16x16xf32, #tpu.memory_space<vmem>>, vector<16xf32>,
        tpu.vector_store %arg10[%swap3A_188, %swap3A_189], %add3A_187 {strides = array<i32>} : memref<16x16xf32, #tpu.memory_space<vmem>>, vector<16xf32>,
      }
      %scan3A_66 = arith.constant 16 : i32
      %broadcast_in_dim3A = arith.constant 0 : i32
      %broadcast_in_dim3A_67 = vector.broadcast %broadcast_in_dim3A : i32 to vector<16xi32>
      %gather3A = tpu.vector_load_idx %arg10[%iota3A, %broadcast_in_dim3A_67] : memref<16x16xf32, #tpu.memory_space<vmem>>[vector<16xi32>, vector<16xi32>], vector<16xf32>,
      %broadcast_in_dim3A_68 = arith.constant 1 : i32
      %broadcast_in_dim3A_69 = vector.broadcast %broadcast_in_dim3A_68 : i32 to vector<16xi32>
      %gather3A_70 = tpu.vector_load_idx %arg10[%iota3A, %broadcast_in_dim3A_69] : memref<16x16xf32, #tpu.memory_space<vmem>>[vector<16xi32>, vector<16xi32>], vector<16xf32>,
      %add3A_71 = arith.addf %gather3A, %gather3A_70 : vector<16xf32>
      %broadcast_in_dim3A_72 = arith.constant 2 : i32
      %broadcast_in_dim3A_73 = vector.broadcast %broadcast_in_dim3A_72 : i32 to vector<16xi32>
      %gather3A_74 = tpu.vector_load_idx %arg10[%iota3A, %broadcast_in_dim3A_73] : memref<16x16xf32, #tpu.memory_space<vmem>>[vector<16xi32>, vector<16xi32>], vector<16xf32>,
      %add3A_75 = arith.addf %add3A_71, %gather3A_74 : vector<16xf32>
      %broadcast_in_dim3A_76 = arith.constant 3 : i32
      %broadcast_in_dim3A_77 = vector.broadcast %broadcast_in_dim3A_76 : i32 to vector<16xi32>
      %gather3A_78 = tpu.vector_load_idx %arg10[%iota3A, %broadcast_in_dim3A_77] : memref<16x16xf32, #tpu.memory_space<vmem>>[vector<16xi32>, vector<16xi32>], vector<16xf32>,
      %add3A_79 = arith.addf %add3A_75, %gather3A_78 : vector<16xf32>
      %broadcast_in_dim3A_80 = arith.constant 4 : i32
      %broadcast_in_dim3A_81 = vector.broadcast %broadcast_in_dim3A_80 : i32 to vector<16xi32>
      %gather3A_82 = tpu.vector_load_idx %arg10[%iota3A, %broadcast_in_dim3A_81] : memref<16x16xf32, #tpu.memory_space<vmem>>[vector<16xi32>, vector<16xi32>], vector<16xf32>,
      %add3A_83 = arith.addf %add3A_79, %gather3A_82 : vector<16xf32>
      %broadcast_in_dim3A_84 = arith.constant 5 : i32
      %broadcast_in_dim3A_85 = vector.broadcast %broadcast_in_dim3A_84 : i32 to vector<16xi32>
      %gather3A_86 = tpu.vector_load_idx %arg10[%iota3A, %broadcast_in_dim3A_85] : memref<16x16xf32, #tpu.memory_space<vmem>>[vector<16xi32>, vector<16xi32>], vector<16xf32>,
      %add3A_87 = arith.addf %add3A_83, %gather3A_86 : vector<16xf32>
      %broadcast_in_dim3A_88 = arith.constant 6 : i32
      %broadcast_in_dim3A_89 = vector.broadcast %broadcast_in_dim3A_88 : i32 to vector<16xi32>
      %gather3A_90 = tpu.vector_load_idx %arg10[%iota3A, %broadcast_in_dim3A_89] : memref<16x16xf32, #tpu.memory_space<vmem>>[vector<16xi32>, vector<16xi32>], vector<16xf32>,
      %add3A_91 = arith.addf %add3A_87, %gather3A_90 : vector<16xf32>
      %broadcast_in_dim3A_92 = arith.constant 7 : i32
      %broadcast_in_dim3A_93 = vector.broadcast %broadcast_in_dim3A_92 : i32 to vector<16xi32>
      %gather3A_94 = tpu.vector_load_idx %arg10[%iota3A, %broadcast_in_dim3A_93] : memref<16x16xf32, #tpu.memory_space<vmem>>[vector<16xi32>, vector<16xi32>], vector<16xf32>,
      %add3A_95 = arith.addf %add3A_91, %gather3A_94 : vector<16xf32>
      %broadcast_in_dim3A_96 = arith.constant 8 : i32
      %broadcast_in_dim3A_97 = vector.broadcast %broadcast_in_dim3A_96 : i32 to vector<16xi32>
      %gather3A_98 = tpu.vector_load_idx %arg10[%iota3A, %broadcast_in_dim3A_97] : memref<16x16xf32, #tpu.memory_space<vmem>>[vector<16xi32>, vector<16xi32>], vector<16xf32>,
      %add3A_99 = arith.addf %add3A_95, %gather3A_98 : vector<16xf32>
      %broadcast_in_dim3A_100 = arith.constant 9 : i32
      %broadcast_in_dim3A_101 = vector.broadcast %broadcast_in_dim3A_100 : i32 to vector<16xi32>
      %gather3A_102 = tpu.vector_load_idx %arg10[%iota3A, %broadcast_in_dim3A_101] : memref<16x16xf32, #tpu.memory_space<vmem>>[vector<16xi32>, vector<16xi32>], vector<16xf32>,
      %add3A_103 = arith.addf %add3A_99, %gather3A_102 : vector<16xf32>
      %broadcast_in_dim3A_104 = arith.constant 10 : i32
      %broadcast_in_dim3A_105 = vector.broadcast %broadcast_in_dim3A_104 : i32 to vector<16xi32>
      %gather3A_106 = tpu.vector_load_idx %arg10[%iota3A, %broadcast_in_dim3A_105] : memref<16x16xf32, #tpu.memory_space<vmem>>[vector<16xi32>, vector<16xi32>], vector<16xf32>,
      %add3A_107 = arith.addf %add3A_103, %gather3A_106 : vector<16xf32>
      %broadcast_in_dim3A_108 = arith.constant 11 : i32
      %broadcast_in_dim3A_109 = vector.broadcast %broadcast_in_dim3A_108 : i32 to vector<16xi32>
      %gather3A_110 = tpu.vector_load_idx %arg10[%iota3A, %broadcast_in_dim3A_109] : memref<16x16xf32, #tpu.memory_space<vmem>>[vector<16xi32>, vector<16xi32>], vector<16xf32>,
      %add3A_111 = arith.addf %add3A_107, %gather3A_110 : vector<16xf32>
      %broadcast_in_dim3A_112 = arith.constant 12 : i32
      %broadcast_in_dim3A_113 = vector.broadcast %broadcast_in_dim3A_112 : i32 to vector<16xi32>
      %gather3A_114 = tpu.vector_load_idx %arg10[%iota3A, %broadcast_in_dim3A_113] : memref<16x16xf32, #tpu.memory_space<vmem>>[vector<16xi32>, vector<16xi32>], vector<16xf32>,
      %add3A_115 = arith.addf %add3A_111, %gather3A_114 : vector<16xf32>
      %broadcast_in_dim3A_116 = arith.constant 13 : i32
      %broadcast_in_dim3A_117 = vector.broadcast %broadcast_in_dim3A_116 : i32 to vector<16xi32>
      %gather3A_118 = tpu.vector_load_idx %arg10[%iota3A, %broadcast_in_dim3A_117] : memref<16x16xf32, #tpu.memory_space<vmem>>[vector<16xi32>, vector<16xi32>], vector<16xf32>,
      %add3A_119 = arith.addf %add3A_115, %gather3A_118 : vector<16xf32>
      %broadcast_in_dim3A_120 = arith.constant 14 : i32
      %broadcast_in_dim3A_121 = vector.broadcast %broadcast_in_dim3A_120 : i32 to vector<16xi32>
      %gather3A_122 = tpu.vector_load_idx %arg10[%iota3A, %broadcast_in_dim3A_121] : memref<16x16xf32, #tpu.memory_space<vmem>>[vector<16xi32>, vector<16xi32>], vector<16xf32>,
      %add3A_123 = arith.addf %add3A_119, %gather3A_122 : vector<16xf32>
      %broadcast_in_dim3A_124 = arith.constant 15 : i32
      %broadcast_in_dim3A_125 = vector.broadcast %broadcast_in_dim3A_124 : i32 to vector<16xi32>
      %gather3A_126 = tpu.vector_load_idx %arg10[%iota3A, %broadcast_in_dim3A_125] : memref<16x16xf32, #tpu.memory_space<vmem>>[vector<16xi32>, vector<16xi32>], vector<16xf32>,
      %add3A_127 = arith.addf %add3A_123, %gather3A_126 : vector<16xf32>
      %sub3A = arith.constant 1.200000e+01 : f32
      %sub3A_128 = vector.broadcast %sub3A : f32 to vector<16xf32>
      %sub3A_129 = arith.subf %sub3A_128, %add3A_127 : vector<16xf32>
      %add3A_130 = arith.constant 256 : i32
      %add3A_131 = arith.addi %add3A_130, %add3A_61 : i32
      %swap3A = arith.index_cast %add3A_131 : i32 to index
      %swap3A_132 = tpu.vector_load %arg11[%swap3A] {strides = array<i32>} : memref<512xf32, #tpu.memory_space<vmem>>, vector<16xf32>,
      tpu.vector_store %arg11[%swap3A], %sub3A_129 {strides = array<i32>} : memref<512xf32, #tpu.memory_space<vmem>>, vector<16xf32>,
    }
    %scan3A_54 = arith.constant 16 : i32
    %mul3A_55 = arith.constant 512 : i32
    %mul3A_56 = arith.muli %add3A, %mul3A_55 : i32
    "tpu.region"() ({
      %run_scoped3A = tpu.sem_alloc : memref<!tpu.dma_semaphore, #tpu.memory_space<semaphore_mem>>
      %dma_start3A = tpu.memref_slice %arg5[%mul3A_56] : memref<16384xf32, #tpu.memory_space<hbm>> -> memref<512xf32, #tpu.memory_space<hbm>>
      %dma_start3A_57 = tpu.memref_slice %arg5[%mul3A_56] : memref<16384xf32, #tpu.memory_space<hbm>> -> memref<512xf32, #tpu.memory_space<hbm>>
      tpu.enqueue_dma source(%arg11 : memref<512xf32, #tpu.memory_space<vmem>>) target(%dma_start3A_57 : memref<512xf32, #tpu.memory_space<hbm>>) target_semaphore(%run_scoped3A : memref<!tpu.dma_semaphore, #tpu.memory_space<semaphore_mem>>)
      %dma_wait3A_58 = tpu.memref_slice %arg5[%mul3A_56] : memref<16384xf32, #tpu.memory_space<hbm>> -> memref<512xf32, #tpu.memory_space<hbm>>
      %dma_wait3A_59 = tpu.memref_slice %arg5[%mul3A_56] : memref<16384xf32, #tpu.memory_space<hbm>> -> memref<512xf32, #tpu.memory_space<hbm>>
      tpu.wait_dma2 semaphore(%run_scoped3A : memref<!tpu.dma_semaphore, #tpu.memory_space<semaphore_mem>>) src(%arg11 : memref<512xf32, #tpu.memory_space<vmem>>) dst(%dma_wait3A_59 : memref<512xf32, #tpu.memory_space<hbm>>)
      tpu.yield
    }) : () -> ()
    return
  }
}

</mosaic_0001>

<sc_bundles>
// kernel: kernel.3.cloned.1.call-start
scs
__scs_entry_jumppad:
0x0: {  	(pc) =	sbr.rel $0x88, $3  }
0x1: {  	(tag) =	ssettag $0x0;
	lr =	simm.s32 $0x1  }
0x2: {  	[smem:$0x3F9E] =	sst lr;
	_ =	strace $0xD0000000  }
0x3: {  	_ = 	snop  }
0x4: {  	_ = 	snop  }
0x5: {  	_ = 	snop  }
0x6: {  	_ = 	snop  }
0x7: {  	_ = 	snop  }
__scs_overlays_trampoline_lowered:
0x8: {  	[smem:$0x3FAD] =	sst s0  }
0x9: {  	[smem:$0x3FAE] =	sst s1  }
0xa: {  	[smem:$0x3FAF] =	sst s2  }
0xb: {  	[smem:$0x3FB0] =	sst s3  }
0xc: {  	[smem:$0x3FB1] =	sst s4  }
0xd: {  	[smem:$0x3FB2] =	sst s5  }
0xe: {  	[smem:$0x3FB3] =	sst s6  }
0xf: {  	[smem:$0x3FB4] =	sst s7  }
0x10: {  	[smem:$0x3FB5] =	sst s8  }
0x11: {  	[smem:$0x3FB6] =	sst s9;
	s0 =	simm.s32 @!p0 $0x0  }
0x12: {  	s1 =	sld [smem:$0x3F9C];
	s0 =	simm.s32 @p0 $0x1  }
0x13: {  	[smem:$0x3FB7] =	sst s0;
	s0 =	simm.s32 @!p1 $0x0  }
0x14: {  	s2 =	sld [smem:$0x3F9B];
	s0 =	simm.s32 @p1 $0x1  }
0x15: {  	[smem:$0x3FB8] =	sst s0;
	s0 =	simm.s32 @!p2 $0x0  }
0x16: {  	s3 =	sld [smem:$0x3FDB];
	s0 =	simm.s32 @p2 $0x1  }
0x17: {  	s4 =	simm.s32 $0x1BF5;
	[smem:$0x3FBA] =	sst s0  }
0x18: {  	s0 =	sld [smem:$0x3F9D];
	_ =	swait.ge [sflag:s4], $0x0  }
0x19: {  	s7 =	sld [smem:$0x3F9E]  }
0x1a: {  	s8 =	sadd.s32 $0xFFFFE003, lr  }
0x1b: {  	s9 =	sadd.s32 $0xFFFFFEF7, lr;
	s5 =	simm.s32 $0xFFFFFFFF;
	p2 =	slt.u32 s8, $0xFFFFF086  }
0x1c: {  	p1 =	slt.u32 s9, $0xF7A;
	s5 =	simm.s32 @!p2 $0x0  }
0x1d: {  	s5 =	simm.s32 @p1 $0x1;
	p0 =	seq.s32 s7, s2  }
0x1e: {  	s7 =	smul.u32 @!p0 $0xF7A, s2;
	p2 =	seq.s32 @!p0 s5, $0x0  }
0x1f: {  	s9 =	smul.u32 $0xF7A, s1;
	s8 =	simm.s32 @!p0 $0x1BF5;
	p2 =	por !p2, p0  }
0x20: {  	[sflag:s8] =	ssyncset.s32 @!p0 $0xFFFFF086;
	s6 =	sadd.s32 @!p0 s3, s7;
	s7 =	simm.s32 @!p0 $0x108  }
0x21: {  	s3 =	sadd.s32 s3, s9;
	s6 =	sadd.s32 @!p0 $0x88, s6;
	s7 =	simm.s32 @p2 $0x1082  }
0x22: {  	[simem:s7], [sflag:s8] =	dma.local @!p0 [hbm:s6], $0xF7A  }
0x23: {  	s9 =	sor.u32 $0xD0000000, s2;
	s6 =	simm.s32 $0x108;
	_ =	swait.ge @!p0 [sflag:s8], $0x0  }
0x24: {  	s3 =	sadd.s32 $0x88, s3;
	s6 =	simm.s32 @!p1 $0x1082;
	[sflag:s4] =	ssyncset.s32 $0xFFFFF086  }
0x25: {  	[simem:s6], [sflag:s4] =	dma.local [hbm:s3], $0xF7A  }
0x26: {  	[smem:$0x3F9E] =	sst s1;
	(tag) =	ssettag s2;
	_ =	strace s9  }
0x27: {  	s1 =	sld [smem:$0x3FAE]  }
0x28: {  	s2 =	sld [smem:$0x3FAF]  }
0x29: {  	s4 =	sld [smem:$0x3FB1]  }
0x2a: {  	p0 =	seq.s32 s5, $0x0;
	s5 =	sld [smem:$0x3FB2]  }
0x2b: {  	s6 =	sld [smem:$0x3FB3]  }
0x2c: {  	s7 =	sld [smem:$0x3FB4]  }
0x2d: {  	s3 =	simm.s32 $0x108;
	s8 =	sld [smem:$0x3FB5]  }
0x2e: {  	s3 =	simm.s32 @!p0 $0x1082;
	s9 =	sld [smem:$0x3FB6]  }
0x2f: {  	lr =	sadd.s32 s0, s3;
	s0 =	sld [smem:$0x3FAD]  }
0x30: {  	s3 =	sld [smem:$0x3FB0]  }
0x31: {  	[smem:$0x3FB9] =	sst s10  }
0x32: {  	s10 =	sld [smem:$0x3FB7];
	_ =	sdelay $0x3  }
0x33: {  	p0 =	seq.s32 s10, $0x1;
	s10 =	sld [smem:$0x3FB9];
	_ =	sdelay $0x3  }
0x34: {  	[smem:$0x3FB9] =	sst s10  }
0x35: {  	s10 =	sld [smem:$0x3FB8];
	_ =	sdelay $0x3  }
0x36: {  	p1 =	seq.s32 s10, $0x1;
	s10 =	sld [smem:$0x3FB9];
	_ =	sdelay $0x3  }
0x37: {  	[smem:$0x3FB9] =	sst s10  }
0x38: {  	s10 =	sld [smem:$0x3FBA]  }
0x39: {  	_ = 	snop;
	(pc) =	sbr.ind lr, $3  }
0x3a: {  	_ = 	snop  }
0x3b: {  	_ = 	snop  }
0x3c: {  	p2 =	seq.s32 s10, $0x1;
	s10 =	sld [smem:$0x3FB9]  }
0x3d: {  	_ =	shalt  }
0x3e: {  	_ =	shalt  }
0x3f: {  	_ =	shalt  }
0x40: {  	_ =	shalt  }
0x41: {  	_ =	shalt  }
0x42: {  	_ =	shalt  }
0x43: {  	_ =	shalt  }
0x44: {  	_ =	shalt  }
0x45: {  	_ =	shalt  }
0x46: {  	_ =	shalt  }
0x47: {  	_ =	shalt  }
0x48: {  	_ =	shalt  }
0x49: {  	_ =	shalt  }
0x4a: {  	_ =	shalt  }
0x4b: {  	_ =	shalt  }
0x4c: {  	_ =	shalt  }
0x4d: {  	_ =	shalt  }
0x4e: {  	_ =	shalt  }
0x4f: {  	_ =	shalt  }
0x50: {  	_ =	shalt  }
0x51: {  	_ =	shalt  }
0x52: {  	_ =	shalt  }
0x53: {  	_ =	shalt  }
0x54: {  	_ =	shalt  }
0x55: {  	_ =	shalt  }
0x56: {  	_ =	shalt  }
0x57: {  	_ =	shalt  }
0x58: {  	_ =	shalt  }
0x59: {  	_ =	shalt  }
0x5a: {  	_ =	shalt  }
0x5b: {  	_ =	shalt  }
0x5c: {  	_ =	shalt  }
0x5d: {  	_ =	shalt  }
0x5e: {  	_ =	shalt  }
0x5f: {  	_ =	shalt  }
0x60: {  	_ =	shalt  }
0x61: {  	_ =	shalt  }
0x62: {  	_ =	shalt  }
0x63: {  	_ =	shalt  }
0x64: {  	_ =	shalt  }
0x65: {  	_ =	shalt  }
0x66: {  	_ =	shalt  }
0x67: {  	_ =	shalt  }
0x68: {  	_ =	shalt  }
0x69: {  	_ =	shalt  }
0x6a: {  	_ =	shalt  }
0x6b: {  	_ =	shalt  }
0x6c: {  	_ =	shalt  }
0x6d: {  	_ =	shalt  }
0x6e: {  	_ =	shalt  }
0x6f: {  	_ =	shalt  }
0x70: {  	_ =	shalt  }
0x71: {  	_ =	shalt  }
0x72: {  	_ =	shalt  }
0x73: {  	_ =	shalt  }
0x74: {  	_ =	shalt  }
0x75: {  	_ =	shalt  }
0x76: {  	_ =	shalt  }
0x77: {  	_ =	shalt  }
0x78: {  	_ =	shalt  }
0x79: {  	_ =	shalt  }
0x7a: {  	_ =	shalt  }
0x7b: {  	_ =	shalt  }
0x7c: {  	_ =	shalt  }
0x7d: {  	_ =	shalt  }
0x7e: {  	_ =	shalt  }
0x7f: {  	_ =	shalt  }
0x80: {  	_ =	shalt  }
0x81: {  	_ =	shalt  }
0x82: {  	_ =	shalt  }
0x83: {  	_ =	shalt  }
0x84: {  	_ =	shalt  }
0x85: {  	_ =	shalt  }
0x86: {  	_ =	shalt  }
0x87: {  	_ =	shalt  }
.Lfunc_end0:
.L_simem_size_0:
called_computation_lowered:
.L_overlay_start_0:
0x88: {  	s2 =	sld [smem:$0x3FD9]  }
0x89: {  	s3 =	sld [smem:$0x3FFE];
	_ =	sdelay $0x1  }
0x8a: {  	s1 =	srdreg.scid  }
0x8b: {  	s0 =	sand.u32 $0x1, s1  }
0x8c: {  	s17 =	sshll.u32 s0, $0xA;
	s2 =	sadd.s32 s3, s2  }
0x8d: {  	s2 =	sadd.s32 s2, s17  }
0x8e: {  	[smem:$0x3FC5] =	sst s2  }
0x8f: {  	_ = 	snop  }
0x90: {  	s2 =	sld [smem:$0x3FD0];
	(tm) =	ssettm $0x1  }
0x91: {  	s18 =	sld [smem:$0x3FFB];
	_ =	sdelay $0x3  }
0x92: {  	_ =	strace s18  }
0x93: {  	s3 =	sld [smem:$0x3FFC];
	_ =	sdelay $0x3  }
0x94: {  	_ =	strace s3  }
0x95: {  	s3 =	sld [smem:$0x3FFD];
	_ =	sdelay $0x3  }
0x96: {  	_ =	strace s3  }
0x97: {  	_ =	strace $0x8FFFFFFF  }
0x98: {  	s19 =	sld [smem:$0x3FDB];
	_ =	sdelay $0x1  }
0x99: {  	s4 =	simm.s32 $_scs_section_size  }
0x9a: {  	s5 =	simm.s32 $_size__tile_overlayer_lowered;
	s6 =	simm.s32 $_tile_overlayer_lowered  }
0x9b: {  	s22 =	simm.s32 $0x1BFF;
	s21 =	sshll.u32 s6, $0x1;
	s3 =	sadd.s32 s4, s19  }
0x9c: {  	s7 =	simm.s32 $0x0;
	s20 =	sshll.u32 s5, $0x1;
	s5 =	sadd.s32 s21, s3  }
0x9d: {  	[timem:s7], [sflag:s22] =	dma.local [hbm:s5], s20  }
0x9e: {  	_ =	swait.ge [sflag:s22], s20  }
0x9f: {  	s4 =	ssub.s32 $0x0, s20;
	[sflag:s22] =	ssyncset.done $0x0  }
0xa0: {  	[sflag:s22] =	ssyncadd.s32 s4;
	_ =	sdelay $0x1  }
0xa1: {  	s23 =	simm.s32 $0x1B8B  }
0xa2: {  	_ =	swait.ge [sflag:s23], $0x1  }
0xa3: {  	[sflag:s23] =	ssyncset.done $0x0  }
0xa4: {  	s25 =	simm.s32 $0x1B8E;
	s24 =	sld [smem:$0x3FFE];
	[sflag:s23] =	ssyncadd.s32 $0xFFFFFFFF  }
0xa5: {  	s26 =	simm.s32 $execute0_lowered;
	[smem:$0x3FD2] =	sst s25  }
0xa6: {  	s5 =	sshll.u32 s26, $0x1;
	_ =	strace $0x80000046;
	[dreg:$0x1] =	wrdreg $0xFFFFFFFF  }
0xa7: {  	s28 =	simm.s32 $_size_execute0_lowered;
	s3 =	sadd.s32 s3, s5;
	[dreg:$0x0] =	wrdreg $0x0  }
0xa8: {  	s5 =	sshll.u32 s28, $0x1;
	[dreg:$0x2] =	wrdreg s3  }
0xa9: {  	[dreg:$0x3] =	wrdreg s5  }
0xaa: {  	[dreg:$0x4] =	wrdreg $0xC0  }
0xab: {  	_ =	task [dreg:s7], $0x5FFFF  }
0xac: {  	[dreg:$0x1] =	wrdreg $0xFFFFFFFF  }
0xad: {  	[dreg:$0x0] =	wrdreg $0x60  }
0xae: {  	[dreg:$0x2] =	wrdreg s24  }
0xaf: {  	[dreg:$0x3] =	wrdreg s2  }
0xb0: {  	[dreg:$0x4] =	wrdreg $0x9  }
0xb1: {  	_ =	task.clear_ibuf [dreg:s7], $0x5FFFF;
	_ =	strace $0x90000046  }
0xb2: {  	s29 =	simm.s32 $0x9;
	_ =	strace $0x80000048  }
0xb3: {  	_ =	swait.ge [sflag:s29], $0x1  }
0xb4: {  	[sflag:s29] =	ssyncadd.s32 $0xFFFFFFFF  }
0xb5: {  	_ =	strace $0x90000048  }
0xb6: {  	_ =	sfence  }
0xb7: {  	s30 =	sld [smem:$0x0];
	_ =	sdelay $0x2  }
0xb8: {  	s31 =	sshll.u32 s1, $0xD;
	s1 =	sshrl.u32 s1, $0x2  }
0xb9: {  	s3 =	sand.u32 $0x4000, s31;
	s1 =	sadd.s32 s1, s30  }
0xba: {  	s0 =	sor.u32 s3, s0;
	s1 =	sshll.u32 s1, $0x11  }
0xbb: {  	s0 =	sor.u32 s1, s0  }
0xbc: {  	s0 =	sadd.s32 $0x8F2B, s0  }
0xbd: {  	[sflag:s0] =	ssyncadd.remote.s32 $0x1  }
0xbe: {  	_ =	sfence.sel $0xFFFF  }
0xbf: {  	[dreg:$0x0] =	wrdreg $0xFFFFFFFF;
	(pc) =	sbr.abs _section_cstart, $3  }
0xc0: {  	[dreg:$0x1] =	wrdreg $0xFFFFFFFF  }
0xc1: {  	_ =	task.clear_ibuf [dreg:s7], $0x2FFFF;
	_ =	strace $0x9FFFFFFF  }
0xc2: {  	(tm) =	ssettm $0x7FFFFFFF  }
0xc3: {  	_ =	shalt  }
tec
execute0_lowered:
.L_overlay_start_1:
0x0: {  	(tag) =	ssettag $0x1  }
0x1: {  	s5 =	rddreg [dreg:$0x0]  }
0x2: {  	s6 =	rddreg [dreg:$0x1]  }
0x3: {  	s0 =	rddreg [dreg:$0x2]  }
0x4: {  	s2 =	simm.s32 $0x0;
	s3 =	srdreg.scid;
	s1 =	stileid.u32;
	v0 =	vlaneseq.u32  }
0x5: {  	s10 =	simm.s32 $0x18800;
	s11 =	simm.s32 $0x19000;
	s12 =	simm.s32 $0x0;
	v0 =	vmul.u32 $0x80, v0  }
0x6: {  	[smem:$0x7FF] =	sst s2;
	s7 =	sand.u32 $0x1, s3;
	s4 =	sshll.u32 s1, $0x1  }
0x7: {  	s3 =	sadd.s32 $0x2000, s5;
	_ =	strace $0x80000047;
	s8 =	sor.u32 s7, s4;
	v1 =	vor.u32 $0x1, v0;
	v2 =	vor.u32 $0x2, v0;
	v3 =	vor.u32 $0x3, v0  }
0x8: {  	s4 =	sadd.s32 $0xF44400, s5;
	s7 =	ssub.s32 $0x2, s7;
	s9 =	sshll.u32 s8, $0x8;
	v4 =	vor.u32 $0x4, v0;
	v5 =	vor.u32 $0x5, v0;
	v6 =	vor.u32 $0x6, v0  }
0x9: {  	s31 =	sshrl.u32 s7, $0x1;
	s8 =	sshll.u32 s8, $0x6;
	v7 =	vor.u32 $0x7, v0;
	v8 =	vor.u32 $0x8, v0;
	v9 =	vor.u32 $0x9, v0;
	s5 =	sadd.s32 s9, s5  }
0xa: {  	v10 =	vor.u32 $0xA, v0;
	v11 =	vor.u32 $0xB, v0;
	v12 =	vor.u32 $0xC, v0;
	s7 =	ssub.s32 s7, s31;
	s6 =	sadd.s32 s6, s8;
	s8 =	simm.s32 $0x2  }
0xb: {  	v13 =	vor.u32 $0xD, v0;
	v14 =	vor.u32 $0xE, v0;
	v15 =	vor.u32 $0xF, v0;
	s9 =	simm.s32 $0x1;
	s5 =	sadd.s32 $0x1E86800, s5;
	s7 =	smax.u32 s7, $0x1  }
.LBB2_1:
0xc: {  	[tilespmem:s2], [sflag:$0x2] =	stream.linear.gather [hbm4b:s5+s2], $0x800, $0x38;
	[tilespmem:$0x19200] =	vst v63  }
0xd: {  	_ =	swait.ge [sflag:s8], $0x800  }
0xe: {  	[sflag:s8] =	ssyncset.done $0x0  }
0xf: {  	s13 =	simm.s32 $0x280;
	s14 =	simm.s32 $0x0;
	[sflag:s8] =	ssyncadd.s32 $0xFFFFF800  }
.LBB2_2:
0x10: {  	v16 =	vld [tilespmem:s13+$0xFFFFFD80];
	_ =	sdelay $0x1  }
0x11: {  	v17 =	vld [tilespmem:s13+$0xFFFFFF80];
	_ =	sdelay $0x2  }
0x12: {  	v18 =	vshll.u32 v16, $0x4  }
0x13: {  	(v2sf) =	vpush v18, $0x0  }
0x14: {  	v16 =	vld [tilespmem:s13+$0x180];
	v17 =	vshll.u32 v17, $0x4  }
0x15: {  	(v2sf) =	vpush v17, $0x0;
	_ =	sdelay $0x3  }
0x16: {  	v16 =	vshll.u32 v16, $0x4  }
0x17: {  	(v2sf) =	vpush v16, $0x0;
	_ =	sdelay $0x1  }
0x18: {  	(v2sf) =	vpush v18, $0x1;
	_ =	sdelay $0x5  }
0x19: {  	s16 =	spop (v2sf);
	(v2sf) =	vpush v17, $0x1;
	_ =	sdelay $0x1  }
0x1a: {  	s23 =	spop (v2sf);
	(v2sf) =	vpush v16, $0x1;
	_ =	sdelay $0x4  }
0x1b: {  	s25 =	spop (v2sf);
	(v2sf) =	vpush v18, $0x2;
	_ =	sdelay $0x1  }
0x1c: {  	s28 =	spop (v2sf);
	(v2sf) =	vpush v17, $0x2;
	_ =	sdelay $0x4  }
0x1d: {  	s15 =	sshra.s32 s14, $0x2;
	s16 =	sand.u32 $0x1FFFFFF0, s16  }
0x1e: {  	s17 =	sadd.s32 $0x800, s15;
	s16 =	sadd.s32 s3, s16;
	s30 =	spop (v2sf);
	(v2sf) =	vpush v16, $0x2  }
0x1f: {  	[tilespmem:s17], [sflag:$0x1] =	stream.linear.gather [hbm4b:s16+s2], $0x80, $0x38;
	[tilespmem:$0x19200] =	vst v63  }
0x20: {  	s17 =	spop (v2sf);
	(v2sf) =	vpush v18, $0x3;
	_ =	sdelay $0x4  }
0x21: {  	s19 =	spop (v2sf);
	(v2sf) =	vpush v17, $0x3  }
0x22: {  	s16 =	sand.u32 $0x1FFFFFF0, s23  }
0x23: {  	s24 =	sadd.s32 $0x8800, s15;
	s16 =	sadd.s32 s4, s16;
	s21 =	spop (v2sf);
	(v2sf) =	vpush v16, $0x3  }
0x24: {  	[tilespmem:s24], [sflag:$0x1] =	stream.linear.gather [hbm4b:s16+s2], $0x80, $0x38;
	[tilespmem:$0x19200] =	vst v63  }
0x25: {  	s16 =	sand.u32 $0x1FFFFFF0, s25  }
0x26: {  	s26 =	sadd.s32 $0x10800, s15;
	s16 =	sadd.s32 s3, s16  }
0x27: {  	[tilespmem:s26], [sflag:$0x1] =	stream.linear.gather [hbm4b:s16+s2], $0x80, $0x38;
	[tilespmem:$0x19200] =	vst v63  }
0x28: {  	s16 =	sand.u32 $0x1FFFFFF0, s28  }
0x29: {  	s29 =	sadd.s32 $0x880, s15;
	s16 =	sadd.s32 s3, s16;
	s23 =	spop (v2sf);
	(v2sf) =	vpush v18, $0x4  }
0x2a: {  	[tilespmem:s29], [sflag:$0x1] =	stream.linear.gather [hbm4b:s16+s2], $0x80, $0x38;
	[tilespmem:$0x19200] =	vst v63  }
0x2b: {  	s25 =	spop (v2sf);
	(v2sf) =	vpush v17, $0x4  }
0x2c: {  	s16 =	sand.u32 $0x1FFFFFF0, s30  }
0x2d: {  	s31 =	sadd.s32 $0x8880, s15;
	s16 =	sadd.s32 s4, s16  }
0x2e: {  	[tilespmem:s31], [sflag:$0x1] =	stream.linear.gather [hbm4b:s16+s2], $0x80, $0x38;
	[tilespmem:$0x19200] =	vst v63  }
0x2f: {  	s16 =	sand.u32 $0x1FFFFFF0, s17  }
0x30: {  	s18 =	sadd.s32 $0x10880, s15;
	s16 =	sadd.s32 s3, s16;
	s28 =	spop (v2sf);
	(v2sf) =	vpush v16, $0x4  }
0x31: {  	[tilespmem:s18], [sflag:$0x1] =	stream.linear.gather [hbm4b:s16+s2], $0x80, $0x38;
	[tilespmem:$0x19200] =	vst v63  }
0x32: {  	s16 =	sand.u32 $0x1FFFFFF0, s19;
	s30 =	spop (v2sf);
	(v2sf) =	vpush v18, $0x5  }
0x33: {  	s20 =	sadd.s32 $0x900, s15;
	s16 =	sadd.s32 s3, s16  }
0x34: {  	[tilespmem:s20], [sflag:$0x1] =	stream.linear.gather [hbm4b:s16+s2], $0x80, $0x38;
	[tilespmem:$0x19200] =	vst v63  }
0x35: {  	s16 =	sand.u32 $0x1FFFFFF0, s21  }
0x36: {  	s22 =	sadd.s32 $0x8900, s15;
	s16 =	sadd.s32 s4, s16  }
0x37: {  	[tilespmem:s22], [sflag:$0x1] =	stream.linear.gather [hbm4b:s16+s2], $0x80, $0x38;
	[tilespmem:$0x19200] =	vst v63  }
0x38: {  	s17 =	spop (v2sf);
	(v2sf) =	vpush v17, $0x5  }
0x39: {  	s16 =	sand.u32 $0x1FFFFFF0, s23  }
0x3a: {  	s24 =	sadd.s32 $0x10900, s15;
	s16 =	sadd.s32 s3, s16;
	s19 =	spop (v2sf);
	(v2sf) =	vpush v16, $0x5  }
0x3b: {  	[tilespmem:s24], [sflag:$0x1] =	stream.linear.gather [hbm4b:s16+s2], $0x80, $0x38;
	[tilespmem:$0x19200] =	vst v63  }
0x3c: {  	s16 =	sand.u32 $0x1FFFFFF0, s25  }
0x3d: {  	s26 =	sadd.s32 $0x980, s15;
	s16 =	sadd.s32 s3, s16  }
0x3e: {  	[tilespmem:s26], [sflag:$0x1] =	stream.linear.gather [hbm4b:s16+s2], $0x80, $0x38;
	[tilespmem:$0x19200] =	vst v63  }
0x3f: {  	s21 =	spop (v2sf);
	(v2sf) =	vpush v18, $0x6  }
0x40: {  	s16 =	sand.u32 $0x1FFFFFF0, s28  }
0x41: {  	s29 =	sadd.s32 $0x8980, s15;
	s16 =	sadd.s32 s4, s16;
	s23 =	spop (v2sf);
	(v2sf) =	vpush v17, $0x6  }
0x42: {  	[tilespmem:s29], [sflag:$0x1] =	stream.linear.gather [hbm4b:s16+s2], $0x80, $0x38;
	[tilespmem:$0x19200] =	vst v63  }
0x43: {  	s16 =	sand.u32 $0x1FFFFFF0, s30  }
0x44: {  	s31 =	sadd.s32 $0x10980, s15;
	s16 =	sadd.s32 s3, s16  }
0x45: {  	[tilespmem:s31], [sflag:$0x1] =	stream.linear.gather [hbm4b:s16+s2], $0x80, $0x38;
	[tilespmem:$0x19200] =	vst v63  }
0x46: {  	s16 =	sand.u32 $0x1FFFFFF0, s17  }
0x47: {  	s18 =	sadd.s32 $0xA00, s15;
	s16 =	sadd.s32 s3, s16;
	s25 =	spop (v2sf);
	(v2sf) =	vpush v16, $0x6  }
0x48: {  	[tilespmem:s18], [sflag:$0x1] =	stream.linear.gather [hbm4b:s16+s2], $0x80, $0x38;
	[tilespmem:$0x19200] =	vst v63  }
0x49: {  	s28 =	spop (v2sf);
	(v2sf) =	vpush v18, $0x7  }
0x4a: {  	s16 =	sand.u32 $0x1FFFFFF0, s19  }
0x4b: {  	s20 =	sadd.s32 $0x8A00, s15;
	s16 =	sadd.s32 s4, s16  }
0x4c: {  	[tilespmem:s20], [sflag:$0x1] =	stream.linear.gather [hbm4b:s16+s2], $0x80, $0x38;
	[tilespmem:$0x19200] =	vst v63  }
0x4d: {  	s16 =	sand.u32 $0x1FFFFFF0, s21  }
0x4e: {  	s22 =	sadd.s32 $0x10A00, s15;
	s16 =	sadd.s32 s3, s16;
	s30 =	spop (v2sf);
	(v2sf) =	vpush v17, $0x7  }
0x4f: {  	[tilespmem:s22], [sflag:$0x1] =	stream.linear.gather [hbm4b:s16+s2], $0x80, $0x38;
	[tilespmem:$0x19200] =	vst v63  }
0x50: {  	s16 =	sand.u32 $0x1FFFFFF0, s23;
	s17 =	spop (v2sf);
	(v2sf) =	vpush v16, $0x7  }
0x51: {  	s24 =	sadd.s32 $0xA80, s15;
	s16 =	sadd.s32 s3, s16  }
0x52: {  	[tilespmem:s24], [sflag:$0x1] =	stream.linear.gather [hbm4b:s16+s2], $0x80, $0x38;
	[tilespmem:$0x19200] =	vst v63  }
0x53: {  	s16 =	sand.u32 $0x1FFFFFF0, s25  }
0x54: {  	s26 =	sadd.s32 $0x8A80, s15;
	s16 =	sadd.s32 s4, s16  }
0x55: {  	[tilespmem:s26], [sflag:$0x1] =	stream.linear.gather [hbm4b:s16+s2], $0x80, $0x38;
	[tilespmem:$0x19200] =	vst v63  }
0x56: {  	s19 =	spop (v2sf);
	(v2sf) =	vpush v18, $0x8  }
0x57: {  	s16 =	sand.u32 $0x1FFFFFF0, s28  }
0x58: {  	s29 =	sadd.s32 $0x10A80, s15;
	s16 =	sadd.s32 s3, s16;
	s21 =	spop (v2sf);
	(v2sf) =	vpush v17, $0x8  }
0x59: {  	[tilespmem:s29], [sflag:$0x1] =	stream.linear.gather [hbm4b:s16+s2], $0x80, $0x38;
	[tilespmem:$0x19200] =	vst v63  }
0x5a: {  	s16 =	sand.u32 $0x1FFFFFF0, s30  }
0x5b: {  	s31 =	sadd.s32 $0xB00, s15;
	s16 =	sadd.s32 s3, s16  }
0x5c: {  	[tilespmem:s31], [sflag:$0x1] =	stream.linear.gather [hbm4b:s16+s2], $0x80, $0x38;
	[tilespmem:$0x19200] =	vst v63  }
0x5d: {  	s23 =	spop (v2sf);
	(v2sf) =	vpush v16, $0x8  }
0x5e: {  	s16 =	sand.u32 $0x1FFFFFF0, s17  }
0x5f: {  	s18 =	sadd.s32 $0x8B00, s15;
	s16 =	sadd.s32 s4, s16;
	s25 =	spop (v2sf);
	(v2sf) =	vpush v18, $0x9  }
0x60: {  	[tilespmem:s18], [sflag:$0x1] =	stream.linear.gather [hbm4b:s16+s2], $0x80, $0x38;
	[tilespmem:$0x19200] =	vst v63  }
0x61: {  	s16 =	sand.u32 $0x1FFFFFF0, s19  }
0x62: {  	s20 =	sadd.s32 $0x10B00, s15;
	s16 =	sadd.s32 s3, s16  }
0x63: {  	[tilespmem:s20], [sflag:$0x1] =	stream.linear.gather [hbm4b:s16+s2], $0x80, $0x38;
	[tilespmem:$0x19200] =	vst v63  }
0x64: {  	s16 =	sand.u32 $0x1FFFFFF0, s21  }
0x65: {  	s22 =	sadd.s32 $0xB80, s15;
	s16 =	sadd.s32 s3, s16;
	s28 =	spop (v2sf);
	(v2sf) =	vpush v17, $0x9  }
0x66: {  	[tilespmem:s22], [sflag:$0x1] =	stream.linear.gather [hbm4b:s16+s2], $0x80, $0x38;
	[tilespmem:$0x19200] =	vst v63  }
0x67: {  	s30 =	spop (v2sf);
	(v2sf) =	vpush v16, $0x9  }
0x68: {  	s16 =	sand.u32 $0x1FFFFFF0, s23  }
0x69: {  	s24 =	sadd.s32 $0x8B80, s15;
	s16 =	sadd.s32 s4, s16  }
0x6a: {  	[tilespmem:s24], [sflag:$0x1] =	stream.linear.gather [hbm4b:s16+s2], $0x80, $0x38;
	[tilespmem:$0x19200] =	vst v63  }
0x6b: {  	s16 =	sand.u32 $0x1FFFFFF0, s25  }
0x6c: {  	s26 =	sadd.s32 $0x10B80, s15;
	s16 =	sadd.s32 s3, s16;
	s17 =	spop (v2sf);
	(v2sf) =	vpush v18, $0xA  }
0x6d: {  	[tilespmem:s26], [sflag:$0x1] =	stream.linear.gather [hbm4b:s16+s2], $0x80, $0x38;
	[tilespmem:$0x19200] =	vst v63  }
0x6e: {  	s16 =	sand.u32 $0x1FFFFFF0, s28;
	s19 =	spop (v2sf);
	(v2sf) =	vpush v17, $0xA  }
0x6f: {  	s29 =	sadd.s32 $0xC00, s15;
	s16 =	sadd.s32 s3, s16  }
0x70: {  	[tilespmem:s29], [sflag:$0x1] =	stream.linear.gather [hbm4b:s16+s2], $0x80, $0x38;
	[tilespmem:$0x19200] =	vst v63  }
0x71: {  	s16 =	sand.u32 $0x1FFFFFF0, s30  }
0x72: {  	s31 =	sadd.s32 $0x8C00, s15;
	s16 =	sadd.s32 s4, s16  }
0x73: {  	[tilespmem:s31], [sflag:$0x1] =	stream.linear.gather [hbm4b:s16+s2], $0x80, $0x38;
	[tilespmem:$0x19200] =	vst v63  }
0x74: {  	s21 =	spop (v2sf);
	(v2sf) =	vpush v16, $0xA  }
0x75: {  	s16 =	sand.u32 $0x1FFFFFF0, s17  }
0x76: {  	s18 =	sadd.s32 $0x10C00, s15;
	s16 =	sadd.s32 s3, s16;
	s23 =	spop (v2sf);
	(v2sf) =	vpush v18, $0xB  }
0x77: {  	[tilespmem:s18], [sflag:$0x1] =	stream.linear.gather [hbm4b:s16+s2], $0x80, $0x38;
	[tilespmem:$0x19200] =	vst v63  }
0x78: {  	s16 =	sand.u32 $0x1FFFFFF0, s19  }
0x79: {  	s20 =	sadd.s32 $0xC80, s15;
	s16 =	sadd.s32 s3, s16  }
0x7a: {  	[tilespmem:s20], [sflag:$0x1] =	stream.linear.gather [hbm4b:s16+s2], $0x80, $0x38;
	[tilespmem:$0x19200] =	vst v63  }
0x7b: {  	s25 =	spop (v2sf);
	(v2sf) =	vpush v17, $0xB  }
0x7c: {  	s16 =	sand.u32 $0x1FFFFFF0, s21  }
0x7d: {  	s22 =	sadd.s32 $0x8C80, s15;
	s16 =	sadd.s32 s4, s16;
	s28 =	spop (v2sf);
	(v2sf) =	vpush v16, $0xB  }
0x7e: {  	[tilespmem:s22], [sflag:$0x1] =	stream.linear.gather [hbm4b:s16+s2], $0x80, $0x38;
	[tilespmem:$0x19200] =	vst v63  }
0x7f: {  	s16 =	sand.u32 $0x1FFFFFF0, s23  }
0x80: {  	s24 =	sadd.s32 $0x10C80, s15;
	s16 =	sadd.s32 s3, s16  }
0x81: {  	[tilespmem:s24], [sflag:$0x1] =	stream.linear.gather [hbm4b:s16+s2], $0x80, $0x38;
	[tilespmem:$0x19200] =	vst v63  }
0x82: {  	s16 =	sand.u32 $0x1FFFFFF0, s25  }
0x83: {  	s26 =	sadd.s32 $0xD00, s15;
	s16 =	sadd.s32 s3, s16;
	s30 =	spop (v2sf);
	(v2sf) =	vpush v18, $0xC  }
0x84: {  	[tilespmem:s26], [sflag:$0x1] =	stream.linear.gather [hbm4b:s16+s2], $0x80, $0x38;
	[tilespmem:$0x19200] =	vst v63  }
0x85: {  	s17 =	spop (v2sf);
	(v2sf) =	vpush v17, $0xC  }
0x86: {  	s16 =	sand.u32 $0x1FFFFFF0, s28  }
0x87: {  	s29 =	sadd.s32 $0x8D00, s15;
	s16 =	sadd.s32 s4, s16  }
0x88: {  	[tilespmem:s29], [sflag:$0x1] =	stream.linear.gather [hbm4b:s16+s2], $0x80, $0x38;
	[tilespmem:$0x19200] =	vst v63  }
0x89: {  	s16 =	sand.u32 $0x1FFFFFF0, s30  }
0x8a: {  	s31 =	sadd.s32 $0x10D00, s15;
	s16 =	sadd.s32 s3, s16;
	s19 =	spop (v2sf);
	(v2sf) =	vpush v16, $0xC  }
0x8b: {  	[tilespmem:s31], [sflag:$0x1] =	stream.linear.gather [hbm4b:s16+s2], $0x80, $0x38;
	[tilespmem:$0x19200] =	vst v63  }
0x8c: {  	s16 =	sand.u32 $0x1FFFFFF0, s17;
	s21 =	spop (v2sf);
	(v2sf) =	vpush v18, $0xD  }
0x8d: {  	s18 =	sadd.s32 $0xD80, s15;
	s16 =	sadd.s32 s3, s16  }
0x8e: {  	[tilespmem:s18], [sflag:$0x1] =	stream.linear.gather [hbm4b:s16+s2], $0x80, $0x38;
	[tilespmem:$0x19200] =	vst v63  }
0x8f: {  	s16 =	sand.u32 $0x1FFFFFF0, s19  }
0x90: {  	s20 =	sadd.s32 $0x8D80, s15;
	s16 =	sadd.s32 s4, s16  }
0x91: {  	[tilespmem:s20], [sflag:$0x1] =	stream.linear.gather [hbm4b:s16+s2], $0x80, $0x38;
	[tilespmem:$0x19200] =	vst v63  }
0x92: {  	s23 =	spop (v2sf);
	(v2sf) =	vpush v17, $0xD  }
0x93: {  	s16 =	sand.u32 $0x1FFFFFF0, s21  }
0x94: {  	s22 =	sadd.s32 $0x10D80, s15;
	s16 =	sadd.s32 s3, s16;
	s25 =	spop (v2sf);
	(v2sf) =	vpush v16, $0xD  }
0x95: {  	[tilespmem:s22], [sflag:$0x1] =	stream.linear.gather [hbm4b:s16+s2], $0x80, $0x38;
	[tilespmem:$0x19200] =	vst v63  }
0x96: {  	s16 =	sand.u32 $0x1FFFFFF0, s23  }
0x97: {  	s24 =	sadd.s32 $0xE00, s15;
	s16 =	sadd.s32 s3, s16  }
0x98: {  	[tilespmem:s24], [sflag:$0x1] =	stream.linear.gather [hbm4b:s16+s2], $0x80, $0x38;
	[tilespmem:$0x19200] =	vst v63  }
0x99: {  	s28 =	spop (v2sf);
	(v2sf) =	vpush v18, $0xE  }
0x9a: {  	s16 =	sand.u32 $0x1FFFFFF0, s25  }
0x9b: {  	s26 =	sadd.s32 $0x8E00, s15;
	s16 =	sadd.s32 s4, s16;
	s30 =	spop (v2sf);
	(v2sf) =	vpush v17, $0xE  }
0x9c: {  	[tilespmem:s26], [sflag:$0x1] =	stream.linear.gather [hbm4b:s16+s2], $0x80, $0x38;
	[tilespmem:$0x19200] =	vst v63  }
0x9d: {  	s16 =	sand.u32 $0x1FFFFFF0, s28  }
0x9e: {  	s29 =	sadd.s32 $0x10E00, s15;
	s16 =	sadd.s32 s3, s16  }
0x9f: {  	[tilespmem:s29], [sflag:$0x1] =	stream.linear.gather [hbm4b:s16+s2], $0x80, $0x38;
	[tilespmem:$0x19200] =	vst v63  }
0xa0: {  	s16 =	sand.u32 $0x1FFFFFF0, s30  }
0xa1: {  	s31 =	sadd.s32 $0xE80, s15;
	s16 =	sadd.s32 s3, s16;
	s17 =	spop (v2sf);
	(v2sf) =	vpush v16, $0xE  }
0xa2: {  	[tilespmem:s31], [sflag:$0x1] =	stream.linear.gather [hbm4b:s16+s2], $0x80, $0x38;
	[tilespmem:$0x19200] =	vst v63  }
0xa3: {  	s19 =	spop (v2sf);
	(v2sf) =	vpush v18, $0xF  }
0xa4: {  	s16 =	sand.u32 $0x1FFFFFF0, s17  }
0xa5: {  	s18 =	sadd.s32 $0x8E80, s15;
	s16 =	sadd.s32 s4, s16  }
0xa6: {  	[tilespmem:s18], [sflag:$0x1] =	stream.linear.gather [hbm4b:s16+s2], $0x80, $0x38;
	[tilespmem:$0x19200] =	vst v63  }
0xa7: {  	s16 =	sand.u32 $0x1FFFFFF0, s19  }
0xa8: {  	s20 =	sadd.s32 $0x10E80, s15;
	s16 =	sadd.s32 s3, s16;
	s21 =	spop (v2sf);
	(v2sf) =	vpush v17, $0xF  }
0xa9: {  	[tilespmem:s20], [sflag:$0x1] =	stream.linear.gather [hbm4b:s16+s2], $0x80, $0x38;
	[tilespmem:$0x19200] =	vst v63  }
0xaa: {  	s16 =	sand.u32 $0x1FFFFFF0, s21;
	s23 =	spop (v2sf);
	(v2sf) =	vpush v16, $0xF  }
0xab: {  	s22 =	sadd.s32 $0xF00, s15;
	s16 =	sadd.s32 s3, s16  }
0xac: {  	[tilespmem:s22], [sflag:$0x1] =	stream.linear.gather [hbm4b:s16+s2], $0x80, $0x38;
	[tilespmem:$0x19200] =	vst v63  }
0xad: {  	s16 =	sand.u32 $0x1FFFFFF0, s23  }
0xae: {  	s24 =	sadd.s32 $0x8F00, s15;
	s16 =	sadd.s32 s4, s16  }
0xaf: {  	[tilespmem:s24], [sflag:$0x1] =	stream.linear.gather [hbm4b:s16+s2], $0x80, $0x38;
	[tilespmem:$0x19200] =	vst v63  }
0xb0: {  	s25 =	spop (v2sf)  }
0xb1: {  	s16 =	sand.u32 $0x1FFFFFF0, s25  }
0xb2: {  	s26 =	sadd.s32 $0x10F00, s15;
	s28 =	spop (v2sf);
	s16 =	sadd.s32 s3, s16  }
0xb3: {  	[tilespmem:s26], [sflag:$0x1] =	stream.linear.gather [hbm4b:s16+s2], $0x80, $0x38;
	[tilespmem:$0x19200] =	vst v63  }
0xb4: {  	s16 =	sand.u32 $0x1FFFFFF0, s28  }
0xb5: {  	s29 =	sadd.s32 $0xF80, s15;
	s16 =	sadd.s32 s3, s16  }
0xb6: {  	[tilespmem:s29], [sflag:$0x1] =	stream.linear.gather [hbm4b:s16+s2], $0x80, $0x38;
	[tilespmem:$0x19200] =	vst v63  }
0xb7: {  	s30 =	spop (v2sf)  }
0xb8: {  	s16 =	sand.u32 $0x1FFFFFF0, s30  }
0xb9: {  	s31 =	sadd.s32 $0x8F80, s15;
	s17 =	spop (v2sf);
	s16 =	sadd.s32 s4, s16  }
0xba: {  	[tilespmem:s31], [sflag:$0x1] =	stream.linear.gather [hbm4b:s16+s2], $0x80, $0x38;
	[tilespmem:$0x19200] =	vst v63  }
0xbb: {  	s16 =	sand.u32 $0x1FFFFFF0, s17  }
0xbc: {  	s18 =	sadd.s32 $0x10F80, s15;
	s16 =	sadd.s32 s3, s16  }
0xbd: {  	[tilespmem:s18], [sflag:$0x1] =	stream.linear.gather [hbm4b:s16+s2], $0x80, $0x38;
	[tilespmem:$0x19200] =	vst v63  }
0xbe: {  	v16 =	vld [tilespmem:s13+$0xFFFFFE00];
	_ =	sdelay $0x1  }
0xbf: {  	v17 =	vld [tilespmem:s13+$0x0];
	_ =	sdelay $0x2  }
0xc0: {  	v63 =	vshll.u32 v16, $0x4  }
0xc1: {  	(v2sf) =	vpush v63, $0x0  }
0xc2: {  	v16 =	vld [tilespmem:s13+$0x200];
	v17 =	vshll.u32 v17, $0x4  }
0xc3: {  	(v2sf) =	vpush v17, $0x0;
	_ =	sdelay $0x3  }
0xc4: {  	v16 =	vshll.u32 v16, $0x4  }
0xc5: {  	(v2sf) =	vpush v16, $0x0;
	_ =	sdelay $0x1  }
0xc6: {  	(v2sf) =	vpush v63, $0x1;
	_ =	sdelay $0x5  }
0xc7: {  	s19 =	spop (v2sf);
	(v2sf) =	vpush v17, $0x1;
	_ =	sdelay $0x1  }
0xc8: {  	s21 =	spop (v2sf);
	(v2sf) =	vpush v16, $0x1;
	_ =	sdelay $0x4  }
0xc9: {  	s23 =	spop (v2sf);
	(v2sf) =	vpush v63, $0x2;
	_ =	sdelay $0x1  }
0xca: {  	s25 =	spop (v2sf);
	(v2sf) =	vpush v17, $0x2;
	_ =	sdelay $0x5  }
0xcb: {  	s28 =	spop (v2sf);
	(v2sf) =	vpush v16, $0x2;
	_ =	sdelay $0x1  }
0xcc: {  	s30 =	spop (v2sf);
	(v2sf) =	vpush v63, $0x3;
	_ =	sdelay $0x1  }
0xcd: {  	s16 =	sand.u32 $0x1FFFFFF0, s19  }
0xce: {  	s20 =	sadd.s32 $0x4800, s15;
	s16 =	sadd.s32 s3, s16  }
0xcf: {  	[tilespmem:s20], [sflag:$0x1] =	stream.linear.gather [hbm4b:s16+s2], $0x80, $0x38;
	[tilespmem:$0x19200] =	vst v63  }
0xd0: {  	s17 =	spop (v2sf);
	(v2sf) =	vpush v17, $0x3  }
0xd1: {  	s16 =	sand.u32 $0x1FFFFFF0, s21  }
0xd2: {  	s22 =	sadd.s32 $0xC800, s15;
	s16 =	sadd.s32 s4, s16;
	s19 =	spop (v2sf);
	(v2sf) =	vpush v16, $0x3  }
0xd3: {  	[tilespmem:s22], [sflag:$0x1] =	stream.linear.gather [hbm4b:s16+s2], $0x80, $0x38;
	[tilespmem:$0x19200] =	vst v63  }
0xd4: {  	s16 =	sand.u32 $0x1FFFFFF0, s23  }
0xd5: {  	s24 =	sadd.s32 $0x14800, s15;
	s16 =	sadd.s32 s3, s16  }
0xd6: {  	[tilespmem:s24], [sflag:$0x1] =	stream.linear.gather [hbm4b:s16+s2], $0x80, $0x38;
	[tilespmem:$0x19200] =	vst v63  }
0xd7: {  	s16 =	sand.u32 $0x1FFFFFF0, s25  }
0xd8: {  	s26 =	sadd.s32 $0x4880, s15;
	s16 =	sadd.s32 s3, s16;
	s21 =	spop (v2sf);
	(v2sf) =	vpush v63, $0x4  }
0xd9: {  	[tilespmem:s26], [sflag:$0x1] =	stream.linear.gather [hbm4b:s16+s2], $0x80, $0x38;
	[tilespmem:$0x19200] =	vst v63  }
0xda: {  	s23 =	spop (v2sf);
	(v2sf) =	vpush v17, $0x4  }
0xdb: {  	s16 =	sand.u32 $0x1FFFFFF0, s28  }
0xdc: {  	s29 =	sadd.s32 $0xC880, s15;
	s16 =	sadd.s32 s4, s16  }
0xdd: {  	[tilespmem:s29], [sflag:$0x1] =	stream.linear.gather [hbm4b:s16+s2], $0x80, $0x38;
	[tilespmem:$0x19200] =	vst v63  }
0xde: {  	s16 =	sand.u32 $0x1FFFFFF0, s30  }
0xdf: {  	s31 =	sadd.s32 $0x14880, s15;
	s16 =	sadd.s32 s3, s16;
	s25 =	spop (v2sf);
	(v2sf) =	vpush v16, $0x4  }
0xe0: {  	[tilespmem:s31], [sflag:$0x1] =	stream.linear.gather [hbm4b:s16+s2], $0x80, $0x38;
	[tilespmem:$0x19200] =	vst v63  }
0xe1: {  	s16 =	sand.u32 $0x1FFFFFF0, s17;
	s28 =	spop (v2sf);
	(v2sf) =	vpush v63, $0x5  }
0xe2: {  	s18 =	sadd.s32 $0x4900, s15;
	s16 =	sadd.s32 s3, s16  }
0xe3: {  	[tilespmem:s18], [sflag:$0x1] =	stream.linear.gather [hbm4b:s16+s2], $0x80, $0x38;
	[tilespmem:$0x19200] =	vst v63  }
0xe4: {  	s16 =	sand.u32 $0x1FFFFFF0, s19  }
0xe5: {  	s20 =	sadd.s32 $0xC900, s15;
	s16 =	sadd.s32 s4, s16  }
0xe6: {  	[tilespmem:s20], [sflag:$0x1] =	stream.linear.gather [hbm4b:s16+s2], $0x80, $0x38;
	[tilespmem:$0x19200] =	vst v63  }
0xe7: {  	s30 =	spop (v2sf);
	(v2sf) =	vpush v17, $0x5  }
0xe8: {  	s16 =	sand.u32 $0x1FFFFFF0, s21  }
0xe9: {  	s22 =	sadd.s32 $0x14900, s15;
	s16 =	sadd.s32 s3, s16;
	s17 =	spop (v2sf);
	(v2sf) =	vpush v16, $0x5  }
0xea: {  	[tilespmem:s22], [sflag:$0x1] =	stream.linear.gather [hbm4b:s16+s2], $0x80, $0x38;
	[tilespmem:$0x19200] =	vst v63  }
0xeb: {  	s16 =	sand.u32 $0x1FFFFFF0, s23  }
0xec: {  	s24 =	sadd.s32 $0x4980, s15;
	s16 =	sadd.s32 s3, s16  }
0xed: {  	[tilespmem:s24], [sflag:$0x1] =	stream.linear.gather [hbm4b:s16+s2], $0x80, $0x38;
	[tilespmem:$0x19200] =	vst v63  }
0xee: {  	s19 =	spop (v2sf);
	(v2sf) =	vpush v63, $0x6  }
0xef: {  	s16 =	sand.u32 $0x1FFFFFF0, s25  }
0xf0: {  	s26 =	sadd.s32 $0xC980, s15;
	s16 =	sadd.s32 s4, s16;
	s21 =	spop (v2sf);
	(v2sf) =	vpush v17, $0x6  }
0xf1: {  	[tilespmem:s26], [sflag:$0x1] =	stream.linear.gather [hbm4b:s16+s2], $0x80, $0x38;
	[tilespmem:$0x19200] =	vst v63  }
0xf2: {  	s16 =	sand.u32 $0x1FFFFFF0, s28  }
0xf3: {  	s29 =	sadd.s32 $0x14980, s15;
	s16 =	sadd.s32 s3, s16  }
0xf4: {  	[tilespmem:s29], [sflag:$0x1] =	stream.linear.gather [hbm4b:s16+s2], $0x80, $0x38;
	[tilespmem:$0x19200] =	vst v63  }
0xf5: {  	s16 =	sand.u32 $0x1FFFFFF0, s30  }
0xf6: {  	s31 =	sadd.s32 $0x4A00, s15;
	s16 =	sadd.s32 s3, s16;
	s23 =	spop (v2sf);
	(v2sf) =	vpush v16, $0x6  }
0xf7: {  	[tilespmem:s31], [sflag:$0x1] =	stream.linear.gather [hbm4b:s16+s2], $0x80, $0x38;
	[tilespmem:$0x19200] =	vst v63  }
0xf8: {  	s25 =	spop (v2sf);
	(v2sf) =	vpush v63, $0x7  }
0xf9: {  	s16 =	sand.u32 $0x1FFFFFF0, s17  }
0xfa: {  	s18 =	sadd.s32 $0xCA00, s15;
	s16 =	sadd.s32 s4, s16  }
0xfb: {  	[tilespmem:s18], [sflag:$0x1] =	stream.linear.gather [hbm4b:s16+s2], $0x80, $0x38;
	[tilespmem:$0x19200] =	vst v63  }
0xfc: {  	s16 =	sand.u32 $0x1FFFFFF0, s19  }
0xfd: {  	s20 =	sadd.s32 $0x14A00, s15;
	s16 =	sadd.s32 s3, s16;
	s28 =	spop (v2sf);
	(v2sf) =	vpush v17, $0x7  }
0xfe: {  	[tilespmem:s20], [sflag:$0x1] =	stream.linear.gather [hbm4b:s16+s2], $0x80, $0x38;
	[tilespmem:$0x19200] =	vst v63  }
0xff: {  	s16 =	sand.u32 $0x1FFFFFF0, s21;
	s30 =	spop (v2sf);
	(v2sf) =	vpush v16, $0x7  }
0x100: {  	s22 =	sadd.s32 $0x4A80, s15;
	s16 =	sadd.s32 s3, s16  }
0x101: {  	[tilespmem:s22], [sflag:$0x1] =	stream.linear.gather [hbm4b:s16+s2], $0x80, $0x38;
	[tilespmem:$0x19200] =	vst v63  }
0x102: {  	s16 =	sand.u32 $0x1FFFFFF0, s23  }
0x103: {  	s24 =	sadd.s32 $0xCA80, s15;
	s16 =	sadd.s32 s4, s16  }
0x104: {  	[tilespmem:s24], [sflag:$0x1] =	stream.linear.gather [hbm4b:s16+s2], $0x80, $0x38;
	[tilespmem:$0x19200] =	vst v63  }
0x105: {  	s17 =	spop (v2sf);
	(v2sf) =	vpush v63, $0x8  }
0x106: {  	s16 =	sand.u32 $0x1FFFFFF0, s25  }
0x107: {  	s26 =	sadd.s32 $0x14A80, s15;
	s16 =	sadd.s32 s3, s16;
	s19 =	spop (v2sf);
	(v2sf) =	vpush v17, $0x8  }
0x108: {  	[tilespmem:s26], [sflag:$0x1] =	stream.linear.gather [hbm4b:s16+s2], $0x80, $0x38;
	[tilespmem:$0x19200] =	vst v63  }
0x109: {  	s16 =	sand.u32 $0x1FFFFFF0, s28  }
0x10a: {  	s29 =	sadd.s32 $0x4B00, s15;
	s16 =	sadd.s32 s3, s16  }
0x10b: {  	[tilespmem:s29], [sflag:$0x1] =	stream.linear.gather [hbm4b:s16+s2], $0x80, $0x38;
	[tilespmem:$0x19200] =	vst v63  }
0x10c: {  	s21 =	spop (v2sf);
	(v2sf) =	vpush v16, $0x8  }
0x10d: {  	s16 =	sand.u32 $0x1FFFFFF0, s30  }
0x10e: {  	s31 =	sadd.s32 $0xCB00, s15;
	s16 =	sadd.s32 s4, s16;
	s23 =	spop (v2sf);
	(v2sf) =	vpush v63, $0x9  }
0x10f: {  	[tilespmem:s31], [sflag:$0x1] =	stream.linear.gather [hbm4b:s16+s2], $0x80, $0x38;
	[tilespmem:$0x19200] =	vst v63  }
0x110: {  	s16 =	sand.u32 $0x1FFFFFF0, s17  }
0x111: {  	s18 =	sadd.s32 $0x14B00, s15;
	s16 =	sadd.s32 s3, s16  }
0x112: {  	[tilespmem:s18], [sflag:$0x1] =	stream.linear.gather [hbm4b:s16+s2], $0x80, $0x38;
	[tilespmem:$0x19200] =	vst v63  }
0x113: {  	s16 =	sand.u32 $0x1FFFFFF0, s19  }
0x114: {  	s20 =	sadd.s32 $0x4B80, s15;
	s16 =	sadd.s32 s3, s16;
	s25 =	spop (v2sf);
	(v2sf) =	vpush v17, $0x9  }
0x115: {  	[tilespmem:s20], [sflag:$0x1] =	stream.linear.gather [hbm4b:s16+s2], $0x80, $0x38;
	[tilespmem:$0x19200] =	vst v63  }
0x116: {  	s28 =	spop (v2sf);
	(v2sf) =	vpush v16, $0x9  }
0x117: {  	s16 =	sand.u32 $0x1FFFFFF0, s21  }
0x118: {  	s22 =	sadd.s32 $0xCB80, s15;
	s16 =	sadd.s32 s4, s16  }
0x119: {  	[tilespmem:s22], [sflag:$0x1] =	stream.linear.gather [hbm4b:s16+s2], $0x80, $0x38;
	[tilespmem:$0x19200] =	vst v63  }
0x11a: {  	s16 =	sand.u32 $0x1FFFFFF0, s23  }
0x11b: {  	s24 =	sadd.s32 $0x14B80, s15;
	s16 =	sadd.s32 s3, s16;
	s30 =	spop (v2sf);
	(v2sf) =	vpush v63, $0xA  }
0x11c: {  	[tilespmem:s24], [sflag:$0x1] =	stream.linear.gather [hbm4b:s16+s2], $0x80, $0x38;
	[tilespmem:$0x19200] =	vst v63  }
0x11d: {  	s16 =	sand.u32 $0x1FFFFFF0, s25;
	s17 =	spop (v2sf);
	(v2sf) =	vpush v17, $0xA  }
0x11e: {  	s26 =	sadd.s32 $0x4C00, s15;
	s16 =	sadd.s32 s3, s16  }
0x11f: {  	[tilespmem:s26], [sflag:$0x1] =	stream.linear.gather [hbm4b:s16+s2], $0x80, $0x38;
	[tilespmem:$0x19200] =	vst v63  }
0x120: {  	s16 =	sand.u32 $0x1FFFFFF0, s28  }
0x121: {  	s29 =	sadd.s32 $0xCC00, s15;
	s16 =	sadd.s32 s4, s16  }
0x122: {  	[tilespmem:s29], [sflag:$0x1] =	stream.linear.gather [hbm4b:s16+s2], $0x80, $0x38;
	[tilespmem:$0x19200] =	vst v63  }
0x123: {  	s19 =	spop (v2sf);
	(v2sf) =	vpush v16, $0xA  }
0x124: {  	s16 =	sand.u32 $0x1FFFFFF0, s30  }
0x125: {  	s31 =	sadd.s32 $0x14C00, s15;
	s16 =	sadd.s32 s3, s16;
	s21 =	spop (v2sf);
	(v2sf) =	vpush v63, $0xB  }
0x126: {  	[tilespmem:s31], [sflag:$0x1] =	stream.linear.gather [hbm4b:s16+s2], $0x80, $0x38;
	[tilespmem:$0x19200] =	vst v63  }
0x127: {  	s16 =	sand.u32 $0x1FFFFFF0, s17  }
0x128: {  	s18 =	sadd.s32 $0x4C80, s15;
	s16 =	sadd.s32 s3, s16  }
0x129: {  	[tilespmem:s18], [sflag:$0x1] =	stream.linear.gather [hbm4b:s16+s2], $0x80, $0x38;
	[tilespmem:$0x19200] =	vst v63  }
0x12a: {  	s23 =	spop (v2sf);
	(v2sf) =	vpush v17, $0xB  }
0x12b: {  	s16 =	sand.u32 $0x1FFFFFF0, s19  }
0x12c: {  	s20 =	sadd.s32 $0xCC80, s15;
	s16 =	sadd.s32 s4, s16;
	s25 =	spop (v2sf);
	(v2sf) =	vpush v16, $0xB  }
0x12d: {  	[tilespmem:s20], [sflag:$0x1] =	stream.linear.gather [hbm4b:s16+s2], $0x80, $0x38;
	[tilespmem:$0x19200] =	vst v63  }
0x12e: {  	s16 =	sand.u32 $0x1FFFFFF0, s21  }
0x12f: {  	s22 =	sadd.s32 $0x14C80, s15;
	s16 =	sadd.s32 s3, s16  }
0x130: {  	[tilespmem:s22], [sflag:$0x1] =	stream.linear.gather [hbm4b:s16+s2], $0x80, $0x38;
	[tilespmem:$0x19200] =	vst v63  }
0x131: {  	s16 =	sand.u32 $0x1FFFFFF0, s23  }
0x132: {  	s24 =	sadd.s32 $0x4D00, s15;
	s16 =	sadd.s32 s3, s16;
	s28 =	spop (v2sf);
	(v2sf) =	vpush v63, $0xC  }
0x133: {  	[tilespmem:s24], [sflag:$0x1] =	stream.linear.gather [hbm4b:s16+s2], $0x80, $0x38;
	[tilespmem:$0x19200] =	vst v63  }
0x134: {  	s30 =	spop (v2sf);
	(v2sf) =	vpush v17, $0xC  }
0x135: {  	s16 =	sand.u32 $0x1FFFFFF0, s25  }
0x136: {  	s26 =	sadd.s32 $0xCD00, s15;
	s16 =	sadd.s32 s4, s16  }
0x137: {  	[tilespmem:s26], [sflag:$0x1] =	stream.linear.gather [hbm4b:s16+s2], $0x80, $0x38;
	[tilespmem:$0x19200] =	vst v63  }
0x138: {  	s16 =	sand.u32 $0x1FFFFFF0, s28  }
0x139: {  	s29 =	sadd.s32 $0x14D00, s15;
	s16 =	sadd.s32 s3, s16;
	s17 =	spop (v2sf);
	(v2sf) =	vpush v16, $0xC  }
0x13a: {  	[tilespmem:s29], [sflag:$0x1] =	stream.linear.gather [hbm4b:s16+s2], $0x80, $0x38;
	[tilespmem:$0x19200] =	vst v63  }
0x13b: {  	s16 =	sand.u32 $0x1FFFFFF0, s30;
	s19 =	spop (v2sf);
	(v2sf) =	vpush v63, $0xD  }
0x13c: {  	s31 =	sadd.s32 $0x4D80, s15;
	s16 =	sadd.s32 s3, s16  }
0x13d: {  	[tilespmem:s31], [sflag:$0x1] =	stream.linear.gather [hbm4b:s16+s2], $0x80, $0x38;
	[tilespmem:$0x19200] =	vst v63  }
0x13e: {  	s16 =	sand.u32 $0x1FFFFFF0, s17  }
0x13f: {  	s18 =	sadd.s32 $0xCD80, s15;
	s16 =	sadd.s32 s4, s16  }
0x140: {  	[tilespmem:s18], [sflag:$0x1] =	stream.linear.gather [hbm4b:s16+s2], $0x80, $0x38;
	[tilespmem:$0x19200] =	vst v63  }
0x141: {  	s21 =	spop (v2sf);
	(v2sf) =	vpush v17, $0xD  }
0x142: {  	s16 =	sand.u32 $0x1FFFFFF0, s19  }
0x143: {  	s20 =	sadd.s32 $0x14D80, s15;
	s16 =	sadd.s32 s3, s16;
	s23 =	spop (v2sf);
	(v2sf) =	vpush v16, $0xD  }
0x144: {  	[tilespmem:s20], [sflag:$0x1] =	stream.linear.gather [hbm4b:s16+s2], $0x80, $0x38;
	[tilespmem:$0x19200] =	vst v63  }
0x145: {  	s16 =	sand.u32 $0x1FFFFFF0, s21  }
0x146: {  	s22 =	sadd.s32 $0x4E00, s15;
	s16 =	sadd.s32 s3, s16  }
0x147: {  	[tilespmem:s22], [sflag:$0x1] =	stream.linear.gather [hbm4b:s16+s2], $0x80, $0x38;
	[tilespmem:$0x19200] =	vst v63  }
0x148: {  	s25 =	spop (v2sf);
	(v2sf) =	vpush v63, $0xE  }
0x149: {  	s16 =	sand.u32 $0x1FFFFFF0, s23  }
0x14a: {  	s24 =	sadd.s32 $0xCE00, s15;
	s16 =	sadd.s32 s4, s16;
	s28 =	spop (v2sf);
	(v2sf) =	vpush v17, $0xE  }
0x14b: {  	[tilespmem:s24], [sflag:$0x1] =	stream.linear.gather [hbm4b:s16+s2], $0x80, $0x38;
	[tilespmem:$0x19200] =	vst v63  }
0x14c: {  	s16 =	sand.u32 $0x1FFFFFF0, s25  }
0x14d: {  	s26 =	sadd.s32 $0x14E00, s15;
	s16 =	sadd.s32 s3, s16  }
0x14e: {  	[tilespmem:s26], [sflag:$0x1] =	stream.linear.gather [hbm4b:s16+s2], $0x80, $0x38;
	[tilespmem:$0x19200] =	vst v63  }
0x14f: {  	s16 =	sand.u32 $0x1FFFFFF0, s28  }
0x150: {  	s29 =	sadd.s32 $0x4E80, s15;
	s16 =	sadd.s32 s3, s16;
	s30 =	spop (v2sf);
	(v2sf) =	vpush v16, $0xE  }
0x151: {  	[tilespmem:s29], [sflag:$0x1] =	stream.linear.gather [hbm4b:s16+s2], $0x80, $0x38;
	[tilespmem:$0x19200] =	vst v63  }
0x152: {  	s18 =	spop (v2sf);
	(v2sf) =	vpush v63, $0xF  }
0x153: {  	s16 =	sand.u32 $0x1FFFFFF0, s30  }
0x154: {  	s31 =	sadd.s32 $0xCE80, s15;
	s16 =	sadd.s32 s4, s16  }
0x155: {  	[tilespmem:s31], [sflag:$0x1] =	stream.linear.gather [hbm4b:s16+s2], $0x80, $0x38;
	[tilespmem:$0x19200] =	vst v63  }
0x156: {  	s16 =	sand.u32 $0x1FFFFFF0, s18  }
0x157: {  	s19 =	sadd.s32 $0x14E80, s15;
	s16 =	sadd.s32 s3, s16;
	s20 =	spop (v2sf);
	(v2sf) =	vpush v17, $0xF  }
0x158: {  	[tilespmem:s19], [sflag:$0x1] =	stream.linear.gather [hbm4b:s16+s2], $0x80, $0x38;
	[tilespmem:$0x19200] =	vst v63  }
0x159: {  	s16 =	sand.u32 $0x1FFFFFF0, s20;
	s22 =	spop (v2sf);
	(v2sf) =	vpush v16, $0xF  }
0x15a: {  	s21 =	sadd.s32 $0x4F00, s15;
	s16 =	sadd.s32 s3, s16  }
0x15b: {  	[tilespmem:s21], [sflag:$0x1] =	stream.linear.gather [hbm4b:s16+s2], $0x80, $0x38;
	[tilespmem:$0x19200] =	vst v63  }
0x15c: {  	s16 =	sand.u32 $0x1FFFFFF0, s22  }
0x15d: {  	s23 =	sadd.s32 $0xCF00, s15;
	s16 =	sadd.s32 s4, s16  }
0x15e: {  	[tilespmem:s23], [sflag:$0x1] =	stream.linear.gather [hbm4b:s16+s2], $0x80, $0x38;
	[tilespmem:$0x19200] =	vst v63  }
0x15f: {  	s24 =	spop (v2sf)  }
0x160: {  	s16 =	sand.u32 $0x1FFFFFF0, s24  }
0x161: {  	s25 =	sadd.s32 $0x14F00, s15;
	s26 =	spop (v2sf);
	s16 =	sadd.s32 s3, s16  }
0x162: {  	[tilespmem:s25], [sflag:$0x1] =	stream.linear.gather [hbm4b:s16+s2], $0x80, $0x38;
	[tilespmem:$0x19200] =	vst v63  }
0x163: {  	s16 =	sand.u32 $0x1FFFFFF0, s26  }
0x164: {  	s28 =	sadd.s32 $0x4F80, s15;
	s16 =	sadd.s32 s3, s16  }
0x165: {  	[tilespmem:s28], [sflag:$0x1] =	stream.linear.gather [hbm4b:s16+s2], $0x80, $0x38;
	[tilespmem:$0x19200] =	vst v63  }
0x166: {  	s29 =	spop (v2sf)  }
0x167: {  	p0 =	sne.s32 s14, $0xE000;
	s30 =	sadd.s32 $0xCF80, s15;
	s16 =	sand.u32 $0x1FFFFFF0, s29  }
.Ltmp0:
0x168: {  	s31 =	spop (v2sf);
	s16 =	sadd.s32 s4, s16;
	(pc) =	sbr.rel @p0 .LBB2_2-.Ltmp0, $4  }
0x169: {  	[tilespmem:s30], [sflag:$0x1] =	stream.linear.gather [hbm4b:s16+s2], $0x80, $0x38;
	[tilespmem:$0x19200] =	vst v63  }
0x16a: {  	s14 =	sadd.s32 $0x2000, s14;
	s16 =	sand.u32 $0x1FFFFFF0, s31  }
0x16b: {  	s13 =	sadd.s32 $0x10, s13;
	s15 =	sadd.s32 $0x14F80, s15;
	s16 =	sadd.s32 s3, s16  }
0x16c: {  	[tilespmem:s15], [sflag:$0x1] =	stream.linear.gather [hbm4b:s16+s2], $0x80, $0x38;
	[tilespmem:$0x19200] =	vst v63  }
0x16d: {  	_ =	swait.ge [sflag:s9], $0x8000  }
0x16e: {  	[sflag:s9] =	ssyncset.done $0x0  }
0x16f: {  	[sflag:s9] =	ssyncadd.s32 $0xFFFF8000  }
0x170: {  	_ =	swait.ge [sflag:s9], $0x8000  }
0x171: {  	[sflag:s9] =	ssyncset.done $0x0  }
0x172: {  	[sflag:s9] =	ssyncadd.s32 $0xFFFF8000  }
0x173: {  	_ =	swait.ge [sflag:s9], $0x8000  }
0x174: {  	s13 =	simm.s32 $0x0;
	s14 =	simm.s32 $0x820;
	[sflag:s9] =	ssyncset.done $0x0  }
0x175: {  	s15 =	simm.s32 $0x8830;
	s16 =	simm.s32 $0x10830;
	[sflag:s9] =	ssyncadd.s32 $0xFFFF8000  }
.LBB2_4:
0x176: {  	v18 =	vmov s14  }
0x177: {  	v16 =	vmov s16;
	_ =	sdelay $0x1  }
0x178: {  	v17 =	vmov s15  }
0x179: {  	s18 =	simm.s32 $0x0  }
0x17a: {  	v19 =	vld.idx.msk [tilespmem:v18+s18+$0x10 ss:$0x1], $0xffff  }
0x17b: {  	v20 =	vld.idx.msk [tilespmem:v16+s18+$0xFFFFFFD0 ss:$0x1], $0xffff  }
0x17c: {  	v21 =	vld.idx.msk [tilespmem:v18+s18+$0x0 ss:$0x1], $0xffff  }
0x17d: {  	v22 =	vld.idx.msk [tilespmem:v17+s18+$0xFFFFFFD0 ss:$0x1], $0xffff  }
0x17e: {  	v23 =	vld.idx.msk [tilespmem:v18+s18+$0xFFFFFFE0 ss:$0x1], $0xffff  }
0x17f: {  	s17 =	sshll.u32 s13, $0x4;
	s19 =	simm.s32 $0x200;
	v24 =	vld.idx.msk [tilespmem:v18+s18+$0xFFFFFFF0 ss:$0x1], $0xffff  }
.LBB2_5:
0x180: {  	p0 =	sne.s32 s19, $0x1E00;
	v25 =	vld.idx.msk [tilespmem:v17+s18+$0xFFFFFFE0 ss:$0x1], $0xffff  }
0x181: {  	v26 =	vld.idx.msk [tilespmem:v17+s18+$0xFFFFFFF0 ss:$0x1], $0xffff  }
0x182: {  	v27 =	vld.idx.msk [tilespmem:v16+s18+$0xFFFFFFE0 ss:$0x1], $0xffff  }
0x183: {  	v28 =	vld.idx.msk [tilespmem:v17+s18+$0x0 ss:$0x1], $0xffff  }
0x184: {  	v29 =	vld.idx.msk [tilespmem:v16+s18+$0xFFFFFFF0 ss:$0x1], $0xffff;
	_ =	sdelay $0x1  }
0x185: {  	v22 =	vadd.f32 v22, v23;
	v23 =	vadd.f32 v25, v24;
	v24 =	vld.idx.msk [tilespmem:v16+s18+$0x0 ss:$0x1], $0xffff  }
0x186: {  	v21 =	vadd.f32 v26, v21  }
0x187: {  	v20 =	vsub.f32 v22, v20;
	v22 =	vsub.f32 v23, v27  }
0x188: {  	v19 =	vadd.f32 v28, v19  }
0x189: {  	v20 =	vand.u32 $0x7FFFFFFF, v20;
	v22 =	vand.u32 $0x7FFFFFFF, v22;
	v21 =	vsub.f32 v21, v29  }
0x18a: {  	v20 =	vadd.f32 v22, v20  }
0x18b: {  	v21 =	vand.u32 $0x7FFFFFFF, v21;
	v19 =	vsub.f32 v19, v24  }
0x18c: {  	v20 =	vadd.f32 v21, v20  }
0x18d: {  	v19 =	vand.u32 $0x7FFFFFFF, v19  }
0x18e: {  	v19 =	vadd.f32 v19, v20;
	_ =	sdelay $0x1  }
0x18f: {  	[tilespmem:s18+$0x18800] =	vst v19;
	s18 =	sshra.s32 s19, $0x2  }
0x190: {  	v19 =	vld.idx.msk [tilespmem:v18+s18+$0x10 ss:$0x1], $0xffff  }
.Ltmp1:
0x191: {  	v20 =	vld.idx.msk [tilespmem:v16+s18+$0xFFFFFFD0 ss:$0x1], $0xffff;
	(pc) =	sbr.rel @p0 .LBB2_5-.Ltmp1, $4  }
0x192: {  	v21 =	vld.idx.msk [tilespmem:v18+s18+$0x0 ss:$0x1], $0xffff  }
0x193: {  	v22 =	vld.idx.msk [tilespmem:v17+s18+$0xFFFFFFD0 ss:$0x1], $0xffff  }
0x194: {  	v23 =	vld.idx.msk [tilespmem:v18+s18+$0xFFFFFFE0 ss:$0x1], $0xffff  }
0x195: {  	s19 =	sadd.s32 $0x200, s19;
	v24 =	vld.idx.msk [tilespmem:v18+s18+$0xFFFFFFF0 ss:$0x1], $0xffff  }
0x196: {  	_ =	sdelay $0x3  }
0x197: {  	v18 =	vld.idx.msk [tilespmem:v17+s18+$0xFFFFFFE0 ss:$0x1], $0xffff  }
0x198: {  	v25 =	vld.idx.msk [tilespmem:v17+s18+$0xFFFFFFF0 ss:$0x1], $0xffff  }
0x199: {  	v26 =	vld.idx.msk [tilespmem:v16+s18+$0xFFFFFFE0 ss:$0x1], $0xffff  }
0x19a: {  	v17 =	vld.idx.msk [tilespmem:v17+s18+$0x0 ss:$0x1], $0xffff  }
0x19b: {  	v27 =	vld.idx.msk [tilespmem:v16+s18+$0xFFFFFFF0 ss:$0x1], $0xffff  }
0x19c: {  	v22 =	vadd.f32 v22, v23;
	v18 =	vadd.f32 v18, v24  }
0x19d: {  	v16 =	vld.idx.msk [tilespmem:v16+s18+$0x0 ss:$0x1], $0xffff;
	v21 =	vadd.f32 v25, v21  }
0x19e: {  	v20 =	vsub.f32 v22, v20;
	v18 =	vsub.f32 v18, v26  }
0x19f: {  	v17 =	vadd.f32 v17, v19  }
0x1a0: {  	v51 =	vand.u32 $0x7FFFFFFF, v20;
	v52 =	vsub.f32 v21, v27;
	v18 =	vand.u32 $0x7FFFFFFF, v18  }
0x1a1: {  	v18 =	vadd.f32 v18, v51  }
0x1a2: {  	v16 =	vsub.f32 v17, v16;
	v53 =	vand.u32 $0x7FFFFFFF, v52  }
0x1a3: {  	v17 =	vadd.f32 v53, v18  }
0x1a4: {  	v16 =	vand.u32 $0x7FFFFFFF, v16  }
0x1a5: {  	v16 =	vadd.f32 v16, v17;
	_ =	sdelay $0x1  }
0x1a6: {  	[tilespmem:s18+$0x18800] =	vst v16  }
0x1a7: {  	v16 =	vld.idx.msk [tilespmem:v0+s10+$0x0], $0xffff  }
0x1a8: {  	v17 =	vld.idx.msk [tilespmem:v1+s10+$0x0], $0xffff;
	_ =	sdelay $0x1  }
0x1a9: {  	v54 =	vld.idx.msk [tilespmem:v2+s10+$0x0], $0xffff;
	_ =	sdelay $0x1  }
0x1aa: {  	v55 =	vld.idx.msk [tilespmem:v3+s10+$0x0], $0xffff  }
0x1ab: {  	v16 =	vadd.f32 v17, v16  }
0x1ac: {  	v17 =	vld.idx.msk [tilespmem:v4+s10+$0x0], $0xffff  }
0x1ad: {  	v16 =	vadd.f32 v54, v16  }
0x1ae: {  	v56 =	vld.idx.msk [tilespmem:v5+s10+$0x0], $0xffff  }
0x1af: {  	v16 =	vadd.f32 v55, v16  }
0x1b0: {  	v57 =	vld.idx.msk [tilespmem:v6+s10+$0x0], $0xffff  }
0x1b1: {  	v16 =	vadd.f32 v17, v16  }
0x1b2: {  	v17 =	vld.idx.msk [tilespmem:v7+s10+$0x0], $0xffff  }
0x1b3: {  	v16 =	vadd.f32 v56, v16  }
0x1b4: {  	v58 =	vld.idx.msk [tilespmem:v8+s10+$0x0], $0xffff  }
0x1b5: {  	v16 =	vadd.f32 v57, v16  }
0x1b6: {  	v59 =	vld.idx.msk [tilespmem:v9+s10+$0x0], $0xffff  }
0x1b7: {  	v16 =	vadd.f32 v17, v16  }
0x1b8: {  	v17 =	vld.idx.msk [tilespmem:v10+s10+$0x0], $0xffff  }
0x1b9: {  	v16 =	vadd.f32 v58, v16  }
0x1ba: {  	v60 =	vld.idx.msk [tilespmem:v11+s10+$0x0], $0xffff  }
0x1bb: {  	v16 =	vadd.f32 v59, v16  }
0x1bc: {  	v61 =	vld.idx.msk [tilespmem:v12+s10+$0x0], $0xffff  }
0x1bd: {  	v16 =	vadd.f32 v17, v16  }
0x1be: {  	v17 =	vld.idx.msk [tilespmem:v13+s10+$0x0], $0xffff  }
0x1bf: {  	v16 =	vadd.f32 v60, v16  }
0x1c0: {  	v62 =	vld.idx.msk [tilespmem:v14+s10+$0x0], $0xffff  }
0x1c1: {  	v16 =	vadd.f32 v61, v16  }
0x1c2: {  	v63 =	vld.idx.msk [tilespmem:v15+s10+$0x0], $0xffff  }
0x1c3: {  	v16 =	vadd.f32 v17, v16;
	_ =	sdelay $0x1  }
0x1c4: {  	s13 =	sadd.s32 $0x1, s13;
	v16 =	vadd.f32 v62, v16  }
0x1c5: {  	p0 =	sne.s32 s13, $0x10  }
.Ltmp2:
0x1c6: {  	v16 =	vadd.f32 v63, v16;
	(pc) =	sbr.rel @p0 .LBB2_4-.Ltmp2, $3  }
0x1c7: {  	_ = 	snop  }
0x1c8: {  	v16 =	vsub.f32 $1.200000000e+01, v16;
	_ =	sdelay $0x1  }
0x1c9: {  	s14 =	sadd.s32 $0x800, s14;
	s15 =	sadd.s32 $0x800, s15;
	s16 =	sadd.s32 $0x800, s16;
	[tilespmem:s17+$0x19000] =	vst v16  }
0x1ca: {  	s13 =	simm.s32 $0x0;
	s14 =	simm.s32 $0x300  }
.LBB2_8:
0x1cb: {  	v16 =	vld [tilespmem:s14+$0xFFFFFE00];
	_ =	sdelay $0x1  }
0x1cc: {  	v17 =	vld [tilespmem:s14+$0x0];
	_ =	sdelay $0x2  }
0x1cd: {  	v18 =	vshll.u32 v16, $0x4  }
0x1ce: {  	(v2sf) =	vpush v18, $0x0  }
0x1cf: {  	v16 =	vld [tilespmem:s14+$0x200];
	v17 =	vshll.u32 v17, $0x4  }
0x1d0: {  	(v2sf) =	vpush v17, $0x0;
	_ =	sdelay $0x3  }
0x1d1: {  	v16 =	vshll.u32 v16, $0x4  }
0x1d2: {  	(v2sf) =	vpush v16, $0x0;
	_ =	sdelay $0x1  }
0x1d3: {  	(v2sf) =	vpush v18, $0x1;
	_ =	sdelay $0x5  }
0x1d4: {  	s16 =	spop (v2sf);
	(v2sf) =	vpush v17, $0x1;
	_ =	sdelay $0x1  }
0x1d5: {  	s23 =	spop (v2sf);
	(v2sf) =	vpush v16, $0x1;
	_ =	sdelay $0x4  }
0x1d6: {  	s25 =	spop (v2sf);
	(v2sf) =	vpush v18, $0x2;
	_ =	sdelay $0x1  }
0x1d7: {  	s28 =	spop (v2sf);
	(v2sf) =	vpush v17, $0x2;
	_ =	sdelay $0x4  }
0x1d8: {  	s15 =	sshra.s32 s13, $0x2;
	s16 =	sand.u32 $0x1FFFFFF0, s16  }
0x1d9: {  	s17 =	sadd.s32 $0x800, s15;
	s16 =	sadd.s32 s3, s16;
	s30 =	spop (v2sf);
	(v2sf) =	vpush v16, $0x2  }
0x1da: {  	[tilespmem:s17], [sflag:$0x1] =	stream.linear.gather [hbm4b:s16+s2], $0x80, $0x38;
	[tilespmem:$0x19200] =	vst v63  }
0x1db: {  	s17 =	spop (v2sf);
	(v2sf) =	vpush v18, $0x3;
	_ =	sdelay $0x4  }
0x1dc: {  	s19 =	spop (v2sf);
	(v2sf) =	vpush v17, $0x3  }
0x1dd: {  	s16 =	sand.u32 $0x1FFFFFF0, s23  }
0x1de: {  	s24 =	sadd.s32 $0x8800, s15;
	s16 =	sadd.s32 s4, s16;
	s21 =	spop (v2sf);
	(v2sf) =	vpush v16, $0x3  }
0x1df: {  	[tilespmem:s24], [sflag:$0x1] =	stream.linear.gather [hbm4b:s16+s2], $0x80, $0x38;
	[tilespmem:$0x19200] =	vst v63  }
0x1e0: {  	s16 =	sand.u32 $0x1FFFFFF0, s25  }
0x1e1: {  	s26 =	sadd.s32 $0x10800, s15;
	s16 =	sadd.s32 s3, s16  }
0x1e2: {  	[tilespmem:s26], [sflag:$0x1] =	stream.linear.gather [hbm4b:s16+s2], $0x80, $0x38;
	[tilespmem:$0x19200] =	vst v63  }
0x1e3: {  	s16 =	sand.u32 $0x1FFFFFF0, s28  }
0x1e4: {  	s29 =	sadd.s32 $0x880, s15;
	s16 =	sadd.s32 s3, s16;
	s23 =	spop (v2sf);
	(v2sf) =	vpush v18, $0x4  }
0x1e5: {  	[tilespmem:s29], [sflag:$0x1] =	stream.linear.gather [hbm4b:s16+s2], $0x80, $0x38;
	[tilespmem:$0x19200] =	vst v63  }
0x1e6: {  	s25 =	spop (v2sf);
	(v2sf) =	vpush v17, $0x4  }
0x1e7: {  	s16 =	sand.u32 $0x1FFFFFF0, s30  }
0x1e8: {  	s31 =	sadd.s32 $0x8880, s15;
	s16 =	sadd.s32 s4, s16  }
0x1e9: {  	[tilespmem:s31], [sflag:$0x1] =	stream.linear.gather [hbm4b:s16+s2], $0x80, $0x38;
	[tilespmem:$0x19200] =	vst v63  }
0x1ea: {  	s16 =	sand.u32 $0x1FFFFFF0, s17  }
0x1eb: {  	s18 =	sadd.s32 $0x10880, s15;
	s16 =	sadd.s32 s3, s16;
	s28 =	spop (v2sf);
	(v2sf) =	vpush v16, $0x4  }
0x1ec: {  	[tilespmem:s18], [sflag:$0x1] =	stream.linear.gather [hbm4b:s16+s2], $0x80, $0x38;
	[tilespmem:$0x19200] =	vst v63  }
0x1ed: {  	s16 =	sand.u32 $0x1FFFFFF0, s19;
	s30 =	spop (v2sf);
	(v2sf) =	vpush v18, $0x5  }
0x1ee: {  	s20 =	sadd.s32 $0x900, s15;
	s16 =	sadd.s32 s3, s16  }
0x1ef: {  	[tilespmem:s20], [sflag:$0x1] =	stream.linear.gather [hbm4b:s16+s2], $0x80, $0x38;
	[tilespmem:$0x19200] =	vst v63  }
0x1f0: {  	s16 =	sand.u32 $0x1FFFFFF0, s21  }
0x1f1: {  	s22 =	sadd.s32 $0x8900, s15;
	s16 =	sadd.s32 s4, s16  }
0x1f2: {  	[tilespmem:s22], [sflag:$0x1] =	stream.linear.gather [hbm4b:s16+s2], $0x80, $0x38;
	[tilespmem:$0x19200] =	vst v63  }
0x1f3: {  	s17 =	spop (v2sf);
	(v2sf) =	vpush v17, $0x5  }
0x1f4: {  	s16 =	sand.u32 $0x1FFFFFF0, s23  }
0x1f5: {  	s24 =	sadd.s32 $0x10900, s15;
	s16 =	sadd.s32 s3, s16;
	s19 =	spop (v2sf);
	(v2sf) =	vpush v16, $0x5  }
0x1f6: {  	[tilespmem:s24], [sflag:$0x1] =	stream.linear.gather [hbm4b:s16+s2], $0x80, $0x38;
	[tilespmem:$0x19200] =	vst v63  }
0x1f7: {  	s16 =	sand.u32 $0x1FFFFFF0, s25  }
0x1f8: {  	s26 =	sadd.s32 $0x980, s15;
	s16 =	sadd.s32 s3, s16  }
0x1f9: {  	[tilespmem:s26], [sflag:$0x1] =	stream.linear.gather [hbm4b:s16+s2], $0x80, $0x38;
	[tilespmem:$0x19200] =	vst v63  }
0x1fa: {  	s21 =	spop (v2sf);
	(v2sf) =	vpush v18, $0x6  }
0x1fb: {  	s16 =	sand.u32 $0x1FFFFFF0, s28  }
0x1fc: {  	s29 =	sadd.s32 $0x8980, s15;
	s16 =	sadd.s32 s4, s16;
	s23 =	spop (v2sf);
	(v2sf) =	vpush v17, $0x6  }
0x1fd: {  	[tilespmem:s29], [sflag:$0x1] =	stream.linear.gather [hbm4b:s16+s2], $0x80, $0x38;
	[tilespmem:$0x19200] =	vst v63  }
0x1fe: {  	s16 =	sand.u32 $0x1FFFFFF0, s30  }
0x1ff: {  	s31 =	sadd.s32 $0x10980, s15;
	s16 =	sadd.s32 s3, s16  }
0x200: {  	[tilespmem:s31], [sflag:$0x1] =	stream.linear.gather [hbm4b:s16+s2], $0x80, $0x38;
	[tilespmem:$0x19200] =	vst v63  }
0x201: {  	s16 =	sand.u32 $0x1FFFFFF0, s17  }
0x202: {  	s18 =	sadd.s32 $0xA00, s15;
	s16 =	sadd.s32 s3, s16;
	s25 =	spop (v2sf);
	(v2sf) =	vpush v16, $0x6  }
0x203: {  	[tilespmem:s18], [sflag:$0x1] =	stream.linear.gather [hbm4b:s16+s2], $0x80, $0x38;
	[tilespmem:$0x19200] =	vst v63  }
0x204: {  	s28 =	spop (v2sf);
	(v2sf) =	vpush v18, $0x7  }
0x205: {  	s16 =	sand.u32 $0x1FFFFFF0, s19  }
0x206: {  	s20 =	sadd.s32 $0x8A00, s15;
	s16 =	sadd.s32 s4, s16  }
0x207: {  	[tilespmem:s20], [sflag:$0x1] =	stream.linear.gather [hbm4b:s16+s2], $0x80, $0x38;
	[tilespmem:$0x19200] =	vst v63  }
0x208: {  	s16 =	sand.u32 $0x1FFFFFF0, s21  }
0x209: {  	s22 =	sadd.s32 $0x10A00, s15;
	s16 =	sadd.s32 s3, s16;
	s30 =	spop (v2sf);
	(v2sf) =	vpush v17, $0x7  }
0x20a: {  	[tilespmem:s22], [sflag:$0x1] =	stream.linear.gather [hbm4b:s16+s2], $0x80, $0x38;
	[tilespmem:$0x19200] =	vst v63  }
0x20b: {  	s16 =	sand.u32 $0x1FFFFFF0, s23;
	s17 =	spop (v2sf);
	(v2sf) =	vpush v16, $0x7  }
0x20c: {  	s24 =	sadd.s32 $0xA80, s15;
	s16 =	sadd.s32 s3, s16  }
0x20d: {  	[tilespmem:s24], [sflag:$0x1] =	stream.linear.gather [hbm4b:s16+s2], $0x80, $0x38;
	[tilespmem:$0x19200] =	vst v63  }
0x20e: {  	s16 =	sand.u32 $0x1FFFFFF0, s25  }
0x20f: {  	s26 =	sadd.s32 $0x8A80, s15;
	s16 =	sadd.s32 s4, s16  }
0x210: {  	[tilespmem:s26], [sflag:$0x1] =	stream.linear.gather [hbm4b:s16+s2], $0x80, $0x38;
	[tilespmem:$0x19200] =	vst v63  }
0x211: {  	s19 =	spop (v2sf);
	(v2sf) =	vpush v18, $0x8  }
0x212: {  	s16 =	sand.u32 $0x1FFFFFF0, s28  }
0x213: {  	s29 =	sadd.s32 $0x10A80, s15;
	s16 =	sadd.s32 s3, s16;
	s21 =	spop (v2sf);
	(v2sf) =	vpush v17, $0x8  }
0x214: {  	[tilespmem:s29], [sflag:$0x1] =	stream.linear.gather [hbm4b:s16+s2], $0x80, $0x38;
	[tilespmem:$0x19200] =	vst v63  }
0x215: {  	s16 =	sand.u32 $0x1FFFFFF0, s30  }
0x216: {  	s31 =	sadd.s32 $0xB00, s15;
	s16 =	sadd.s32 s3, s16  }
0x217: {  	[tilespmem:s31], [sflag:$0x1] =	stream.linear.gather [hbm4b:s16+s2], $0x80, $0x38;
	[tilespmem:$0x19200] =	vst v63  }
0x218: {  	s23 =	spop (v2sf);
	(v2sf) =	vpush v16, $0x8  }
0x219: {  	s16 =	sand.u32 $0x1FFFFFF0, s17  }
0x21a: {  	s18 =	sadd.s32 $0x8B00, s15;
	s16 =	sadd.s32 s4, s16;
	s25 =	spop (v2sf);
	(v2sf) =	vpush v18, $0x9  }
0x21b: {  	[tilespmem:s18], [sflag:$0x1] =	stream.linear.gather [hbm4b:s16+s2], $0x80, $0x38;
	[tilespmem:$0x19200] =	vst v63  }
0x21c: {  	s16 =	sand.u32 $0x1FFFFFF0, s19  }
0x21d: {  	s20 =	sadd.s32 $0x10B00, s15;
	s16 =	sadd.s32 s3, s16  }
0x21e: {  	[tilespmem:s20], [sflag:$0x1] =	stream.linear.gather [hbm4b:s16+s2], $0x80, $0x38;
	[tilespmem:$0x19200] =	vst v63  }
0x21f: {  	s16 =	sand.u32 $0x1FFFFFF0, s21  }
0x220: {  	s22 =	sadd.s32 $0xB80, s15;
	s16 =	sadd.s32 s3, s16;
	s28 =	spop (v2sf);
	(v2sf) =	vpush v17, $0x9  }
0x221: {  	[tilespmem:s22], [sflag:$0x1] =	stream.linear.gather [hbm4b:s16+s2], $0x80, $0x38;
	[tilespmem:$0x19200] =	vst v63  }
0x222: {  	s30 =	spop (v2sf);
	(v2sf) =	vpush v16, $0x9  }
0x223: {  	s16 =	sand.u32 $0x1FFFFFF0, s23  }
0x224: {  	s24 =	sadd.s32 $0x8B80, s15;
	s16 =	sadd.s32 s4, s16  }
0x225: {  	[tilespmem:s24], [sflag:$0x1] =	stream.linear.gather [hbm4b:s16+s2], $0x80, $0x38;
	[tilespmem:$0x19200] =	vst v63  }
0x226: {  	s16 =	sand.u32 $0x1FFFFFF0, s25  }
0x227: {  	s26 =	sadd.s32 $0x10B80, s15;
	s16 =	sadd.s32 s3, s16;
	s17 =	spop (v2sf);
	(v2sf) =	vpush v18, $0xA  }
0x228: {  	[tilespmem:s26], [sflag:$0x1] =	stream.linear.gather [hbm4b:s16+s2], $0x80, $0x38;
	[tilespmem:$0x19200] =	vst v63  }
0x229: {  	s16 =	sand.u32 $0x1FFFFFF0, s28;
	s19 =	spop (v2sf);
	(v2sf) =	vpush v17, $0xA  }
0x22a: {  	s29 =	sadd.s32 $0xC00, s15;
	s16 =	sadd.s32 s3, s16  }
0x22b: {  	[tilespmem:s29], [sflag:$0x1] =	stream.linear.gather [hbm4b:s16+s2], $0x80, $0x38;
	[tilespmem:$0x19200] =	vst v63  }
0x22c: {  	s16 =	sand.u32 $0x1FFFFFF0, s30  }
0x22d: {  	s31 =	sadd.s32 $0x8C00, s15;
	s16 =	sadd.s32 s4, s16  }
0x22e: {  	[tilespmem:s31], [sflag:$0x1] =	stream.linear.gather [hbm4b:s16+s2], $0x80, $0x38;
	[tilespmem:$0x19200] =	vst v63  }
0x22f: {  	s21 =	spop (v2sf);
	(v2sf) =	vpush v16, $0xA  }
0x230: {  	s16 =	sand.u32 $0x1FFFFFF0, s17  }
0x231: {  	s18 =	sadd.s32 $0x10C00, s15;
	s16 =	sadd.s32 s3, s16;
	s23 =	spop (v2sf);
	(v2sf) =	vpush v18, $0xB  }
0x232: {  	[tilespmem:s18], [sflag:$0x1] =	stream.linear.gather [hbm4b:s16+s2], $0x80, $0x38;
	[tilespmem:$0x19200] =	vst v63  }
0x233: {  	s16 =	sand.u32 $0x1FFFFFF0, s19  }
0x234: {  	s20 =	sadd.s32 $0xC80, s15;
	s16 =	sadd.s32 s3, s16  }
0x235: {  	[tilespmem:s20], [sflag:$0x1] =	stream.linear.gather [hbm4b:s16+s2], $0x80, $0x38;
	[tilespmem:$0x19200] =	vst v63  }
0x236: {  	s25 =	spop (v2sf);
	(v2sf) =	vpush v17, $0xB  }
0x237: {  	s16 =	sand.u32 $0x1FFFFFF0, s21  }
0x238: {  	s22 =	sadd.s32 $0x8C80, s15;
	s16 =	sadd.s32 s4, s16;
	s28 =	spop (v2sf);
	(v2sf) =	vpush v16, $0xB  }
0x239: {  	[tilespmem:s22], [sflag:$0x1] =	stream.linear.gather [hbm4b:s16+s2], $0x80, $0x38;
	[tilespmem:$0x19200] =	vst v63  }
0x23a: {  	s16 =	sand.u32 $0x1FFFFFF0, s23  }
0x23b: {  	s24 =	sadd.s32 $0x10C80, s15;
	s16 =	sadd.s32 s3, s16  }
0x23c: {  	[tilespmem:s24], [sflag:$0x1] =	stream.linear.gather [hbm4b:s16+s2], $0x80, $0x38;
	[tilespmem:$0x19200] =	vst v63  }
0x23d: {  	s16 =	sand.u32 $0x1FFFFFF0, s25  }
0x23e: {  	s26 =	sadd.s32 $0xD00, s15;
	s16 =	sadd.s32 s3, s16;
	s30 =	spop (v2sf);
	(v2sf) =	vpush v18, $0xC  }
0x23f: {  	[tilespmem:s26], [sflag:$0x1] =	stream.linear.gather [hbm4b:s16+s2], $0x80, $0x38;
	[tilespmem:$0x19200] =	vst v63  }
0x240: {  	s17 =	spop (v2sf);
	(v2sf) =	vpush v17, $0xC  }
0x241: {  	s16 =	sand.u32 $0x1FFFFFF0, s28  }
0x242: {  	s29 =	sadd.s32 $0x8D00, s15;
	s16 =	sadd.s32 s4, s16  }
0x243: {  	[tilespmem:s29], [sflag:$0x1] =	stream.linear.gather [hbm4b:s16+s2], $0x80, $0x38;
	[tilespmem:$0x19200] =	vst v63  }
0x244: {  	s16 =	sand.u32 $0x1FFFFFF0, s30  }
0x245: {  	s31 =	sadd.s32 $0x10D00, s15;
	s16 =	sadd.s32 s3, s16;
	s19 =	spop (v2sf);
	(v2sf) =	vpush v16, $0xC  }
0x246: {  	[tilespmem:s31], [sflag:$0x1] =	stream.linear.gather [hbm4b:s16+s2], $0x80, $0x38;
	[tilespmem:$0x19200] =	vst v63  }
0x247: {  	s16 =	sand.u32 $0x1FFFFFF0, s17;
	s21 =	spop (v2sf);
	(v2sf) =	vpush v18, $0xD  }
0x248: {  	s18 =	sadd.s32 $0xD80, s15;
	s16 =	sadd.s32 s3, s16  }
0x249: {  	[tilespmem:s18], [sflag:$0x1] =	stream.linear.gather [hbm4b:s16+s2], $0x80, $0x38;
	[tilespmem:$0x19200] =	vst v63  }
0x24a: {  	s16 =	sand.u32 $0x1FFFFFF0, s19  }
0x24b: {  	s20 =	sadd.s32 $0x8D80, s15;
	s16 =	sadd.s32 s4, s16  }
0x24c: {  	[tilespmem:s20], [sflag:$0x1] =	stream.linear.gather [hbm4b:s16+s2], $0x80, $0x38;
	[tilespmem:$0x19200] =	vst v63  }
0x24d: {  	s23 =	spop (v2sf);
	(v2sf) =	vpush v17, $0xD  }
0x24e: {  	s16 =	sand.u32 $0x1FFFFFF0, s21  }
0x24f: {  	s22 =	sadd.s32 $0x10D80, s15;
	s16 =	sadd.s32 s3, s16;
	s25 =	spop (v2sf);
	(v2sf) =	vpush v16, $0xD  }
0x250: {  	[tilespmem:s22], [sflag:$0x1] =	stream.linear.gather [hbm4b:s16+s2], $0x80, $0x38;
	[tilespmem:$0x19200] =	vst v63  }
0x251: {  	s16 =	sand.u32 $0x1FFFFFF0, s23  }
0x252: {  	s24 =	sadd.s32 $0xE00, s15;
	s16 =	sadd.s32 s3, s16  }
0x253: {  	[tilespmem:s24], [sflag:$0x1] =	stream.linear.gather [hbm4b:s16+s2], $0x80, $0x38;
	[tilespmem:$0x19200] =	vst v63  }
0x254: {  	s28 =	spop (v2sf);
	(v2sf) =	vpush v18, $0xE  }
0x255: {  	s16 =	sand.u32 $0x1FFFFFF0, s25  }
0x256: {  	s26 =	sadd.s32 $0x8E00, s15;
	s16 =	sadd.s32 s4, s16;
	s30 =	spop (v2sf);
	(v2sf) =	vpush v17, $0xE  }
0x257: {  	[tilespmem:s26], [sflag:$0x1] =	stream.linear.gather [hbm4b:s16+s2], $0x80, $0x38;
	[tilespmem:$0x19200] =	vst v63  }
0x258: {  	s16 =	sand.u32 $0x1FFFFFF0, s28  }
0x259: {  	s29 =	sadd.s32 $0x10E00, s15;
	s16 =	sadd.s32 s3, s16  }
0x25a: {  	[tilespmem:s29], [sflag:$0x1] =	stream.linear.gather [hbm4b:s16+s2], $0x80, $0x38;
	[tilespmem:$0x19200] =	vst v63  }
0x25b: {  	s16 =	sand.u32 $0x1FFFFFF0, s30  }
0x25c: {  	s31 =	sadd.s32 $0xE80, s15;
	s16 =	sadd.s32 s3, s16;
	s17 =	spop (v2sf);
	(v2sf) =	vpush v16, $0xE  }
0x25d: {  	[tilespmem:s31], [sflag:$0x1] =	stream.linear.gather [hbm4b:s16+s2], $0x80, $0x38;
	[tilespmem:$0x19200] =	vst v63  }
0x25e: {  	s19 =	spop (v2sf);
	(v2sf) =	vpush v18, $0xF  }
0x25f: {  	s16 =	sand.u32 $0x1FFFFFF0, s17  }
0x260: {  	s18 =	sadd.s32 $0x8E80, s15;
	s16 =	sadd.s32 s4, s16  }
0x261: {  	[tilespmem:s18], [sflag:$0x1] =	stream.linear.gather [hbm4b:s16+s2], $0x80, $0x38;
	[tilespmem:$0x19200] =	vst v63  }
0x262: {  	s16 =	sand.u32 $0x1FFFFFF0, s19  }
0x263: {  	s20 =	sadd.s32 $0x10E80, s15;
	s16 =	sadd.s32 s3, s16;
	s21 =	spop (v2sf);
	(v2sf) =	vpush v17, $0xF  }
0x264: {  	[tilespmem:s20], [sflag:$0x1] =	stream.linear.gather [hbm4b:s16+s2], $0x80, $0x38;
	[tilespmem:$0x19200] =	vst v63  }
0x265: {  	s16 =	sand.u32 $0x1FFFFFF0, s21;
	s23 =	spop (v2sf);
	(v2sf) =	vpush v16, $0xF  }
0x266: {  	s22 =	sadd.s32 $0xF00, s15;
	s16 =	sadd.s32 s3, s16  }
0x267: {  	[tilespmem:s22], [sflag:$0x1] =	stream.linear.gather [hbm4b:s16+s2], $0x80, $0x38;
	[tilespmem:$0x19200] =	vst v63  }
0x268: {  	s16 =	sand.u32 $0x1FFFFFF0, s23  }
0x269: {  	s24 =	sadd.s32 $0x8F00, s15;
	s16 =	sadd.s32 s4, s16  }
0x26a: {  	[tilespmem:s24], [sflag:$0x1] =	stream.linear.gather [hbm4b:s16+s2], $0x80, $0x38;
	[tilespmem:$0x19200] =	vst v63  }
0x26b: {  	s25 =	spop (v2sf)  }
0x26c: {  	s16 =	sand.u32 $0x1FFFFFF0, s25  }
0x26d: {  	s26 =	sadd.s32 $0x10F00, s15;
	s28 =	spop (v2sf);
	s16 =	sadd.s32 s3, s16  }
0x26e: {  	[tilespmem:s26], [sflag:$0x1] =	stream.linear.gather [hbm4b:s16+s2], $0x80, $0x38;
	[tilespmem:$0x19200] =	vst v63  }
0x26f: {  	s16 =	sand.u32 $0x1FFFFFF0, s28  }
0x270: {  	s29 =	sadd.s32 $0xF80, s15;
	s16 =	sadd.s32 s3, s16  }
0x271: {  	[tilespmem:s29], [sflag:$0x1] =	stream.linear.gather [hbm4b:s16+s2], $0x80, $0x38;
	[tilespmem:$0x19200] =	vst v63  }
0x272: {  	s30 =	spop (v2sf)  }
0x273: {  	s16 =	sand.u32 $0x1FFFFFF0, s30  }
0x274: {  	s31 =	sadd.s32 $0x8F80, s15;
	s17 =	spop (v2sf);
	s16 =	sadd.s32 s4, s16  }
0x275: {  	[tilespmem:s31], [sflag:$0x1] =	stream.linear.gather [hbm4b:s16+s2], $0x80, $0x38;
	[tilespmem:$0x19200] =	vst v63  }
0x276: {  	s16 =	sand.u32 $0x1FFFFFF0, s17  }
0x277: {  	s18 =	sadd.s32 $0x10F80, s15;
	s16 =	sadd.s32 s3, s16  }
0x278: {  	[tilespmem:s18], [sflag:$0x1] =	stream.linear.gather [hbm4b:s16+s2], $0x80, $0x38;
	[tilespmem:$0x19200] =	vst v63  }
0x279: {  	v16 =	vld [tilespmem:s14+$0xFFFFFE80];
	_ =	sdelay $0x1  }
0x27a: {  	v17 =	vld [tilespmem:s14+$0x80];
	_ =	sdelay $0x2  }
0x27b: {  	v63 =	vshll.u32 v16, $0x4  }
0x27c: {  	(v2sf) =	vpush v63, $0x0  }
0x27d: {  	v16 =	vld [tilespmem:s14+$0x280];
	v17 =	vshll.u32 v17, $0x4  }
0x27e: {  	(v2sf) =	vpush v17, $0x0;
	_ =	sdelay $0x3  }
0x27f: {  	v16 =	vshll.u32 v16, $0x4  }
0x280: {  	(v2sf) =	vpush v16, $0x0;
	_ =	sdelay $0x1  }
0x281: {  	(v2sf) =	vpush v63, $0x1;
	_ =	sdelay $0x5  }
0x282: {  	s19 =	spop (v2sf);
	(v2sf) =	vpush v17, $0x1;
	_ =	sdelay $0x1  }
0x283: {  	s21 =	spop (v2sf);
	(v2sf) =	vpush v16, $0x1;
	_ =	sdelay $0x4  }
0x284: {  	s23 =	spop (v2sf);
	(v2sf) =	vpush v63, $0x2;
	_ =	sdelay $0x1  }
0x285: {  	s25 =	spop (v2sf);
	(v2sf) =	vpush v17, $0x2;
	_ =	sdelay $0x5  }
0x286: {  	s28 =	spop (v2sf);
	(v2sf) =	vpush v16, $0x2;
	_ =	sdelay $0x1  }
0x287: {  	s30 =	spop (v2sf);
	(v2sf) =	vpush v63, $0x3;
	_ =	sdelay $0x1  }
0x288: {  	s16 =	sand.u32 $0x1FFFFFF0, s19  }
0x289: {  	s20 =	sadd.s32 $0x4800, s15;
	s16 =	sadd.s32 s3, s16  }
0x28a: {  	[tilespmem:s20], [sflag:$0x1] =	stream.linear.gather [hbm4b:s16+s2], $0x80, $0x38;
	[tilespmem:$0x19200] =	vst v63  }
0x28b: {  	s17 =	spop (v2sf);
	(v2sf) =	vpush v17, $0x3  }
0x28c: {  	s16 =	sand.u32 $0x1FFFFFF0, s21  }
0x28d: {  	s22 =	sadd.s32 $0xC800, s15;
	s16 =	sadd.s32 s4, s16;
	s19 =	spop (v2sf);
	(v2sf) =	vpush v16, $0x3  }
0x28e: {  	[tilespmem:s22], [sflag:$0x1] =	stream.linear.gather [hbm4b:s16+s2], $0x80, $0x38;
	[tilespmem:$0x19200] =	vst v63  }
0x28f: {  	s16 =	sand.u32 $0x1FFFFFF0, s23  }
0x290: {  	s24 =	sadd.s32 $0x14800, s15;
	s16 =	sadd.s32 s3, s16  }
0x291: {  	[tilespmem:s24], [sflag:$0x1] =	stream.linear.gather [hbm4b:s16+s2], $0x80, $0x38;
	[tilespmem:$0x19200] =	vst v63  }
0x292: {  	s16 =	sand.u32 $0x1FFFFFF0, s25  }
0x293: {  	s26 =	sadd.s32 $0x4880, s15;
	s16 =	sadd.s32 s3, s16;
	s21 =	spop (v2sf);
	(v2sf) =	vpush v63, $0x4  }
0x294: {  	[tilespmem:s26], [sflag:$0x1] =	stream.linear.gather [hbm4b:s16+s2], $0x80, $0x38;
	[tilespmem:$0x19200] =	vst v63  }
0x295: {  	s23 =	spop (v2sf);
	(v2sf) =	vpush v17, $0x4  }
0x296: {  	s16 =	sand.u32 $0x1FFFFFF0, s28  }
0x297: {  	s29 =	sadd.s32 $0xC880, s15;
	s16 =	sadd.s32 s4, s16  }
0x298: {  	[tilespmem:s29], [sflag:$0x1] =	stream.linear.gather [hbm4b:s16+s2], $0x80, $0x38;
	[tilespmem:$0x19200] =	vst v63  }
0x299: {  	s16 =	sand.u32 $0x1FFFFFF0, s30  }
0x29a: {  	s31 =	sadd.s32 $0x14880, s15;
	s16 =	sadd.s32 s3, s16;
	s25 =	spop (v2sf);
	(v2sf) =	vpush v16, $0x4  }
0x29b: {  	[tilespmem:s31], [sflag:$0x1] =	stream.linear.gather [hbm4b:s16+s2], $0x80, $0x38;
	[tilespmem:$0x19200] =	vst v63  }
0x29c: {  	s16 =	sand.u32 $0x1FFFFFF0, s17;
	s28 =	spop (v2sf);
	(v2sf) =	vpush v63, $0x5  }
0x29d: {  	s18 =	sadd.s32 $0x4900, s15;
	s16 =	sadd.s32 s3, s16  }
0x29e: {  	[tilespmem:s18], [sflag:$0x1] =	stream.linear.gather [hbm4b:s16+s2], $0x80, $0x38;
	[tilespmem:$0x19200] =	vst v63  }
0x29f: {  	s16 =	sand.u32 $0x1FFFFFF0, s19  }
0x2a0: {  	s20 =	sadd.s32 $0xC900, s15;
	s16 =	sadd.s32 s4, s16  }
0x2a1: {  	[tilespmem:s20], [sflag:$0x1] =	stream.linear.gather [hbm4b:s16+s2], $0x80, $0x38;
	[tilespmem:$0x19200] =	vst v63  }
0x2a2: {  	s30 =	spop (v2sf);
	(v2sf) =	vpush v17, $0x5  }
0x2a3: {  	s16 =	sand.u32 $0x1FFFFFF0, s21  }
0x2a4: {  	s22 =	sadd.s32 $0x14900, s15;
	s16 =	sadd.s32 s3, s16;
	s17 =	spop (v2sf);
	(v2sf) =	vpush v16, $0x5  }
0x2a5: {  	[tilespmem:s22], [sflag:$0x1] =	stream.linear.gather [hbm4b:s16+s2], $0x80, $0x38;
	[tilespmem:$0x19200] =	vst v63  }
0x2a6: {  	s16 =	sand.u32 $0x1FFFFFF0, s23  }
0x2a7: {  	s24 =	sadd.s32 $0x4980, s15;
	s16 =	sadd.s32 s3, s16  }
0x2a8: {  	[tilespmem:s24], [sflag:$0x1] =	stream.linear.gather [hbm4b:s16+s2], $0x80, $0x38;
	[tilespmem:$0x19200] =	vst v63  }
0x2a9: {  	s19 =	spop (v2sf);
	(v2sf) =	vpush v63, $0x6  }
0x2aa: {  	s16 =	sand.u32 $0x1FFFFFF0, s25  }
0x2ab: {  	s26 =	sadd.s32 $0xC980, s15;
	s16 =	sadd.s32 s4, s16;
	s21 =	spop (v2sf);
	(v2sf) =	vpush v17, $0x6  }
0x2ac: {  	[tilespmem:s26], [sflag:$0x1] =	stream.linear.gather [hbm4b:s16+s2], $0x80, $0x38;
	[tilespmem:$0x19200] =	vst v63  }
0x2ad: {  	s16 =	sand.u32 $0x1FFFFFF0, s28  }
0x2ae: {  	s29 =	sadd.s32 $0x14980, s15;
	s16 =	sadd.s32 s3, s16  }
0x2af: {  	[tilespmem:s29], [sflag:$0x1] =	stream.linear.gather [hbm4b:s16+s2], $0x80, $0x38;
	[tilespmem:$0x19200] =	vst v63  }
0x2b0: {  	s16 =	sand.u32 $0x1FFFFFF0, s30  }
0x2b1: {  	s31 =	sadd.s32 $0x4A00, s15;
	s16 =	sadd.s32 s3, s16;
	s23 =	spop (v2sf);
	(v2sf) =	vpush v16, $0x6  }
0x2b2: {  	[tilespmem:s31], [sflag:$0x1] =	stream.linear.gather [hbm4b:s16+s2], $0x80, $0x38;
	[tilespmem:$0x19200] =	vst v63  }
0x2b3: {  	s25 =	spop (v2sf);
	(v2sf) =	vpush v63, $0x7  }
0x2b4: {  	s16 =	sand.u32 $0x1FFFFFF0, s17  }
0x2b5: {  	s18 =	sadd.s32 $0xCA00, s15;
	s16 =	sadd.s32 s4, s16  }
0x2b6: {  	[tilespmem:s18], [sflag:$0x1] =	stream.linear.gather [hbm4b:s16+s2], $0x80, $0x38;
	[tilespmem:$0x19200] =	vst v63  }
0x2b7: {  	s16 =	sand.u32 $0x1FFFFFF0, s19  }
0x2b8: {  	s20 =	sadd.s32 $0x14A00, s15;
	s16 =	sadd.s32 s3, s16;
	s28 =	spop (v2sf);
	(v2sf) =	vpush v17, $0x7  }
0x2b9: {  	[tilespmem:s20], [sflag:$0x1] =	stream.linear.gather [hbm4b:s16+s2], $0x80, $0x38;
	[tilespmem:$0x19200] =	vst v63  }
0x2ba: {  	s16 =	sand.u32 $0x1FFFFFF0, s21;
	s30 =	spop (v2sf);
	(v2sf) =	vpush v16, $0x7  }
0x2bb: {  	s22 =	sadd.s32 $0x4A80, s15;
	s16 =	sadd.s32 s3, s16  }
0x2bc: {  	[tilespmem:s22], [sflag:$0x1] =	stream.linear.gather [hbm4b:s16+s2], $0x80, $0x38;
	[tilespmem:$0x19200] =	vst v63  }
0x2bd: {  	s16 =	sand.u32 $0x1FFFFFF0, s23  }
0x2be: {  	s24 =	sadd.s32 $0xCA80, s15;
	s16 =	sadd.s32 s4, s16  }
0x2bf: {  	[tilespmem:s24], [sflag:$0x1] =	stream.linear.gather [hbm4b:s16+s2], $0x80, $0x38;
	[tilespmem:$0x19200] =	vst v63  }
0x2c0: {  	s17 =	spop (v2sf);
	(v2sf) =	vpush v63, $0x8  }
0x2c1: {  	s16 =	sand.u32 $0x1FFFFFF0, s25  }
0x2c2: {  	s26 =	sadd.s32 $0x14A80, s15;
	s16 =	sadd.s32 s3, s16;
	s19 =	spop (v2sf);
	(v2sf) =	vpush v17, $0x8  }
0x2c3: {  	[tilespmem:s26], [sflag:$0x1] =	stream.linear.gather [hbm4b:s16+s2], $0x80, $0x38;
	[tilespmem:$0x19200] =	vst v63  }
0x2c4: {  	s16 =	sand.u32 $0x1FFFFFF0, s28  }
0x2c5: {  	s29 =	sadd.s32 $0x4B00, s15;
	s16 =	sadd.s32 s3, s16  }
0x2c6: {  	[tilespmem:s29], [sflag:$0x1] =	stream.linear.gather [hbm4b:s16+s2], $0x80, $0x38;
	[tilespmem:$0x19200] =	vst v63  }
0x2c7: {  	s21 =	spop (v2sf);
	(v2sf) =	vpush v16, $0x8  }
0x2c8: {  	s16 =	sand.u32 $0x1FFFFFF0, s30  }
0x2c9: {  	s31 =	sadd.s32 $0xCB00, s15;
	s16 =	sadd.s32 s4, s16;
	s23 =	spop (v2sf);
	(v2sf) =	vpush v63, $0x9  }
0x2ca: {  	[tilespmem:s31], [sflag:$0x1] =	stream.linear.gather [hbm4b:s16+s2], $0x80, $0x38;
	[tilespmem:$0x19200] =	vst v63  }
0x2cb: {  	s16 =	sand.u32 $0x1FFFFFF0, s17  }
0x2cc: {  	s18 =	sadd.s32 $0x14B00, s15;
	s16 =	sadd.s32 s3, s16  }
0x2cd: {  	[tilespmem:s18], [sflag:$0x1] =	stream.linear.gather [hbm4b:s16+s2], $0x80, $0x38;
	[tilespmem:$0x19200] =	vst v63  }
0x2ce: {  	s16 =	sand.u32 $0x1FFFFFF0, s19  }
0x2cf: {  	s20 =	sadd.s32 $0x4B80, s15;
	s16 =	sadd.s32 s3, s16;
	s25 =	spop (v2sf);
	(v2sf) =	vpush v17, $0x9  }
0x2d0: {  	[tilespmem:s20], [sflag:$0x1] =	stream.linear.gather [hbm4b:s16+s2], $0x80, $0x38;
	[tilespmem:$0x19200] =	vst v63  }
0x2d1: {  	s28 =	spop (v2sf);
	(v2sf) =	vpush v16, $0x9  }
0x2d2: {  	s16 =	sand.u32 $0x1FFFFFF0, s21  }
0x2d3: {  	s22 =	sadd.s32 $0xCB80, s15;
	s16 =	sadd.s32 s4, s16  }
0x2d4: {  	[tilespmem:s22], [sflag:$0x1] =	stream.linear.gather [hbm4b:s16+s2], $0x80, $0x38;
	[tilespmem:$0x19200] =	vst v63  }
0x2d5: {  	s16 =	sand.u32 $0x1FFFFFF0, s23  }
0x2d6: {  	s24 =	sadd.s32 $0x14B80, s15;
	s16 =	sadd.s32 s3, s16;
	s30 =	spop (v2sf);
	(v2sf) =	vpush v63, $0xA  }
0x2d7: {  	[tilespmem:s24], [sflag:$0x1] =	stream.linear.gather [hbm4b:s16+s2], $0x80, $0x38;
	[tilespmem:$0x19200] =	vst v63  }
0x2d8: {  	s16 =	sand.u32 $0x1FFFFFF0, s25;
	s17 =	spop (v2sf);
	(v2sf) =	vpush v17, $0xA  }
0x2d9: {  	s26 =	sadd.s32 $0x4C00, s15;
	s16 =	sadd.s32 s3, s16  }
0x2da: {  	[tilespmem:s26], [sflag:$0x1] =	stream.linear.gather [hbm4b:s16+s2], $0x80, $0x38;
	[tilespmem:$0x19200] =	vst v63  }
0x2db: {  	s16 =	sand.u32 $0x1FFFFFF0, s28  }
0x2dc: {  	s29 =	sadd.s32 $0xCC00, s15;
	s16 =	sadd.s32 s4, s16  }
0x2dd: {  	[tilespmem:s29], [sflag:$0x1] =	stream.linear.gather [hbm4b:s16+s2], $0x80, $0x38;
	[tilespmem:$0x19200] =	vst v63  }
0x2de: {  	s19 =	spop (v2sf);
	(v2sf) =	vpush v16, $0xA  }
0x2df: {  	s16 =	sand.u32 $0x1FFFFFF0, s30  }
0x2e0: {  	s31 =	sadd.s32 $0x14C00, s15;
	s16 =	sadd.s32 s3, s16;
	s21 =	spop (v2sf);
	(v2sf) =	vpush v63, $0xB  }
0x2e1: {  	[tilespmem:s31], [sflag:$0x1] =	stream.linear.gather [hbm4b:s16+s2], $0x80, $0x38;
	[tilespmem:$0x19200] =	vst v63  }
0x2e2: {  	s16 =	sand.u32 $0x1FFFFFF0, s17  }
0x2e3: {  	s18 =	sadd.s32 $0x4C80, s15;
	s16 =	sadd.s32 s3, s16  }
0x2e4: {  	[tilespmem:s18], [sflag:$0x1] =	stream.linear.gather [hbm4b:s16+s2], $0x80, $0x38;
	[tilespmem:$0x19200] =	vst v63  }
0x2e5: {  	s23 =	spop (v2sf);
	(v2sf) =	vpush v17, $0xB  }
0x2e6: {  	s16 =	sand.u32 $0x1FFFFFF0, s19  }
0x2e7: {  	s20 =	sadd.s32 $0xCC80, s15;
	s16 =	sadd.s32 s4, s16;
	s25 =	spop (v2sf);
	(v2sf) =	vpush v16, $0xB  }
0x2e8: {  	[tilespmem:s20], [sflag:$0x1] =	stream.linear.gather [hbm4b:s16+s2], $0x80, $0x38;
	[tilespmem:$0x19200] =	vst v63  }
0x2e9: {  	s16 =	sand.u32 $0x1FFFFFF0, s21  }
0x2ea: {  	s22 =	sadd.s32 $0x14C80, s15;
	s16 =	sadd.s32 s3, s16  }
0x2eb: {  	[tilespmem:s22], [sflag:$0x1] =	stream.linear.gather [hbm4b:s16+s2], $0x80, $0x38;
	[tilespmem:$0x19200] =	vst v63  }
0x2ec: {  	s16 =	sand.u32 $0x1FFFFFF0, s23  }
0x2ed: {  	s24 =	sadd.s32 $0x4D00, s15;
	s16 =	sadd.s32 s3, s16;
	s28 =	spop (v2sf);
	(v2sf) =	vpush v63, $0xC  }
0x2ee: {  	[tilespmem:s24], [sflag:$0x1] =	stream.linear.gather [hbm4b:s16+s2], $0x80, $0x38;
	[tilespmem:$0x19200] =	vst v63  }
0x2ef: {  	s30 =	spop (v2sf);
	(v2sf) =	vpush v17, $0xC  }
0x2f0: {  	s16 =	sand.u32 $0x1FFFFFF0, s25  }
0x2f1: {  	s26 =	sadd.s32 $0xCD00, s15;
	s16 =	sadd.s32 s4, s16  }
0x2f2: {  	[tilespmem:s26], [sflag:$0x1] =	stream.linear.gather [hbm4b:s16+s2], $0x80, $0x38;
	[tilespmem:$0x19200] =	vst v63  }
0x2f3: {  	s16 =	sand.u32 $0x1FFFFFF0, s28  }
0x2f4: {  	s29 =	sadd.s32 $0x14D00, s15;
	s16 =	sadd.s32 s3, s16;
	s17 =	spop (v2sf);
	(v2sf) =	vpush v16, $0xC  }
0x2f5: {  	[tilespmem:s29], [sflag:$0x1] =	stream.linear.gather [hbm4b:s16+s2], $0x80, $0x38;
	[tilespmem:$0x19200] =	vst v63  }
0x2f6: {  	s16 =	sand.u32 $0x1FFFFFF0, s30;
	s19 =	spop (v2sf);
	(v2sf) =	vpush v63, $0xD  }
0x2f7: {  	s31 =	sadd.s32 $0x4D80, s15;
	s16 =	sadd.s32 s3, s16  }
0x2f8: {  	[tilespmem:s31], [sflag:$0x1] =	stream.linear.gather [hbm4b:s16+s2], $0x80, $0x38;
	[tilespmem:$0x19200] =	vst v63  }
0x2f9: {  	s16 =	sand.u32 $0x1FFFFFF0, s17  }
0x2fa: {  	s18 =	sadd.s32 $0xCD80, s15;
	s16 =	sadd.s32 s4, s16  }
0x2fb: {  	[tilespmem:s18], [sflag:$0x1] =	stream.linear.gather [hbm4b:s16+s2], $0x80, $0x38;
	[tilespmem:$0x19200] =	vst v63  }
0x2fc: {  	s21 =	spop (v2sf);
	(v2sf) =	vpush v17, $0xD  }
0x2fd: {  	s16 =	sand.u32 $0x1FFFFFF0, s19  }
0x2fe: {  	s20 =	sadd.s32 $0x14D80, s15;
	s16 =	sadd.s32 s3, s16;
	s23 =	spop (v2sf);
	(v2sf) =	vpush v16, $0xD  }
0x2ff: {  	[tilespmem:s20], [sflag:$0x1] =	stream.linear.gather [hbm4b:s16+s2], $0x80, $0x38;
	[tilespmem:$0x19200] =	vst v63  }
0x300: {  	s16 =	sand.u32 $0x1FFFFFF0, s21  }
0x301: {  	s22 =	sadd.s32 $0x4E00, s15;
	s16 =	sadd.s32 s3, s16  }
0x302: {  	[tilespmem:s22], [sflag:$0x1] =	stream.linear.gather [hbm4b:s16+s2], $0x80, $0x38;
	[tilespmem:$0x19200] =	vst v63  }
0x303: {  	s25 =	spop (v2sf);
	(v2sf) =	vpush v63, $0xE  }
0x304: {  	s16 =	sand.u32 $0x1FFFFFF0, s23  }
0x305: {  	s24 =	sadd.s32 $0xCE00, s15;
	s16 =	sadd.s32 s4, s16;
	s28 =	spop (v2sf);
	(v2sf) =	vpush v17, $0xE  }
0x306: {  	[tilespmem:s24], [sflag:$0x1] =	stream.linear.gather [hbm4b:s16+s2], $0x80, $0x38;
	[tilespmem:$0x19200] =	vst v63  }
0x307: {  	s16 =	sand.u32 $0x1FFFFFF0, s25  }
0x308: {  	s26 =	sadd.s32 $0x14E00, s15;
	s16 =	sadd.s32 s3, s16  }
0x309: {  	[tilespmem:s26], [sflag:$0x1] =	stream.linear.gather [hbm4b:s16+s2], $0x80, $0x38;
	[tilespmem:$0x19200] =	vst v63  }
0x30a: {  	s16 =	sand.u32 $0x1FFFFFF0, s28  }
0x30b: {  	s29 =	sadd.s32 $0x4E80, s15;
	s16 =	sadd.s32 s3, s16;
	s30 =	spop (v2sf);
	(v2sf) =	vpush v16, $0xE  }
0x30c: {  	[tilespmem:s29], [sflag:$0x1] =	stream.linear.gather [hbm4b:s16+s2], $0x80, $0x38;
	[tilespmem:$0x19200] =	vst v63  }
0x30d: {  	s18 =	spop (v2sf);
	(v2sf) =	vpush v63, $0xF  }
0x30e: {  	s16 =	sand.u32 $0x1FFFFFF0, s30  }
0x30f: {  	s31 =	sadd.s32 $0xCE80, s15;
	s16 =	sadd.s32 s4, s16  }
0x310: {  	[tilespmem:s31], [sflag:$0x1] =	stream.linear.gather [hbm4b:s16+s2], $0x80, $0x38;
	[tilespmem:$0x19200] =	vst v63  }
0x311: {  	s16 =	sand.u32 $0x1FFFFFF0, s18  }
0x312: {  	s19 =	sadd.s32 $0x14E80, s15;
	s16 =	sadd.s32 s3, s16;
	s20 =	spop (v2sf);
	(v2sf) =	vpush v17, $0xF  }
0x313: {  	[tilespmem:s19], [sflag:$0x1] =	stream.linear.gather [hbm4b:s16+s2], $0x80, $0x38;
	[tilespmem:$0x19200] =	vst v63  }
0x314: {  	s16 =	sand.u32 $0x1FFFFFF0, s20;
	s22 =	spop (v2sf);
	(v2sf) =	vpush v16, $0xF  }
0x315: {  	s21 =	sadd.s32 $0x4F00, s15;
	s16 =	sadd.s32 s3, s16  }
0x316: {  	[tilespmem:s21], [sflag:$0x1] =	stream.linear.gather [hbm4b:s16+s2], $0x80, $0x38;
	[tilespmem:$0x19200] =	vst v63  }
0x317: {  	s16 =	sand.u32 $0x1FFFFFF0, s22  }
0x318: {  	s23 =	sadd.s32 $0xCF00, s15;
	s16 =	sadd.s32 s4, s16  }
0x319: {  	[tilespmem:s23], [sflag:$0x1] =	stream.linear.gather [hbm4b:s16+s2], $0x80, $0x38;
	[tilespmem:$0x19200] =	vst v63  }
0x31a: {  	s24 =	spop (v2sf)  }
0x31b: {  	s16 =	sand.u32 $0x1FFFFFF0, s24  }
0x31c: {  	s25 =	sadd.s32 $0x14F00, s15;
	s26 =	spop (v2sf);
	s16 =	sadd.s32 s3, s16  }
0x31d: {  	[tilespmem:s25], [sflag:$0x1] =	stream.linear.gather [hbm4b:s16+s2], $0x80, $0x38;
	[tilespmem:$0x19200] =	vst v63  }
0x31e: {  	s16 =	sand.u32 $0x1FFFFFF0, s26  }
0x31f: {  	s28 =	sadd.s32 $0x4F80, s15;
	s16 =	sadd.s32 s3, s16  }
0x320: {  	[tilespmem:s28], [sflag:$0x1] =	stream.linear.gather [hbm4b:s16+s2], $0x80, $0x38;
	[tilespmem:$0x19200] =	vst v63  }
0x321: {  	s29 =	spop (v2sf)  }
0x322: {  	p0 =	sne.s32 s13, $0xE000;
	s30 =	sadd.s32 $0xCF80, s15;
	s16 =	sand.u32 $0x1FFFFFF0, s29  }
.Ltmp3:
0x323: {  	s31 =	spop (v2sf);
	s16 =	sadd.s32 s4, s16;
	(pc) =	sbr.rel @p0 .LBB2_8-.Ltmp3, $4  }
0x324: {  	[tilespmem:s30], [sflag:$0x1] =	stream.linear.gather [hbm4b:s16+s2], $0x80, $0x38;
	[tilespmem:$0x19200] =	vst v63  }
0x325: {  	s13 =	sadd.s32 $0x2000, s13;
	s16 =	sand.u32 $0x1FFFFFF0, s31  }
0x326: {  	s14 =	sadd.s32 $0x10, s14;
	s15 =	sadd.s32 $0x14F80, s15;
	s16 =	sadd.s32 s3, s16  }
0x327: {  	[tilespmem:s15], [sflag:$0x1] =	stream.linear.gather [hbm4b:s16+s2], $0x80, $0x38;
	[tilespmem:$0x19200] =	vst v63  }
0x328: {  	_ =	swait.ge [sflag:s9], $0x8000  }
0x329: {  	[sflag:s9] =	ssyncset.done $0x0  }
0x32a: {  	[sflag:s9] =	ssyncadd.s32 $0xFFFF8000  }
0x32b: {  	_ =	swait.ge [sflag:s9], $0x8000  }
0x32c: {  	[sflag:s9] =	ssyncset.done $0x0  }
0x32d: {  	[sflag:s9] =	ssyncadd.s32 $0xFFFF8000  }
0x32e: {  	_ =	swait.ge [sflag:s9], $0x8000  }
0x32f: {  	s13 =	simm.s32 $0x0;
	s14 =	simm.s32 $0x820;
	[sflag:s9] =	ssyncset.done $0x0  }
0x330: {  	s15 =	simm.s32 $0x8830;
	s16 =	simm.s32 $0x10830;
	[sflag:s9] =	ssyncadd.s32 $0xFFFF8000  }
.LBB2_10:
0x331: {  	v18 =	vmov s14  }
0x332: {  	v16 =	vmov s16;
	_ =	sdelay $0x1  }
0x333: {  	v17 =	vmov s15  }
0x334: {  	s18 =	simm.s32 $0x0  }
0x335: {  	v19 =	vld.idx.msk [tilespmem:v18+s18+$0x10 ss:$0x1], $0xffff  }
0x336: {  	v20 =	vld.idx.msk [tilespmem:v16+s18+$0xFFFFFFD0 ss:$0x1], $0xffff  }
0x337: {  	v21 =	vld.idx.msk [tilespmem:v18+s18+$0x0 ss:$0x1], $0xffff  }
0x338: {  	v22 =	vld.idx.msk [tilespmem:v17+s18+$0xFFFFFFD0 ss:$0x1], $0xffff  }
0x339: {  	v23 =	vld.idx.msk [tilespmem:v18+s18+$0xFFFFFFE0 ss:$0x1], $0xffff  }
0x33a: {  	s17 =	sshll.u32 s13, $0x4;
	s19 =	simm.s32 $0x200;
	v24 =	vld.idx.msk [tilespmem:v18+s18+$0xFFFFFFF0 ss:$0x1], $0xffff  }
.LBB2_11:
0x33b: {  	p0 =	sne.s32 s19, $0x1E00;
	v25 =	vld.idx.msk [tilespmem:v17+s18+$0xFFFFFFE0 ss:$0x1], $0xffff  }
0x33c: {  	v26 =	vld.idx.msk [tilespmem:v17+s18+$0xFFFFFFF0 ss:$0x1], $0xffff  }
0x33d: {  	v27 =	vld.idx.msk [tilespmem:v16+s18+$0xFFFFFFE0 ss:$0x1], $0xffff  }
0x33e: {  	v28 =	vld.idx.msk [tilespmem:v17+s18+$0x0 ss:$0x1], $0xffff  }
0x33f: {  	v29 =	vld.idx.msk [tilespmem:v16+s18+$0xFFFFFFF0 ss:$0x1], $0xffff;
	_ =	sdelay $0x1  }
0x340: {  	v22 =	vadd.f32 v22, v23;
	v23 =	vadd.f32 v25, v24;
	v24 =	vld.idx.msk [tilespmem:v16+s18+$0x0 ss:$0x1], $0xffff  }
0x341: {  	v21 =	vadd.f32 v26, v21  }
0x342: {  	v20 =	vsub.f32 v22, v20;
	v22 =	vsub.f32 v23, v27  }
0x343: {  	v19 =	vadd.f32 v28, v19  }
0x344: {  	v20 =	vand.u32 $0x7FFFFFFF, v20;
	v22 =	vand.u32 $0x7FFFFFFF, v22;
	v21 =	vsub.f32 v21, v29  }
0x345: {  	v20 =	vadd.f32 v22, v20  }
0x346: {  	v21 =	vand.u32 $0x7FFFFFFF, v21;
	v19 =	vsub.f32 v19, v24  }
0x347: {  	v20 =	vadd.f32 v21, v20  }
0x348: {  	v19 =	vand.u32 $0x7FFFFFFF, v19  }
0x349: {  	v19 =	vadd.f32 v19, v20;
	_ =	sdelay $0x1  }
0x34a: {  	[tilespmem:s18+$0x18800] =	vst v19;
	s18 =	sshra.s32 s19, $0x2  }
0x34b: {  	v19 =	vld.idx.msk [tilespmem:v18+s18+$0x10 ss:$0x1], $0xffff  }
.Ltmp4:
0x34c: {  	v20 =	vld.idx.msk [tilespmem:v16+s18+$0xFFFFFFD0 ss:$0x1], $0xffff;
	(pc) =	sbr.rel @p0 .LBB2_11-.Ltmp4, $4  }
0x34d: {  	v21 =	vld.idx.msk [tilespmem:v18+s18+$0x0 ss:$0x1], $0xffff  }
0x34e: {  	v22 =	vld.idx.msk [tilespmem:v17+s18+$0xFFFFFFD0 ss:$0x1], $0xffff  }
0x34f: {  	v23 =	vld.idx.msk [tilespmem:v18+s18+$0xFFFFFFE0 ss:$0x1], $0xffff  }
0x350: {  	s19 =	sadd.s32 $0x200, s19;
	v24 =	vld.idx.msk [tilespmem:v18+s18+$0xFFFFFFF0 ss:$0x1], $0xffff  }
0x351: {  	_ =	sdelay $0x3  }
0x352: {  	v18 =	vld.idx.msk [tilespmem:v17+s18+$0xFFFFFFE0 ss:$0x1], $0xffff  }
0x353: {  	v25 =	vld.idx.msk [tilespmem:v17+s18+$0xFFFFFFF0 ss:$0x1], $0xffff  }
0x354: {  	v26 =	vld.idx.msk [tilespmem:v16+s18+$0xFFFFFFE0 ss:$0x1], $0xffff  }
0x355: {  	v17 =	vld.idx.msk [tilespmem:v17+s18+$0x0 ss:$0x1], $0xffff  }
0x356: {  	v27 =	vld.idx.msk [tilespmem:v16+s18+$0xFFFFFFF0 ss:$0x1], $0xffff  }
0x357: {  	v22 =	vadd.f32 v22, v23;
	v18 =	vadd.f32 v18, v24  }
0x358: {  	v16 =	vld.idx.msk [tilespmem:v16+s18+$0x0 ss:$0x1], $0xffff;
	v21 =	vadd.f32 v25, v21  }
0x359: {  	v20 =	vsub.f32 v22, v20;
	v18 =	vsub.f32 v18, v26  }
0x35a: {  	v17 =	vadd.f32 v17, v19  }
0x35b: {  	v51 =	vand.u32 $0x7FFFFFFF, v20;
	v52 =	vsub.f32 v21, v27;
	v18 =	vand.u32 $0x7FFFFFFF, v18  }
0x35c: {  	v18 =	vadd.f32 v18, v51  }
0x35d: {  	v16 =	vsub.f32 v17, v16;
	v53 =	vand.u32 $0x7FFFFFFF, v52  }
0x35e: {  	v17 =	vadd.f32 v53, v18  }
0x35f: {  	v16 =	vand.u32 $0x7FFFFFFF, v16  }
0x360: {  	v16 =	vadd.f32 v16, v17;
	_ =	sdelay $0x1  }
0x361: {  	[tilespmem:s18+$0x18800] =	vst v16  }
0x362: {  	v16 =	vld.idx.msk [tilespmem:v0+s10+$0x0], $0xffff  }
0x363: {  	v17 =	vld.idx.msk [tilespmem:v1+s10+$0x0], $0xffff;
	_ =	sdelay $0x1  }
0x364: {  	v54 =	vld.idx.msk [tilespmem:v2+s10+$0x0], $0xffff;
	_ =	sdelay $0x1  }
0x365: {  	v55 =	vld.idx.msk [tilespmem:v3+s10+$0x0], $0xffff  }
0x366: {  	v16 =	vadd.f32 v17, v16  }
0x367: {  	v17 =	vld.idx.msk [tilespmem:v4+s10+$0x0], $0xffff  }
0x368: {  	v16 =	vadd.f32 v54, v16  }
0x369: {  	v56 =	vld.idx.msk [tilespmem:v5+s10+$0x0], $0xffff  }
0x36a: {  	v16 =	vadd.f32 v55, v16  }
0x36b: {  	v57 =	vld.idx.msk [tilespmem:v6+s10+$0x0], $0xffff  }
0x36c: {  	v16 =	vadd.f32 v17, v16  }
0x36d: {  	v17 =	vld.idx.msk [tilespmem:v7+s10+$0x0], $0xffff  }
0x36e: {  	v16 =	vadd.f32 v56, v16  }
0x36f: {  	v58 =	vld.idx.msk [tilespmem:v8+s10+$0x0], $0xffff  }
0x370: {  	v16 =	vadd.f32 v57, v16  }
0x371: {  	v59 =	vld.idx.msk [tilespmem:v9+s10+$0x0], $0xffff  }
0x372: {  	v16 =	vadd.f32 v17, v16  }
0x373: {  	v17 =	vld.idx.msk [tilespmem:v10+s10+$0x0], $0xffff  }
0x374: {  	v16 =	vadd.f32 v58, v16  }
0x375: {  	v60 =	vld.idx.msk [tilespmem:v11+s10+$0x0], $0xffff  }
0x376: {  	v16 =	vadd.f32 v59, v16  }
0x377: {  	v61 =	vld.idx.msk [tilespmem:v12+s10+$0x0], $0xffff  }
0x378: {  	v16 =	vadd.f32 v17, v16  }
0x379: {  	v17 =	vld.idx.msk [tilespmem:v13+s10+$0x0], $0xffff  }
0x37a: {  	v16 =	vadd.f32 v60, v16  }
0x37b: {  	v62 =	vld.idx.msk [tilespmem:v14+s10+$0x0], $0xffff  }
0x37c: {  	v16 =	vadd.f32 v61, v16  }
0x37d: {  	v63 =	vld.idx.msk [tilespmem:v15+s10+$0x0], $0xffff  }
0x37e: {  	v16 =	vadd.f32 v17, v16;
	_ =	sdelay $0x1  }
0x37f: {  	s13 =	sadd.s32 $0x1, s13;
	v16 =	vadd.f32 v62, v16  }
0x380: {  	p0 =	sne.s32 s13, $0x10  }
.Ltmp5:
0x381: {  	v16 =	vadd.f32 v63, v16;
	(pc) =	sbr.rel @p0 .LBB2_10-.Ltmp5, $4  }
0x382: {  	_ = 	snop  }
0x383: {  	v16 =	vsub.f32 $1.200000000e+01, v16  }
0x384: {  	s17 =	sand.u32 $0xF0, s17  }
0x385: {  	s14 =	sadd.s32 $0x800, s14;
	s15 =	sadd.s32 $0x800, s15;
	s16 =	sadd.s32 $0x800, s16;
	[tilespmem:s17+$0x19100] =	vst v16  }
0x386: {  	s12 =	sadd.s32 $0x1, s12  }
0x387: {  	p0 =	sne.s32 s12, s7  }
.Ltmp6:
0x388: {  	_ = 	snop;
	(pc) =	sbr.rel @p0 .LBB2_1-.Ltmp6, $4  }
0x389: {  	[hbm4b:s6+s2] =	stream.linear.scatter [tilespmem:s11], [sflag:$0x2], $0x200, $0x38;
	[tilespmem:$0x19200] =	vst v63  }
0x38a: {  	_ =	swait.ge [sflag:s8], $0x200  }
0x38b: {  	[sflag:s8] =	ssyncset.done $0x0  }
0x38c: {  	[sflag:s8] =	ssyncadd.s32 $0xFFFFFE00  }
0x38d: {  	_ =	sfence.sel $0x180000  }
0x38e: {  	[bflag:$0x0] =	sbarrier.arrive $0xFFFF  }
0x38f: {  	p0 =	sne.s32 s1, $0x0;
	_ =	strace $0x90000047  }
0x390: {  	s0 =	sadd.s32 @!p0 $0x100000, s0;
	[bflag:$0x2] =	sbarrier.arrive $0xFFFF  }
0x391: {  	[sflag:s0] =	ssyncadd.tile.s32 @!p0 $0x1;
	_ =	shalt  }
.Lfunc_end2:
_tile_overlayer_lowered:
.L_overlay_start_2:
0x392: {  	(tag) =	ssettag $0x2  }
0x393: {  	s0 =	rddreg [dreg:$0x0];
	s2 =	stileid.u32  }
0x394: {  	s1 =	rddreg [dreg:$0x1];
	p0 =	sne.s32 s2, $0x0  }
0x395: {  	s3 =	rddreg [dreg:$0x2];
	[bflag:$0x3] =	sbarrier.arrive $0xFFFF;
	s2 =	simm.s32 @!p0 $0x1C02  }
0x396: {  	[timem:s3], [sflag:s2] =	dma.local @!p0 [hbm:s0], s1  }
0x397: {  	s0 =	simm.s32 @!p0 $0x2  }
0x398: {  	_ =	swait.ge @!p0 [sflag:s0], s1  }
0x399: {  	s1 =	ssub.s32 @!p0 $0x0, s1;
	[sflag:s0] =	ssyncset.done @!p0 $0x0  }
0x39a: {  	[sflag:s0] =	ssyncadd.s32 @!p0 s1  }
0x39b: {  	[bflag:$0x3] =	sbarrier.arrive $0xFFFF  }
0x39c: {  	_ =	shalt  }

</sc_bundles>
